<compile_context>
chip_gen: v7x
topology: tpu7x:2x2x1
jax: 0.10.2.dev20260603
libtpu: 0.0.44.dev20260713+nightly
codegen_flags: <defaults>
</compile_context>

<pallas_src>
import functools

import jax
import jax.numpy as jnp
from jax import lax
from jax.experimental import pallas as pl
from jax.experimental.pallas import tpu as pltpu
from jax.experimental.pallas import tpu_sc as plsc

_N = 50000
_F = 128
_H = 64
_E = 800000
_STEPS = 8

_NS = 16
_NC = 2
_LANE = 128
_KGD = 12
_KGS = 6
_GRPS = _KGS * _LANE
_NG = 66
_EPT = _NG * _GRPS
_NGD = _EPT // (_KGD * _LANE)
_EP = _EPT * _NS
_EROWS = _EP // _LANE
_ERPT = _EPT // _LANE
_NPAD = 51200
_RPT = _NPAD // _NS
_RCHUNKS = ((0, 1024), (1024, 1024), (2048, 1024), (3072, 128))
_ZB = 1024
_SCHUNKS = tuple((o, 768) for o in range(0, 2304 + 1, 768)) + ((3072, 128),)

_A = (
    (),
    (1 / 5,),
    (3 / 40, 9 / 40),
    (44 / 45, -56 / 15, 32 / 9),
    (19372 / 6561, -25360 / 2187, 64448 / 6561, -212 / 729),
    (9017 / 3168, -355 / 33, 46732 / 5247, 49 / 176, -5103 / 18656),
)
_B = (35 / 384, 0.0, 500 / 1113, 125 / 192, -2187 / 6784, 11 / 84)

_f32 = jnp.float32


def _deg_body(dstall_hbm, deg_out_hbm, didx_v, ones_v, zb_v, deg_sh, sem):
    c = lax.axis_index("c")
    s = lax.axis_index("s")
    for j in range(_LANE // 16):
        ones_v[pl.ds(j * 16, 16)] = jnp.ones((16,), _f32)

    def _zero(i, carry):
        zb_v[pl.ds(i * 16, 16)] = jnp.zeros((16,), _f32)
        return carry

    lax.fori_loop(0, _ZB // 16, _zero, 0)
    base = s * _RPT
    for off, sz in _RCHUNKS:
        pltpu.sync_copy(zb_v.at[pl.ds(0, sz)], deg_sh.at[pl.ds(base + off, sz)])
    plsc.subcore_barrier()

    def _group(g, carry):
        rowbase = s * _ERPT + g * _KGD
        pltpu.sync_copy(dstall_hbm.at[c].at[pl.ds(rowbase, _KGD)], didx_v)
        descs = [
            pltpu.async_copy(ones_v, deg_sh.at[didx_v.at[j]], sem, add=True)
            for j in range(_KGD)
        ]
        for d in descs:
            d.wait()
        return carry

    lax.fori_loop(0, _NGD, _group, 0)
    plsc.subcore_barrier()
    for off, sz in _RCHUNKS:
        pltpu.sync_copy(deg_sh.at[pl.ds(base + off, sz)], zb_v.at[pl.ds(0, sz)])
        pltpu.sync_copy(zb_v.at[pl.ds(0, sz)],
                        deg_out_hbm.at[c].at[pl.ds(base + off, sz)])


@functools.lru_cache(maxsize=None)
def _deg_kernel():
    return pl.kernel(
        _deg_body,
        out_type=jax.ShapeDtypeStruct((_NC, _NPAD), _f32),
        mesh=plsc.VectorSubcoreMesh(core_axis_name="c", subcore_axis_name="s"),
        scratch_types=[
            pltpu.VMEM((_KGD, _LANE), jnp.int32),
            pltpu.VMEM((_LANE,), _f32),
            pltpu.VMEM((_ZB,), _f32),
            pltpu.VMEM_SHARED((_NPAD,), _f32),
            pltpu.SemaphoreType.DMA,
        ],
        compiler_params=pltpu.CompilerParams(use_tc_tiling_on_sc=False),
    )


def _scatter_body(sall_hbm, srcall_hbm, dst_hbm, acc_out_hbm,
                  sidx_v, didx_v, rows_v, acc_sh, gsem, ssem):
    c = lax.axis_index("c")
    s = lax.axis_index("s")

    def _zero(i, carry):
        rows_v[i, pl.ds(0, 16)] = jnp.zeros((16,), _f32)
        rows_v[i, pl.ds(16, 16)] = jnp.zeros((16,), _f32)
        return carry

    lax.fori_loop(0, _GRPS, _zero, 0)
    base = s * _RPT
    for off, sz in _SCHUNKS:
        pltpu.sync_copy(rows_v.at[pl.ds(0, sz)], acc_sh.at[pl.ds(base + off, sz)])
    plsc.subcore_barrier()

    def _group(g, carry):
        rowbase = s * _ERPT + g * _KGS
        pltpu.sync_copy(srcall_hbm.at[c].at[pl.ds(rowbase, _KGS)], sidx_v)
        pltpu.sync_copy(dst_hbm.at[pl.ds(rowbase, _KGS)], didx_v)
        gd = [
            pltpu.async_copy(sall_hbm.at[sidx_v.at[j]],
                             rows_v.at[pl.ds(j * _LANE, _LANE)], gsem)
            for j in range(_KGS)
        ]
        sd = []
        for j in range(_KGS):
            gd[j].wait()
            sd.append(pltpu.async_copy(rows_v.at[pl.ds(j * _LANE, _LANE)],
                                       acc_sh.at[didx_v.at[j]], ssem, add=True))
        for d in sd:
            d.wait()
        return carry

    lax.fori_loop(0, _NG, _group, 0)
    plsc.subcore_barrier()
    for off, sz in _SCHUNKS:
        pltpu.sync_copy(acc_sh.at[pl.ds(base + off, sz)], rows_v.at[pl.ds(0, sz)])
        pltpu.sync_copy(rows_v.at[pl.ds(0, sz)],
                        acc_out_hbm.at[c].at[pl.ds(base + off, sz)])


@functools.lru_cache(maxsize=None)
def _scatter_kernel():
    return pl.kernel(
        _scatter_body,
        out_type=jax.ShapeDtypeStruct((_NC, _NPAD, 32), _f32),
        mesh=plsc.VectorSubcoreMesh(core_axis_name="c", subcore_axis_name="s"),
        scratch_types=[
            pltpu.VMEM((_KGS, _LANE), jnp.int32),
            pltpu.VMEM((_KGS, _LANE), jnp.int32),
            pltpu.VMEM((_GRPS, 32), _f32),
            pltpu.VMEM_SHARED((_NPAD, 32), _f32),
            pltpu.SemaphoreType.DMA,
            pltpu.SemaphoreType.DMA,
        ],
        compiler_params=pltpu.CompilerParams(use_tc_tiling_on_sc=False),
    )


_BN = 1000


def _pre_body(x_ref, we_ref, be_ref, wp_ref, wn_ref, deg_ref,
              sp_ref, sn_ref, dinvp_ref, dinvn_ref):
    h = jnp.dot(x_ref[...], we_ref[...], preferred_element_type=_f32) + be_ref[...]
    deg = deg_ref[...]
    dinvp = lax.rsqrt(deg[0] + 1.0)
    dinvn = lax.rsqrt(deg[1] + 1.0)
    hp = jnp.dot(h, wp_ref[...], preferred_element_type=_f32)
    hn = jnp.dot(h, wn_ref[...], preferred_element_type=_f32)
    sp = hp * dinvp
    sn = hn * dinvn
    sp_ref[...] = jnp.stack([sp[:, :32], sp[:, 32:]], axis=0)
    sn_ref[...] = jnp.stack([sn[:, :32], sn[:, 32:]], axis=0)
    dinvp_ref[...] = dinvp
    dinvn_ref[...] = dinvn


def _pre(x, W_enc, b_enc, W_pos, W_neg, deg):
    n_blk = _N // _BN
    return pl.pallas_call(
        _pre_body,
        grid=(n_blk,),
        in_specs=[
            pl.BlockSpec((_BN, _F), lambda i: (i, 0)),
            pl.BlockSpec((_F, _H), lambda i: (0, 0)),
            pl.BlockSpec((1, _H), lambda i: (0, 0)),
            pl.BlockSpec((_H, _H), lambda i: (0, 0)),
            pl.BlockSpec((_H, _H), lambda i: (0, 0)),
            pl.BlockSpec((2, _BN, 1), lambda i: (0, i, 0)),
        ],
        out_specs=[
            pl.BlockSpec((2, _BN, 32), lambda i: (0, i, 0)),
            pl.BlockSpec((2, _BN, 32), lambda i: (0, i, 0)),
            pl.BlockSpec((_BN, 1), lambda i: (i, 0)),
            pl.BlockSpec((_BN, 1), lambda i: (i, 0)),
        ],
        out_shape=[
            jax.ShapeDtypeStruct((2, _N, 32), _f32),
            jax.ShapeDtypeStruct((2, _N, 32), _f32),
            jax.ShapeDtypeStruct((_N, 1), _f32),
            jax.ShapeDtypeStruct((_N, 1), _f32),
        ],
    )(x, W_enc, b_enc.reshape(1, _H), W_pos, W_neg,
      deg.reshape(_NC, _NPAD, 1))


def _ode_body(accp_ref, accn_ref, sp_ref, sn_ref, dinvp_ref, dinvn_ref,
              bp_ref, bn_ref, w_ref, b_ref, dt_ref, out_ref):
    bf = jnp.bfloat16
    accp = accp_ref[...] + sp_ref[...]
    accn = accn_ref[...] + sn_ref[...]
    hp = (dinvp_ref[...] * jnp.concatenate([accp[0], accp[1]], axis=1)
          + bp_ref[...])
    hn = (dinvn_ref[...] * jnp.concatenate([accn[0], accn[1]], axis=1)
          + bn_ref[...])
    y = jnp.concatenate([hp, hn], axis=1)
    w = w_ref[...].astype(bf)
    b = b_ref[...]
    dt = dt_ref[0, 0]

    for _ in range(_STEPS):
        yb = y.astype(bf)
        ks = []
        for arow in _A:
            yi = yb
            for aij, kj in zip(arow, ks):
                if aij != 0.0:
                    yi = yi + (dt * aij).astype(bf) * kj
            z = jnp.dot(yi, w, preferred_element_type=_f32) + b
            ks.append(jnp.tanh(z).astype(bf))
        incr = None
        for bi, ki in zip(_B, ks):
            if bi != 0.0:
                term = (dt * bi).astype(bf) * ki
                incr = term if incr is None else incr + term
        y = y + incr.astype(_f32)
    out_ref[...] = y


def _ode(acc_p, acc_n, s_p, s_n, dinv_p, dinv_n, b_pos, b_neg,
         W_ode, b_ode, dt):
    n_blk = _N // _BN
    return pl.pallas_call(
        _ode_body,
        grid=(n_blk,),
        in_specs=[
            pl.BlockSpec((2, _BN, 32), lambda i: (0, i, 0)),
            pl.BlockSpec((2, _BN, 32), lambda i: (0, i, 0)),
            pl.BlockSpec((2, _BN, 32), lambda i: (0, i, 0)),
            pl.BlockSpec((2, _BN, 32), lambda i: (0, i, 0)),
            pl.BlockSpec((_BN, 1), lambda i: (i, 0)),
            pl.BlockSpec((_BN, 1), lambda i: (i, 0)),
            pl.BlockSpec((1, _H), lambda i: (0, 0)),
            pl.BlockSpec((1, _H), lambda i: (0, 0)),
            pl.BlockSpec((2 * _H, 2 * _H), lambda i: (0, 0)),
            pl.BlockSpec((1, 2 * _H), lambda i: (0, 0)),
            pl.BlockSpec(memory_space=pltpu.SMEM),
        ],
        out_specs=pl.BlockSpec((_BN, 2 * _H), lambda i: (i, 0)),
        out_shape=jax.ShapeDtypeStruct((_N, 2 * _H), _f32),
    )(acc_p, acc_n, s_p, s_n, dinv_p, dinv_n,
      b_pos.reshape(1, _H), b_neg.reshape(1, _H),
      W_ode, b_ode.reshape(1, 2 * _H), dt)


def kernel(x, pos_edge_index, neg_edge_index, t,
           W_enc, b_enc, W_pos, b_pos, W_neg, b_neg, W_ode, b_ode):
    pad = _EP - _E
    zpad = jnp.zeros((pad,), jnp.int32)
    tpad = jnp.full((pad,), _N, jnp.int32)

    def prep_src(src):
        s2 = jnp.concatenate([src, zpad]).reshape(_EROWS, _LANE)
        return jnp.stack([s2, s2 + _N])

    def prep_dst(dst):
        return jnp.concatenate([dst, tpad]).reshape(_EROWS, _LANE)

    src_p = prep_src(pos_edge_index[0])
    dst_p = prep_dst(pos_edge_index[1])
    src_n = prep_src(neg_edge_index[0])
    dst_n = prep_dst(neg_edge_index[1])

    deg = _deg_kernel()(jnp.stack([dst_p, dst_n]))

    s_p, s_n, dinv_p, dinv_n = _pre(x, W_enc, b_enc, W_pos, W_neg, deg)

    acc_p = _scatter_kernel()(s_p.reshape(_NC * _N, 32), src_p, dst_p)
    acc_n = _scatter_kernel()(s_n.reshape(_NC * _N, 32), src_n, dst_n)

    dt = ((t[1] - t[0]) / _STEPS).reshape(1, 1)
    return _ode(acc_p, acc_n, s_p, s_n,
                dinv_p, dinv_n, b_pos, b_neg, W_ode, b_ode, dt)

# --- scband reference (transcript-rebuilt; emitter-appended) ---
"""Pipeline reference for scband-dynami-se-644245094873 (READ-ONLY COPY).

The authoritative reference and input builder live on the scoring server;
editing this copy changes nothing except your own understanding.
"""

import jax, jax.numpy as jnp
import numpy as np

N = 50000
F = 128
H = 64
E = 800000
ODE_STEPS = 8

# Dormand-Prince (dopri5) Butcher tableau (5th-order solution weights)
_A = [
    [],
    [1/5],
    [3/40, 9/40],
    [44/45, -56/15, 32/9],
    [19372/6561, -25360/2187, 64448/6561, -212/729],
    [9017/3168, -355/33, 46732/5247, 49/176, -5103/18656],
    [35/384, 0.0, 500/1113, 125/192, -2187/6784, 11/84],
]
_B = [35/384, 0.0, 500/1113, 125/192, -2187/6784, 11/84, 0.0]


def gcn_conv(x, edge_index, W, b, num_nodes):
    # PyG GCNConv: add self-loops, symmetric normalization, x @ W, scatter-add, + bias
    src = edge_index[0]
    dst = edge_index[1]
    loop = jnp.arange(num_nodes, dtype=src.dtype)
    src = jnp.concatenate([src, loop])
    dst = jnp.concatenate([dst, loop])
    deg = jnp.zeros((num_nodes,), dtype=x.dtype).at[dst].add(1.0)
    deg_inv_sqrt = jnp.where(deg > 0, 1.0 / jnp.sqrt(deg), 0.0)
    norm = deg_inv_sqrt[src] * deg_inv_sqrt[dst]
    h = x @ W
    msg = h[src] * norm[:, None]
    out = jax.ops.segment_sum(msg, dst, num_segments=num_nodes)
    return out + b


def dopri5_fixed(func, y0, t0, t1, steps):
    dt = (t1 - t0) / steps
    y = y0
    for _ in range(steps):
        ks = []
        for i in range(7):
            yi = y
            for j, aij in enumerate(_A[i]):
                if aij != 0.0:
                    yi = yi + dt * aij * ks[j]
            ks.append(func(yi))
        incr = jnp.zeros_like(y)
        for bi, ki in zip(_B, ks):
            if bi != 0.0:
                incr = incr + bi * ki
        y = y + dt * incr
    return y


def setup_inputs(seed: int = 0) -> dict:
    key = jax.random.key(seed)
    ks = jax.random.split(key, 12)
    x = jax.random.normal(ks[0], (N, F), dtype=jnp.float32)
    pos_edge_index = jax.random.randint(ks[1], (2, E), 0, N, dtype=jnp.int32)
    neg_edge_index = jax.random.randint(ks[2], (2, E), 0, N, dtype=jnp.int32)
    t = jnp.arange(2, dtype=jnp.float32)
    W_enc = jax.random.normal(ks[3], (F, H), dtype=jnp.float32) * 0.05
    b_enc = jnp.zeros((H,), dtype=jnp.float32)
    W_pos = jax.random.normal(ks[4], (H, H), dtype=jnp.float32) * 0.05
    b_pos = jnp.zeros((H,), dtype=jnp.float32)
    W_neg = jax.random.normal(ks[5], (H, H), dtype=jnp.float32) * 0.05
    b_neg = jnp.zeros((H,), dtype=jnp.float32)
    W_ode = jax.random.normal(ks[6], (2 * H, 2 * H), dtype=jnp.float32) * 0.05
    b_ode = jnp.zeros((2 * H,), dtype=jnp.float32)
    return {"x": x, "pos_edge_index": pos_edge_index, "neg_edge_index": neg_edge_index, "t": t,
            "W_enc": W_enc, "b_enc": b_enc, "W_pos": W_pos, "b_pos": b_pos,
            "W_neg": W_neg, "b_neg": b_neg, "W_ode": W_ode, "b_ode": b_ode}


def reference(x, pos_edge_index, neg_edge_index, t, W_enc, b_enc, W_pos, b_pos, W_neg, b_neg, W_ode, b_ode):
    h = x @ W_enc + b_enc
    h_pos = gcn_conv(h, pos_edge_index, W_pos, b_pos, N)
    h_neg = gcn_conv(h, neg_edge_index, W_neg, b_neg, N)
    h_cat = jnp.concatenate([h_pos, h_neg], axis=1)
    func = lambda y: jnp.tanh(y @ W_ode + b_ode)
    y1 = dopri5_fixed(func, h_cat, t[0], t[1], ODE_STEPS)
    return y1

if __name__ == "__main__":
    import jax
    _d = setup_inputs()
    print(jax.jit(kernel)(*tuple(_d.values())))

</pallas_src>

<mosaic_0001>
#map = affine_map<(d0, d1) -> (0, 0)>
#map1 = affine_map<(d0, d1) -> (0, 0, 0)>
module attributes {stable_mosaic.version = 14 : i64} {
  func.func @_scatter_body(%arg0: i32, %arg1: i32, %arg2: memref<100000x32xf32, #tpu.memory_space<hbm>>, %arg3: memref<2x6336x128xi32, #tpu.memory_space<hbm>>, %arg4: memref<6336x128xi32, #tpu.memory_space<hbm>>, %arg5: memref<2x51200x32xf32, #tpu.memory_space<hbm>>, %arg6: memref<6x128xi32, #tpu.memory_space<vmem>>, %arg7: memref<6x128xi32, #tpu.memory_space<vmem>>, %arg8: memref<768x32xf32, #tpu.memory_space<vmem>>, %arg9: memref<51200x32xf32, #tpu.memory_space<vmem_shared>>, %arg10: memref<!tpu.dma_semaphore, #tpu.memory_space<semaphore_mem>>, %arg11: memref<!tpu.dma_semaphore, #tpu.memory_space<semaphore_mem>>) attributes {dimension_semantics = [#tpu.dimension_semantics<core_parallel>, #tpu.dimension_semantics<subcore_parallel>], iteration_bounds = array<i64: 2, 16>, scalar_prefetch = 0 : i64, scratch_operands = 6 : i64, tpu.core_type = #tpu.core_type<sc_vector_subcore>, window_params = [{transform_indices = #map}, {transform_indices = #map1}, {transform_indices = #map}, {transform_indices = #map1}]} {
    %scan3A = arith.constant 0 : i32
    %scan3A_0 = arith.constant 0 : i32
    %scan3A_1 = arith.constant 768 : i32
    %scan3A_2 = arith.addi %scan3A_0, %scan3A_1 : i32
    %scan3A_3 = arith.constant 1 : i32
    scf.for %scan3A_42 = %scan3A_0 to %scan3A_2 step %scan3A_3  : i32 {
      %broadcast_in_dim3A = arith.constant 0.000000e+00 : f32
      %broadcast_in_dim3A_43 = vector.broadcast %broadcast_in_dim3A : f32 to vector<16xf32>
      %swap3A = arith.index_cast %scan3A_42 : i32 to index
      %swap3A_44 = arith.constant 0 : index
      %swap3A_45 = tpu.vector_load %arg8[%swap3A, %swap3A_44] {strides = array<i32>} : memref<768x32xf32, #tpu.memory_space<vmem>>, vector<1x16xf32>,
      %swap3A_46 = vector.shape_cast %swap3A_45 : vector<1x16xf32> to vector<16xf32>
      %swap3A_47 = vector.shape_cast %broadcast_in_dim3A_43 : vector<16xf32> to vector<1x16xf32>
      tpu.vector_store %arg8[%swap3A, %swap3A_44], %swap3A_47 {strides = array<i32>} : memref<768x32xf32, #tpu.memory_space<vmem>>, vector<1x16xf32>,
      %broadcast_in_dim3A_48 = arith.constant 0.000000e+00 : f32
      %broadcast_in_dim3A_49 = vector.broadcast %broadcast_in_dim3A_48 : f32 to vector<16xf32>
      %swap3A_50 = arith.index_cast %scan3A_42 : i32 to index
      %swap3A_51 = arith.constant 16 : index
      %swap3A_52 = tpu.vector_load %arg8[%swap3A_50, %swap3A_51] {strides = array<i32>} : memref<768x32xf32, #tpu.memory_space<vmem>>, vector<1x16xf32>,
      %swap3A_53 = vector.shape_cast %swap3A_52 : vector<1x16xf32> to vector<16xf32>
      %swap3A_54 = vector.shape_cast %broadcast_in_dim3A_49 : vector<16xf32> to vector<1x16xf32>
      tpu.vector_store %arg8[%swap3A_50, %swap3A_51], %swap3A_54 {strides = array<i32>} : memref<768x32xf32, #tpu.memory_space<vmem>>, vector<1x16xf32>,
    }
    %scan3A_4 = arith.constant 768 : i32
    %mul3A = arith.constant 3200 : i32
    %mul3A_5 = arith.muli %arg1, %mul3A : i32
    %add3A = arith.constant 0 : i32
    %add3A_6 = arith.addi %mul3A_5, %add3A : i32
    "tpu.region"() ({
      %run_scoped3A = tpu.sem_alloc : memref<!tpu.dma_semaphore, #tpu.memory_space<semaphore_mem>>
      %dma_start3A = arith.constant 0 : i32
      %dma_start3A_42 = arith.constant 0 : i32
      %dma_start3A_43 = tpu.memref_slice %arg8[%dma_start3A, %dma_start3A_42] : memref<768x32xf32, #tpu.memory_space<vmem>> -> memref<768x32xf32, #tpu.memory_space<vmem>>
      %dma_start3A_44 = arith.constant 0 : i32
      %dma_start3A_45 = tpu.memref_slice %arg9[%add3A_6, %dma_start3A_44] : memref<51200x32xf32, #tpu.memory_space<vmem_shared>> -> memref<768x32xf32, #tpu.memory_space<vmem_shared>>
      %dma_start3A_46 = arith.constant 0 : i32
      %dma_start3A_47 = tpu.memref_slice %arg9[%add3A_6, %dma_start3A_46] : memref<51200x32xf32, #tpu.memory_space<vmem_shared>> -> memref<768x32xf32, #tpu.memory_space<vmem_shared>>
      %dma_start3A_48 = arith.constant 0 : i32
      %dma_start3A_49 = arith.constant 0 : i32
      %dma_start3A_50 = tpu.memref_slice %arg8[%dma_start3A_48, %dma_start3A_49] : memref<768x32xf32, #tpu.memory_space<vmem>> -> memref<768x32xf32, #tpu.memory_space<vmem>>
      tpu.enqueue_dma source(%dma_start3A_50 : memref<768x32xf32, #tpu.memory_space<vmem>>) target(%dma_start3A_47 : memref<768x32xf32, #tpu.memory_space<vmem_shared>>) target_semaphore(%run_scoped3A : memref<!tpu.dma_semaphore, #tpu.memory_space<semaphore_mem>>)
      %dma_wait3A = arith.constant 0 : i32
      %dma_wait3A_51 = arith.constant 0 : i32
      %dma_wait3A_52 = tpu.memref_slice %arg8[%dma_wait3A, %dma_wait3A_51] : memref<768x32xf32, #tpu.memory_space<vmem>> -> memref<768x32xf32, #tpu.memory_space<vmem>>
      %dma_wait3A_53 = arith.constant 0 : i32
      %dma_wait3A_54 = tpu.memref_slice %arg9[%add3A_6, %dma_wait3A_53] : memref<51200x32xf32, #tpu.memory_space<vmem_shared>> -> memref<768x32xf32, #tpu.memory_space<vmem_shared>>
      %dma_wait3A_55 = arith.constant 0 : i32
      %dma_wait3A_56 = tpu.memref_slice %arg9[%add3A_6, %dma_wait3A_55] : memref<51200x32xf32, #tpu.memory_space<vmem_shared>> -> memref<768x32xf32, #tpu.memory_space<vmem_shared>>
      %dma_wait3A_57 = arith.constant 0 : i32
      %dma_wait3A_58 = arith.constant 0 : i32
      %dma_wait3A_59 = tpu.memref_slice %arg8[%dma_wait3A_57, %dma_wait3A_58] : memref<768x32xf32, #tpu.memory_space<vmem>> -> memref<768x32xf32, #tpu.memory_space<vmem>>
      tpu.wait_dma2 semaphore(%run_scoped3A : memref<!tpu.dma_semaphore, #tpu.memory_space<semaphore_mem>>) src(%dma_wait3A_59 : memref<768x32xf32, #tpu.memory_space<vmem>>) dst(%dma_wait3A_56 : memref<768x32xf32, #tpu.memory_space<vmem_shared>>)
      tpu.yield
    }) : () -> ()
    %add3A_7 = arith.constant 768 : i32
    %add3A_8 = arith.addi %mul3A_5, %add3A_7 : i32
    "tpu.region"() ({
      %run_scoped3A = tpu.sem_alloc : memref<!tpu.dma_semaphore, #tpu.memory_space<semaphore_mem>>
      %dma_start3A = arith.constant 0 : i32
      %dma_start3A_42 = arith.constant 0 : i32
      %dma_start3A_43 = tpu.memref_slice %arg8[%dma_start3A, %dma_start3A_42] : memref<768x32xf32, #tpu.memory_space<vmem>> -> memref<768x32xf32, #tpu.memory_space<vmem>>
      %dma_start3A_44 = arith.constant 0 : i32
      %dma_start3A_45 = tpu.memref_slice %arg9[%add3A_8, %dma_start3A_44] : memref<51200x32xf32, #tpu.memory_space<vmem_shared>> -> memref<768x32xf32, #tpu.memory_space<vmem_shared>>
      %dma_start3A_46 = arith.constant 0 : i32
      %dma_start3A_47 = tpu.memref_slice %arg9[%add3A_8, %dma_start3A_46] : memref<51200x32xf32, #tpu.memory_space<vmem_shared>> -> memref<768x32xf32, #tpu.memory_space<vmem_shared>>
      %dma_start3A_48 = arith.constant 0 : i32
      %dma_start3A_49 = arith.constant 0 : i32
      %dma_start3A_50 = tpu.memref_slice %arg8[%dma_start3A_48, %dma_start3A_49] : memref<768x32xf32, #tpu.memory_space<vmem>> -> memref<768x32xf32, #tpu.memory_space<vmem>>
      tpu.enqueue_dma source(%dma_start3A_50 : memref<768x32xf32, #tpu.memory_space<vmem>>) target(%dma_start3A_47 : memref<768x32xf32, #tpu.memory_space<vmem_shared>>) target_semaphore(%run_scoped3A : memref<!tpu.dma_semaphore, #tpu.memory_space<semaphore_mem>>)
      %dma_wait3A = arith.constant 0 : i32
      %dma_wait3A_51 = arith.constant 0 : i32
      %dma_wait3A_52 = tpu.memref_slice %arg8[%dma_wait3A, %dma_wait3A_51] : memref<768x32xf32, #tpu.memory_space<vmem>> -> memref<768x32xf32, #tpu.memory_space<vmem>>
      %dma_wait3A_53 = arith.constant 0 : i32
      %dma_wait3A_54 = tpu.memref_slice %arg9[%add3A_8, %dma_wait3A_53] : memref<51200x32xf32, #tpu.memory_space<vmem_shared>> -> memref<768x32xf32, #tpu.memory_space<vmem_shared>>
      %dma_wait3A_55 = arith.constant 0 : i32
      %dma_wait3A_56 = tpu.memref_slice %arg9[%add3A_8, %dma_wait3A_55] : memref<51200x32xf32, #tpu.memory_space<vmem_shared>> -> memref<768x32xf32, #tpu.memory_space<vmem_shared>>
      %dma_wait3A_57 = arith.constant 0 : i32
      %dma_wait3A_58 = arith.constant 0 : i32
      %dma_wait3A_59 = tpu.memref_slice %arg8[%dma_wait3A_57, %dma_wait3A_58] : memref<768x32xf32, #tpu.memory_space<vmem>> -> memref<768x32xf32, #tpu.memory_space<vmem>>
      tpu.wait_dma2 semaphore(%run_scoped3A : memref<!tpu.dma_semaphore, #tpu.memory_space<semaphore_mem>>) src(%dma_wait3A_59 : memref<768x32xf32, #tpu.memory_space<vmem>>) dst(%dma_wait3A_56 : memref<768x32xf32, #tpu.memory_space<vmem_shared>>)
      tpu.yield
    }) : () -> ()
    %add3A_9 = arith.constant 1536 : i32
    %add3A_10 = arith.addi %mul3A_5, %add3A_9 : i32
    "tpu.region"() ({
      %run_scoped3A = tpu.sem_alloc : memref<!tpu.dma_semaphore, #tpu.memory_space<semaphore_mem>>
      %dma_start3A = arith.constant 0 : i32
      %dma_start3A_42 = arith.constant 0 : i32
      %dma_start3A_43 = tpu.memref_slice %arg8[%dma_start3A, %dma_start3A_42] : memref<768x32xf32, #tpu.memory_space<vmem>> -> memref<768x32xf32, #tpu.memory_space<vmem>>
      %dma_start3A_44 = arith.constant 0 : i32
      %dma_start3A_45 = tpu.memref_slice %arg9[%add3A_10, %dma_start3A_44] : memref<51200x32xf32, #tpu.memory_space<vmem_shared>> -> memref<768x32xf32, #tpu.memory_space<vmem_shared>>
      %dma_start3A_46 = arith.constant 0 : i32
      %dma_start3A_47 = tpu.memref_slice %arg9[%add3A_10, %dma_start3A_46] : memref<51200x32xf32, #tpu.memory_space<vmem_shared>> -> memref<768x32xf32, #tpu.memory_space<vmem_shared>>
      %dma_start3A_48 = arith.constant 0 : i32
      %dma_start3A_49 = arith.constant 0 : i32
      %dma_start3A_50 = tpu.memref_slice %arg8[%dma_start3A_48, %dma_start3A_49] : memref<768x32xf32, #tpu.memory_space<vmem>> -> memref<768x32xf32, #tpu.memory_space<vmem>>
      tpu.enqueue_dma source(%dma_start3A_50 : memref<768x32xf32, #tpu.memory_space<vmem>>) target(%dma_start3A_47 : memref<768x32xf32, #tpu.memory_space<vmem_shared>>) target_semaphore(%run_scoped3A : memref<!tpu.dma_semaphore, #tpu.memory_space<semaphore_mem>>)
      %dma_wait3A = arith.constant 0 : i32
      %dma_wait3A_51 = arith.constant 0 : i32
      %dma_wait3A_52 = tpu.memref_slice %arg8[%dma_wait3A, %dma_wait3A_51] : memref<768x32xf32, #tpu.memory_space<vmem>> -> memref<768x32xf32, #tpu.memory_space<vmem>>
      %dma_wait3A_53 = arith.constant 0 : i32
      %dma_wait3A_54 = tpu.memref_slice %arg9[%add3A_10, %dma_wait3A_53] : memref<51200x32xf32, #tpu.memory_space<vmem_shared>> -> memref<768x32xf32, #tpu.memory_space<vmem_shared>>
      %dma_wait3A_55 = arith.constant 0 : i32
      %dma_wait3A_56 = tpu.memref_slice %arg9[%add3A_10, %dma_wait3A_55] : memref<51200x32xf32, #tpu.memory_space<vmem_shared>> -> memref<768x32xf32, #tpu.memory_space<vmem_shared>>
      %dma_wait3A_57 = arith.constant 0 : i32
      %dma_wait3A_58 = arith.constant 0 : i32
      %dma_wait3A_59 = tpu.memref_slice %arg8[%dma_wait3A_57, %dma_wait3A_58] : memref<768x32xf32, #tpu.memory_space<vmem>> -> memref<768x32xf32, #tpu.memory_space<vmem>>
      tpu.wait_dma2 semaphore(%run_scoped3A : memref<!tpu.dma_semaphore, #tpu.memory_space<semaphore_mem>>) src(%dma_wait3A_59 : memref<768x32xf32, #tpu.memory_space<vmem>>) dst(%dma_wait3A_56 : memref<768x32xf32, #tpu.memory_space<vmem_shared>>)
      tpu.yield
    }) : () -> ()
    %add3A_11 = arith.constant 2304 : i32
    %add3A_12 = arith.addi %mul3A_5, %add3A_11 : i32
    "tpu.region"() ({
      %run_scoped3A = tpu.sem_alloc : memref<!tpu.dma_semaphore, #tpu.memory_space<semaphore_mem>>
      %dma_start3A = arith.constant 0 : i32
      %dma_start3A_42 = arith.constant 0 : i32
      %dma_start3A_43 = tpu.memref_slice %arg8[%dma_start3A, %dma_start3A_42] : memref<768x32xf32, #tpu.memory_space<vmem>> -> memref<768x32xf32, #tpu.memory_space<vmem>>
      %dma_start3A_44 = arith.constant 0 : i32
      %dma_start3A_45 = tpu.memref_slice %arg9[%add3A_12, %dma_start3A_44] : memref<51200x32xf32, #tpu.memory_space<vmem_shared>> -> memref<768x32xf32, #tpu.memory_space<vmem_shared>>
      %dma_start3A_46 = arith.constant 0 : i32
      %dma_start3A_47 = tpu.memref_slice %arg9[%add3A_12, %dma_start3A_46] : memref<51200x32xf32, #tpu.memory_space<vmem_shared>> -> memref<768x32xf32, #tpu.memory_space<vmem_shared>>
      %dma_start3A_48 = arith.constant 0 : i32
      %dma_start3A_49 = arith.constant 0 : i32
      %dma_start3A_50 = tpu.memref_slice %arg8[%dma_start3A_48, %dma_start3A_49] : memref<768x32xf32, #tpu.memory_space<vmem>> -> memref<768x32xf32, #tpu.memory_space<vmem>>
      tpu.enqueue_dma source(%dma_start3A_50 : memref<768x32xf32, #tpu.memory_space<vmem>>) target(%dma_start3A_47 : memref<768x32xf32, #tpu.memory_space<vmem_shared>>) target_semaphore(%run_scoped3A : memref<!tpu.dma_semaphore, #tpu.memory_space<semaphore_mem>>)
      %dma_wait3A = arith.constant 0 : i32
      %dma_wait3A_51 = arith.constant 0 : i32
      %dma_wait3A_52 = tpu.memref_slice %arg8[%dma_wait3A, %dma_wait3A_51] : memref<768x32xf32, #tpu.memory_space<vmem>> -> memref<768x32xf32, #tpu.memory_space<vmem>>
      %dma_wait3A_53 = arith.constant 0 : i32
      %dma_wait3A_54 = tpu.memref_slice %arg9[%add3A_12, %dma_wait3A_53] : memref<51200x32xf32, #tpu.memory_space<vmem_shared>> -> memref<768x32xf32, #tpu.memory_space<vmem_shared>>
      %dma_wait3A_55 = arith.constant 0 : i32
      %dma_wait3A_56 = tpu.memref_slice %arg9[%add3A_12, %dma_wait3A_55] : memref<51200x32xf32, #tpu.memory_space<vmem_shared>> -> memref<768x32xf32, #tpu.memory_space<vmem_shared>>
      %dma_wait3A_57 = arith.constant 0 : i32
      %dma_wait3A_58 = arith.constant 0 : i32
      %dma_wait3A_59 = tpu.memref_slice %arg8[%dma_wait3A_57, %dma_wait3A_58] : memref<768x32xf32, #tpu.memory_space<vmem>> -> memref<768x32xf32, #tpu.memory_space<vmem>>
      tpu.wait_dma2 semaphore(%run_scoped3A : memref<!tpu.dma_semaphore, #tpu.memory_space<semaphore_mem>>) src(%dma_wait3A_59 : memref<768x32xf32, #tpu.memory_space<vmem>>) dst(%dma_wait3A_56 : memref<768x32xf32, #tpu.memory_space<vmem_shared>>)
      tpu.yield
    }) : () -> ()
    %add3A_13 = arith.constant 3072 : i32
    %add3A_14 = arith.addi %mul3A_5, %add3A_13 : i32
    "tpu.region"() ({
      %run_scoped3A = tpu.sem_alloc : memref<!tpu.dma_semaphore, #tpu.memory_space<semaphore_mem>>
      %dma_start3A = arith.constant 0 : i32
      %dma_start3A_42 = arith.constant 0 : i32
      %dma_start3A_43 = tpu.memref_slice %arg8[%dma_start3A, %dma_start3A_42] : memref<768x32xf32, #tpu.memory_space<vmem>> -> memref<128x32xf32, #tpu.memory_space<vmem>>
      %dma_start3A_44 = arith.constant 0 : i32
      %dma_start3A_45 = tpu.memref_slice %arg9[%add3A_14, %dma_start3A_44] : memref<51200x32xf32, #tpu.memory_space<vmem_shared>> -> memref<128x32xf32, #tpu.memory_space<vmem_shared>>
      %dma_start3A_46 = arith.constant 0 : i32
      %dma_start3A_47 = tpu.memref_slice %arg9[%add3A_14, %dma_start3A_46] : memref<51200x32xf32, #tpu.memory_space<vmem_shared>> -> memref<128x32xf32, #tpu.memory_space<vmem_shared>>
      %dma_start3A_48 = arith.constant 0 : i32
      %dma_start3A_49 = arith.constant 0 : i32
      %dma_start3A_50 = tpu.memref_slice %arg8[%dma_start3A_48, %dma_start3A_49] : memref<768x32xf32, #tpu.memory_space<vmem>> -> memref<128x32xf32, #tpu.memory_space<vmem>>
      tpu.enqueue_dma source(%dma_start3A_50 : memref<128x32xf32, #tpu.memory_space<vmem>>) target(%dma_start3A_47 : memref<128x32xf32, #tpu.memory_space<vmem_shared>>) target_semaphore(%run_scoped3A : memref<!tpu.dma_semaphore, #tpu.memory_space<semaphore_mem>>)
      %dma_wait3A = arith.constant 0 : i32
      %dma_wait3A_51 = arith.constant 0 : i32
      %dma_wait3A_52 = tpu.memref_slice %arg8[%dma_wait3A, %dma_wait3A_51] : memref<768x32xf32, #tpu.memory_space<vmem>> -> memref<128x32xf32, #tpu.memory_space<vmem>>
      %dma_wait3A_53 = arith.constant 0 : i32
      %dma_wait3A_54 = tpu.memref_slice %arg9[%add3A_14, %dma_wait3A_53] : memref<51200x32xf32, #tpu.memory_space<vmem_shared>> -> memref<128x32xf32, #tpu.memory_space<vmem_shared>>
      %dma_wait3A_55 = arith.constant 0 : i32
      %dma_wait3A_56 = tpu.memref_slice %arg9[%add3A_14, %dma_wait3A_55] : memref<51200x32xf32, #tpu.memory_space<vmem_shared>> -> memref<128x32xf32, #tpu.memory_space<vmem_shared>>
      %dma_wait3A_57 = arith.constant 0 : i32
      %dma_wait3A_58 = arith.constant 0 : i32
      %dma_wait3A_59 = tpu.memref_slice %arg8[%dma_wait3A_57, %dma_wait3A_58] : memref<768x32xf32, #tpu.memory_space<vmem>> -> memref<128x32xf32, #tpu.memory_space<vmem>>
      tpu.wait_dma2 semaphore(%run_scoped3A : memref<!tpu.dma_semaphore, #tpu.memory_space<semaphore_mem>>) src(%dma_wait3A_59 : memref<128x32xf32, #tpu.memory_space<vmem>>) dst(%dma_wait3A_56 : memref<128x32xf32, #tpu.memory_space<vmem_shared>>)
      tpu.yield
    }) : () -> ()
    %barrier3A = arith.constant 0 : index
    tpu.barrier barrier_id(%barrier3A)
    %scan3A_15 = arith.constant 0 : i32
    %scan3A_16 = arith.constant 0 : i32
    %scan3A_17 = arith.constant 66 : i32
    %scan3A_18 = arith.addi %scan3A_16, %scan3A_17 : i32
    %scan3A_19 = arith.constant 1 : i32
    scf.for %scan3A_42 = %scan3A_16 to %scan3A_18 step %scan3A_19  : i32 {
      %mul3A_43 = arith.constant 396 : i32
      %mul3A_44 = arith.muli %arg1, %mul3A_43 : i32
      %mul3A_45 = arith.constant 6 : i32
      %mul3A_46 = arith.muli %scan3A_42, %mul3A_45 : i32
      %add3A_47 = arith.addi %mul3A_44, %mul3A_46 : i32
      "tpu.region"() ({
        %run_scoped3A = tpu.sem_alloc : memref<!tpu.dma_semaphore, #tpu.memory_space<semaphore_mem>>
        %dma_start3A_286 = arith.constant 0 : i32
        %dma_start3A_287 = arith.constant 0 : i32
        %dma_start3A_288 = tpu.memref_slice %arg3[%arg0, %dma_start3A_286, %dma_start3A_287] : memref<2x6336x128xi32, #tpu.memory_space<hbm>> -> memref<1x6336x128xi32, #tpu.memory_space<hbm>>
        %dma_start3A_289 = tpu.memref_squeeze %dma_start3A_288 : memref<1x6336x128xi32, #tpu.memory_space<hbm>> -> memref<6336x128xi32, #tpu.memory_space<hbm>>
        %dma_start3A_290 = arith.constant 0 : i32
        %dma_start3A_291 = tpu.memref_slice %dma_start3A_289[%add3A_47, %dma_start3A_290] : memref<6336x128xi32, #tpu.memory_space<hbm>> -> memref<6x128xi32, #tpu.memory_space<hbm>>
        %dma_start3A_292 = arith.constant 0 : i32
        %dma_start3A_293 = arith.constant 0 : i32
        %dma_start3A_294 = tpu.memref_slice %arg3[%arg0, %dma_start3A_292, %dma_start3A_293] : memref<2x6336x128xi32, #tpu.memory_space<hbm>> -> memref<1x6336x128xi32, #tpu.memory_space<hbm>>
        %dma_start3A_295 = tpu.memref_squeeze %dma_start3A_294 : memref<1x6336x128xi32, #tpu.memory_space<hbm>> -> memref<6336x128xi32, #tpu.memory_space<hbm>>
        %dma_start3A_296 = arith.constant 0 : i32
        %dma_start3A_297 = tpu.memref_slice %dma_start3A_295[%add3A_47, %dma_start3A_296] : memref<6336x128xi32, #tpu.memory_space<hbm>> -> memref<6x128xi32, #tpu.memory_space<hbm>>
        tpu.enqueue_dma source(%dma_start3A_297 : memref<6x128xi32, #tpu.memory_space<hbm>>) target(%arg6 : memref<6x128xi32, #tpu.memory_space<vmem>>) target_semaphore(%run_scoped3A : memref<!tpu.dma_semaphore, #tpu.memory_space<semaphore_mem>>)
        %dma_wait3A_298 = arith.constant 0 : i32
        %dma_wait3A_299 = arith.constant 0 : i32
        %dma_wait3A_300 = tpu.memref_slice %arg3[%arg0, %dma_wait3A_298, %dma_wait3A_299] : memref<2x6336x128xi32, #tpu.memory_space<hbm>> -> memref<1x6336x128xi32, #tpu.memory_space<hbm>>
        %dma_wait3A_301 = tpu.memref_squeeze %dma_wait3A_300 : memref<1x6336x128xi32, #tpu.memory_space<hbm>> -> memref<6336x128xi32, #tpu.memory_space<hbm>>
        %dma_wait3A_302 = arith.constant 0 : i32
        %dma_wait3A_303 = tpu.memref_slice %dma_wait3A_301[%add3A_47, %dma_wait3A_302] : memref<6336x128xi32, #tpu.memory_space<hbm>> -> memref<6x128xi32, #tpu.memory_space<hbm>>
        %dma_wait3A_304 = arith.constant 0 : i32
        %dma_wait3A_305 = arith.constant 0 : i32
        %dma_wait3A_306 = tpu.memref_slice %arg3[%arg0, %dma_wait3A_304, %dma_wait3A_305] : memref<2x6336x128xi32, #tpu.memory_space<hbm>> -> memref<1x6336x128xi32, #tpu.memory_space<hbm>>
        %dma_wait3A_307 = tpu.memref_squeeze %dma_wait3A_306 : memref<1x6336x128xi32, #tpu.memory_space<hbm>> -> memref<6336x128xi32, #tpu.memory_space<hbm>>
        %dma_wait3A_308 = arith.constant 0 : i32
        %dma_wait3A_309 = tpu.memref_slice %dma_wait3A_307[%add3A_47, %dma_wait3A_308] : memref<6336x128xi32, #tpu.memory_space<hbm>> -> memref<6x128xi32, #tpu.memory_space<hbm>>
        tpu.wait_dma2 semaphore(%run_scoped3A : memref<!tpu.dma_semaphore, #tpu.memory_space<semaphore_mem>>) src(%dma_wait3A_309 : memref<6x128xi32, #tpu.memory_space<hbm>>) dst(%arg6 : memref<6x128xi32, #tpu.memory_space<vmem>>)
        tpu.yield
      }) : () -> ()
      "tpu.region"() ({
        %run_scoped3A = tpu.sem_alloc : memref<!tpu.dma_semaphore, #tpu.memory_space<semaphore_mem>>
        %dma_start3A_286 = arith.constant 0 : i32
        %dma_start3A_287 = tpu.memref_slice %arg4[%add3A_47, %dma_start3A_286] : memref<6336x128xi32, #tpu.memory_space<hbm>> -> memref<6x128xi32, #tpu.memory_space<hbm>>
        %dma_start3A_288 = arith.constant 0 : i32
        %dma_start3A_289 = tpu.memref_slice %arg4[%add3A_47, %dma_start3A_288] : memref<6336x128xi32, #tpu.memory_space<hbm>> -> memref<6x128xi32, #tpu.memory_space<hbm>>
        tpu.enqueue_dma source(%dma_start3A_289 : memref<6x128xi32, #tpu.memory_space<hbm>>) target(%arg7 : memref<6x128xi32, #tpu.memory_space<vmem>>) target_semaphore(%run_scoped3A : memref<!tpu.dma_semaphore, #tpu.memory_space<semaphore_mem>>)
        %dma_wait3A_290 = arith.constant 0 : i32
        %dma_wait3A_291 = tpu.memref_slice %arg4[%add3A_47, %dma_wait3A_290] : memref<6336x128xi32, #tpu.memory_space<hbm>> -> memref<6x128xi32, #tpu.memory_space<hbm>>
        %dma_wait3A_292 = arith.constant 0 : i32
        %dma_wait3A_293 = tpu.memref_slice %arg4[%add3A_47, %dma_wait3A_292] : memref<6336x128xi32, #tpu.memory_space<hbm>> -> memref<6x128xi32, #tpu.memory_space<hbm>>
        tpu.wait_dma2 semaphore(%run_scoped3A : memref<!tpu.dma_semaphore, #tpu.memory_space<semaphore_mem>>) src(%dma_wait3A_293 : memref<6x128xi32, #tpu.memory_space<hbm>>) dst(%arg7 : memref<6x128xi32, #tpu.memory_space<vmem>>)
        tpu.yield
      }) : () -> ()
      %dma_start3A = arith.constant 0 : i32
      %dma_start3A_48 = arith.constant 0 : i32
      %dma_start3A_49 = arith.constant 0 : i32
      %dma_start3A_50 = tpu.memref_slice %arg8[%dma_start3A_48, %dma_start3A_49] : memref<768x32xf32, #tpu.memory_space<vmem>> -> memref<128x32xf32, #tpu.memory_space<vmem>>
      %dma_start3A_51 = arith.constant 0 : i32
      %dma_start3A_52 = tpu.memref_slice %arg6[%dma_start3A, %dma_start3A_51] : memref<6x128xi32, #tpu.memory_space<vmem>> -> memref<1x128xi32, #tpu.memory_space<vmem>>
      %dma_start3A_53 = tpu.memref_squeeze %dma_start3A_52 : memref<1x128xi32, #tpu.memory_space<vmem>> -> memref<128xi32, #tpu.memory_space<vmem>>
      %dma_start3A_54 = arith.constant 0 : i32
      %dma_start3A_55 = arith.constant 0 : i32
      %dma_start3A_56 = tpu.memref_slice %arg2[%dma_start3A_54, %dma_start3A_55] : memref<100000x32xf32, #tpu.memory_space<hbm>> -> memref<100000x32xf32, #tpu.memory_space<hbm>>
      tpu.enqueue_indirect_dma source(%dma_start3A_56 : memref<100000x32xf32, #tpu.memory_space<hbm>>) target(%dma_start3A_50 : memref<128x32xf32, #tpu.memory_space<vmem>>) offsets(%dma_start3A_53 : memref<128xi32, #tpu.memory_space<vmem>>) semaphore(%arg10 : memref<!tpu.dma_semaphore, #tpu.memory_space<semaphore_mem>>)
      %dma_start3A_57 = arith.constant 1 : i32
      %dma_start3A_58 = arith.constant 128 : i32
      %dma_start3A_59 = arith.constant 0 : i32
      %dma_start3A_60 = tpu.memref_slice %arg8[%dma_start3A_58, %dma_start3A_59] : memref<768x32xf32, #tpu.memory_space<vmem>> -> memref<128x32xf32, #tpu.memory_space<vmem>>
      %dma_start3A_61 = arith.constant 0 : i32
      %dma_start3A_62 = tpu.memref_slice %arg6[%dma_start3A_57, %dma_start3A_61] : memref<6x128xi32, #tpu.memory_space<vmem>> -> memref<1x128xi32, #tpu.memory_space<vmem>>
      %dma_start3A_63 = tpu.memref_squeeze %dma_start3A_62 : memref<1x128xi32, #tpu.memory_space<vmem>> -> memref<128xi32, #tpu.memory_space<vmem>>
      %dma_start3A_64 = arith.constant 0 : i32
      %dma_start3A_65 = arith.constant 0 : i32
      %dma_start3A_66 = tpu.memref_slice %arg2[%dma_start3A_64, %dma_start3A_65] : memref<100000x32xf32, #tpu.memory_space<hbm>> -> memref<100000x32xf32, #tpu.memory_space<hbm>>
      tpu.enqueue_indirect_dma source(%dma_start3A_66 : memref<100000x32xf32, #tpu.memory_space<hbm>>) target(%dma_start3A_60 : memref<128x32xf32, #tpu.memory_space<vmem>>) offsets(%dma_start3A_63 : memref<128xi32, #tpu.memory_space<vmem>>) semaphore(%arg10 : memref<!tpu.dma_semaphore, #tpu.memory_space<semaphore_mem>>)
      %dma_start3A_67 = arith.constant 2 : i32
      %dma_start3A_68 = arith.constant 256 : i32
      %dma_start3A_69 = arith.constant 0 : i32
      %dma_start3A_70 = tpu.memref_slice %arg8[%dma_start3A_68, %dma_start3A_69] : memref<768x32xf32, #tpu.memory_space<vmem>> -> memref<128x32xf32, #tpu.memory_space<vmem>>
      %dma_start3A_71 = arith.constant 0 : i32
      %dma_start3A_72 = tpu.memref_slice %arg6[%dma_start3A_67, %dma_start3A_71] : memref<6x128xi32, #tpu.memory_space<vmem>> -> memref<1x128xi32, #tpu.memory_space<vmem>>
      %dma_start3A_73 = tpu.memref_squeeze %dma_start3A_72 : memref<1x128xi32, #tpu.memory_space<vmem>> -> memref<128xi32, #tpu.memory_space<vmem>>
      %dma_start3A_74 = arith.constant 0 : i32
      %dma_start3A_75 = arith.constant 0 : i32
      %dma_start3A_76 = tpu.memref_slice %arg2[%dma_start3A_74, %dma_start3A_75] : memref<100000x32xf32, #tpu.memory_space<hbm>> -> memref<100000x32xf32, #tpu.memory_space<hbm>>
      tpu.enqueue_indirect_dma source(%dma_start3A_76 : memref<100000x32xf32, #tpu.memory_space<hbm>>) target(%dma_start3A_70 : memref<128x32xf32, #tpu.memory_space<vmem>>) offsets(%dma_start3A_73 : memref<128xi32, #tpu.memory_space<vmem>>) semaphore(%arg10 : memref<!tpu.dma_semaphore, #tpu.memory_space<semaphore_mem>>)
      %dma_start3A_77 = arith.constant 3 : i32
      %dma_start3A_78 = arith.constant 384 : i32
      %dma_start3A_79 = arith.constant 0 : i32
      %dma_start3A_80 = tpu.memref_slice %arg8[%dma_start3A_78, %dma_start3A_79] : memref<768x32xf32, #tpu.memory_space<vmem>> -> memref<128x32xf32, #tpu.memory_space<vmem>>
      %dma_start3A_81 = arith.constant 0 : i32
      %dma_start3A_82 = tpu.memref_slice %arg6[%dma_start3A_77, %dma_start3A_81] : memref<6x128xi32, #tpu.memory_space<vmem>> -> memref<1x128xi32, #tpu.memory_space<vmem>>
      %dma_start3A_83 = tpu.memref_squeeze %dma_start3A_82 : memref<1x128xi32, #tpu.memory_space<vmem>> -> memref<128xi32, #tpu.memory_space<vmem>>
      %dma_start3A_84 = arith.constant 0 : i32
      %dma_start3A_85 = arith.constant 0 : i32
      %dma_start3A_86 = tpu.memref_slice %arg2[%dma_start3A_84, %dma_start3A_85] : memref<100000x32xf32, #tpu.memory_space<hbm>> -> memref<100000x32xf32, #tpu.memory_space<hbm>>
      tpu.enqueue_indirect_dma source(%dma_start3A_86 : memref<100000x32xf32, #tpu.memory_space<hbm>>) target(%dma_start3A_80 : memref<128x32xf32, #tpu.memory_space<vmem>>) offsets(%dma_start3A_83 : memref<128xi32, #tpu.memory_space<vmem>>) semaphore(%arg10 : memref<!tpu.dma_semaphore, #tpu.memory_space<semaphore_mem>>)
      %dma_start3A_87 = arith.constant 4 : i32
      %dma_start3A_88 = arith.constant 512 : i32
      %dma_start3A_89 = arith.constant 0 : i32
      %dma_start3A_90 = tpu.memref_slice %arg8[%dma_start3A_88, %dma_start3A_89] : memref<768x32xf32, #tpu.memory_space<vmem>> -> memref<128x32xf32, #tpu.memory_space<vmem>>
      %dma_start3A_91 = arith.constant 0 : i32
      %dma_start3A_92 = tpu.memref_slice %arg6[%dma_start3A_87, %dma_start3A_91] : memref<6x128xi32, #tpu.memory_space<vmem>> -> memref<1x128xi32, #tpu.memory_space<vmem>>
      %dma_start3A_93 = tpu.memref_squeeze %dma_start3A_92 : memref<1x128xi32, #tpu.memory_space<vmem>> -> memref<128xi32, #tpu.memory_space<vmem>>
      %dma_start3A_94 = arith.constant 0 : i32
      %dma_start3A_95 = arith.constant 0 : i32
      %dma_start3A_96 = tpu.memref_slice %arg2[%dma_start3A_94, %dma_start3A_95] : memref<100000x32xf32, #tpu.memory_space<hbm>> -> memref<100000x32xf32, #tpu.memory_space<hbm>>
      tpu.enqueue_indirect_dma source(%dma_start3A_96 : memref<100000x32xf32, #tpu.memory_space<hbm>>) target(%dma_start3A_90 : memref<128x32xf32, #tpu.memory_space<vmem>>) offsets(%dma_start3A_93 : memref<128xi32, #tpu.memory_space<vmem>>) semaphore(%arg10 : memref<!tpu.dma_semaphore, #tpu.memory_space<semaphore_mem>>)
      %dma_start3A_97 = arith.constant 5 : i32
      %dma_start3A_98 = arith.constant 640 : i32
      %dma_start3A_99 = arith.constant 0 : i32
      %dma_start3A_100 = tpu.memref_slice %arg8[%dma_start3A_98, %dma_start3A_99] : memref<768x32xf32, #tpu.memory_space<vmem>> -> memref<128x32xf32, #tpu.memory_space<vmem>>
      %dma_start3A_101 = arith.constant 0 : i32
      %dma_start3A_102 = tpu.memref_slice %arg6[%dma_start3A_97, %dma_start3A_101] : memref<6x128xi32, #tpu.memory_space<vmem>> -> memref<1x128xi32, #tpu.memory_space<vmem>>
      %dma_start3A_103 = tpu.memref_squeeze %dma_start3A_102 : memref<1x128xi32, #tpu.memory_space<vmem>> -> memref<128xi32, #tpu.memory_space<vmem>>
      %dma_start3A_104 = arith.constant 0 : i32
      %dma_start3A_105 = arith.constant 0 : i32
      %dma_start3A_106 = tpu.memref_slice %arg2[%dma_start3A_104, %dma_start3A_105] : memref<100000x32xf32, #tpu.memory_space<hbm>> -> memref<100000x32xf32, #tpu.memory_space<hbm>>
      tpu.enqueue_indirect_dma source(%dma_start3A_106 : memref<100000x32xf32, #tpu.memory_space<hbm>>) target(%dma_start3A_100 : memref<128x32xf32, #tpu.memory_space<vmem>>) offsets(%dma_start3A_103 : memref<128xi32, #tpu.memory_space<vmem>>) semaphore(%arg10 : memref<!tpu.dma_semaphore, #tpu.memory_space<semaphore_mem>>)
      %dma_wait3A = arith.constant 0 : i32
      %dma_wait3A_107 = arith.constant 0 : i32
      %dma_wait3A_108 = arith.constant 0 : i32
      %dma_wait3A_109 = tpu.memref_slice %arg8[%dma_wait3A_107, %dma_wait3A_108] : memref<768x32xf32, #tpu.memory_space<vmem>> -> memref<128x32xf32, #tpu.memory_space<vmem>>
      %dma_wait3A_110 = arith.constant 0 : i32
      %dma_wait3A_111 = tpu.memref_slice %arg6[%dma_wait3A, %dma_wait3A_110] : memref<6x128xi32, #tpu.memory_space<vmem>> -> memref<1x128xi32, #tpu.memory_space<vmem>>
      %dma_wait3A_112 = tpu.memref_squeeze %dma_wait3A_111 : memref<1x128xi32, #tpu.memory_space<vmem>> -> memref<128xi32, #tpu.memory_space<vmem>>
      %dma_wait3A_113 = arith.constant 0 : i32
      %dma_wait3A_114 = arith.constant 0 : i32
      %dma_wait3A_115 = tpu.memref_slice %arg2[%dma_wait3A_113, %dma_wait3A_114] : memref<100000x32xf32, #tpu.memory_space<hbm>> -> memref<100000x32xf32, #tpu.memory_space<hbm>>
      tpu.wait_indirect_dma semaphore(%arg10 : memref<!tpu.dma_semaphore, #tpu.memory_space<semaphore_mem>>) src(%dma_wait3A_115 : memref<100000x32xf32, #tpu.memory_space<hbm>>) dst(%dma_wait3A_109 : memref<128x32xf32, #tpu.memory_space<vmem>>)
      %dma_start3A_116 = arith.constant 0 : i32
      %dma_start3A_117 = arith.constant 0 : i32
      %dma_start3A_118 = arith.constant 0 : i32
      %dma_start3A_119 = tpu.memref_slice %arg8[%dma_start3A_117, %dma_start3A_118] : memref<768x32xf32, #tpu.memory_space<vmem>> -> memref<128x32xf32, #tpu.memory_space<vmem>>
      %dma_start3A_120 = arith.constant 0 : i32
      %dma_start3A_121 = tpu.memref_slice %arg7[%dma_start3A_116, %dma_start3A_120] : memref<6x128xi32, #tpu.memory_space<vmem>> -> memref<1x128xi32, #tpu.memory_space<vmem>>
      %dma_start3A_122 = tpu.memref_squeeze %dma_start3A_121 : memref<1x128xi32, #tpu.memory_space<vmem>> -> memref<128xi32, #tpu.memory_space<vmem>>
      %dma_start3A_123 = arith.constant 0 : i32
      %dma_start3A_124 = arith.constant 0 : i32
      %dma_start3A_125 = tpu.memref_slice %arg9[%dma_start3A_123, %dma_start3A_124] : memref<51200x32xf32, #tpu.memory_space<vmem_shared>> -> memref<51200x32xf32, #tpu.memory_space<vmem_shared>>
      tpu.enqueue_indirect_dma source(%dma_start3A_119 : memref<128x32xf32, #tpu.memory_space<vmem>>) target(%dma_start3A_125 : memref<51200x32xf32, #tpu.memory_space<vmem_shared>>) offsets(%dma_start3A_122 : memref<128xi32, #tpu.memory_space<vmem>>) semaphore(%arg11 : memref<!tpu.dma_semaphore, #tpu.memory_space<semaphore_mem>>) {add = true}
      %dma_wait3A_126 = arith.constant 1 : i32
      %dma_wait3A_127 = arith.constant 128 : i32
      %dma_wait3A_128 = arith.constant 0 : i32
      %dma_wait3A_129 = tpu.memref_slice %arg8[%dma_wait3A_127, %dma_wait3A_128] : memref<768x32xf32, #tpu.memory_space<vmem>> -> memref<128x32xf32, #tpu.memory_space<vmem>>
      %dma_wait3A_130 = arith.constant 0 : i32
      %dma_wait3A_131 = tpu.memref_slice %arg6[%dma_wait3A_126, %dma_wait3A_130] : memref<6x128xi32, #tpu.memory_space<vmem>> -> memref<1x128xi32, #tpu.memory_space<vmem>>
      %dma_wait3A_132 = tpu.memref_squeeze %dma_wait3A_131 : memref<1x128xi32, #tpu.memory_space<vmem>> -> memref<128xi32, #tpu.memory_space<vmem>>
      %dma_wait3A_133 = arith.constant 0 : i32
      %dma_wait3A_134 = arith.constant 0 : i32
      %dma_wait3A_135 = tpu.memref_slice %arg2[%dma_wait3A_133, %dma_wait3A_134] : memref<100000x32xf32, #tpu.memory_space<hbm>> -> memref<100000x32xf32, #tpu.memory_space<hbm>>
      tpu.wait_indirect_dma semaphore(%arg10 : memref<!tpu.dma_semaphore, #tpu.memory_space<semaphore_mem>>) src(%dma_wait3A_135 : memref<100000x32xf32, #tpu.memory_space<hbm>>) dst(%dma_wait3A_129 : memref<128x32xf32, #tpu.memory_space<vmem>>)
      %dma_start3A_136 = arith.constant 1 : i32
      %dma_start3A_137 = arith.constant 128 : i32
      %dma_start3A_138 = arith.constant 0 : i32
      %dma_start3A_139 = tpu.memref_slice %arg8[%dma_start3A_137, %dma_start3A_138] : memref<768x32xf32, #tpu.memory_space<vmem>> -> memref<128x32xf32, #tpu.memory_space<vmem>>
      %dma_start3A_140 = arith.constant 0 : i32
      %dma_start3A_141 = tpu.memref_slice %arg7[%dma_start3A_136, %dma_start3A_140] : memref<6x128xi32, #tpu.memory_space<vmem>> -> memref<1x128xi32, #tpu.memory_space<vmem>>
      %dma_start3A_142 = tpu.memref_squeeze %dma_start3A_141 : memref<1x128xi32, #tpu.memory_space<vmem>> -> memref<128xi32, #tpu.memory_space<vmem>>
      %dma_start3A_143 = arith.constant 0 : i32
      %dma_start3A_144 = arith.constant 0 : i32
      %dma_start3A_145 = tpu.memref_slice %arg9[%dma_start3A_143, %dma_start3A_144] : memref<51200x32xf32, #tpu.memory_space<vmem_shared>> -> memref<51200x32xf32, #tpu.memory_space<vmem_shared>>
      tpu.enqueue_indirect_dma source(%dma_start3A_139 : memref<128x32xf32, #tpu.memory_space<vmem>>) target(%dma_start3A_145 : memref<51200x32xf32, #tpu.memory_space<vmem_shared>>) offsets(%dma_start3A_142 : memref<128xi32, #tpu.memory_space<vmem>>) semaphore(%arg11 : memref<!tpu.dma_semaphore, #tpu.memory_space<semaphore_mem>>) {add = true}
      %dma_wait3A_146 = arith.constant 2 : i32
      %dma_wait3A_147 = arith.constant 256 : i32
      %dma_wait3A_148 = arith.constant 0 : i32
      %dma_wait3A_149 = tpu.memref_slice %arg8[%dma_wait3A_147, %dma_wait3A_148] : memref<768x32xf32, #tpu.memory_space<vmem>> -> memref<128x32xf32, #tpu.memory_space<vmem>>
      %dma_wait3A_150 = arith.constant 0 : i32
      %dma_wait3A_151 = tpu.memref_slice %arg6[%dma_wait3A_146, %dma_wait3A_150] : memref<6x128xi32, #tpu.memory_space<vmem>> -> memref<1x128xi32, #tpu.memory_space<vmem>>
      %dma_wait3A_152 = tpu.memref_squeeze %dma_wait3A_151 : memref<1x128xi32, #tpu.memory_space<vmem>> -> memref<128xi32, #tpu.memory_space<vmem>>
      %dma_wait3A_153 = arith.constant 0 : i32
      %dma_wait3A_154 = arith.constant 0 : i32
      %dma_wait3A_155 = tpu.memref_slice %arg2[%dma_wait3A_153, %dma_wait3A_154] : memref<100000x32xf32, #tpu.memory_space<hbm>> -> memref<100000x32xf32, #tpu.memory_space<hbm>>
      tpu.wait_indirect_dma semaphore(%arg10 : memref<!tpu.dma_semaphore, #tpu.memory_space<semaphore_mem>>) src(%dma_wait3A_155 : memref<100000x32xf32, #tpu.memory_space<hbm>>) dst(%dma_wait3A_149 : memref<128x32xf32, #tpu.memory_space<vmem>>)
      %dma_start3A_156 = arith.constant 2 : i32
      %dma_start3A_157 = arith.constant 256 : i32
      %dma_start3A_158 = arith.constant 0 : i32
      %dma_start3A_159 = tpu.memref_slice %arg8[%dma_start3A_157, %dma_start3A_158] : memref<768x32xf32, #tpu.memory_space<vmem>> -> memref<128x32xf32, #tpu.memory_space<vmem>>
      %dma_start3A_160 = arith.constant 0 : i32
      %dma_start3A_161 = tpu.memref_slice %arg7[%dma_start3A_156, %dma_start3A_160] : memref<6x128xi32, #tpu.memory_space<vmem>> -> memref<1x128xi32, #tpu.memory_space<vmem>>
      %dma_start3A_162 = tpu.memref_squeeze %dma_start3A_161 : memref<1x128xi32, #tpu.memory_space<vmem>> -> memref<128xi32, #tpu.memory_space<vmem>>
      %dma_start3A_163 = arith.constant 0 : i32
      %dma_start3A_164 = arith.constant 0 : i32
      %dma_start3A_165 = tpu.memref_slice %arg9[%dma_start3A_163, %dma_start3A_164] : memref<51200x32xf32, #tpu.memory_space<vmem_shared>> -> memref<51200x32xf32, #tpu.memory_space<vmem_shared>>
      tpu.enqueue_indirect_dma source(%dma_start3A_159 : memref<128x32xf32, #tpu.memory_space<vmem>>) target(%dma_start3A_165 : memref<51200x32xf32, #tpu.memory_space<vmem_shared>>) offsets(%dma_start3A_162 : memref<128xi32, #tpu.memory_space<vmem>>) semaphore(%arg11 : memref<!tpu.dma_semaphore, #tpu.memory_space<semaphore_mem>>) {add = true}
      %dma_wait3A_166 = arith.constant 3 : i32
      %dma_wait3A_167 = arith.constant 384 : i32
      %dma_wait3A_168 = arith.constant 0 : i32
      %dma_wait3A_169 = tpu.memref_slice %arg8[%dma_wait3A_167, %dma_wait3A_168] : memref<768x32xf32, #tpu.memory_space<vmem>> -> memref<128x32xf32, #tpu.memory_space<vmem>>
      %dma_wait3A_170 = arith.constant 0 : i32
      %dma_wait3A_171 = tpu.memref_slice %arg6[%dma_wait3A_166, %dma_wait3A_170] : memref<6x128xi32, #tpu.memory_space<vmem>> -> memref<1x128xi32, #tpu.memory_space<vmem>>
      %dma_wait3A_172 = tpu.memref_squeeze %dma_wait3A_171 : memref<1x128xi32, #tpu.memory_space<vmem>> -> memref<128xi32, #tpu.memory_space<vmem>>
      %dma_wait3A_173 = arith.constant 0 : i32
      %dma_wait3A_174 = arith.constant 0 : i32
      %dma_wait3A_175 = tpu.memref_slice %arg2[%dma_wait3A_173, %dma_wait3A_174] : memref<100000x32xf32, #tpu.memory_space<hbm>> -> memref<100000x32xf32, #tpu.memory_space<hbm>>
      tpu.wait_indirect_dma semaphore(%arg10 : memref<!tpu.dma_semaphore, #tpu.memory_space<semaphore_mem>>) src(%dma_wait3A_175 : memref<100000x32xf32, #tpu.memory_space<hbm>>) dst(%dma_wait3A_169 : memref<128x32xf32, #tpu.memory_space<vmem>>)
      %dma_start3A_176 = arith.constant 3 : i32
      %dma_start3A_177 = arith.constant 384 : i32
      %dma_start3A_178 = arith.constant 0 : i32
      %dma_start3A_179 = tpu.memref_slice %arg8[%dma_start3A_177, %dma_start3A_178] : memref<768x32xf32, #tpu.memory_space<vmem>> -> memref<128x32xf32, #tpu.memory_space<vmem>>
      %dma_start3A_180 = arith.constant 0 : i32
      %dma_start3A_181 = tpu.memref_slice %arg7[%dma_start3A_176, %dma_start3A_180] : memref<6x128xi32, #tpu.memory_space<vmem>> -> memref<1x128xi32, #tpu.memory_space<vmem>>
      %dma_start3A_182 = tpu.memref_squeeze %dma_start3A_181 : memref<1x128xi32, #tpu.memory_space<vmem>> -> memref<128xi32, #tpu.memory_space<vmem>>
      %dma_start3A_183 = arith.constant 0 : i32
      %dma_start3A_184 = arith.constant 0 : i32
      %dma_start3A_185 = tpu.memref_slice %arg9[%dma_start3A_183, %dma_start3A_184] : memref<51200x32xf32, #tpu.memory_space<vmem_shared>> -> memref<51200x32xf32, #tpu.memory_space<vmem_shared>>
      tpu.enqueue_indirect_dma source(%dma_start3A_179 : memref<128x32xf32, #tpu.memory_space<vmem>>) target(%dma_start3A_185 : memref<51200x32xf32, #tpu.memory_space<vmem_shared>>) offsets(%dma_start3A_182 : memref<128xi32, #tpu.memory_space<vmem>>) semaphore(%arg11 : memref<!tpu.dma_semaphore, #tpu.memory_space<semaphore_mem>>) {add = true}
      %dma_wait3A_186 = arith.constant 4 : i32
      %dma_wait3A_187 = arith.constant 512 : i32
      %dma_wait3A_188 = arith.constant 0 : i32
      %dma_wait3A_189 = tpu.memref_slice %arg8[%dma_wait3A_187, %dma_wait3A_188] : memref<768x32xf32, #tpu.memory_space<vmem>> -> memref<128x32xf32, #tpu.memory_space<vmem>>
      %dma_wait3A_190 = arith.constant 0 : i32
      %dma_wait3A_191 = tpu.memref_slice %arg6[%dma_wait3A_186, %dma_wait3A_190] : memref<6x128xi32, #tpu.memory_space<vmem>> -> memref<1x128xi32, #tpu.memory_space<vmem>>
      %dma_wait3A_192 = tpu.memref_squeeze %dma_wait3A_191 : memref<1x128xi32, #tpu.memory_space<vmem>> -> memref<128xi32, #tpu.memory_space<vmem>>
      %dma_wait3A_193 = arith.constant 0 : i32
      %dma_wait3A_194 = arith.constant 0 : i32
      %dma_wait3A_195 = tpu.memref_slice %arg2[%dma_wait3A_193, %dma_wait3A_194] : memref<100000x32xf32, #tpu.memory_space<hbm>> -> memref<100000x32xf32, #tpu.memory_space<hbm>>
      tpu.wait_indirect_dma semaphore(%arg10 : memref<!tpu.dma_semaphore, #tpu.memory_space<semaphore_mem>>) src(%dma_wait3A_195 : memref<100000x32xf32, #tpu.memory_space<hbm>>) dst(%dma_wait3A_189 : memref<128x32xf32, #tpu.memory_space<vmem>>)
      %dma_start3A_196 = arith.constant 4 : i32
      %dma_start3A_197 = arith.constant 512 : i32
      %dma_start3A_198 = arith.constant 0 : i32
      %dma_start3A_199 = tpu.memref_slice %arg8[%dma_start3A_197, %dma_start3A_198] : memref<768x32xf32, #tpu.memory_space<vmem>> -> memref<128x32xf32, #tpu.memory_space<vmem>>
      %dma_start3A_200 = arith.constant 0 : i32
      %dma_start3A_201 = tpu.memref_slice %arg7[%dma_start3A_196, %dma_start3A_200] : memref<6x128xi32, #tpu.memory_space<vmem>> -> memref<1x128xi32, #tpu.memory_space<vmem>>
      %dma_start3A_202 = tpu.memref_squeeze %dma_start3A_201 : memref<1x128xi32, #tpu.memory_space<vmem>> -> memref<128xi32, #tpu.memory_space<vmem>>
      %dma_start3A_203 = arith.constant 0 : i32
      %dma_start3A_204 = arith.constant 0 : i32
      %dma_start3A_205 = tpu.memref_slice %arg9[%dma_start3A_203, %dma_start3A_204] : memref<51200x32xf32, #tpu.memory_space<vmem_shared>> -> memref<51200x32xf32, #tpu.memory_space<vmem_shared>>
      tpu.enqueue_indirect_dma source(%dma_start3A_199 : memref<128x32xf32, #tpu.memory_space<vmem>>) target(%dma_start3A_205 : memref<51200x32xf32, #tpu.memory_space<vmem_shared>>) offsets(%dma_start3A_202 : memref<128xi32, #tpu.memory_space<vmem>>) semaphore(%arg11 : memref<!tpu.dma_semaphore, #tpu.memory_space<semaphore_mem>>) {add = true}
      %dma_wait3A_206 = arith.constant 5 : i32
      %dma_wait3A_207 = arith.constant 640 : i32
      %dma_wait3A_208 = arith.constant 0 : i32
      %dma_wait3A_209 = tpu.memref_slice %arg8[%dma_wait3A_207, %dma_wait3A_208] : memref<768x32xf32, #tpu.memory_space<vmem>> -> memref<128x32xf32, #tpu.memory_space<vmem>>
      %dma_wait3A_210 = arith.constant 0 : i32
      %dma_wait3A_211 = tpu.memref_slice %arg6[%dma_wait3A_206, %dma_wait3A_210] : memref<6x128xi32, #tpu.memory_space<vmem>> -> memref<1x128xi32, #tpu.memory_space<vmem>>
      %dma_wait3A_212 = tpu.memref_squeeze %dma_wait3A_211 : memref<1x128xi32, #tpu.memory_space<vmem>> -> memref<128xi32, #tpu.memory_space<vmem>>
      %dma_wait3A_213 = arith.constant 0 : i32
      %dma_wait3A_214 = arith.constant 0 : i32
      %dma_wait3A_215 = tpu.memref_slice %arg2[%dma_wait3A_213, %dma_wait3A_214] : memref<100000x32xf32, #tpu.memory_space<hbm>> -> memref<100000x32xf32, #tpu.memory_space<hbm>>
      tpu.wait_indirect_dma semaphore(%arg10 : memref<!tpu.dma_semaphore, #tpu.memory_space<semaphore_mem>>) src(%dma_wait3A_215 : memref<100000x32xf32, #tpu.memory_space<hbm>>) dst(%dma_wait3A_209 : memref<128x32xf32, #tpu.memory_space<vmem>>)
      %dma_start3A_216 = arith.constant 5 : i32
      %dma_start3A_217 = arith.constant 640 : i32
      %dma_start3A_218 = arith.constant 0 : i32
      %dma_start3A_219 = tpu.memref_slice %arg8[%dma_start3A_217, %dma_start3A_218] : memref<768x32xf32, #tpu.memory_space<vmem>> -> memref<128x32xf32, #tpu.memory_space<vmem>>
      %dma_start3A_220 = arith.constant 0 : i32
      %dma_start3A_221 = tpu.memref_slice %arg7[%dma_start3A_216, %dma_start3A_220] : memref<6x128xi32, #tpu.memory_space<vmem>> -> memref<1x128xi32, #tpu.memory_space<vmem>>
      %dma_start3A_222 = tpu.memref_squeeze %dma_start3A_221 : memref<1x128xi32, #tpu.memory_space<vmem>> -> memref<128xi32, #tpu.memory_space<vmem>>
      %dma_start3A_223 = arith.constant 0 : i32
      %dma_start3A_224 = arith.constant 0 : i32
      %dma_start3A_225 = tpu.memref_slice %arg9[%dma_start3A_223, %dma_start3A_224] : memref<51200x32xf32, #tpu.memory_space<vmem_shared>> -> memref<51200x32xf32, #tpu.memory_space<vmem_shared>>
      tpu.enqueue_indirect_dma source(%dma_start3A_219 : memref<128x32xf32, #tpu.memory_space<vmem>>) target(%dma_start3A_225 : memref<51200x32xf32, #tpu.memory_space<vmem_shared>>) offsets(%dma_start3A_222 : memref<128xi32, #tpu.memory_space<vmem>>) semaphore(%arg11 : memref<!tpu.dma_semaphore, #tpu.memory_space<semaphore_mem>>) {add = true}
      %dma_wait3A_226 = arith.constant 0 : i32
      %dma_wait3A_227 = arith.constant 0 : i32
      %dma_wait3A_228 = arith.constant 0 : i32
      %dma_wait3A_229 = tpu.memref_slice %arg8[%dma_wait3A_227, %dma_wait3A_228] : memref<768x32xf32, #tpu.memory_space<vmem>> -> memref<128x32xf32, #tpu.memory_space<vmem>>
      %dma_wait3A_230 = arith.constant 0 : i32
      %dma_wait3A_231 = tpu.memref_slice %arg7[%dma_wait3A_226, %dma_wait3A_230] : memref<6x128xi32, #tpu.memory_space<vmem>> -> memref<1x128xi32, #tpu.memory_space<vmem>>
      %dma_wait3A_232 = tpu.memref_squeeze %dma_wait3A_231 : memref<1x128xi32, #tpu.memory_space<vmem>> -> memref<128xi32, #tpu.memory_space<vmem>>
      %dma_wait3A_233 = arith.constant 0 : i32
      %dma_wait3A_234 = arith.constant 0 : i32
      %dma_wait3A_235 = tpu.memref_slice %arg9[%dma_wait3A_233, %dma_wait3A_234] : memref<51200x32xf32, #tpu.memory_space<vmem_shared>> -> memref<51200x32xf32, #tpu.memory_space<vmem_shared>>
      tpu.wait_indirect_dma semaphore(%arg11 : memref<!tpu.dma_semaphore, #tpu.memory_space<semaphore_mem>>) src(%dma_wait3A_229 : memref<128x32xf32, #tpu.memory_space<vmem>>) dst(%dma_wait3A_235 : memref<51200x32xf32, #tpu.memory_space<vmem_shared>>)
      %dma_wait3A_236 = arith.constant 1 : i32
      %dma_wait3A_237 = arith.constant 128 : i32
      %dma_wait3A_238 = arith.constant 0 : i32
      %dma_wait3A_239 = tpu.memref_slice %arg8[%dma_wait3A_237, %dma_wait3A_238] : memref<768x32xf32, #tpu.memory_space<vmem>> -> memref<128x32xf32, #tpu.memory_space<vmem>>
      %dma_wait3A_240 = arith.constant 0 : i32
      %dma_wait3A_241 = tpu.memref_slice %arg7[%dma_wait3A_236, %dma_wait3A_240] : memref<6x128xi32, #tpu.memory_space<vmem>> -> memref<1x128xi32, #tpu.memory_space<vmem>>
      %dma_wait3A_242 = tpu.memref_squeeze %dma_wait3A_241 : memref<1x128xi32, #tpu.memory_space<vmem>> -> memref<128xi32, #tpu.memory_space<vmem>>
      %dma_wait3A_243 = arith.constant 0 : i32
      %dma_wait3A_244 = arith.constant 0 : i32
      %dma_wait3A_245 = tpu.memref_slice %arg9[%dma_wait3A_243, %dma_wait3A_244] : memref<51200x32xf32, #tpu.memory_space<vmem_shared>> -> memref<51200x32xf32, #tpu.memory_space<vmem_shared>>
      tpu.wait_indirect_dma semaphore(%arg11 : memref<!tpu.dma_semaphore, #tpu.memory_space<semaphore_mem>>) src(%dma_wait3A_239 : memref<128x32xf32, #tpu.memory_space<vmem>>) dst(%dma_wait3A_245 : memref<51200x32xf32, #tpu.memory_space<vmem_shared>>)
      %dma_wait3A_246 = arith.constant 2 : i32
      %dma_wait3A_247 = arith.constant 256 : i32
      %dma_wait3A_248 = arith.constant 0 : i32
      %dma_wait3A_249 = tpu.memref_slice %arg8[%dma_wait3A_247, %dma_wait3A_248] : memref<768x32xf32, #tpu.memory_space<vmem>> -> memref<128x32xf32, #tpu.memory_space<vmem>>
      %dma_wait3A_250 = arith.constant 0 : i32
      %dma_wait3A_251 = tpu.memref_slice %arg7[%dma_wait3A_246, %dma_wait3A_250] : memref<6x128xi32, #tpu.memory_space<vmem>> -> memref<1x128xi32, #tpu.memory_space<vmem>>
      %dma_wait3A_252 = tpu.memref_squeeze %dma_wait3A_251 : memref<1x128xi32, #tpu.memory_space<vmem>> -> memref<128xi32, #tpu.memory_space<vmem>>
      %dma_wait3A_253 = arith.constant 0 : i32
      %dma_wait3A_254 = arith.constant 0 : i32
      %dma_wait3A_255 = tpu.memref_slice %arg9[%dma_wait3A_253, %dma_wait3A_254] : memref<51200x32xf32, #tpu.memory_space<vmem_shared>> -> memref<51200x32xf32, #tpu.memory_space<vmem_shared>>
      tpu.wait_indirect_dma semaphore(%arg11 : memref<!tpu.dma_semaphore, #tpu.memory_space<semaphore_mem>>) src(%dma_wait3A_249 : memref<128x32xf32, #tpu.memory_space<vmem>>) dst(%dma_wait3A_255 : memref<51200x32xf32, #tpu.memory_space<vmem_shared>>)
      %dma_wait3A_256 = arith.constant 3 : i32
      %dma_wait3A_257 = arith.constant 384 : i32
      %dma_wait3A_258 = arith.constant 0 : i32
      %dma_wait3A_259 = tpu.memref_slice %arg8[%dma_wait3A_257, %dma_wait3A_258] : memref<768x32xf32, #tpu.memory_space<vmem>> -> memref<128x32xf32, #tpu.memory_space<vmem>>
      %dma_wait3A_260 = arith.constant 0 : i32
      %dma_wait3A_261 = tpu.memref_slice %arg7[%dma_wait3A_256, %dma_wait3A_260] : memref<6x128xi32, #tpu.memory_space<vmem>> -> memref<1x128xi32, #tpu.memory_space<vmem>>
      %dma_wait3A_262 = tpu.memref_squeeze %dma_wait3A_261 : memref<1x128xi32, #tpu.memory_space<vmem>> -> memref<128xi32, #tpu.memory_space<vmem>>
      %dma_wait3A_263 = arith.constant 0 : i32
      %dma_wait3A_264 = arith.constant 0 : i32
      %dma_wait3A_265 = tpu.memref_slice %arg9[%dma_wait3A_263, %dma_wait3A_264] : memref<51200x32xf32, #tpu.memory_space<vmem_shared>> -> memref<51200x32xf32, #tpu.memory_space<vmem_shared>>
      tpu.wait_indirect_dma semaphore(%arg11 : memref<!tpu.dma_semaphore, #tpu.memory_space<semaphore_mem>>) src(%dma_wait3A_259 : memref<128x32xf32, #tpu.memory_space<vmem>>) dst(%dma_wait3A_265 : memref<51200x32xf32, #tpu.memory_space<vmem_shared>>)
      %dma_wait3A_266 = arith.constant 4 : i32
      %dma_wait3A_267 = arith.constant 512 : i32
      %dma_wait3A_268 = arith.constant 0 : i32
      %dma_wait3A_269 = tpu.memref_slice %arg8[%dma_wait3A_267, %dma_wait3A_268] : memref<768x32xf32, #tpu.memory_space<vmem>> -> memref<128x32xf32, #tpu.memory_space<vmem>>
      %dma_wait3A_270 = arith.constant 0 : i32
      %dma_wait3A_271 = tpu.memref_slice %arg7[%dma_wait3A_266, %dma_wait3A_270] : memref<6x128xi32, #tpu.memory_space<vmem>> -> memref<1x128xi32, #tpu.memory_space<vmem>>
      %dma_wait3A_272 = tpu.memref_squeeze %dma_wait3A_271 : memref<1x128xi32, #tpu.memory_space<vmem>> -> memref<128xi32, #tpu.memory_space<vmem>>
      %dma_wait3A_273 = arith.constant 0 : i32
      %dma_wait3A_274 = arith.constant 0 : i32
      %dma_wait3A_275 = tpu.memref_slice %arg9[%dma_wait3A_273, %dma_wait3A_274] : memref<51200x32xf32, #tpu.memory_space<vmem_shared>> -> memref<51200x32xf32, #tpu.memory_space<vmem_shared>>
      tpu.wait_indirect_dma semaphore(%arg11 : memref<!tpu.dma_semaphore, #tpu.memory_space<semaphore_mem>>) src(%dma_wait3A_269 : memref<128x32xf32, #tpu.memory_space<vmem>>) dst(%dma_wait3A_275 : memref<51200x32xf32, #tpu.memory_space<vmem_shared>>)
      %dma_wait3A_276 = arith.constant 5 : i32
      %dma_wait3A_277 = arith.constant 640 : i32
      %dma_wait3A_278 = arith.constant 0 : i32
      %dma_wait3A_279 = tpu.memref_slice %arg8[%dma_wait3A_277, %dma_wait3A_278] : memref<768x32xf32, #tpu.memory_space<vmem>> -> memref<128x32xf32, #tpu.memory_space<vmem>>
      %dma_wait3A_280 = arith.constant 0 : i32
      %dma_wait3A_281 = tpu.memref_slice %arg7[%dma_wait3A_276, %dma_wait3A_280] : memref<6x128xi32, #tpu.memory_space<vmem>> -> memref<1x128xi32, #tpu.memory_space<vmem>>
      %dma_wait3A_282 = tpu.memref_squeeze %dma_wait3A_281 : memref<1x128xi32, #tpu.memory_space<vmem>> -> memref<128xi32, #tpu.memory_space<vmem>>
      %dma_wait3A_283 = arith.constant 0 : i32
      %dma_wait3A_284 = arith.constant 0 : i32
      %dma_wait3A_285 = tpu.memref_slice %arg9[%dma_wait3A_283, %dma_wait3A_284] : memref<51200x32xf32, #tpu.memory_space<vmem_shared>> -> memref<51200x32xf32, #tpu.memory_space<vmem_shared>>
      tpu.wait_indirect_dma semaphore(%arg11 : memref<!tpu.dma_semaphore, #tpu.memory_space<semaphore_mem>>) src(%dma_wait3A_279 : memref<128x32xf32, #tpu.memory_space<vmem>>) dst(%dma_wait3A_285 : memref<51200x32xf32, #tpu.memory_space<vmem_shared>>)
    }
    %scan3A_20 = arith.constant 66 : i32
    %barrier3A_21 = arith.constant 0 : index
    tpu.barrier barrier_id(%barrier3A_21)
    %add3A_22 = arith.constant 0 : i32
    %add3A_23 = arith.addi %mul3A_5, %add3A_22 : i32
    "tpu.region"() ({
      %run_scoped3A = tpu.sem_alloc : memref<!tpu.dma_semaphore, #tpu.memory_space<semaphore_mem>>
      %dma_start3A = arith.constant 0 : i32
      %dma_start3A_42 = arith.constant 0 : i32
      %dma_start3A_43 = tpu.memref_slice %arg8[%dma_start3A, %dma_start3A_42] : memref<768x32xf32, #tpu.memory_space<vmem>> -> memref<768x32xf32, #tpu.memory_space<vmem>>
      %dma_start3A_44 = arith.constant 0 : i32
      %dma_start3A_45 = tpu.memref_slice %arg9[%add3A_23, %dma_start3A_44] : memref<51200x32xf32, #tpu.memory_space<vmem_shared>> -> memref<768x32xf32, #tpu.memory_space<vmem_shared>>
      %dma_start3A_46 = arith.constant 0 : i32
      %dma_start3A_47 = arith.constant 0 : i32
      %dma_start3A_48 = tpu.memref_slice %arg8[%dma_start3A_46, %dma_start3A_47] : memref<768x32xf32, #tpu.memory_space<vmem>> -> memref<768x32xf32, #tpu.memory_space<vmem>>
      %dma_start3A_49 = arith.constant 0 : i32
      %dma_start3A_50 = tpu.memref_slice %arg9[%add3A_23, %dma_start3A_49] : memref<51200x32xf32, #tpu.memory_space<vmem_shared>> -> memref<768x32xf32, #tpu.memory_space<vmem_shared>>
      tpu.enqueue_dma source(%dma_start3A_50 : memref<768x32xf32, #tpu.memory_space<vmem_shared>>) target(%dma_start3A_48 : memref<768x32xf32, #tpu.memory_space<vmem>>) target_semaphore(%run_scoped3A : memref<!tpu.dma_semaphore, #tpu.memory_space<semaphore_mem>>)
      %dma_wait3A = arith.constant 0 : i32
      %dma_wait3A_51 = arith.constant 0 : i32
      %dma_wait3A_52 = tpu.memref_slice %arg8[%dma_wait3A, %dma_wait3A_51] : memref<768x32xf32, #tpu.memory_space<vmem>> -> memref<768x32xf32, #tpu.memory_space<vmem>>
      %dma_wait3A_53 = arith.constant 0 : i32
      %dma_wait3A_54 = tpu.memref_slice %arg9[%add3A_23, %dma_wait3A_53] : memref<51200x32xf32, #tpu.memory_space<vmem_shared>> -> memref<768x32xf32, #tpu.memory_space<vmem_shared>>
      %dma_wait3A_55 = arith.constant 0 : i32
      %dma_wait3A_56 = arith.constant 0 : i32
      %dma_wait3A_57 = tpu.memref_slice %arg8[%dma_wait3A_55, %dma_wait3A_56] : memref<768x32xf32, #tpu.memory_space<vmem>> -> memref<768x32xf32, #tpu.memory_space<vmem>>
      %dma_wait3A_58 = arith.constant 0 : i32
      %dma_wait3A_59 = tpu.memref_slice %arg9[%add3A_23, %dma_wait3A_58] : memref<51200x32xf32, #tpu.memory_space<vmem_shared>> -> memref<768x32xf32, #tpu.memory_space<vmem_shared>>
      tpu.wait_dma2 semaphore(%run_scoped3A : memref<!tpu.dma_semaphore, #tpu.memory_space<semaphore_mem>>) src(%dma_wait3A_59 : memref<768x32xf32, #tpu.memory_space<vmem_shared>>) dst(%dma_wait3A_57 : memref<768x32xf32, #tpu.memory_space<vmem>>)
      tpu.yield
    }) : () -> ()
    %add3A_24 = arith.constant 0 : i32
    %add3A_25 = arith.addi %mul3A_5, %add3A_24 : i32
    "tpu.region"() ({
      %run_scoped3A = tpu.sem_alloc : memref<!tpu.dma_semaphore, #tpu.memory_space<semaphore_mem>>
      %dma_start3A = arith.constant 0 : i32
      %dma_start3A_42 = arith.constant 0 : i32
      %dma_start3A_43 = tpu.memref_slice %arg8[%dma_start3A, %dma_start3A_42] : memref<768x32xf32, #tpu.memory_space<vmem>> -> memref<768x32xf32, #tpu.memory_space<vmem>>
      %dma_start3A_44 = arith.constant 0 : i32
      %dma_start3A_45 = arith.constant 0 : i32
      %dma_start3A_46 = tpu.memref_slice %arg5[%arg0, %dma_start3A_44, %dma_start3A_45] : memref<2x51200x32xf32, #tpu.memory_space<hbm>> -> memref<1x51200x32xf32, #tpu.memory_space<hbm>>
      %dma_start3A_47 = tpu.memref_squeeze %dma_start3A_46 : memref<1x51200x32xf32, #tpu.memory_space<hbm>> -> memref<51200x32xf32, #tpu.memory_space<hbm>>
      %dma_start3A_48 = arith.constant 0 : i32
      %dma_start3A_49 = tpu.memref_slice %dma_start3A_47[%add3A_25, %dma_start3A_48] : memref<51200x32xf32, #tpu.memory_space<hbm>> -> memref<768x32xf32, #tpu.memory_space<hbm>>
      %dma_start3A_50 = arith.constant 0 : i32
      %dma_start3A_51 = arith.constant 0 : i32
      %dma_start3A_52 = tpu.memref_slice %arg5[%arg0, %dma_start3A_50, %dma_start3A_51] : memref<2x51200x32xf32, #tpu.memory_space<hbm>> -> memref<1x51200x32xf32, #tpu.memory_space<hbm>>
      %dma_start3A_53 = tpu.memref_squeeze %dma_start3A_52 : memref<1x51200x32xf32, #tpu.memory_space<hbm>> -> memref<51200x32xf32, #tpu.memory_space<hbm>>
      %dma_start3A_54 = arith.constant 0 : i32
      %dma_start3A_55 = tpu.memref_slice %dma_start3A_53[%add3A_25, %dma_start3A_54] : memref<51200x32xf32, #tpu.memory_space<hbm>> -> memref<768x32xf32, #tpu.memory_space<hbm>>
      %dma_start3A_56 = arith.constant 0 : i32
      %dma_start3A_57 = arith.constant 0 : i32
      %dma_start3A_58 = tpu.memref_slice %arg8[%dma_start3A_56, %dma_start3A_57] : memref<768x32xf32, #tpu.memory_space<vmem>> -> memref<768x32xf32, #tpu.memory_space<vmem>>
      tpu.enqueue_dma source(%dma_start3A_58 : memref<768x32xf32, #tpu.memory_space<vmem>>) target(%dma_start3A_55 : memref<768x32xf32, #tpu.memory_space<hbm>>) target_semaphore(%run_scoped3A : memref<!tpu.dma_semaphore, #tpu.memory_space<semaphore_mem>>)
      %dma_wait3A = arith.constant 0 : i32
      %dma_wait3A_59 = arith.constant 0 : i32
      %dma_wait3A_60 = tpu.memref_slice %arg8[%dma_wait3A, %dma_wait3A_59] : memref<768x32xf32, #tpu.memory_space<vmem>> -> memref<768x32xf32, #tpu.memory_space<vmem>>
      %dma_wait3A_61 = arith.constant 0 : i32
      %dma_wait3A_62 = arith.constant 0 : i32
      %dma_wait3A_63 = tpu.memref_slice %arg5[%arg0, %dma_wait3A_61, %dma_wait3A_62] : memref<2x51200x32xf32, #tpu.memory_space<hbm>> -> memref<1x51200x32xf32, #tpu.memory_space<hbm>>
      %dma_wait3A_64 = tpu.memref_squeeze %dma_wait3A_63 : memref<1x51200x32xf32, #tpu.memory_space<hbm>> -> memref<51200x32xf32, #tpu.memory_space<hbm>>
      %dma_wait3A_65 = arith.constant 0 : i32
      %dma_wait3A_66 = tpu.memref_slice %dma_wait3A_64[%add3A_25, %dma_wait3A_65] : memref<51200x32xf32, #tpu.memory_space<hbm>> -> memref<768x32xf32, #tpu.memory_space<hbm>>
      %dma_wait3A_67 = arith.constant 0 : i32
      %dma_wait3A_68 = arith.constant 0 : i32
      %dma_wait3A_69 = tpu.memref_slice %arg5[%arg0, %dma_wait3A_67, %dma_wait3A_68] : memref<2x51200x32xf32, #tpu.memory_space<hbm>> -> memref<1x51200x32xf32, #tpu.memory_space<hbm>>
      %dma_wait3A_70 = tpu.memref_squeeze %dma_wait3A_69 : memref<1x51200x32xf32, #tpu.memory_space<hbm>> -> memref<51200x32xf32, #tpu.memory_space<hbm>>
      %dma_wait3A_71 = arith.constant 0 : i32
      %dma_wait3A_72 = tpu.memref_slice %dma_wait3A_70[%add3A_25, %dma_wait3A_71] : memref<51200x32xf32, #tpu.memory_space<hbm>> -> memref<768x32xf32, #tpu.memory_space<hbm>>
      %dma_wait3A_73 = arith.constant 0 : i32
      %dma_wait3A_74 = arith.constant 0 : i32
      %dma_wait3A_75 = tpu.memref_slice %arg8[%dma_wait3A_73, %dma_wait3A_74] : memref<768x32xf32, #tpu.memory_space<vmem>> -> memref<768x32xf32, #tpu.memory_space<vmem>>
      tpu.wait_dma2 semaphore(%run_scoped3A : memref<!tpu.dma_semaphore, #tpu.memory_space<semaphore_mem>>) src(%dma_wait3A_75 : memref<768x32xf32, #tpu.memory_space<vmem>>) dst(%dma_wait3A_72 : memref<768x32xf32, #tpu.memory_space<hbm>>)
      tpu.yield
    }) : () -> ()
    %add3A_26 = arith.constant 768 : i32
    %add3A_27 = arith.addi %mul3A_5, %add3A_26 : i32
    "tpu.region"() ({
      %run_scoped3A = tpu.sem_alloc : memref<!tpu.dma_semaphore, #tpu.memory_space<semaphore_mem>>
      %dma_start3A = arith.constant 0 : i32
      %dma_start3A_42 = arith.constant 0 : i32
      %dma_start3A_43 = tpu.memref_slice %arg8[%dma_start3A, %dma_start3A_42] : memref<768x32xf32, #tpu.memory_space<vmem>> -> memref<768x32xf32, #tpu.memory_space<vmem>>
      %dma_start3A_44 = arith.constant 0 : i32
      %dma_start3A_45 = tpu.memref_slice %arg9[%add3A_27, %dma_start3A_44] : memref<51200x32xf32, #tpu.memory_space<vmem_shared>> -> memref<768x32xf32, #tpu.memory_space<vmem_shared>>
      %dma_start3A_46 = arith.constant 0 : i32
      %dma_start3A_47 = arith.constant 0 : i32
      %dma_start3A_48 = tpu.memref_slice %arg8[%dma_start3A_46, %dma_start3A_47] : memref<768x32xf32, #tpu.memory_space<vmem>> -> memref<768x32xf32, #tpu.memory_space<vmem>>
      %dma_start3A_49 = arith.constant 0 : i32
      %dma_start3A_50 = tpu.memref_slice %arg9[%add3A_27, %dma_start3A_49] : memref<51200x32xf32, #tpu.memory_space<vmem_shared>> -> memref<768x32xf32, #tpu.memory_space<vmem_shared>>
      tpu.enqueue_dma source(%dma_start3A_50 : memref<768x32xf32, #tpu.memory_space<vmem_shared>>) target(%dma_start3A_48 : memref<768x32xf32, #tpu.memory_space<vmem>>) target_semaphore(%run_scoped3A : memref<!tpu.dma_semaphore, #tpu.memory_space<semaphore_mem>>)
      %dma_wait3A = arith.constant 0 : i32
      %dma_wait3A_51 = arith.constant 0 : i32
      %dma_wait3A_52 = tpu.memref_slice %arg8[%dma_wait3A, %dma_wait3A_51] : memref<768x32xf32, #tpu.memory_space<vmem>> -> memref<768x32xf32, #tpu.memory_space<vmem>>
      %dma_wait3A_53 = arith.constant 0 : i32
      %dma_wait3A_54 = tpu.memref_slice %arg9[%add3A_27, %dma_wait3A_53] : memref<51200x32xf32, #tpu.memory_space<vmem_shared>> -> memref<768x32xf32, #tpu.memory_space<vmem_shared>>
      %dma_wait3A_55 = arith.constant 0 : i32
      %dma_wait3A_56 = arith.constant 0 : i32
      %dma_wait3A_57 = tpu.memref_slice %arg8[%dma_wait3A_55, %dma_wait3A_56] : memref<768x32xf32, #tpu.memory_space<vmem>> -> memref<768x32xf32, #tpu.memory_space<vmem>>
      %dma_wait3A_58 = arith.constant 0 : i32
      %dma_wait3A_59 = tpu.memref_slice %arg9[%add3A_27, %dma_wait3A_58] : memref<51200x32xf32, #tpu.memory_space<vmem_shared>> -> memref<768x32xf32, #tpu.memory_space<vmem_shared>>
      tpu.wait_dma2 semaphore(%run_scoped3A : memref<!tpu.dma_semaphore, #tpu.memory_space<semaphore_mem>>) src(%dma_wait3A_59 : memref<768x32xf32, #tpu.memory_space<vmem_shared>>) dst(%dma_wait3A_57 : memref<768x32xf32, #tpu.memory_space<vmem>>)
      tpu.yield
    }) : () -> ()
    %add3A_28 = arith.constant 768 : i32
    %add3A_29 = arith.addi %mul3A_5, %add3A_28 : i32
    "tpu.region"() ({
      %run_scoped3A = tpu.sem_alloc : memref<!tpu.dma_semaphore, #tpu.memory_space<semaphore_mem>>
      %dma_start3A = arith.constant 0 : i32
      %dma_start3A_42 = arith.constant 0 : i32
      %dma_start3A_43 = tpu.memref_slice %arg8[%dma_start3A, %dma_start3A_42] : memref<768x32xf32, #tpu.memory_space<vmem>> -> memref<768x32xf32, #tpu.memory_space<vmem>>
      %dma_start3A_44 = arith.constant 0 : i32
      %dma_start3A_45 = arith.constant 0 : i32
      %dma_start3A_46 = tpu.memref_slice %arg5[%arg0, %dma_start3A_44, %dma_start3A_45] : memref<2x51200x32xf32, #tpu.memory_space<hbm>> -> memref<1x51200x32xf32, #tpu.memory_space<hbm>>
      %dma_start3A_47 = tpu.memref_squeeze %dma_start3A_46 : memref<1x51200x32xf32, #tpu.memory_space<hbm>> -> memref<51200x32xf32, #tpu.memory_space<hbm>>
      %dma_start3A_48 = arith.constant 0 : i32
      %dma_start3A_49 = tpu.memref_slice %dma_start3A_47[%add3A_29, %dma_start3A_48] : memref<51200x32xf32, #tpu.memory_space<hbm>> -> memref<768x32xf32, #tpu.memory_space<hbm>>
      %dma_start3A_50 = arith.constant 0 : i32
      %dma_start3A_51 = arith.constant 0 : i32
      %dma_start3A_52 = tpu.memref_slice %arg5[%arg0, %dma_start3A_50, %dma_start3A_51] : memref<2x51200x32xf32, #tpu.memory_space<hbm>> -> memref<1x51200x32xf32, #tpu.memory_space<hbm>>
      %dma_start3A_53 = tpu.memref_squeeze %dma_start3A_52 : memref<1x51200x32xf32, #tpu.memory_space<hbm>> -> memref<51200x32xf32, #tpu.memory_space<hbm>>
      %dma_start3A_54 = arith.constant 0 : i32
      %dma_start3A_55 = tpu.memref_slice %dma_start3A_53[%add3A_29, %dma_start3A_54] : memref<51200x32xf32, #tpu.memory_space<hbm>> -> memref<768x32xf32, #tpu.memory_space<hbm>>
      %dma_start3A_56 = arith.constant 0 : i32
      %dma_start3A_57 = arith.constant 0 : i32
      %dma_start3A_58 = tpu.memref_slice %arg8[%dma_start3A_56, %dma_start3A_57] : memref<768x32xf32, #tpu.memory_space<vmem>> -> memref<768x32xf32, #tpu.memory_space<vmem>>
      tpu.enqueue_dma source(%dma_start3A_58 : memref<768x32xf32, #tpu.memory_space<vmem>>) target(%dma_start3A_55 : memref<768x32xf32, #tpu.memory_space<hbm>>) target_semaphore(%run_scoped3A : memref<!tpu.dma_semaphore, #tpu.memory_space<semaphore_mem>>)
      %dma_wait3A = arith.constant 0 : i32
      %dma_wait3A_59 = arith.constant 0 : i32
      %dma_wait3A_60 = tpu.memref_slice %arg8[%dma_wait3A, %dma_wait3A_59] : memref<768x32xf32, #tpu.memory_space<vmem>> -> memref<768x32xf32, #tpu.memory_space<vmem>>
      %dma_wait3A_61 = arith.constant 0 : i32
      %dma_wait3A_62 = arith.constant 0 : i32
      %dma_wait3A_63 = tpu.memref_slice %arg5[%arg0, %dma_wait3A_61, %dma_wait3A_62] : memref<2x51200x32xf32, #tpu.memory_space<hbm>> -> memref<1x51200x32xf32, #tpu.memory_space<hbm>>
      %dma_wait3A_64 = tpu.memref_squeeze %dma_wait3A_63 : memref<1x51200x32xf32, #tpu.memory_space<hbm>> -> memref<51200x32xf32, #tpu.memory_space<hbm>>
      %dma_wait3A_65 = arith.constant 0 : i32
      %dma_wait3A_66 = tpu.memref_slice %dma_wait3A_64[%add3A_29, %dma_wait3A_65] : memref<51200x32xf32, #tpu.memory_space<hbm>> -> memref<768x32xf32, #tpu.memory_space<hbm>>
      %dma_wait3A_67 = arith.constant 0 : i32
      %dma_wait3A_68 = arith.constant 0 : i32
      %dma_wait3A_69 = tpu.memref_slice %arg5[%arg0, %dma_wait3A_67, %dma_wait3A_68] : memref<2x51200x32xf32, #tpu.memory_space<hbm>> -> memref<1x51200x32xf32, #tpu.memory_space<hbm>>
      %dma_wait3A_70 = tpu.memref_squeeze %dma_wait3A_69 : memref<1x51200x32xf32, #tpu.memory_space<hbm>> -> memref<51200x32xf32, #tpu.memory_space<hbm>>
      %dma_wait3A_71 = arith.constant 0 : i32
      %dma_wait3A_72 = tpu.memref_slice %dma_wait3A_70[%add3A_29, %dma_wait3A_71] : memref<51200x32xf32, #tpu.memory_space<hbm>> -> memref<768x32xf32, #tpu.memory_space<hbm>>
      %dma_wait3A_73 = arith.constant 0 : i32
      %dma_wait3A_74 = arith.constant 0 : i32
      %dma_wait3A_75 = tpu.memref_slice %arg8[%dma_wait3A_73, %dma_wait3A_74] : memref<768x32xf32, #tpu.memory_space<vmem>> -> memref<768x32xf32, #tpu.memory_space<vmem>>
      tpu.wait_dma2 semaphore(%run_scoped3A : memref<!tpu.dma_semaphore, #tpu.memory_space<semaphore_mem>>) src(%dma_wait3A_75 : memref<768x32xf32, #tpu.memory_space<vmem>>) dst(%dma_wait3A_72 : memref<768x32xf32, #tpu.memory_space<hbm>>)
      tpu.yield
    }) : () -> ()
    %add3A_30 = arith.constant 1536 : i32
    %add3A_31 = arith.addi %mul3A_5, %add3A_30 : i32
    "tpu.region"() ({
      %run_scoped3A = tpu.sem_alloc : memref<!tpu.dma_semaphore, #tpu.memory_space<semaphore_mem>>
      %dma_start3A = arith.constant 0 : i32
      %dma_start3A_42 = arith.constant 0 : i32
      %dma_start3A_43 = tpu.memref_slice %arg8[%dma_start3A, %dma_start3A_42] : memref<768x32xf32, #tpu.memory_space<vmem>> -> memref<768x32xf32, #tpu.memory_space<vmem>>
      %dma_start3A_44 = arith.constant 0 : i32
      %dma_start3A_45 = tpu.memref_slice %arg9[%add3A_31, %dma_start3A_44] : memref<51200x32xf32, #tpu.memory_space<vmem_shared>> -> memref<768x32xf32, #tpu.memory_space<vmem_shared>>
      %dma_start3A_46 = arith.constant 0 : i32
      %dma_start3A_47 = arith.constant 0 : i32
      %dma_start3A_48 = tpu.memref_slice %arg8[%dma_start3A_46, %dma_start3A_47] : memref<768x32xf32, #tpu.memory_space<vmem>> -> memref<768x32xf32, #tpu.memory_space<vmem>>
      %dma_start3A_49 = arith.constant 0 : i32
      %dma_start3A_50 = tpu.memref_slice %arg9[%add3A_31, %dma_start3A_49] : memref<51200x32xf32, #tpu.memory_space<vmem_shared>> -> memref<768x32xf32, #tpu.memory_space<vmem_shared>>
      tpu.enqueue_dma source(%dma_start3A_50 : memref<768x32xf32, #tpu.memory_space<vmem_shared>>) target(%dma_start3A_48 : memref<768x32xf32, #tpu.memory_space<vmem>>) target_semaphore(%run_scoped3A : memref<!tpu.dma_semaphore, #tpu.memory_space<semaphore_mem>>)
      %dma_wait3A = arith.constant 0 : i32
      %dma_wait3A_51 = arith.constant 0 : i32
      %dma_wait3A_52 = tpu.memref_slice %arg8[%dma_wait3A, %dma_wait3A_51] : memref<768x32xf32, #tpu.memory_space<vmem>> -> memref<768x32xf32, #tpu.memory_space<vmem>>
      %dma_wait3A_53 = arith.constant 0 : i32
      %dma_wait3A_54 = tpu.memref_slice %arg9[%add3A_31, %dma_wait3A_53] : memref<51200x32xf32, #tpu.memory_space<vmem_shared>> -> memref<768x32xf32, #tpu.memory_space<vmem_shared>>
      %dma_wait3A_55 = arith.constant 0 : i32
      %dma_wait3A_56 = arith.constant 0 : i32
      %dma_wait3A_57 = tpu.memref_slice %arg8[%dma_wait3A_55, %dma_wait3A_56] : memref<768x32xf32, #tpu.memory_space<vmem>> -> memref<768x32xf32, #tpu.memory_space<vmem>>
      %dma_wait3A_58 = arith.constant 0 : i32
      %dma_wait3A_59 = tpu.memref_slice %arg9[%add3A_31, %dma_wait3A_58] : memref<51200x32xf32, #tpu.memory_space<vmem_shared>> -> memref<768x32xf32, #tpu.memory_space<vmem_shared>>
      tpu.wait_dma2 semaphore(%run_scoped3A : memref<!tpu.dma_semaphore, #tpu.memory_space<semaphore_mem>>) src(%dma_wait3A_59 : memref<768x32xf32, #tpu.memory_space<vmem_shared>>) dst(%dma_wait3A_57 : memref<768x32xf32, #tpu.memory_space<vmem>>)
      tpu.yield
    }) : () -> ()
    %add3A_32 = arith.constant 1536 : i32
    %add3A_33 = arith.addi %mul3A_5, %add3A_32 : i32
    "tpu.region"() ({
      %run_scoped3A = tpu.sem_alloc : memref<!tpu.dma_semaphore, #tpu.memory_space<semaphore_mem>>
      %dma_start3A = arith.constant 0 : i32
      %dma_start3A_42 = arith.constant 0 : i32
      %dma_start3A_43 = tpu.memref_slice %arg8[%dma_start3A, %dma_start3A_42] : memref<768x32xf32, #tpu.memory_space<vmem>> -> memref<768x32xf32, #tpu.memory_space<vmem>>
      %dma_start3A_44 = arith.constant 0 : i32
      %dma_start3A_45 = arith.constant 0 : i32
      %dma_start3A_46 = tpu.memref_slice %arg5[%arg0, %dma_start3A_44, %dma_start3A_45] : memref<2x51200x32xf32, #tpu.memory_space<hbm>> -> memref<1x51200x32xf32, #tpu.memory_space<hbm>>
      %dma_start3A_47 = tpu.memref_squeeze %dma_start3A_46 : memref<1x51200x32xf32, #tpu.memory_space<hbm>> -> memref<51200x32xf32, #tpu.memory_space<hbm>>
      %dma_start3A_48 = arith.constant 0 : i32
      %dma_start3A_49 = tpu.memref_slice %dma_start3A_47[%add3A_33, %dma_start3A_48] : memref<51200x32xf32, #tpu.memory_space<hbm>> -> memref<768x32xf32, #tpu.memory_space<hbm>>
      %dma_start3A_50 = arith.constant 0 : i32
      %dma_start3A_51 = arith.constant 0 : i32
      %dma_start3A_52 = tpu.memref_slice %arg5[%arg0, %dma_start3A_50, %dma_start3A_51] : memref<2x51200x32xf32, #tpu.memory_space<hbm>> -> memref<1x51200x32xf32, #tpu.memory_space<hbm>>
      %dma_start3A_53 = tpu.memref_squeeze %dma_start3A_52 : memref<1x51200x32xf32, #tpu.memory_space<hbm>> -> memref<51200x32xf32, #tpu.memory_space<hbm>>
      %dma_start3A_54 = arith.constant 0 : i32
      %dma_start3A_55 = tpu.memref_slice %dma_start3A_53[%add3A_33, %dma_start3A_54] : memref<51200x32xf32, #tpu.memory_space<hbm>> -> memref<768x32xf32, #tpu.memory_space<hbm>>
      %dma_start3A_56 = arith.constant 0 : i32
      %dma_start3A_57 = arith.constant 0 : i32
      %dma_start3A_58 = tpu.memref_slice %arg8[%dma_start3A_56, %dma_start3A_57] : memref<768x32xf32, #tpu.memory_space<vmem>> -> memref<768x32xf32, #tpu.memory_space<vmem>>
      tpu.enqueue_dma source(%dma_start3A_58 : memref<768x32xf32, #tpu.memory_space<vmem>>) target(%dma_start3A_55 : memref<768x32xf32, #tpu.memory_space<hbm>>) target_semaphore(%run_scoped3A : memref<!tpu.dma_semaphore, #tpu.memory_space<semaphore_mem>>)
      %dma_wait3A = arith.constant 0 : i32
      %dma_wait3A_59 = arith.constant 0 : i32
      %dma_wait3A_60 = tpu.memref_slice %arg8[%dma_wait3A, %dma_wait3A_59] : memref<768x32xf32, #tpu.memory_space<vmem>> -> memref<768x32xf32, #tpu.memory_space<vmem>>
      %dma_wait3A_61 = arith.constant 0 : i32
      %dma_wait3A_62 = arith.constant 0 : i32
      %dma_wait3A_63 = tpu.memref_slice %arg5[%arg0, %dma_wait3A_61, %dma_wait3A_62] : memref<2x51200x32xf32, #tpu.memory_space<hbm>> -> memref<1x51200x32xf32, #tpu.memory_space<hbm>>
      %dma_wait3A_64 = tpu.memref_squeeze %dma_wait3A_63 : memref<1x51200x32xf32, #tpu.memory_space<hbm>> -> memref<51200x32xf32, #tpu.memory_space<hbm>>
      %dma_wait3A_65 = arith.constant 0 : i32
      %dma_wait3A_66 = tpu.memref_slice %dma_wait3A_64[%add3A_33, %dma_wait3A_65] : memref<51200x32xf32, #tpu.memory_space<hbm>> -> memref<768x32xf32, #tpu.memory_space<hbm>>
      %dma_wait3A_67 = arith.constant 0 : i32
      %dma_wait3A_68 = arith.constant 0 : i32
      %dma_wait3A_69 = tpu.memref_slice %arg5[%arg0, %dma_wait3A_67, %dma_wait3A_68] : memref<2x51200x32xf32, #tpu.memory_space<hbm>> -> memref<1x51200x32xf32, #tpu.memory_space<hbm>>
      %dma_wait3A_70 = tpu.memref_squeeze %dma_wait3A_69 : memref<1x51200x32xf32, #tpu.memory_space<hbm>> -> memref<51200x32xf32, #tpu.memory_space<hbm>>
      %dma_wait3A_71 = arith.constant 0 : i32
      %dma_wait3A_72 = tpu.memref_slice %dma_wait3A_70[%add3A_33, %dma_wait3A_71] : memref<51200x32xf32, #tpu.memory_space<hbm>> -> memref<768x32xf32, #tpu.memory_space<hbm>>
      %dma_wait3A_73 = arith.constant 0 : i32
      %dma_wait3A_74 = arith.constant 0 : i32
      %dma_wait3A_75 = tpu.memref_slice %arg8[%dma_wait3A_73, %dma_wait3A_74] : memref<768x32xf32, #tpu.memory_space<vmem>> -> memref<768x32xf32, #tpu.memory_space<vmem>>
      tpu.wait_dma2 semaphore(%run_scoped3A : memref<!tpu.dma_semaphore, #tpu.memory_space<semaphore_mem>>) src(%dma_wait3A_75 : memref<768x32xf32, #tpu.memory_space<vmem>>) dst(%dma_wait3A_72 : memref<768x32xf32, #tpu.memory_space<hbm>>)
      tpu.yield
    }) : () -> ()
    %add3A_34 = arith.constant 2304 : i32
    %add3A_35 = arith.addi %mul3A_5, %add3A_34 : i32
    "tpu.region"() ({
      %run_scoped3A = tpu.sem_alloc : memref<!tpu.dma_semaphore, #tpu.memory_space<semaphore_mem>>
      %dma_start3A = arith.constant 0 : i32
      %dma_start3A_42 = arith.constant 0 : i32
      %dma_start3A_43 = tpu.memref_slice %arg8[%dma_start3A, %dma_start3A_42] : memref<768x32xf32, #tpu.memory_space<vmem>> -> memref<768x32xf32, #tpu.memory_space<vmem>>
      %dma_start3A_44 = arith.constant 0 : i32
      %dma_start3A_45 = tpu.memref_slice %arg9[%add3A_35, %dma_start3A_44] : memref<51200x32xf32, #tpu.memory_space<vmem_shared>> -> memref<768x32xf32, #tpu.memory_space<vmem_shared>>
      %dma_start3A_46 = arith.constant 0 : i32
      %dma_start3A_47 = arith.constant 0 : i32
      %dma_start3A_48 = tpu.memref_slice %arg8[%dma_start3A_46, %dma_start3A_47] : memref<768x32xf32, #tpu.memory_space<vmem>> -> memref<768x32xf32, #tpu.memory_space<vmem>>
      %dma_start3A_49 = arith.constant 0 : i32
      %dma_start3A_50 = tpu.memref_slice %arg9[%add3A_35, %dma_start3A_49] : memref<51200x32xf32, #tpu.memory_space<vmem_shared>> -> memref<768x32xf32, #tpu.memory_space<vmem_shared>>
      tpu.enqueue_dma source(%dma_start3A_50 : memref<768x32xf32, #tpu.memory_space<vmem_shared>>) target(%dma_start3A_48 : memref<768x32xf32, #tpu.memory_space<vmem>>) target_semaphore(%run_scoped3A : memref<!tpu.dma_semaphore, #tpu.memory_space<semaphore_mem>>)
      %dma_wait3A = arith.constant 0 : i32
      %dma_wait3A_51 = arith.constant 0 : i32
      %dma_wait3A_52 = tpu.memref_slice %arg8[%dma_wait3A, %dma_wait3A_51] : memref<768x32xf32, #tpu.memory_space<vmem>> -> memref<768x32xf32, #tpu.memory_space<vmem>>
      %dma_wait3A_53 = arith.constant 0 : i32
      %dma_wait3A_54 = tpu.memref_slice %arg9[%add3A_35, %dma_wait3A_53] : memref<51200x32xf32, #tpu.memory_space<vmem_shared>> -> memref<768x32xf32, #tpu.memory_space<vmem_shared>>
      %dma_wait3A_55 = arith.constant 0 : i32
      %dma_wait3A_56 = arith.constant 0 : i32
      %dma_wait3A_57 = tpu.memref_slice %arg8[%dma_wait3A_55, %dma_wait3A_56] : memref<768x32xf32, #tpu.memory_space<vmem>> -> memref<768x32xf32, #tpu.memory_space<vmem>>
      %dma_wait3A_58 = arith.constant 0 : i32
      %dma_wait3A_59 = tpu.memref_slice %arg9[%add3A_35, %dma_wait3A_58] : memref<51200x32xf32, #tpu.memory_space<vmem_shared>> -> memref<768x32xf32, #tpu.memory_space<vmem_shared>>
      tpu.wait_dma2 semaphore(%run_scoped3A : memref<!tpu.dma_semaphore, #tpu.memory_space<semaphore_mem>>) src(%dma_wait3A_59 : memref<768x32xf32, #tpu.memory_space<vmem_shared>>) dst(%dma_wait3A_57 : memref<768x32xf32, #tpu.memory_space<vmem>>)
      tpu.yield
    }) : () -> ()
    %add3A_36 = arith.constant 2304 : i32
    %add3A_37 = arith.addi %mul3A_5, %add3A_36 : i32
    "tpu.region"() ({
      %run_scoped3A = tpu.sem_alloc : memref<!tpu.dma_semaphore, #tpu.memory_space<semaphore_mem>>
      %dma_start3A = arith.constant 0 : i32
      %dma_start3A_42 = arith.constant 0 : i32
      %dma_start3A_43 = tpu.memref_slice %arg8[%dma_start3A, %dma_start3A_42] : memref<768x32xf32, #tpu.memory_space<vmem>> -> memref<768x32xf32, #tpu.memory_space<vmem>>
      %dma_start3A_44 = arith.constant 0 : i32
      %dma_start3A_45 = arith.constant 0 : i32
      %dma_start3A_46 = tpu.memref_slice %arg5[%arg0, %dma_start3A_44, %dma_start3A_45] : memref<2x51200x32xf32, #tpu.memory_space<hbm>> -> memref<1x51200x32xf32, #tpu.memory_space<hbm>>
      %dma_start3A_47 = tpu.memref_squeeze %dma_start3A_46 : memref<1x51200x32xf32, #tpu.memory_space<hbm>> -> memref<51200x32xf32, #tpu.memory_space<hbm>>
      %dma_start3A_48 = arith.constant 0 : i32
      %dma_start3A_49 = tpu.memref_slice %dma_start3A_47[%add3A_37, %dma_start3A_48] : memref<51200x32xf32, #tpu.memory_space<hbm>> -> memref<768x32xf32, #tpu.memory_space<hbm>>
      %dma_start3A_50 = arith.constant 0 : i32
      %dma_start3A_51 = arith.constant 0 : i32
      %dma_start3A_52 = tpu.memref_slice %arg5[%arg0, %dma_start3A_50, %dma_start3A_51] : memref<2x51200x32xf32, #tpu.memory_space<hbm>> -> memref<1x51200x32xf32, #tpu.memory_space<hbm>>
      %dma_start3A_53 = tpu.memref_squeeze %dma_start3A_52 : memref<1x51200x32xf32, #tpu.memory_space<hbm>> -> memref<51200x32xf32, #tpu.memory_space<hbm>>
      %dma_start3A_54 = arith.constant 0 : i32
      %dma_start3A_55 = tpu.memref_slice %dma_start3A_53[%add3A_37, %dma_start3A_54] : memref<51200x32xf32, #tpu.memory_space<hbm>> -> memref<768x32xf32, #tpu.memory_space<hbm>>
      %dma_start3A_56 = arith.constant 0 : i32
      %dma_start3A_57 = arith.constant 0 : i32
      %dma_start3A_58 = tpu.memref_slice %arg8[%dma_start3A_56, %dma_start3A_57] : memref<768x32xf32, #tpu.memory_space<vmem>> -> memref<768x32xf32, #tpu.memory_space<vmem>>
      tpu.enqueue_dma source(%dma_start3A_58 : memref<768x32xf32, #tpu.memory_space<vmem>>) target(%dma_start3A_55 : memref<768x32xf32, #tpu.memory_space<hbm>>) target_semaphore(%run_scoped3A : memref<!tpu.dma_semaphore, #tpu.memory_space<semaphore_mem>>)
      %dma_wait3A = arith.constant 0 : i32
      %dma_wait3A_59 = arith.constant 0 : i32
      %dma_wait3A_60 = tpu.memref_slice %arg8[%dma_wait3A, %dma_wait3A_59] : memref<768x32xf32, #tpu.memory_space<vmem>> -> memref<768x32xf32, #tpu.memory_space<vmem>>
      %dma_wait3A_61 = arith.constant 0 : i32
      %dma_wait3A_62 = arith.constant 0 : i32
      %dma_wait3A_63 = tpu.memref_slice %arg5[%arg0, %dma_wait3A_61, %dma_wait3A_62] : memref<2x51200x32xf32, #tpu.memory_space<hbm>> -> memref<1x51200x32xf32, #tpu.memory_space<hbm>>
      %dma_wait3A_64 = tpu.memref_squeeze %dma_wait3A_63 : memref<1x51200x32xf32, #tpu.memory_space<hbm>> -> memref<51200x32xf32, #tpu.memory_space<hbm>>
      %dma_wait3A_65 = arith.constant 0 : i32
      %dma_wait3A_66 = tpu.memref_slice %dma_wait3A_64[%add3A_37, %dma_wait3A_65] : memref<51200x32xf32, #tpu.memory_space<hbm>> -> memref<768x32xf32, #tpu.memory_space<hbm>>
      %dma_wait3A_67 = arith.constant 0 : i32
      %dma_wait3A_68 = arith.constant 0 : i32
      %dma_wait3A_69 = tpu.memref_slice %arg5[%arg0, %dma_wait3A_67, %dma_wait3A_68] : memref<2x51200x32xf32, #tpu.memory_space<hbm>> -> memref<1x51200x32xf32, #tpu.memory_space<hbm>>
      %dma_wait3A_70 = tpu.memref_squeeze %dma_wait3A_69 : memref<1x51200x32xf32, #tpu.memory_space<hbm>> -> memref<51200x32xf32, #tpu.memory_space<hbm>>
      %dma_wait3A_71 = arith.constant 0 : i32
      %dma_wait3A_72 = tpu.memref_slice %dma_wait3A_70[%add3A_37, %dma_wait3A_71] : memref<51200x32xf32, #tpu.memory_space<hbm>> -> memref<768x32xf32, #tpu.memory_space<hbm>>
      %dma_wait3A_73 = arith.constant 0 : i32
      %dma_wait3A_74 = arith.constant 0 : i32
      %dma_wait3A_75 = tpu.memref_slice %arg8[%dma_wait3A_73, %dma_wait3A_74] : memref<768x32xf32, #tpu.memory_space<vmem>> -> memref<768x32xf32, #tpu.memory_space<vmem>>
      tpu.wait_dma2 semaphore(%run_scoped3A : memref<!tpu.dma_semaphore, #tpu.memory_space<semaphore_mem>>) src(%dma_wait3A_75 : memref<768x32xf32, #tpu.memory_space<vmem>>) dst(%dma_wait3A_72 : memref<768x32xf32, #tpu.memory_space<hbm>>)
      tpu.yield
    }) : () -> ()
    %add3A_38 = arith.constant 3072 : i32
    %add3A_39 = arith.addi %mul3A_5, %add3A_38 : i32
    "tpu.region"() ({
      %run_scoped3A = tpu.sem_alloc : memref<!tpu.dma_semaphore, #tpu.memory_space<semaphore_mem>>
      %dma_start3A = arith.constant 0 : i32
      %dma_start3A_42 = arith.constant 0 : i32
      %dma_start3A_43 = tpu.memref_slice %arg8[%dma_start3A, %dma_start3A_42] : memref<768x32xf32, #tpu.memory_space<vmem>> -> memref<128x32xf32, #tpu.memory_space<vmem>>
      %dma_start3A_44 = arith.constant 0 : i32
      %dma_start3A_45 = tpu.memref_slice %arg9[%add3A_39, %dma_start3A_44] : memref<51200x32xf32, #tpu.memory_space<vmem_shared>> -> memref<128x32xf32, #tpu.memory_space<vmem_shared>>
      %dma_start3A_46 = arith.constant 0 : i32
      %dma_start3A_47 = arith.constant 0 : i32
      %dma_start3A_48 = tpu.memref_slice %arg8[%dma_start3A_46, %dma_start3A_47] : memref<768x32xf32, #tpu.memory_space<vmem>> -> memref<128x32xf32, #tpu.memory_space<vmem>>
      %dma_start3A_49 = arith.constant 0 : i32
      %dma_start3A_50 = tpu.memref_slice %arg9[%add3A_39, %dma_start3A_49] : memref<51200x32xf32, #tpu.memory_space<vmem_shared>> -> memref<128x32xf32, #tpu.memory_space<vmem_shared>>
      tpu.enqueue_dma source(%dma_start3A_50 : memref<128x32xf32, #tpu.memory_space<vmem_shared>>) target(%dma_start3A_48 : memref<128x32xf32, #tpu.memory_space<vmem>>) target_semaphore(%run_scoped3A : memref<!tpu.dma_semaphore, #tpu.memory_space<semaphore_mem>>)
      %dma_wait3A = arith.constant 0 : i32
      %dma_wait3A_51 = arith.constant 0 : i32
      %dma_wait3A_52 = tpu.memref_slice %arg8[%dma_wait3A, %dma_wait3A_51] : memref<768x32xf32, #tpu.memory_space<vmem>> -> memref<128x32xf32, #tpu.memory_space<vmem>>
      %dma_wait3A_53 = arith.constant 0 : i32
      %dma_wait3A_54 = tpu.memref_slice %arg9[%add3A_39, %dma_wait3A_53] : memref<51200x32xf32, #tpu.memory_space<vmem_shared>> -> memref<128x32xf32, #tpu.memory_space<vmem_shared>>
      %dma_wait3A_55 = arith.constant 0 : i32
      %dma_wait3A_56 = arith.constant 0 : i32
      %dma_wait3A_57 = tpu.memref_slice %arg8[%dma_wait3A_55, %dma_wait3A_56] : memref<768x32xf32, #tpu.memory_space<vmem>> -> memref<128x32xf32, #tpu.memory_space<vmem>>
      %dma_wait3A_58 = arith.constant 0 : i32
      %dma_wait3A_59 = tpu.memref_slice %arg9[%add3A_39, %dma_wait3A_58] : memref<51200x32xf32, #tpu.memory_space<vmem_shared>> -> memref<128x32xf32, #tpu.memory_space<vmem_shared>>
      tpu.wait_dma2 semaphore(%run_scoped3A : memref<!tpu.dma_semaphore, #tpu.memory_space<semaphore_mem>>) src(%dma_wait3A_59 : memref<128x32xf32, #tpu.memory_space<vmem_shared>>) dst(%dma_wait3A_57 : memref<128x32xf32, #tpu.memory_space<vmem>>)
      tpu.yield
    }) : () -> ()
    %add3A_40 = arith.constant 3072 : i32
    %add3A_41 = arith.addi %mul3A_5, %add3A_40 : i32
    "tpu.region"() ({
      %run_scoped3A = tpu.sem_alloc : memref<!tpu.dma_semaphore, #tpu.memory_space<semaphore_mem>>
      %dma_start3A = arith.constant 0 : i32
      %dma_start3A_42 = arith.constant 0 : i32
      %dma_start3A_43 = tpu.memref_slice %arg8[%dma_start3A, %dma_start3A_42] : memref<768x32xf32, #tpu.memory_space<vmem>> -> memref<128x32xf32, #tpu.memory_space<vmem>>
      %dma_start3A_44 = arith.constant 0 : i32
      %dma_start3A_45 = arith.constant 0 : i32
      %dma_start3A_46 = tpu.memref_slice %arg5[%arg0, %dma_start3A_44, %dma_start3A_45] : memref<2x51200x32xf32, #tpu.memory_space<hbm>> -> memref<1x51200x32xf32, #tpu.memory_space<hbm>>
      %dma_start3A_47 = tpu.memref_squeeze %dma_start3A_46 : memref<1x51200x32xf32, #tpu.memory_space<hbm>> -> memref<51200x32xf32, #tpu.memory_space<hbm>>
      %dma_start3A_48 = arith.constant 0 : i32
      %dma_start3A_49 = tpu.memref_slice %dma_start3A_47[%add3A_41, %dma_start3A_48] : memref<51200x32xf32, #tpu.memory_space<hbm>> -> memref<128x32xf32, #tpu.memory_space<hbm>>
      %dma_start3A_50 = arith.constant 0 : i32
      %dma_start3A_51 = arith.constant 0 : i32
      %dma_start3A_52 = tpu.memref_slice %arg5[%arg0, %dma_start3A_50, %dma_start3A_51] : memref<2x51200x32xf32, #tpu.memory_space<hbm>> -> memref<1x51200x32xf32, #tpu.memory_space<hbm>>
      %dma_start3A_53 = tpu.memref_squeeze %dma_start3A_52 : memref<1x51200x32xf32, #tpu.memory_space<hbm>> -> memref<51200x32xf32, #tpu.memory_space<hbm>>
      %dma_start3A_54 = arith.constant 0 : i32
      %dma_start3A_55 = tpu.memref_slice %dma_start3A_53[%add3A_41, %dma_start3A_54] : memref<51200x32xf32, #tpu.memory_space<hbm>> -> memref<128x32xf32, #tpu.memory_space<hbm>>
      %dma_start3A_56 = arith.constant 0 : i32
      %dma_start3A_57 = arith.constant 0 : i32
      %dma_start3A_58 = tpu.memref_slice %arg8[%dma_start3A_56, %dma_start3A_57] : memref<768x32xf32, #tpu.memory_space<vmem>> -> memref<128x32xf32, #tpu.memory_space<vmem>>
      tpu.enqueue_dma source(%dma_start3A_58 : memref<128x32xf32, #tpu.memory_space<vmem>>) target(%dma_start3A_55 : memref<128x32xf32, #tpu.memory_space<hbm>>) target_semaphore(%run_scoped3A : memref<!tpu.dma_semaphore, #tpu.memory_space<semaphore_mem>>)
      %dma_wait3A = arith.constant 0 : i32
      %dma_wait3A_59 = arith.constant 0 : i32
      %dma_wait3A_60 = tpu.memref_slice %arg8[%dma_wait3A, %dma_wait3A_59] : memref<768x32xf32, #tpu.memory_space<vmem>> -> memref<128x32xf32, #tpu.memory_space<vmem>>
      %dma_wait3A_61 = arith.constant 0 : i32
      %dma_wait3A_62 = arith.constant 0 : i32
      %dma_wait3A_63 = tpu.memref_slice %arg5[%arg0, %dma_wait3A_61, %dma_wait3A_62] : memref<2x51200x32xf32, #tpu.memory_space<hbm>> -> memref<1x51200x32xf32, #tpu.memory_space<hbm>>
      %dma_wait3A_64 = tpu.memref_squeeze %dma_wait3A_63 : memref<1x51200x32xf32, #tpu.memory_space<hbm>> -> memref<51200x32xf32, #tpu.memory_space<hbm>>
      %dma_wait3A_65 = arith.constant 0 : i32
      %dma_wait3A_66 = tpu.memref_slice %dma_wait3A_64[%add3A_41, %dma_wait3A_65] : memref<51200x32xf32, #tpu.memory_space<hbm>> -> memref<128x32xf32, #tpu.memory_space<hbm>>
      %dma_wait3A_67 = arith.constant 0 : i32
      %dma_wait3A_68 = arith.constant 0 : i32
      %dma_wait3A_69 = tpu.memref_slice %arg5[%arg0, %dma_wait3A_67, %dma_wait3A_68] : memref<2x51200x32xf32, #tpu.memory_space<hbm>> -> memref<1x51200x32xf32, #tpu.memory_space<hbm>>
      %dma_wait3A_70 = tpu.memref_squeeze %dma_wait3A_69 : memref<1x51200x32xf32, #tpu.memory_space<hbm>> -> memref<51200x32xf32, #tpu.memory_space<hbm>>
      %dma_wait3A_71 = arith.constant 0 : i32
      %dma_wait3A_72 = tpu.memref_slice %dma_wait3A_70[%add3A_41, %dma_wait3A_71] : memref<51200x32xf32, #tpu.memory_space<hbm>> -> memref<128x32xf32, #tpu.memory_space<hbm>>
      %dma_wait3A_73 = arith.constant 0 : i32
      %dma_wait3A_74 = arith.constant 0 : i32
      %dma_wait3A_75 = tpu.memref_slice %arg8[%dma_wait3A_73, %dma_wait3A_74] : memref<768x32xf32, #tpu.memory_space<vmem>> -> memref<128x32xf32, #tpu.memory_space<vmem>>
      tpu.wait_dma2 semaphore(%run_scoped3A : memref<!tpu.dma_semaphore, #tpu.memory_space<semaphore_mem>>) src(%dma_wait3A_75 : memref<128x32xf32, #tpu.memory_space<vmem>>) dst(%dma_wait3A_72 : memref<128x32xf32, #tpu.memory_space<hbm>>)
      tpu.yield
    }) : () -> ()
    return
  }
}

#map = affine_map<(d0, d1) -> (0, 0, 0)>
#map1 = affine_map<(d0, d1) -> (0, 0)>
module attributes {stable_mosaic.version = 14 : i64} {
  func.func @_deg_body(%arg0: i32, %arg1: i32, %arg2: memref<2x6336x128xi32, #tpu.memory_space<hbm>>, %arg3: memref<2x51200xf32, #tpu.memory_space<hbm>>, %arg4: memref<12x128xi32, #tpu.memory_space<vmem>>, %arg5: memref<128xf32, #tpu.memory_space<vmem>>, %arg6: memref<1024xf32, #tpu.memory_space<vmem>>, %arg7: memref<51200xf32, #tpu.memory_space<vmem_shared>>, %arg8: memref<!tpu.dma_semaphore, #tpu.memory_space<semaphore_mem>>) attributes {dimension_semantics = [#tpu.dimension_semantics<core_parallel>, #tpu.dimension_semantics<subcore_parallel>], iteration_bounds = array<i64: 2, 16>, scalar_prefetch = 0 : i64, scratch_operands = 5 : i64, tpu.core_type = #tpu.core_type<sc_vector_subcore>, window_params = [{transform_indices = #map}, {transform_indices = #map1}]} {
    %broadcast_in_dim3A = arith.constant 1.000000e+00 : f32
    %broadcast_in_dim3A_0 = vector.broadcast %broadcast_in_dim3A : f32 to vector<16xf32>
    %swap3A = arith.constant 0 : index
    %swap3A_1 = tpu.vector_load %arg5[%swap3A] {strides = array<i32>} : memref<128xf32, #tpu.memory_space<vmem>>, vector<16xf32>,
    %swap3A_2 = vector.shape_cast %swap3A_1 : vector<16xf32> to vector<16xf32>
    %swap3A_3 = vector.shape_cast %broadcast_in_dim3A_0 : vector<16xf32> to vector<16xf32>
    tpu.vector_store %arg5[%swap3A], %swap3A_3 {strides = array<i32>} : memref<128xf32, #tpu.memory_space<vmem>>, vector<16xf32>,
    %broadcast_in_dim3A_4 = arith.constant 1.000000e+00 : f32
    %broadcast_in_dim3A_5 = vector.broadcast %broadcast_in_dim3A_4 : f32 to vector<16xf32>
    %swap3A_6 = arith.constant 16 : index
    %swap3A_7 = tpu.vector_load %arg5[%swap3A_6] {strides = array<i32>} : memref<128xf32, #tpu.memory_space<vmem>>, vector<16xf32>,
    %swap3A_8 = vector.shape_cast %swap3A_7 : vector<16xf32> to vector<16xf32>
    %swap3A_9 = vector.shape_cast %broadcast_in_dim3A_5 : vector<16xf32> to vector<16xf32>
    tpu.vector_store %arg5[%swap3A_6], %swap3A_9 {strides = array<i32>} : memref<128xf32, #tpu.memory_space<vmem>>, vector<16xf32>,
    %broadcast_in_dim3A_10 = arith.constant 1.000000e+00 : f32
    %broadcast_in_dim3A_11 = vector.broadcast %broadcast_in_dim3A_10 : f32 to vector<16xf32>
    %swap3A_12 = arith.constant 32 : index
    %swap3A_13 = tpu.vector_load %arg5[%swap3A_12] {strides = array<i32>} : memref<128xf32, #tpu.memory_space<vmem>>, vector<16xf32>,
    %swap3A_14 = vector.shape_cast %swap3A_13 : vector<16xf32> to vector<16xf32>
    %swap3A_15 = vector.shape_cast %broadcast_in_dim3A_11 : vector<16xf32> to vector<16xf32>
    tpu.vector_store %arg5[%swap3A_12], %swap3A_15 {strides = array<i32>} : memref<128xf32, #tpu.memory_space<vmem>>, vector<16xf32>,
    %broadcast_in_dim3A_16 = arith.constant 1.000000e+00 : f32
    %broadcast_in_dim3A_17 = vector.broadcast %broadcast_in_dim3A_16 : f32 to vector<16xf32>
    %swap3A_18 = arith.constant 48 : index
    %swap3A_19 = tpu.vector_load %arg5[%swap3A_18] {strides = array<i32>} : memref<128xf32, #tpu.memory_space<vmem>>, vector<16xf32>,
    %swap3A_20 = vector.shape_cast %swap3A_19 : vector<16xf32> to vector<16xf32>
    %swap3A_21 = vector.shape_cast %broadcast_in_dim3A_17 : vector<16xf32> to vector<16xf32>
    tpu.vector_store %arg5[%swap3A_18], %swap3A_21 {strides = array<i32>} : memref<128xf32, #tpu.memory_space<vmem>>, vector<16xf32>,
    %broadcast_in_dim3A_22 = arith.constant 1.000000e+00 : f32
    %broadcast_in_dim3A_23 = vector.broadcast %broadcast_in_dim3A_22 : f32 to vector<16xf32>
    %swap3A_24 = arith.constant 64 : index
    %swap3A_25 = tpu.vector_load %arg5[%swap3A_24] {strides = array<i32>} : memref<128xf32, #tpu.memory_space<vmem>>, vector<16xf32>,
    %swap3A_26 = vector.shape_cast %swap3A_25 : vector<16xf32> to vector<16xf32>
    %swap3A_27 = vector.shape_cast %broadcast_in_dim3A_23 : vector<16xf32> to vector<16xf32>
    tpu.vector_store %arg5[%swap3A_24], %swap3A_27 {strides = array<i32>} : memref<128xf32, #tpu.memory_space<vmem>>, vector<16xf32>,
    %broadcast_in_dim3A_28 = arith.constant 1.000000e+00 : f32
    %broadcast_in_dim3A_29 = vector.broadcast %broadcast_in_dim3A_28 : f32 to vector<16xf32>
    %swap3A_30 = arith.constant 80 : index
    %swap3A_31 = tpu.vector_load %arg5[%swap3A_30] {strides = array<i32>} : memref<128xf32, #tpu.memory_space<vmem>>, vector<16xf32>,
    %swap3A_32 = vector.shape_cast %swap3A_31 : vector<16xf32> to vector<16xf32>
    %swap3A_33 = vector.shape_cast %broadcast_in_dim3A_29 : vector<16xf32> to vector<16xf32>
    tpu.vector_store %arg5[%swap3A_30], %swap3A_33 {strides = array<i32>} : memref<128xf32, #tpu.memory_space<vmem>>, vector<16xf32>,
    %broadcast_in_dim3A_34 = arith.constant 1.000000e+00 : f32
    %broadcast_in_dim3A_35 = vector.broadcast %broadcast_in_dim3A_34 : f32 to vector<16xf32>
    %swap3A_36 = arith.constant 96 : index
    %swap3A_37 = tpu.vector_load %arg5[%swap3A_36] {strides = array<i32>} : memref<128xf32, #tpu.memory_space<vmem>>, vector<16xf32>,
    %swap3A_38 = vector.shape_cast %swap3A_37 : vector<16xf32> to vector<16xf32>
    %swap3A_39 = vector.shape_cast %broadcast_in_dim3A_35 : vector<16xf32> to vector<16xf32>
    tpu.vector_store %arg5[%swap3A_36], %swap3A_39 {strides = array<i32>} : memref<128xf32, #tpu.memory_space<vmem>>, vector<16xf32>,
    %broadcast_in_dim3A_40 = arith.constant 1.000000e+00 : f32
    %broadcast_in_dim3A_41 = vector.broadcast %broadcast_in_dim3A_40 : f32 to vector<16xf32>
    %swap3A_42 = arith.constant 112 : index
    %swap3A_43 = tpu.vector_load %arg5[%swap3A_42] {strides = array<i32>} : memref<128xf32, #tpu.memory_space<vmem>>, vector<16xf32>,
    %swap3A_44 = vector.shape_cast %swap3A_43 : vector<16xf32> to vector<16xf32>
    %swap3A_45 = vector.shape_cast %broadcast_in_dim3A_41 : vector<16xf32> to vector<16xf32>
    tpu.vector_store %arg5[%swap3A_42], %swap3A_45 {strides = array<i32>} : memref<128xf32, #tpu.memory_space<vmem>>, vector<16xf32>,
    %scan3A = arith.constant 0 : i32
    %scan3A_46 = arith.constant 0 : i32
    %scan3A_47 = arith.constant 64 : i32
    %scan3A_48 = arith.addi %scan3A_46, %scan3A_47 : i32
    %scan3A_49 = arith.constant 1 : i32
    scf.for %scan3A_82 = %scan3A_46 to %scan3A_48 step %scan3A_49  : i32 {
      %broadcast_in_dim3A_83 = arith.constant 0.000000e+00 : f32
      %broadcast_in_dim3A_84 = vector.broadcast %broadcast_in_dim3A_83 : f32 to vector<16xf32>
      %mul3A_85 = arith.constant 16 : i32
      %mul3A_86 = arith.muli %scan3A_82, %mul3A_85 : i32
      %swap3A_87 = arith.index_cast %mul3A_86 : i32 to index
      %swap3A_88 = tpu.vector_load %arg6[%swap3A_87] {strides = array<i32>} : memref<1024xf32, #tpu.memory_space<vmem>>, vector<16xf32>,
      %swap3A_89 = vector.shape_cast %swap3A_88 : vector<16xf32> to vector<16xf32>
      %swap3A_90 = vector.shape_cast %broadcast_in_dim3A_84 : vector<16xf32> to vector<16xf32>
      tpu.vector_store %arg6[%swap3A_87], %swap3A_90 {strides = array<i32>} : memref<1024xf32, #tpu.memory_space<vmem>>, vector<16xf32>,
    }
    %scan3A_50 = arith.constant 64 : i32
    %mul3A = arith.constant 3200 : i32
    %mul3A_51 = arith.muli %arg1, %mul3A : i32
    %add3A = arith.constant 0 : i32
    %add3A_52 = arith.addi %mul3A_51, %add3A : i32
    "tpu.region"() ({
      %run_scoped3A = tpu.sem_alloc : memref<!tpu.dma_semaphore, #tpu.memory_space<semaphore_mem>>
      %dma_start3A = arith.constant 0 : i32
      %dma_start3A_82 = tpu.memref_slice %arg6[%dma_start3A] : memref<1024xf32, #tpu.memory_space<vmem>> -> memref<1024xf32, #tpu.memory_space<vmem>>
      %dma_start3A_83 = tpu.memref_slice %arg7[%add3A_52] : memref<51200xf32, #tpu.memory_space<vmem_shared>> -> memref<1024xf32, #tpu.memory_space<vmem_shared>>
      %dma_start3A_84 = tpu.memref_slice %arg7[%add3A_52] : memref<51200xf32, #tpu.memory_space<vmem_shared>> -> memref<1024xf32, #tpu.memory_space<vmem_shared>>
      %dma_start3A_85 = arith.constant 0 : i32
      %dma_start3A_86 = tpu.memref_slice %arg6[%dma_start3A_85] : memref<1024xf32, #tpu.memory_space<vmem>> -> memref<1024xf32, #tpu.memory_space<vmem>>
      tpu.enqueue_dma source(%dma_start3A_86 : memref<1024xf32, #tpu.memory_space<vmem>>) target(%dma_start3A_84 : memref<1024xf32, #tpu.memory_space<vmem_shared>>) target_semaphore(%run_scoped3A : memref<!tpu.dma_semaphore, #tpu.memory_space<semaphore_mem>>)
      %dma_wait3A = arith.constant 0 : i32
      %dma_wait3A_87 = tpu.memref_slice %arg6[%dma_wait3A] : memref<1024xf32, #tpu.memory_space<vmem>> -> memref<1024xf32, #tpu.memory_space<vmem>>
      %dma_wait3A_88 = tpu.memref_slice %arg7[%add3A_52] : memref<51200xf32, #tpu.memory_space<vmem_shared>> -> memref<1024xf32, #tpu.memory_space<vmem_shared>>
      %dma_wait3A_89 = tpu.memref_slice %arg7[%add3A_52] : memref<51200xf32, #tpu.memory_space<vmem_shared>> -> memref<1024xf32, #tpu.memory_space<vmem_shared>>
      %dma_wait3A_90 = arith.constant 0 : i32
      %dma_wait3A_91 = tpu.memref_slice %arg6[%dma_wait3A_90] : memref<1024xf32, #tpu.memory_space<vmem>> -> memref<1024xf32, #tpu.memory_space<vmem>>
      tpu.wait_dma2 semaphore(%run_scoped3A : memref<!tpu.dma_semaphore, #tpu.memory_space<semaphore_mem>>) src(%dma_wait3A_91 : memref<1024xf32, #tpu.memory_space<vmem>>) dst(%dma_wait3A_89 : memref<1024xf32, #tpu.memory_space<vmem_shared>>)
      tpu.yield
    }) : () -> ()
    %add3A_53 = arith.constant 1024 : i32
    %add3A_54 = arith.addi %mul3A_51, %add3A_53 : i32
    "tpu.region"() ({
      %run_scoped3A = tpu.sem_alloc : memref<!tpu.dma_semaphore, #tpu.memory_space<semaphore_mem>>
      %dma_start3A = arith.constant 0 : i32
      %dma_start3A_82 = tpu.memref_slice %arg6[%dma_start3A] : memref<1024xf32, #tpu.memory_space<vmem>> -> memref<1024xf32, #tpu.memory_space<vmem>>
      %dma_start3A_83 = tpu.memref_slice %arg7[%add3A_54] : memref<51200xf32, #tpu.memory_space<vmem_shared>> -> memref<1024xf32, #tpu.memory_space<vmem_shared>>
      %dma_start3A_84 = tpu.memref_slice %arg7[%add3A_54] : memref<51200xf32, #tpu.memory_space<vmem_shared>> -> memref<1024xf32, #tpu.memory_space<vmem_shared>>
      %dma_start3A_85 = arith.constant 0 : i32
      %dma_start3A_86 = tpu.memref_slice %arg6[%dma_start3A_85] : memref<1024xf32, #tpu.memory_space<vmem>> -> memref<1024xf32, #tpu.memory_space<vmem>>
      tpu.enqueue_dma source(%dma_start3A_86 : memref<1024xf32, #tpu.memory_space<vmem>>) target(%dma_start3A_84 : memref<1024xf32, #tpu.memory_space<vmem_shared>>) target_semaphore(%run_scoped3A : memref<!tpu.dma_semaphore, #tpu.memory_space<semaphore_mem>>)
      %dma_wait3A = arith.constant 0 : i32
      %dma_wait3A_87 = tpu.memref_slice %arg6[%dma_wait3A] : memref<1024xf32, #tpu.memory_space<vmem>> -> memref<1024xf32, #tpu.memory_space<vmem>>
      %dma_wait3A_88 = tpu.memref_slice %arg7[%add3A_54] : memref<51200xf32, #tpu.memory_space<vmem_shared>> -> memref<1024xf32, #tpu.memory_space<vmem_shared>>
      %dma_wait3A_89 = tpu.memref_slice %arg7[%add3A_54] : memref<51200xf32, #tpu.memory_space<vmem_shared>> -> memref<1024xf32, #tpu.memory_space<vmem_shared>>
      %dma_wait3A_90 = arith.constant 0 : i32
      %dma_wait3A_91 = tpu.memref_slice %arg6[%dma_wait3A_90] : memref<1024xf32, #tpu.memory_space<vmem>> -> memref<1024xf32, #tpu.memory_space<vmem>>
      tpu.wait_dma2 semaphore(%run_scoped3A : memref<!tpu.dma_semaphore, #tpu.memory_space<semaphore_mem>>) src(%dma_wait3A_91 : memref<1024xf32, #tpu.memory_space<vmem>>) dst(%dma_wait3A_89 : memref<1024xf32, #tpu.memory_space<vmem_shared>>)
      tpu.yield
    }) : () -> ()
    %add3A_55 = arith.constant 2048 : i32
    %add3A_56 = arith.addi %mul3A_51, %add3A_55 : i32
    "tpu.region"() ({
      %run_scoped3A = tpu.sem_alloc : memref<!tpu.dma_semaphore, #tpu.memory_space<semaphore_mem>>
      %dma_start3A = arith.constant 0 : i32
      %dma_start3A_82 = tpu.memref_slice %arg6[%dma_start3A] : memref<1024xf32, #tpu.memory_space<vmem>> -> memref<1024xf32, #tpu.memory_space<vmem>>
      %dma_start3A_83 = tpu.memref_slice %arg7[%add3A_56] : memref<51200xf32, #tpu.memory_space<vmem_shared>> -> memref<1024xf32, #tpu.memory_space<vmem_shared>>
      %dma_start3A_84 = tpu.memref_slice %arg7[%add3A_56] : memref<51200xf32, #tpu.memory_space<vmem_shared>> -> memref<1024xf32, #tpu.memory_space<vmem_shared>>
      %dma_start3A_85 = arith.constant 0 : i32
      %dma_start3A_86 = tpu.memref_slice %arg6[%dma_start3A_85] : memref<1024xf32, #tpu.memory_space<vmem>> -> memref<1024xf32, #tpu.memory_space<vmem>>
      tpu.enqueue_dma source(%dma_start3A_86 : memref<1024xf32, #tpu.memory_space<vmem>>) target(%dma_start3A_84 : memref<1024xf32, #tpu.memory_space<vmem_shared>>) target_semaphore(%run_scoped3A : memref<!tpu.dma_semaphore, #tpu.memory_space<semaphore_mem>>)
      %dma_wait3A = arith.constant 0 : i32
      %dma_wait3A_87 = tpu.memref_slice %arg6[%dma_wait3A] : memref<1024xf32, #tpu.memory_space<vmem>> -> memref<1024xf32, #tpu.memory_space<vmem>>
      %dma_wait3A_88 = tpu.memref_slice %arg7[%add3A_56] : memref<51200xf32, #tpu.memory_space<vmem_shared>> -> memref<1024xf32, #tpu.memory_space<vmem_shared>>
      %dma_wait3A_89 = tpu.memref_slice %arg7[%add3A_56] : memref<51200xf32, #tpu.memory_space<vmem_shared>> -> memref<1024xf32, #tpu.memory_space<vmem_shared>>
      %dma_wait3A_90 = arith.constant 0 : i32
      %dma_wait3A_91 = tpu.memref_slice %arg6[%dma_wait3A_90] : memref<1024xf32, #tpu.memory_space<vmem>> -> memref<1024xf32, #tpu.memory_space<vmem>>
      tpu.wait_dma2 semaphore(%run_scoped3A : memref<!tpu.dma_semaphore, #tpu.memory_space<semaphore_mem>>) src(%dma_wait3A_91 : memref<1024xf32, #tpu.memory_space<vmem>>) dst(%dma_wait3A_89 : memref<1024xf32, #tpu.memory_space<vmem_shared>>)
      tpu.yield
    }) : () -> ()
    %add3A_57 = arith.constant 3072 : i32
    %add3A_58 = arith.addi %mul3A_51, %add3A_57 : i32
    "tpu.region"() ({
      %run_scoped3A = tpu.sem_alloc : memref<!tpu.dma_semaphore, #tpu.memory_space<semaphore_mem>>
      %dma_start3A = arith.constant 0 : i32
      %dma_start3A_82 = tpu.memref_slice %arg6[%dma_start3A] : memref<1024xf32, #tpu.memory_space<vmem>> -> memref<128xf32, #tpu.memory_space<vmem>>
      %dma_start3A_83 = tpu.memref_slice %arg7[%add3A_58] : memref<51200xf32, #tpu.memory_space<vmem_shared>> -> memref<128xf32, #tpu.memory_space<vmem_shared>>
      %dma_start3A_84 = tpu.memref_slice %arg7[%add3A_58] : memref<51200xf32, #tpu.memory_space<vmem_shared>> -> memref<128xf32, #tpu.memory_space<vmem_shared>>
      %dma_start3A_85 = arith.constant 0 : i32
      %dma_start3A_86 = tpu.memref_slice %arg6[%dma_start3A_85] : memref<1024xf32, #tpu.memory_space<vmem>> -> memref<128xf32, #tpu.memory_space<vmem>>
      tpu.enqueue_dma source(%dma_start3A_86 : memref<128xf32, #tpu.memory_space<vmem>>) target(%dma_start3A_84 : memref<128xf32, #tpu.memory_space<vmem_shared>>) target_semaphore(%run_scoped3A : memref<!tpu.dma_semaphore, #tpu.memory_space<semaphore_mem>>)
      %dma_wait3A = arith.constant 0 : i32
      %dma_wait3A_87 = tpu.memref_slice %arg6[%dma_wait3A] : memref<1024xf32, #tpu.memory_space<vmem>> -> memref<128xf32, #tpu.memory_space<vmem>>
      %dma_wait3A_88 = tpu.memref_slice %arg7[%add3A_58] : memref<51200xf32, #tpu.memory_space<vmem_shared>> -> memref<128xf32, #tpu.memory_space<vmem_shared>>
      %dma_wait3A_89 = tpu.memref_slice %arg7[%add3A_58] : memref<51200xf32, #tpu.memory_space<vmem_shared>> -> memref<128xf32, #tpu.memory_space<vmem_shared>>
      %dma_wait3A_90 = arith.constant 0 : i32
      %dma_wait3A_91 = tpu.memref_slice %arg6[%dma_wait3A_90] : memref<1024xf32, #tpu.memory_space<vmem>> -> memref<128xf32, #tpu.memory_space<vmem>>
      tpu.wait_dma2 semaphore(%run_scoped3A : memref<!tpu.dma_semaphore, #tpu.memory_space<semaphore_mem>>) src(%dma_wait3A_91 : memref<128xf32, #tpu.memory_space<vmem>>) dst(%dma_wait3A_89 : memref<128xf32, #tpu.memory_space<vmem_shared>>)
      tpu.yield
    }) : () -> ()
    %barrier3A = arith.constant 0 : index
    tpu.barrier barrier_id(%barrier3A)
    %scan3A_59 = arith.constant 0 : i32
    %scan3A_60 = arith.constant 0 : i32
    %scan3A_61 = arith.constant 33 : i32
    %scan3A_62 = arith.addi %scan3A_60, %scan3A_61 : i32
    %scan3A_63 = arith.constant 1 : i32
    scf.for %scan3A_82 = %scan3A_60 to %scan3A_62 step %scan3A_63  : i32 {
      %mul3A_83 = arith.constant 396 : i32
      %mul3A_84 = arith.muli %arg1, %mul3A_83 : i32
      %mul3A_85 = arith.constant 12 : i32
      %mul3A_86 = arith.muli %scan3A_82, %mul3A_85 : i32
      %add3A_87 = arith.addi %mul3A_84, %mul3A_86 : i32
      "tpu.region"() ({
        %run_scoped3A = tpu.sem_alloc : memref<!tpu.dma_semaphore, #tpu.memory_space<semaphore_mem>>
        %dma_start3A_230 = arith.constant 0 : i32
        %dma_start3A_231 = arith.constant 0 : i32
        %dma_start3A_232 = tpu.memref_slice %arg2[%arg0, %dma_start3A_230, %dma_start3A_231] : memref<2x6336x128xi32, #tpu.memory_space<hbm>> -> memref<1x6336x128xi32, #tpu.memory_space<hbm>>
        %dma_start3A_233 = tpu.memref_squeeze %dma_start3A_232 : memref<1x6336x128xi32, #tpu.memory_space<hbm>> -> memref<6336x128xi32, #tpu.memory_space<hbm>>
        %dma_start3A_234 = arith.constant 0 : i32
        %dma_start3A_235 = tpu.memref_slice %dma_start3A_233[%add3A_87, %dma_start3A_234] : memref<6336x128xi32, #tpu.memory_space<hbm>> -> memref<12x128xi32, #tpu.memory_space<hbm>>
        %dma_start3A_236 = arith.constant 0 : i32
        %dma_start3A_237 = arith.constant 0 : i32
        %dma_start3A_238 = tpu.memref_slice %arg2[%arg0, %dma_start3A_236, %dma_start3A_237] : memref<2x6336x128xi32, #tpu.memory_space<hbm>> -> memref<1x6336x128xi32, #tpu.memory_space<hbm>>
        %dma_start3A_239 = tpu.memref_squeeze %dma_start3A_238 : memref<1x6336x128xi32, #tpu.memory_space<hbm>> -> memref<6336x128xi32, #tpu.memory_space<hbm>>
        %dma_start3A_240 = arith.constant 0 : i32
        %dma_start3A_241 = tpu.memref_slice %dma_start3A_239[%add3A_87, %dma_start3A_240] : memref<6336x128xi32, #tpu.memory_space<hbm>> -> memref<12x128xi32, #tpu.memory_space<hbm>>
        tpu.enqueue_dma source(%dma_start3A_241 : memref<12x128xi32, #tpu.memory_space<hbm>>) target(%arg4 : memref<12x128xi32, #tpu.memory_space<vmem>>) target_semaphore(%run_scoped3A : memref<!tpu.dma_semaphore, #tpu.memory_space<semaphore_mem>>)
        %dma_wait3A_242 = arith.constant 0 : i32
        %dma_wait3A_243 = arith.constant 0 : i32
        %dma_wait3A_244 = tpu.memref_slice %arg2[%arg0, %dma_wait3A_242, %dma_wait3A_243] : memref<2x6336x128xi32, #tpu.memory_space<hbm>> -> memref<1x6336x128xi32, #tpu.memory_space<hbm>>
        %dma_wait3A_245 = tpu.memref_squeeze %dma_wait3A_244 : memref<1x6336x128xi32, #tpu.memory_space<hbm>> -> memref<6336x128xi32, #tpu.memory_space<hbm>>
        %dma_wait3A_246 = arith.constant 0 : i32
        %dma_wait3A_247 = tpu.memref_slice %dma_wait3A_245[%add3A_87, %dma_wait3A_246] : memref<6336x128xi32, #tpu.memory_space<hbm>> -> memref<12x128xi32, #tpu.memory_space<hbm>>
        %dma_wait3A_248 = arith.constant 0 : i32
        %dma_wait3A_249 = arith.constant 0 : i32
        %dma_wait3A_250 = tpu.memref_slice %arg2[%arg0, %dma_wait3A_248, %dma_wait3A_249] : memref<2x6336x128xi32, #tpu.memory_space<hbm>> -> memref<1x6336x128xi32, #tpu.memory_space<hbm>>
        %dma_wait3A_251 = tpu.memref_squeeze %dma_wait3A_250 : memref<1x6336x128xi32, #tpu.memory_space<hbm>> -> memref<6336x128xi32, #tpu.memory_space<hbm>>
        %dma_wait3A_252 = arith.constant 0 : i32
        %dma_wait3A_253 = tpu.memref_slice %dma_wait3A_251[%add3A_87, %dma_wait3A_252] : memref<6336x128xi32, #tpu.memory_space<hbm>> -> memref<12x128xi32, #tpu.memory_space<hbm>>
        tpu.wait_dma2 semaphore(%run_scoped3A : memref<!tpu.dma_semaphore, #tpu.memory_space<semaphore_mem>>) src(%dma_wait3A_253 : memref<12x128xi32, #tpu.memory_space<hbm>>) dst(%arg4 : memref<12x128xi32, #tpu.memory_space<vmem>>)
        tpu.yield
      }) : () -> ()
      %dma_start3A = arith.constant 0 : i32
      %dma_start3A_88 = arith.constant 0 : i32
      %dma_start3A_89 = tpu.memref_slice %arg4[%dma_start3A, %dma_start3A_88] : memref<12x128xi32, #tpu.memory_space<vmem>> -> memref<1x128xi32, #tpu.memory_space<vmem>>
      %dma_start3A_90 = tpu.memref_squeeze %dma_start3A_89 : memref<1x128xi32, #tpu.memory_space<vmem>> -> memref<128xi32, #tpu.memory_space<vmem>>
      %dma_start3A_91 = arith.constant 0 : i32
      %dma_start3A_92 = tpu.memref_slice %arg7[%dma_start3A_91] : memref<51200xf32, #tpu.memory_space<vmem_shared>> -> memref<51200xf32, #tpu.memory_space<vmem_shared>>
      tpu.enqueue_indirect_dma source(%arg5 : memref<128xf32, #tpu.memory_space<vmem>>) target(%dma_start3A_92 : memref<51200xf32, #tpu.memory_space<vmem_shared>>) offsets(%dma_start3A_90 : memref<128xi32, #tpu.memory_space<vmem>>) semaphore(%arg8 : memref<!tpu.dma_semaphore, #tpu.memory_space<semaphore_mem>>) {add = true}
      %dma_start3A_93 = arith.constant 1 : i32
      %dma_start3A_94 = arith.constant 0 : i32
      %dma_start3A_95 = tpu.memref_slice %arg4[%dma_start3A_93, %dma_start3A_94] : memref<12x128xi32, #tpu.memory_space<vmem>> -> memref<1x128xi32, #tpu.memory_space<vmem>>
      %dma_start3A_96 = tpu.memref_squeeze %dma_start3A_95 : memref<1x128xi32, #tpu.memory_space<vmem>> -> memref<128xi32, #tpu.memory_space<vmem>>
      %dma_start3A_97 = arith.constant 0 : i32
      %dma_start3A_98 = tpu.memref_slice %arg7[%dma_start3A_97] : memref<51200xf32, #tpu.memory_space<vmem_shared>> -> memref<51200xf32, #tpu.memory_space<vmem_shared>>
      tpu.enqueue_indirect_dma source(%arg5 : memref<128xf32, #tpu.memory_space<vmem>>) target(%dma_start3A_98 : memref<51200xf32, #tpu.memory_space<vmem_shared>>) offsets(%dma_start3A_96 : memref<128xi32, #tpu.memory_space<vmem>>) semaphore(%arg8 : memref<!tpu.dma_semaphore, #tpu.memory_space<semaphore_mem>>) {add = true}
      %dma_start3A_99 = arith.constant 2 : i32
      %dma_start3A_100 = arith.constant 0 : i32
      %dma_start3A_101 = tpu.memref_slice %arg4[%dma_start3A_99, %dma_start3A_100] : memref<12x128xi32, #tpu.memory_space<vmem>> -> memref<1x128xi32, #tpu.memory_space<vmem>>
      %dma_start3A_102 = tpu.memref_squeeze %dma_start3A_101 : memref<1x128xi32, #tpu.memory_space<vmem>> -> memref<128xi32, #tpu.memory_space<vmem>>
      %dma_start3A_103 = arith.constant 0 : i32
      %dma_start3A_104 = tpu.memref_slice %arg7[%dma_start3A_103] : memref<51200xf32, #tpu.memory_space<vmem_shared>> -> memref<51200xf32, #tpu.memory_space<vmem_shared>>
      tpu.enqueue_indirect_dma source(%arg5 : memref<128xf32, #tpu.memory_space<vmem>>) target(%dma_start3A_104 : memref<51200xf32, #tpu.memory_space<vmem_shared>>) offsets(%dma_start3A_102 : memref<128xi32, #tpu.memory_space<vmem>>) semaphore(%arg8 : memref<!tpu.dma_semaphore, #tpu.memory_space<semaphore_mem>>) {add = true}
      %dma_start3A_105 = arith.constant 3 : i32
      %dma_start3A_106 = arith.constant 0 : i32
      %dma_start3A_107 = tpu.memref_slice %arg4[%dma_start3A_105, %dma_start3A_106] : memref<12x128xi32, #tpu.memory_space<vmem>> -> memref<1x128xi32, #tpu.memory_space<vmem>>
      %dma_start3A_108 = tpu.memref_squeeze %dma_start3A_107 : memref<1x128xi32, #tpu.memory_space<vmem>> -> memref<128xi32, #tpu.memory_space<vmem>>
      %dma_start3A_109 = arith.constant 0 : i32
      %dma_start3A_110 = tpu.memref_slice %arg7[%dma_start3A_109] : memref<51200xf32, #tpu.memory_space<vmem_shared>> -> memref<51200xf32, #tpu.memory_space<vmem_shared>>
      tpu.enqueue_indirect_dma source(%arg5 : memref<128xf32, #tpu.memory_space<vmem>>) target(%dma_start3A_110 : memref<51200xf32, #tpu.memory_space<vmem_shared>>) offsets(%dma_start3A_108 : memref<128xi32, #tpu.memory_space<vmem>>) semaphore(%arg8 : memref<!tpu.dma_semaphore, #tpu.memory_space<semaphore_mem>>) {add = true}
      %dma_start3A_111 = arith.constant 4 : i32
      %dma_start3A_112 = arith.constant 0 : i32
      %dma_start3A_113 = tpu.memref_slice %arg4[%dma_start3A_111, %dma_start3A_112] : memref<12x128xi32, #tpu.memory_space<vmem>> -> memref<1x128xi32, #tpu.memory_space<vmem>>
      %dma_start3A_114 = tpu.memref_squeeze %dma_start3A_113 : memref<1x128xi32, #tpu.memory_space<vmem>> -> memref<128xi32, #tpu.memory_space<vmem>>
      %dma_start3A_115 = arith.constant 0 : i32
      %dma_start3A_116 = tpu.memref_slice %arg7[%dma_start3A_115] : memref<51200xf32, #tpu.memory_space<vmem_shared>> -> memref<51200xf32, #tpu.memory_space<vmem_shared>>
      tpu.enqueue_indirect_dma source(%arg5 : memref<128xf32, #tpu.memory_space<vmem>>) target(%dma_start3A_116 : memref<51200xf32, #tpu.memory_space<vmem_shared>>) offsets(%dma_start3A_114 : memref<128xi32, #tpu.memory_space<vmem>>) semaphore(%arg8 : memref<!tpu.dma_semaphore, #tpu.memory_space<semaphore_mem>>) {add = true}
      %dma_start3A_117 = arith.constant 5 : i32
      %dma_start3A_118 = arith.constant 0 : i32
      %dma_start3A_119 = tpu.memref_slice %arg4[%dma_start3A_117, %dma_start3A_118] : memref<12x128xi32, #tpu.memory_space<vmem>> -> memref<1x128xi32, #tpu.memory_space<vmem>>
      %dma_start3A_120 = tpu.memref_squeeze %dma_start3A_119 : memref<1x128xi32, #tpu.memory_space<vmem>> -> memref<128xi32, #tpu.memory_space<vmem>>
      %dma_start3A_121 = arith.constant 0 : i32
      %dma_start3A_122 = tpu.memref_slice %arg7[%dma_start3A_121] : memref<51200xf32, #tpu.memory_space<vmem_shared>> -> memref<51200xf32, #tpu.memory_space<vmem_shared>>
      tpu.enqueue_indirect_dma source(%arg5 : memref<128xf32, #tpu.memory_space<vmem>>) target(%dma_start3A_122 : memref<51200xf32, #tpu.memory_space<vmem_shared>>) offsets(%dma_start3A_120 : memref<128xi32, #tpu.memory_space<vmem>>) semaphore(%arg8 : memref<!tpu.dma_semaphore, #tpu.memory_space<semaphore_mem>>) {add = true}
      %dma_start3A_123 = arith.constant 6 : i32
      %dma_start3A_124 = arith.constant 0 : i32
      %dma_start3A_125 = tpu.memref_slice %arg4[%dma_start3A_123, %dma_start3A_124] : memref<12x128xi32, #tpu.memory_space<vmem>> -> memref<1x128xi32, #tpu.memory_space<vmem>>
      %dma_start3A_126 = tpu.memref_squeeze %dma_start3A_125 : memref<1x128xi32, #tpu.memory_space<vmem>> -> memref<128xi32, #tpu.memory_space<vmem>>
      %dma_start3A_127 = arith.constant 0 : i32
      %dma_start3A_128 = tpu.memref_slice %arg7[%dma_start3A_127] : memref<51200xf32, #tpu.memory_space<vmem_shared>> -> memref<51200xf32, #tpu.memory_space<vmem_shared>>
      tpu.enqueue_indirect_dma source(%arg5 : memref<128xf32, #tpu.memory_space<vmem>>) target(%dma_start3A_128 : memref<51200xf32, #tpu.memory_space<vmem_shared>>) offsets(%dma_start3A_126 : memref<128xi32, #tpu.memory_space<vmem>>) semaphore(%arg8 : memref<!tpu.dma_semaphore, #tpu.memory_space<semaphore_mem>>) {add = true}
      %dma_start3A_129 = arith.constant 7 : i32
      %dma_start3A_130 = arith.constant 0 : i32
      %dma_start3A_131 = tpu.memref_slice %arg4[%dma_start3A_129, %dma_start3A_130] : memref<12x128xi32, #tpu.memory_space<vmem>> -> memref<1x128xi32, #tpu.memory_space<vmem>>
      %dma_start3A_132 = tpu.memref_squeeze %dma_start3A_131 : memref<1x128xi32, #tpu.memory_space<vmem>> -> memref<128xi32, #tpu.memory_space<vmem>>
      %dma_start3A_133 = arith.constant 0 : i32
      %dma_start3A_134 = tpu.memref_slice %arg7[%dma_start3A_133] : memref<51200xf32, #tpu.memory_space<vmem_shared>> -> memref<51200xf32, #tpu.memory_space<vmem_shared>>
      tpu.enqueue_indirect_dma source(%arg5 : memref<128xf32, #tpu.memory_space<vmem>>) target(%dma_start3A_134 : memref<51200xf32, #tpu.memory_space<vmem_shared>>) offsets(%dma_start3A_132 : memref<128xi32, #tpu.memory_space<vmem>>) semaphore(%arg8 : memref<!tpu.dma_semaphore, #tpu.memory_space<semaphore_mem>>) {add = true}
      %dma_start3A_135 = arith.constant 8 : i32
      %dma_start3A_136 = arith.constant 0 : i32
      %dma_start3A_137 = tpu.memref_slice %arg4[%dma_start3A_135, %dma_start3A_136] : memref<12x128xi32, #tpu.memory_space<vmem>> -> memref<1x128xi32, #tpu.memory_space<vmem>>
      %dma_start3A_138 = tpu.memref_squeeze %dma_start3A_137 : memref<1x128xi32, #tpu.memory_space<vmem>> -> memref<128xi32, #tpu.memory_space<vmem>>
      %dma_start3A_139 = arith.constant 0 : i32
      %dma_start3A_140 = tpu.memref_slice %arg7[%dma_start3A_139] : memref<51200xf32, #tpu.memory_space<vmem_shared>> -> memref<51200xf32, #tpu.memory_space<vmem_shared>>
      tpu.enqueue_indirect_dma source(%arg5 : memref<128xf32, #tpu.memory_space<vmem>>) target(%dma_start3A_140 : memref<51200xf32, #tpu.memory_space<vmem_shared>>) offsets(%dma_start3A_138 : memref<128xi32, #tpu.memory_space<vmem>>) semaphore(%arg8 : memref<!tpu.dma_semaphore, #tpu.memory_space<semaphore_mem>>) {add = true}
      %dma_start3A_141 = arith.constant 9 : i32
      %dma_start3A_142 = arith.constant 0 : i32
      %dma_start3A_143 = tpu.memref_slice %arg4[%dma_start3A_141, %dma_start3A_142] : memref<12x128xi32, #tpu.memory_space<vmem>> -> memref<1x128xi32, #tpu.memory_space<vmem>>
      %dma_start3A_144 = tpu.memref_squeeze %dma_start3A_143 : memref<1x128xi32, #tpu.memory_space<vmem>> -> memref<128xi32, #tpu.memory_space<vmem>>
      %dma_start3A_145 = arith.constant 0 : i32
      %dma_start3A_146 = tpu.memref_slice %arg7[%dma_start3A_145] : memref<51200xf32, #tpu.memory_space<vmem_shared>> -> memref<51200xf32, #tpu.memory_space<vmem_shared>>
      tpu.enqueue_indirect_dma source(%arg5 : memref<128xf32, #tpu.memory_space<vmem>>) target(%dma_start3A_146 : memref<51200xf32, #tpu.memory_space<vmem_shared>>) offsets(%dma_start3A_144 : memref<128xi32, #tpu.memory_space<vmem>>) semaphore(%arg8 : memref<!tpu.dma_semaphore, #tpu.memory_space<semaphore_mem>>) {add = true}
      %dma_start3A_147 = arith.constant 10 : i32
      %dma_start3A_148 = arith.constant 0 : i32
      %dma_start3A_149 = tpu.memref_slice %arg4[%dma_start3A_147, %dma_start3A_148] : memref<12x128xi32, #tpu.memory_space<vmem>> -> memref<1x128xi32, #tpu.memory_space<vmem>>
      %dma_start3A_150 = tpu.memref_squeeze %dma_start3A_149 : memref<1x128xi32, #tpu.memory_space<vmem>> -> memref<128xi32, #tpu.memory_space<vmem>>
      %dma_start3A_151 = arith.constant 0 : i32
      %dma_start3A_152 = tpu.memref_slice %arg7[%dma_start3A_151] : memref<51200xf32, #tpu.memory_space<vmem_shared>> -> memref<51200xf32, #tpu.memory_space<vmem_shared>>
      tpu.enqueue_indirect_dma source(%arg5 : memref<128xf32, #tpu.memory_space<vmem>>) target(%dma_start3A_152 : memref<51200xf32, #tpu.memory_space<vmem_shared>>) offsets(%dma_start3A_150 : memref<128xi32, #tpu.memory_space<vmem>>) semaphore(%arg8 : memref<!tpu.dma_semaphore, #tpu.memory_space<semaphore_mem>>) {add = true}
      %dma_start3A_153 = arith.constant 11 : i32
      %dma_start3A_154 = arith.constant 0 : i32
      %dma_start3A_155 = tpu.memref_slice %arg4[%dma_start3A_153, %dma_start3A_154] : memref<12x128xi32, #tpu.memory_space<vmem>> -> memref<1x128xi32, #tpu.memory_space<vmem>>
      %dma_start3A_156 = tpu.memref_squeeze %dma_start3A_155 : memref<1x128xi32, #tpu.memory_space<vmem>> -> memref<128xi32, #tpu.memory_space<vmem>>
      %dma_start3A_157 = arith.constant 0 : i32
      %dma_start3A_158 = tpu.memref_slice %arg7[%dma_start3A_157] : memref<51200xf32, #tpu.memory_space<vmem_shared>> -> memref<51200xf32, #tpu.memory_space<vmem_shared>>
      tpu.enqueue_indirect_dma source(%arg5 : memref<128xf32, #tpu.memory_space<vmem>>) target(%dma_start3A_158 : memref<51200xf32, #tpu.memory_space<vmem_shared>>) offsets(%dma_start3A_156 : memref<128xi32, #tpu.memory_space<vmem>>) semaphore(%arg8 : memref<!tpu.dma_semaphore, #tpu.memory_space<semaphore_mem>>) {add = true}
      %dma_wait3A = arith.constant 0 : i32
      %dma_wait3A_159 = arith.constant 0 : i32
      %dma_wait3A_160 = tpu.memref_slice %arg4[%dma_wait3A, %dma_wait3A_159] : memref<12x128xi32, #tpu.memory_space<vmem>> -> memref<1x128xi32, #tpu.memory_space<vmem>>
      %dma_wait3A_161 = tpu.memref_squeeze %dma_wait3A_160 : memref<1x128xi32, #tpu.memory_space<vmem>> -> memref<128xi32, #tpu.memory_space<vmem>>
      %dma_wait3A_162 = arith.constant 0 : i32
      %dma_wait3A_163 = tpu.memref_slice %arg7[%dma_wait3A_162] : memref<51200xf32, #tpu.memory_space<vmem_shared>> -> memref<51200xf32, #tpu.memory_space<vmem_shared>>
      tpu.wait_indirect_dma semaphore(%arg8 : memref<!tpu.dma_semaphore, #tpu.memory_space<semaphore_mem>>) src(%arg5 : memref<128xf32, #tpu.memory_space<vmem>>) dst(%dma_wait3A_163 : memref<51200xf32, #tpu.memory_space<vmem_shared>>)
      %dma_wait3A_164 = arith.constant 1 : i32
      %dma_wait3A_165 = arith.constant 0 : i32
      %dma_wait3A_166 = tpu.memref_slice %arg4[%dma_wait3A_164, %dma_wait3A_165] : memref<12x128xi32, #tpu.memory_space<vmem>> -> memref<1x128xi32, #tpu.memory_space<vmem>>
      %dma_wait3A_167 = tpu.memref_squeeze %dma_wait3A_166 : memref<1x128xi32, #tpu.memory_space<vmem>> -> memref<128xi32, #tpu.memory_space<vmem>>
      %dma_wait3A_168 = arith.constant 0 : i32
      %dma_wait3A_169 = tpu.memref_slice %arg7[%dma_wait3A_168] : memref<51200xf32, #tpu.memory_space<vmem_shared>> -> memref<51200xf32, #tpu.memory_space<vmem_shared>>
      tpu.wait_indirect_dma semaphore(%arg8 : memref<!tpu.dma_semaphore, #tpu.memory_space<semaphore_mem>>) src(%arg5 : memref<128xf32, #tpu.memory_space<vmem>>) dst(%dma_wait3A_169 : memref<51200xf32, #tpu.memory_space<vmem_shared>>)
      %dma_wait3A_170 = arith.constant 2 : i32
      %dma_wait3A_171 = arith.constant 0 : i32
      %dma_wait3A_172 = tpu.memref_slice %arg4[%dma_wait3A_170, %dma_wait3A_171] : memref<12x128xi32, #tpu.memory_space<vmem>> -> memref<1x128xi32, #tpu.memory_space<vmem>>
      %dma_wait3A_173 = tpu.memref_squeeze %dma_wait3A_172 : memref<1x128xi32, #tpu.memory_space<vmem>> -> memref<128xi32, #tpu.memory_space<vmem>>
      %dma_wait3A_174 = arith.constant 0 : i32
      %dma_wait3A_175 = tpu.memref_slice %arg7[%dma_wait3A_174] : memref<51200xf32, #tpu.memory_space<vmem_shared>> -> memref<51200xf32, #tpu.memory_space<vmem_shared>>
      tpu.wait_indirect_dma semaphore(%arg8 : memref<!tpu.dma_semaphore, #tpu.memory_space<semaphore_mem>>) src(%arg5 : memref<128xf32, #tpu.memory_space<vmem>>) dst(%dma_wait3A_175 : memref<51200xf32, #tpu.memory_space<vmem_shared>>)
      %dma_wait3A_176 = arith.constant 3 : i32
      %dma_wait3A_177 = arith.constant 0 : i32
      %dma_wait3A_178 = tpu.memref_slice %arg4[%dma_wait3A_176, %dma_wait3A_177] : memref<12x128xi32, #tpu.memory_space<vmem>> -> memref<1x128xi32, #tpu.memory_space<vmem>>
      %dma_wait3A_179 = tpu.memref_squeeze %dma_wait3A_178 : memref<1x128xi32, #tpu.memory_space<vmem>> -> memref<128xi32, #tpu.memory_space<vmem>>
      %dma_wait3A_180 = arith.constant 0 : i32
      %dma_wait3A_181 = tpu.memref_slice %arg7[%dma_wait3A_180] : memref<51200xf32, #tpu.memory_space<vmem_shared>> -> memref<51200xf32, #tpu.memory_space<vmem_shared>>
      tpu.wait_indirect_dma semaphore(%arg8 : memref<!tpu.dma_semaphore, #tpu.memory_space<semaphore_mem>>) src(%arg5 : memref<128xf32, #tpu.memory_space<vmem>>) dst(%dma_wait3A_181 : memref<51200xf32, #tpu.memory_space<vmem_shared>>)
      %dma_wait3A_182 = arith.constant 4 : i32
      %dma_wait3A_183 = arith.constant 0 : i32
      %dma_wait3A_184 = tpu.memref_slice %arg4[%dma_wait3A_182, %dma_wait3A_183] : memref<12x128xi32, #tpu.memory_space<vmem>> -> memref<1x128xi32, #tpu.memory_space<vmem>>
      %dma_wait3A_185 = tpu.memref_squeeze %dma_wait3A_184 : memref<1x128xi32, #tpu.memory_space<vmem>> -> memref<128xi32, #tpu.memory_space<vmem>>
      %dma_wait3A_186 = arith.constant 0 : i32
      %dma_wait3A_187 = tpu.memref_slice %arg7[%dma_wait3A_186] : memref<51200xf32, #tpu.memory_space<vmem_shared>> -> memref<51200xf32, #tpu.memory_space<vmem_shared>>
      tpu.wait_indirect_dma semaphore(%arg8 : memref<!tpu.dma_semaphore, #tpu.memory_space<semaphore_mem>>) src(%arg5 : memref<128xf32, #tpu.memory_space<vmem>>) dst(%dma_wait3A_187 : memref<51200xf32, #tpu.memory_space<vmem_shared>>)
      %dma_wait3A_188 = arith.constant 5 : i32
      %dma_wait3A_189 = arith.constant 0 : i32
      %dma_wait3A_190 = tpu.memref_slice %arg4[%dma_wait3A_188, %dma_wait3A_189] : memref<12x128xi32, #tpu.memory_space<vmem>> -> memref<1x128xi32, #tpu.memory_space<vmem>>
      %dma_wait3A_191 = tpu.memref_squeeze %dma_wait3A_190 : memref<1x128xi32, #tpu.memory_space<vmem>> -> memref<128xi32, #tpu.memory_space<vmem>>
      %dma_wait3A_192 = arith.constant 0 : i32
      %dma_wait3A_193 = tpu.memref_slice %arg7[%dma_wait3A_192] : memref<51200xf32, #tpu.memory_space<vmem_shared>> -> memref<51200xf32, #tpu.memory_space<vmem_shared>>
      tpu.wait_indirect_dma semaphore(%arg8 : memref<!tpu.dma_semaphore, #tpu.memory_space<semaphore_mem>>) src(%arg5 : memref<128xf32, #tpu.memory_space<vmem>>) dst(%dma_wait3A_193 : memref<51200xf32, #tpu.memory_space<vmem_shared>>)
      %dma_wait3A_194 = arith.constant 6 : i32
      %dma_wait3A_195 = arith.constant 0 : i32
      %dma_wait3A_196 = tpu.memref_slice %arg4[%dma_wait3A_194, %dma_wait3A_195] : memref<12x128xi32, #tpu.memory_space<vmem>> -> memref<1x128xi32, #tpu.memory_space<vmem>>
      %dma_wait3A_197 = tpu.memref_squeeze %dma_wait3A_196 : memref<1x128xi32, #tpu.memory_space<vmem>> -> memref<128xi32, #tpu.memory_space<vmem>>
      %dma_wait3A_198 = arith.constant 0 : i32
      %dma_wait3A_199 = tpu.memref_slice %arg7[%dma_wait3A_198] : memref<51200xf32, #tpu.memory_space<vmem_shared>> -> memref<51200xf32, #tpu.memory_space<vmem_shared>>
      tpu.wait_indirect_dma semaphore(%arg8 : memref<!tpu.dma_semaphore, #tpu.memory_space<semaphore_mem>>) src(%arg5 : memref<128xf32, #tpu.memory_space<vmem>>) dst(%dma_wait3A_199 : memref<51200xf32, #tpu.memory_space<vmem_shared>>)
      %dma_wait3A_200 = arith.constant 7 : i32
      %dma_wait3A_201 = arith.constant 0 : i32
      %dma_wait3A_202 = tpu.memref_slice %arg4[%dma_wait3A_200, %dma_wait3A_201] : memref<12x128xi32, #tpu.memory_space<vmem>> -> memref<1x128xi32, #tpu.memory_space<vmem>>
      %dma_wait3A_203 = tpu.memref_squeeze %dma_wait3A_202 : memref<1x128xi32, #tpu.memory_space<vmem>> -> memref<128xi32, #tpu.memory_space<vmem>>
      %dma_wait3A_204 = arith.constant 0 : i32
      %dma_wait3A_205 = tpu.memref_slice %arg7[%dma_wait3A_204] : memref<51200xf32, #tpu.memory_space<vmem_shared>> -> memref<51200xf32, #tpu.memory_space<vmem_shared>>
      tpu.wait_indirect_dma semaphore(%arg8 : memref<!tpu.dma_semaphore, #tpu.memory_space<semaphore_mem>>) src(%arg5 : memref<128xf32, #tpu.memory_space<vmem>>) dst(%dma_wait3A_205 : memref<51200xf32, #tpu.memory_space<vmem_shared>>)
      %dma_wait3A_206 = arith.constant 8 : i32
      %dma_wait3A_207 = arith.constant 0 : i32
      %dma_wait3A_208 = tpu.memref_slice %arg4[%dma_wait3A_206, %dma_wait3A_207] : memref<12x128xi32, #tpu.memory_space<vmem>> -> memref<1x128xi32, #tpu.memory_space<vmem>>
      %dma_wait3A_209 = tpu.memref_squeeze %dma_wait3A_208 : memref<1x128xi32, #tpu.memory_space<vmem>> -> memref<128xi32, #tpu.memory_space<vmem>>
      %dma_wait3A_210 = arith.constant 0 : i32
      %dma_wait3A_211 = tpu.memref_slice %arg7[%dma_wait3A_210] : memref<51200xf32, #tpu.memory_space<vmem_shared>> -> memref<51200xf32, #tpu.memory_space<vmem_shared>>
      tpu.wait_indirect_dma semaphore(%arg8 : memref<!tpu.dma_semaphore, #tpu.memory_space<semaphore_mem>>) src(%arg5 : memref<128xf32, #tpu.memory_space<vmem>>) dst(%dma_wait3A_211 : memref<51200xf32, #tpu.memory_space<vmem_shared>>)
      %dma_wait3A_212 = arith.constant 9 : i32
      %dma_wait3A_213 = arith.constant 0 : i32
      %dma_wait3A_214 = tpu.memref_slice %arg4[%dma_wait3A_212, %dma_wait3A_213] : memref<12x128xi32, #tpu.memory_space<vmem>> -> memref<1x128xi32, #tpu.memory_space<vmem>>
      %dma_wait3A_215 = tpu.memref_squeeze %dma_wait3A_214 : memref<1x128xi32, #tpu.memory_space<vmem>> -> memref<128xi32, #tpu.memory_space<vmem>>
      %dma_wait3A_216 = arith.constant 0 : i32
      %dma_wait3A_217 = tpu.memref_slice %arg7[%dma_wait3A_216] : memref<51200xf32, #tpu.memory_space<vmem_shared>> -> memref<51200xf32, #tpu.memory_space<vmem_shared>>
      tpu.wait_indirect_dma semaphore(%arg8 : memref<!tpu.dma_semaphore, #tpu.memory_space<semaphore_mem>>) src(%arg5 : memref<128xf32, #tpu.memory_space<vmem>>) dst(%dma_wait3A_217 : memref<51200xf32, #tpu.memory_space<vmem_shared>>)
      %dma_wait3A_218 = arith.constant 10 : i32
      %dma_wait3A_219 = arith.constant 0 : i32
      %dma_wait3A_220 = tpu.memref_slice %arg4[%dma_wait3A_218, %dma_wait3A_219] : memref<12x128xi32, #tpu.memory_space<vmem>> -> memref<1x128xi32, #tpu.memory_space<vmem>>
      %dma_wait3A_221 = tpu.memref_squeeze %dma_wait3A_220 : memref<1x128xi32, #tpu.memory_space<vmem>> -> memref<128xi32, #tpu.memory_space<vmem>>
      %dma_wait3A_222 = arith.constant 0 : i32
      %dma_wait3A_223 = tpu.memref_slice %arg7[%dma_wait3A_222] : memref<51200xf32, #tpu.memory_space<vmem_shared>> -> memref<51200xf32, #tpu.memory_space<vmem_shared>>
      tpu.wait_indirect_dma semaphore(%arg8 : memref<!tpu.dma_semaphore, #tpu.memory_space<semaphore_mem>>) src(%arg5 : memref<128xf32, #tpu.memory_space<vmem>>) dst(%dma_wait3A_223 : memref<51200xf32, #tpu.memory_space<vmem_shared>>)
      %dma_wait3A_224 = arith.constant 11 : i32
      %dma_wait3A_225 = arith.constant 0 : i32
      %dma_wait3A_226 = tpu.memref_slice %arg4[%dma_wait3A_224, %dma_wait3A_225] : memref<12x128xi32, #tpu.memory_space<vmem>> -> memref<1x128xi32, #tpu.memory_space<vmem>>
      %dma_wait3A_227 = tpu.memref_squeeze %dma_wait3A_226 : memref<1x128xi32, #tpu.memory_space<vmem>> -> memref<128xi32, #tpu.memory_space<vmem>>
      %dma_wait3A_228 = arith.constant 0 : i32
      %dma_wait3A_229 = tpu.memref_slice %arg7[%dma_wait3A_228] : memref<51200xf32, #tpu.memory_space<vmem_shared>> -> memref<51200xf32, #tpu.memory_space<vmem_shared>>
      tpu.wait_indirect_dma semaphore(%arg8 : memref<!tpu.dma_semaphore, #tpu.memory_space<semaphore_mem>>) src(%arg5 : memref<128xf32, #tpu.memory_space<vmem>>) dst(%dma_wait3A_229 : memref<51200xf32, #tpu.memory_space<vmem_shared>>)
    }
    %scan3A_64 = arith.constant 33 : i32
    %barrier3A_65 = arith.constant 0 : index
    tpu.barrier barrier_id(%barrier3A_65)
    %add3A_66 = arith.constant 0 : i32
    %add3A_67 = arith.addi %mul3A_51, %add3A_66 : i32
    "tpu.region"() ({
      %run_scoped3A = tpu.sem_alloc : memref<!tpu.dma_semaphore, #tpu.memory_space<semaphore_mem>>
      %dma_start3A = arith.constant 0 : i32
      %dma_start3A_82 = tpu.memref_slice %arg6[%dma_start3A] : memref<1024xf32, #tpu.memory_space<vmem>> -> memref<1024xf32, #tpu.memory_space<vmem>>
      %dma_start3A_83 = tpu.memref_slice %arg7[%add3A_67] : memref<51200xf32, #tpu.memory_space<vmem_shared>> -> memref<1024xf32, #tpu.memory_space<vmem_shared>>
      %dma_start3A_84 = arith.constant 0 : i32
      %dma_start3A_85 = tpu.memref_slice %arg6[%dma_start3A_84] : memref<1024xf32, #tpu.memory_space<vmem>> -> memref<1024xf32, #tpu.memory_space<vmem>>
      %dma_start3A_86 = tpu.memref_slice %arg7[%add3A_67] : memref<51200xf32, #tpu.memory_space<vmem_shared>> -> memref<1024xf32, #tpu.memory_space<vmem_shared>>
      tpu.enqueue_dma source(%dma_start3A_86 : memref<1024xf32, #tpu.memory_space<vmem_shared>>) target(%dma_start3A_85 : memref<1024xf32, #tpu.memory_space<vmem>>) target_semaphore(%run_scoped3A : memref<!tpu.dma_semaphore, #tpu.memory_space<semaphore_mem>>)
      %dma_wait3A = arith.constant 0 : i32
      %dma_wait3A_87 = tpu.memref_slice %arg6[%dma_wait3A] : memref<1024xf32, #tpu.memory_space<vmem>> -> memref<1024xf32, #tpu.memory_space<vmem>>
      %dma_wait3A_88 = tpu.memref_slice %arg7[%add3A_67] : memref<51200xf32, #tpu.memory_space<vmem_shared>> -> memref<1024xf32, #tpu.memory_space<vmem_shared>>
      %dma_wait3A_89 = arith.constant 0 : i32
      %dma_wait3A_90 = tpu.memref_slice %arg6[%dma_wait3A_89] : memref<1024xf32, #tpu.memory_space<vmem>> -> memref<1024xf32, #tpu.memory_space<vmem>>
      %dma_wait3A_91 = tpu.memref_slice %arg7[%add3A_67] : memref<51200xf32, #tpu.memory_space<vmem_shared>> -> memref<1024xf32, #tpu.memory_space<vmem_shared>>
      tpu.wait_dma2 semaphore(%run_scoped3A : memref<!tpu.dma_semaphore, #tpu.memory_space<semaphore_mem>>) src(%dma_wait3A_91 : memref<1024xf32, #tpu.memory_space<vmem_shared>>) dst(%dma_wait3A_90 : memref<1024xf32, #tpu.memory_space<vmem>>)
      tpu.yield
    }) : () -> ()
    %add3A_68 = arith.constant 0 : i32
    %add3A_69 = arith.addi %mul3A_51, %add3A_68 : i32
    "tpu.region"() ({
      %run_scoped3A = tpu.sem_alloc : memref<!tpu.dma_semaphore, #tpu.memory_space<semaphore_mem>>
      %dma_start3A = arith.constant 0 : i32
      %dma_start3A_82 = tpu.memref_slice %arg6[%dma_start3A] : memref<1024xf32, #tpu.memory_space<vmem>> -> memref<1024xf32, #tpu.memory_space<vmem>>
      %dma_start3A_83 = arith.constant 0 : i32
      %dma_start3A_84 = tpu.memref_slice %arg3[%arg0, %dma_start3A_83] : memref<2x51200xf32, #tpu.memory_space<hbm>> -> memref<1x51200xf32, #tpu.memory_space<hbm>>
      %dma_start3A_85 = tpu.memref_squeeze %dma_start3A_84 : memref<1x51200xf32, #tpu.memory_space<hbm>> -> memref<51200xf32, #tpu.memory_space<hbm>>
      %dma_start3A_86 = tpu.memref_slice %dma_start3A_85[%add3A_69] : memref<51200xf32, #tpu.memory_space<hbm>> -> memref<1024xf32, #tpu.memory_space<hbm>>
      %dma_start3A_87 = arith.constant 0 : i32
      %dma_start3A_88 = tpu.memref_slice %arg3[%arg0, %dma_start3A_87] : memref<2x51200xf32, #tpu.memory_space<hbm>> -> memref<1x51200xf32, #tpu.memory_space<hbm>>
      %dma_start3A_89 = tpu.memref_squeeze %dma_start3A_88 : memref<1x51200xf32, #tpu.memory_space<hbm>> -> memref<51200xf32, #tpu.memory_space<hbm>>
      %dma_start3A_90 = tpu.memref_slice %dma_start3A_89[%add3A_69] : memref<51200xf32, #tpu.memory_space<hbm>> -> memref<1024xf32, #tpu.memory_space<hbm>>
      %dma_start3A_91 = arith.constant 0 : i32
      %dma_start3A_92 = tpu.memref_slice %arg6[%dma_start3A_91] : memref<1024xf32, #tpu.memory_space<vmem>> -> memref<1024xf32, #tpu.memory_space<vmem>>
      tpu.enqueue_dma source(%dma_start3A_92 : memref<1024xf32, #tpu.memory_space<vmem>>) target(%dma_start3A_90 : memref<1024xf32, #tpu.memory_space<hbm>>) target_semaphore(%run_scoped3A : memref<!tpu.dma_semaphore, #tpu.memory_space<semaphore_mem>>)
      %dma_wait3A = arith.constant 0 : i32
      %dma_wait3A_93 = tpu.memref_slice %arg6[%dma_wait3A] : memref<1024xf32, #tpu.memory_space<vmem>> -> memref<1024xf32, #tpu.memory_space<vmem>>
      %dma_wait3A_94 = arith.constant 0 : i32
      %dma_wait3A_95 = tpu.memref_slice %arg3[%arg0, %dma_wait3A_94] : memref<2x51200xf32, #tpu.memory_space<hbm>> -> memref<1x51200xf32, #tpu.memory_space<hbm>>
      %dma_wait3A_96 = tpu.memref_squeeze %dma_wait3A_95 : memref<1x51200xf32, #tpu.memory_space<hbm>> -> memref<51200xf32, #tpu.memory_space<hbm>>
      %dma_wait3A_97 = tpu.memref_slice %dma_wait3A_96[%add3A_69] : memref<51200xf32, #tpu.memory_space<hbm>> -> memref<1024xf32, #tpu.memory_space<hbm>>
      %dma_wait3A_98 = arith.constant 0 : i32
      %dma_wait3A_99 = tpu.memref_slice %arg3[%arg0, %dma_wait3A_98] : memref<2x51200xf32, #tpu.memory_space<hbm>> -> memref<1x51200xf32, #tpu.memory_space<hbm>>
      %dma_wait3A_100 = tpu.memref_squeeze %dma_wait3A_99 : memref<1x51200xf32, #tpu.memory_space<hbm>> -> memref<51200xf32, #tpu.memory_space<hbm>>
      %dma_wait3A_101 = tpu.memref_slice %dma_wait3A_100[%add3A_69] : memref<51200xf32, #tpu.memory_space<hbm>> -> memref<1024xf32, #tpu.memory_space<hbm>>
      %dma_wait3A_102 = arith.constant 0 : i32
      %dma_wait3A_103 = tpu.memref_slice %arg6[%dma_wait3A_102] : memref<1024xf32, #tpu.memory_space<vmem>> -> memref<1024xf32, #tpu.memory_space<vmem>>
      tpu.wait_dma2 semaphore(%run_scoped3A : memref<!tpu.dma_semaphore, #tpu.memory_space<semaphore_mem>>) src(%dma_wait3A_103 : memref<1024xf32, #tpu.memory_space<vmem>>) dst(%dma_wait3A_101 : memref<1024xf32, #tpu.memory_space<hbm>>)
      tpu.yield
    }) : () -> ()
    %add3A_70 = arith.constant 1024 : i32
    %add3A_71 = arith.addi %mul3A_51, %add3A_70 : i32
    "tpu.region"() ({
      %run_scoped3A = tpu.sem_alloc : memref<!tpu.dma_semaphore, #tpu.memory_space<semaphore_mem>>
      %dma_start3A = arith.constant 0 : i32
      %dma_start3A_82 = tpu.memref_slice %arg6[%dma_start3A] : memref<1024xf32, #tpu.memory_space<vmem>> -> memref<1024xf32, #tpu.memory_space<vmem>>
      %dma_start3A_83 = tpu.memref_slice %arg7[%add3A_71] : memref<51200xf32, #tpu.memory_space<vmem_shared>> -> memref<1024xf32, #tpu.memory_space<vmem_shared>>
      %dma_start3A_84 = arith.constant 0 : i32
      %dma_start3A_85 = tpu.memref_slice %arg6[%dma_start3A_84] : memref<1024xf32, #tpu.memory_space<vmem>> -> memref<1024xf32, #tpu.memory_space<vmem>>
      %dma_start3A_86 = tpu.memref_slice %arg7[%add3A_71] : memref<51200xf32, #tpu.memory_space<vmem_shared>> -> memref<1024xf32, #tpu.memory_space<vmem_shared>>
      tpu.enqueue_dma source(%dma_start3A_86 : memref<1024xf32, #tpu.memory_space<vmem_shared>>) target(%dma_start3A_85 : memref<1024xf32, #tpu.memory_space<vmem>>) target_semaphore(%run_scoped3A : memref<!tpu.dma_semaphore, #tpu.memory_space<semaphore_mem>>)
      %dma_wait3A = arith.constant 0 : i32
      %dma_wait3A_87 = tpu.memref_slice %arg6[%dma_wait3A] : memref<1024xf32, #tpu.memory_space<vmem>> -> memref<1024xf32, #tpu.memory_space<vmem>>
      %dma_wait3A_88 = tpu.memref_slice %arg7[%add3A_71] : memref<51200xf32, #tpu.memory_space<vmem_shared>> -> memref<1024xf32, #tpu.memory_space<vmem_shared>>
      %dma_wait3A_89 = arith.constant 0 : i32
      %dma_wait3A_90 = tpu.memref_slice %arg6[%dma_wait3A_89] : memref<1024xf32, #tpu.memory_space<vmem>> -> memref<1024xf32, #tpu.memory_space<vmem>>
      %dma_wait3A_91 = tpu.memref_slice %arg7[%add3A_71] : memref<51200xf32, #tpu.memory_space<vmem_shared>> -> memref<1024xf32, #tpu.memory_space<vmem_shared>>
      tpu.wait_dma2 semaphore(%run_scoped3A : memref<!tpu.dma_semaphore, #tpu.memory_space<semaphore_mem>>) src(%dma_wait3A_91 : memref<1024xf32, #tpu.memory_space<vmem_shared>>) dst(%dma_wait3A_90 : memref<1024xf32, #tpu.memory_space<vmem>>)
      tpu.yield
    }) : () -> ()
    %add3A_72 = arith.constant 1024 : i32
    %add3A_73 = arith.addi %mul3A_51, %add3A_72 : i32
    "tpu.region"() ({
      %run_scoped3A = tpu.sem_alloc : memref<!tpu.dma_semaphore, #tpu.memory_space<semaphore_mem>>
      %dma_start3A = arith.constant 0 : i32
      %dma_start3A_82 = tpu.memref_slice %arg6[%dma_start3A] : memref<1024xf32, #tpu.memory_space<vmem>> -> memref<1024xf32, #tpu.memory_space<vmem>>
      %dma_start3A_83 = arith.constant 0 : i32
      %dma_start3A_84 = tpu.memref_slice %arg3[%arg0, %dma_start3A_83] : memref<2x51200xf32, #tpu.memory_space<hbm>> -> memref<1x51200xf32, #tpu.memory_space<hbm>>
      %dma_start3A_85 = tpu.memref_squeeze %dma_start3A_84 : memref<1x51200xf32, #tpu.memory_space<hbm>> -> memref<51200xf32, #tpu.memory_space<hbm>>
      %dma_start3A_86 = tpu.memref_slice %dma_start3A_85[%add3A_73] : memref<51200xf32, #tpu.memory_space<hbm>> -> memref<1024xf32, #tpu.memory_space<hbm>>
      %dma_start3A_87 = arith.constant 0 : i32
      %dma_start3A_88 = tpu.memref_slice %arg3[%arg0, %dma_start3A_87] : memref<2x51200xf32, #tpu.memory_space<hbm>> -> memref<1x51200xf32, #tpu.memory_space<hbm>>
      %dma_start3A_89 = tpu.memref_squeeze %dma_start3A_88 : memref<1x51200xf32, #tpu.memory_space<hbm>> -> memref<51200xf32, #tpu.memory_space<hbm>>
      %dma_start3A_90 = tpu.memref_slice %dma_start3A_89[%add3A_73] : memref<51200xf32, #tpu.memory_space<hbm>> -> memref<1024xf32, #tpu.memory_space<hbm>>
      %dma_start3A_91 = arith.constant 0 : i32
      %dma_start3A_92 = tpu.memref_slice %arg6[%dma_start3A_91] : memref<1024xf32, #tpu.memory_space<vmem>> -> memref<1024xf32, #tpu.memory_space<vmem>>
      tpu.enqueue_dma source(%dma_start3A_92 : memref<1024xf32, #tpu.memory_space<vmem>>) target(%dma_start3A_90 : memref<1024xf32, #tpu.memory_space<hbm>>) target_semaphore(%run_scoped3A : memref<!tpu.dma_semaphore, #tpu.memory_space<semaphore_mem>>)
      %dma_wait3A = arith.constant 0 : i32
      %dma_wait3A_93 = tpu.memref_slice %arg6[%dma_wait3A] : memref<1024xf32, #tpu.memory_space<vmem>> -> memref<1024xf32, #tpu.memory_space<vmem>>
      %dma_wait3A_94 = arith.constant 0 : i32
      %dma_wait3A_95 = tpu.memref_slice %arg3[%arg0, %dma_wait3A_94] : memref<2x51200xf32, #tpu.memory_space<hbm>> -> memref<1x51200xf32, #tpu.memory_space<hbm>>
      %dma_wait3A_96 = tpu.memref_squeeze %dma_wait3A_95 : memref<1x51200xf32, #tpu.memory_space<hbm>> -> memref<51200xf32, #tpu.memory_space<hbm>>
      %dma_wait3A_97 = tpu.memref_slice %dma_wait3A_96[%add3A_73] : memref<51200xf32, #tpu.memory_space<hbm>> -> memref<1024xf32, #tpu.memory_space<hbm>>
      %dma_wait3A_98 = arith.constant 0 : i32
      %dma_wait3A_99 = tpu.memref_slice %arg3[%arg0, %dma_wait3A_98] : memref<2x51200xf32, #tpu.memory_space<hbm>> -> memref<1x51200xf32, #tpu.memory_space<hbm>>
      %dma_wait3A_100 = tpu.memref_squeeze %dma_wait3A_99 : memref<1x51200xf32, #tpu.memory_space<hbm>> -> memref<51200xf32, #tpu.memory_space<hbm>>
      %dma_wait3A_101 = tpu.memref_slice %dma_wait3A_100[%add3A_73] : memref<51200xf32, #tpu.memory_space<hbm>> -> memref<1024xf32, #tpu.memory_space<hbm>>
      %dma_wait3A_102 = arith.constant 0 : i32
      %dma_wait3A_103 = tpu.memref_slice %arg6[%dma_wait3A_102] : memref<1024xf32, #tpu.memory_space<vmem>> -> memref<1024xf32, #tpu.memory_space<vmem>>
      tpu.wait_dma2 semaphore(%run_scoped3A : memref<!tpu.dma_semaphore, #tpu.memory_space<semaphore_mem>>) src(%dma_wait3A_103 : memref<1024xf32, #tpu.memory_space<vmem>>) dst(%dma_wait3A_101 : memref<1024xf32, #tpu.memory_space<hbm>>)
      tpu.yield
    }) : () -> ()
    %add3A_74 = arith.constant 2048 : i32
    %add3A_75 = arith.addi %mul3A_51, %add3A_74 : i32
    "tpu.region"() ({
      %run_scoped3A = tpu.sem_alloc : memref<!tpu.dma_semaphore, #tpu.memory_space<semaphore_mem>>
      %dma_start3A = arith.constant 0 : i32
      %dma_start3A_82 = tpu.memref_slice %arg6[%dma_start3A] : memref<1024xf32, #tpu.memory_space<vmem>> -> memref<1024xf32, #tpu.memory_space<vmem>>
      %dma_start3A_83 = tpu.memref_slice %arg7[%add3A_75] : memref<51200xf32, #tpu.memory_space<vmem_shared>> -> memref<1024xf32, #tpu.memory_space<vmem_shared>>
      %dma_start3A_84 = arith.constant 0 : i32
      %dma_start3A_85 = tpu.memref_slice %arg6[%dma_start3A_84] : memref<1024xf32, #tpu.memory_space<vmem>> -> memref<1024xf32, #tpu.memory_space<vmem>>
      %dma_start3A_86 = tpu.memref_slice %arg7[%add3A_75] : memref<51200xf32, #tpu.memory_space<vmem_shared>> -> memref<1024xf32, #tpu.memory_space<vmem_shared>>
      tpu.enqueue_dma source(%dma_start3A_86 : memref<1024xf32, #tpu.memory_space<vmem_shared>>) target(%dma_start3A_85 : memref<1024xf32, #tpu.memory_space<vmem>>) target_semaphore(%run_scoped3A : memref<!tpu.dma_semaphore, #tpu.memory_space<semaphore_mem>>)
      %dma_wait3A = arith.constant 0 : i32
      %dma_wait3A_87 = tpu.memref_slice %arg6[%dma_wait3A] : memref<1024xf32, #tpu.memory_space<vmem>> -> memref<1024xf32, #tpu.memory_space<vmem>>
      %dma_wait3A_88 = tpu.memref_slice %arg7[%add3A_75] : memref<51200xf32, #tpu.memory_space<vmem_shared>> -> memref<1024xf32, #tpu.memory_space<vmem_shared>>
      %dma_wait3A_89 = arith.constant 0 : i32
      %dma_wait3A_90 = tpu.memref_slice %arg6[%dma_wait3A_89] : memref<1024xf32, #tpu.memory_space<vmem>> -> memref<1024xf32, #tpu.memory_space<vmem>>
      %dma_wait3A_91 = tpu.memref_slice %arg7[%add3A_75] : memref<51200xf32, #tpu.memory_space<vmem_shared>> -> memref<1024xf32, #tpu.memory_space<vmem_shared>>
      tpu.wait_dma2 semaphore(%run_scoped3A : memref<!tpu.dma_semaphore, #tpu.memory_space<semaphore_mem>>) src(%dma_wait3A_91 : memref<1024xf32, #tpu.memory_space<vmem_shared>>) dst(%dma_wait3A_90 : memref<1024xf32, #tpu.memory_space<vmem>>)
      tpu.yield
    }) : () -> ()
    %add3A_76 = arith.constant 2048 : i32
    %add3A_77 = arith.addi %mul3A_51, %add3A_76 : i32
    "tpu.region"() ({
      %run_scoped3A = tpu.sem_alloc : memref<!tpu.dma_semaphore, #tpu.memory_space<semaphore_mem>>
      %dma_start3A = arith.constant 0 : i32
      %dma_start3A_82 = tpu.memref_slice %arg6[%dma_start3A] : memref<1024xf32, #tpu.memory_space<vmem>> -> memref<1024xf32, #tpu.memory_space<vmem>>
      %dma_start3A_83 = arith.constant 0 : i32
      %dma_start3A_84 = tpu.memref_slice %arg3[%arg0, %dma_start3A_83] : memref<2x51200xf32, #tpu.memory_space<hbm>> -> memref<1x51200xf32, #tpu.memory_space<hbm>>
      %dma_start3A_85 = tpu.memref_squeeze %dma_start3A_84 : memref<1x51200xf32, #tpu.memory_space<hbm>> -> memref<51200xf32, #tpu.memory_space<hbm>>
      %dma_start3A_86 = tpu.memref_slice %dma_start3A_85[%add3A_77] : memref<51200xf32, #tpu.memory_space<hbm>> -> memref<1024xf32, #tpu.memory_space<hbm>>
      %dma_start3A_87 = arith.constant 0 : i32
      %dma_start3A_88 = tpu.memref_slice %arg3[%arg0, %dma_start3A_87] : memref<2x51200xf32, #tpu.memory_space<hbm>> -> memref<1x51200xf32, #tpu.memory_space<hbm>>
      %dma_start3A_89 = tpu.memref_squeeze %dma_start3A_88 : memref<1x51200xf32, #tpu.memory_space<hbm>> -> memref<51200xf32, #tpu.memory_space<hbm>>
      %dma_start3A_90 = tpu.memref_slice %dma_start3A_89[%add3A_77] : memref<51200xf32, #tpu.memory_space<hbm>> -> memref<1024xf32, #tpu.memory_space<hbm>>
      %dma_start3A_91 = arith.constant 0 : i32
      %dma_start3A_92 = tpu.memref_slice %arg6[%dma_start3A_91] : memref<1024xf32, #tpu.memory_space<vmem>> -> memref<1024xf32, #tpu.memory_space<vmem>>
      tpu.enqueue_dma source(%dma_start3A_92 : memref<1024xf32, #tpu.memory_space<vmem>>) target(%dma_start3A_90 : memref<1024xf32, #tpu.memory_space<hbm>>) target_semaphore(%run_scoped3A : memref<!tpu.dma_semaphore, #tpu.memory_space<semaphore_mem>>)
      %dma_wait3A = arith.constant 0 : i32
      %dma_wait3A_93 = tpu.memref_slice %arg6[%dma_wait3A] : memref<1024xf32, #tpu.memory_space<vmem>> -> memref<1024xf32, #tpu.memory_space<vmem>>
      %dma_wait3A_94 = arith.constant 0 : i32
      %dma_wait3A_95 = tpu.memref_slice %arg3[%arg0, %dma_wait3A_94] : memref<2x51200xf32, #tpu.memory_space<hbm>> -> memref<1x51200xf32, #tpu.memory_space<hbm>>
      %dma_wait3A_96 = tpu.memref_squeeze %dma_wait3A_95 : memref<1x51200xf32, #tpu.memory_space<hbm>> -> memref<51200xf32, #tpu.memory_space<hbm>>
      %dma_wait3A_97 = tpu.memref_slice %dma_wait3A_96[%add3A_77] : memref<51200xf32, #tpu.memory_space<hbm>> -> memref<1024xf32, #tpu.memory_space<hbm>>
      %dma_wait3A_98 = arith.constant 0 : i32
      %dma_wait3A_99 = tpu.memref_slice %arg3[%arg0, %dma_wait3A_98] : memref<2x51200xf32, #tpu.memory_space<hbm>> -> memref<1x51200xf32, #tpu.memory_space<hbm>>
      %dma_wait3A_100 = tpu.memref_squeeze %dma_wait3A_99 : memref<1x51200xf32, #tpu.memory_space<hbm>> -> memref<51200xf32, #tpu.memory_space<hbm>>
      %dma_wait3A_101 = tpu.memref_slice %dma_wait3A_100[%add3A_77] : memref<51200xf32, #tpu.memory_space<hbm>> -> memref<1024xf32, #tpu.memory_space<hbm>>
      %dma_wait3A_102 = arith.constant 0 : i32
      %dma_wait3A_103 = tpu.memref_slice %arg6[%dma_wait3A_102] : memref<1024xf32, #tpu.memory_space<vmem>> -> memref<1024xf32, #tpu.memory_space<vmem>>
      tpu.wait_dma2 semaphore(%run_scoped3A : memref<!tpu.dma_semaphore, #tpu.memory_space<semaphore_mem>>) src(%dma_wait3A_103 : memref<1024xf32, #tpu.memory_space<vmem>>) dst(%dma_wait3A_101 : memref<1024xf32, #tpu.memory_space<hbm>>)
      tpu.yield
    }) : () -> ()
    %add3A_78 = arith.constant 3072 : i32
    %add3A_79 = arith.addi %mul3A_51, %add3A_78 : i32
    "tpu.region"() ({
      %run_scoped3A = tpu.sem_alloc : memref<!tpu.dma_semaphore, #tpu.memory_space<semaphore_mem>>
      %dma_start3A = arith.constant 0 : i32
      %dma_start3A_82 = tpu.memref_slice %arg6[%dma_start3A] : memref<1024xf32, #tpu.memory_space<vmem>> -> memref<128xf32, #tpu.memory_space<vmem>>
      %dma_start3A_83 = tpu.memref_slice %arg7[%add3A_79] : memref<51200xf32, #tpu.memory_space<vmem_shared>> -> memref<128xf32, #tpu.memory_space<vmem_shared>>
      %dma_start3A_84 = arith.constant 0 : i32
      %dma_start3A_85 = tpu.memref_slice %arg6[%dma_start3A_84] : memref<1024xf32, #tpu.memory_space<vmem>> -> memref<128xf32, #tpu.memory_space<vmem>>
      %dma_start3A_86 = tpu.memref_slice %arg7[%add3A_79] : memref<51200xf32, #tpu.memory_space<vmem_shared>> -> memref<128xf32, #tpu.memory_space<vmem_shared>>
      tpu.enqueue_dma source(%dma_start3A_86 : memref<128xf32, #tpu.memory_space<vmem_shared>>) target(%dma_start3A_85 : memref<128xf32, #tpu.memory_space<vmem>>) target_semaphore(%run_scoped3A : memref<!tpu.dma_semaphore, #tpu.memory_space<semaphore_mem>>)
      %dma_wait3A = arith.constant 0 : i32
      %dma_wait3A_87 = tpu.memref_slice %arg6[%dma_wait3A] : memref<1024xf32, #tpu.memory_space<vmem>> -> memref<128xf32, #tpu.memory_space<vmem>>
      %dma_wait3A_88 = tpu.memref_slice %arg7[%add3A_79] : memref<51200xf32, #tpu.memory_space<vmem_shared>> -> memref<128xf32, #tpu.memory_space<vmem_shared>>
      %dma_wait3A_89 = arith.constant 0 : i32
      %dma_wait3A_90 = tpu.memref_slice %arg6[%dma_wait3A_89] : memref<1024xf32, #tpu.memory_space<vmem>> -> memref<128xf32, #tpu.memory_space<vmem>>
      %dma_wait3A_91 = tpu.memref_slice %arg7[%add3A_79] : memref<51200xf32, #tpu.memory_space<vmem_shared>> -> memref<128xf32, #tpu.memory_space<vmem_shared>>
      tpu.wait_dma2 semaphore(%run_scoped3A : memref<!tpu.dma_semaphore, #tpu.memory_space<semaphore_mem>>) src(%dma_wait3A_91 : memref<128xf32, #tpu.memory_space<vmem_shared>>) dst(%dma_wait3A_90 : memref<128xf32, #tpu.memory_space<vmem>>)
      tpu.yield
    }) : () -> ()
    %add3A_80 = arith.constant 3072 : i32
    %add3A_81 = arith.addi %mul3A_51, %add3A_80 : i32
    "tpu.region"() ({
      %run_scoped3A = tpu.sem_alloc : memref<!tpu.dma_semaphore, #tpu.memory_space<semaphore_mem>>
      %dma_start3A = arith.constant 0 : i32
      %dma_start3A_82 = tpu.memref_slice %arg6[%dma_start3A] : memref<1024xf32, #tpu.memory_space<vmem>> -> memref<128xf32, #tpu.memory_space<vmem>>
      %dma_start3A_83 = arith.constant 0 : i32
      %dma_start3A_84 = tpu.memref_slice %arg3[%arg0, %dma_start3A_83] : memref<2x51200xf32, #tpu.memory_space<hbm>> -> memref<1x51200xf32, #tpu.memory_space<hbm>>
      %dma_start3A_85 = tpu.memref_squeeze %dma_start3A_84 : memref<1x51200xf32, #tpu.memory_space<hbm>> -> memref<51200xf32, #tpu.memory_space<hbm>>
      %dma_start3A_86 = tpu.memref_slice %dma_start3A_85[%add3A_81] : memref<51200xf32, #tpu.memory_space<hbm>> -> memref<128xf32, #tpu.memory_space<hbm>>
      %dma_start3A_87 = arith.constant 0 : i32
      %dma_start3A_88 = tpu.memref_slice %arg3[%arg0, %dma_start3A_87] : memref<2x51200xf32, #tpu.memory_space<hbm>> -> memref<1x51200xf32, #tpu.memory_space<hbm>>
      %dma_start3A_89 = tpu.memref_squeeze %dma_start3A_88 : memref<1x51200xf32, #tpu.memory_space<hbm>> -> memref<51200xf32, #tpu.memory_space<hbm>>
      %dma_start3A_90 = tpu.memref_slice %dma_start3A_89[%add3A_81] : memref<51200xf32, #tpu.memory_space<hbm>> -> memref<128xf32, #tpu.memory_space<hbm>>
      %dma_start3A_91 = arith.constant 0 : i32
      %dma_start3A_92 = tpu.memref_slice %arg6[%dma_start3A_91] : memref<1024xf32, #tpu.memory_space<vmem>> -> memref<128xf32, #tpu.memory_space<vmem>>
      tpu.enqueue_dma source(%dma_start3A_92 : memref<128xf32, #tpu.memory_space<vmem>>) target(%dma_start3A_90 : memref<128xf32, #tpu.memory_space<hbm>>) target_semaphore(%run_scoped3A : memref<!tpu.dma_semaphore, #tpu.memory_space<semaphore_mem>>)
      %dma_wait3A = arith.constant 0 : i32
      %dma_wait3A_93 = tpu.memref_slice %arg6[%dma_wait3A] : memref<1024xf32, #tpu.memory_space<vmem>> -> memref<128xf32, #tpu.memory_space<vmem>>
      %dma_wait3A_94 = arith.constant 0 : i32
      %dma_wait3A_95 = tpu.memref_slice %arg3[%arg0, %dma_wait3A_94] : memref<2x51200xf32, #tpu.memory_space<hbm>> -> memref<1x51200xf32, #tpu.memory_space<hbm>>
      %dma_wait3A_96 = tpu.memref_squeeze %dma_wait3A_95 : memref<1x51200xf32, #tpu.memory_space<hbm>> -> memref<51200xf32, #tpu.memory_space<hbm>>
      %dma_wait3A_97 = tpu.memref_slice %dma_wait3A_96[%add3A_81] : memref<51200xf32, #tpu.memory_space<hbm>> -> memref<128xf32, #tpu.memory_space<hbm>>
      %dma_wait3A_98 = arith.constant 0 : i32
      %dma_wait3A_99 = tpu.memref_slice %arg3[%arg0, %dma_wait3A_98] : memref<2x51200xf32, #tpu.memory_space<hbm>> -> memref<1x51200xf32, #tpu.memory_space<hbm>>
      %dma_wait3A_100 = tpu.memref_squeeze %dma_wait3A_99 : memref<1x51200xf32, #tpu.memory_space<hbm>> -> memref<51200xf32, #tpu.memory_space<hbm>>
      %dma_wait3A_101 = tpu.memref_slice %dma_wait3A_100[%add3A_81] : memref<51200xf32, #tpu.memory_space<hbm>> -> memref<128xf32, #tpu.memory_space<hbm>>
      %dma_wait3A_102 = arith.constant 0 : i32
      %dma_wait3A_103 = tpu.memref_slice %arg6[%dma_wait3A_102] : memref<1024xf32, #tpu.memory_space<vmem>> -> memref<128xf32, #tpu.memory_space<vmem>>
      tpu.wait_dma2 semaphore(%run_scoped3A : memref<!tpu.dma_semaphore, #tpu.memory_space<semaphore_mem>>) src(%dma_wait3A_103 : memref<128xf32, #tpu.memory_space<vmem>>) dst(%dma_wait3A_101 : memref<128xf32, #tpu.memory_space<hbm>>)
      tpu.yield
    }) : () -> ()
    return
  }
}

#map = affine_map<(d0, d1) -> (0, 0)>
#map1 = affine_map<(d0, d1) -> (0, 0, 0)>
module attributes {stable_mosaic.version = 14 : i64} {
  func.func @_scatter_body(%arg0: i32, %arg1: i32, %arg2: memref<100000x32xf32, #tpu.memory_space<hbm>>, %arg3: memref<2x6336x128xi32, #tpu.memory_space<hbm>>, %arg4: memref<6336x128xi32, #tpu.memory_space<hbm>>, %arg5: memref<2x51200x32xf32, #tpu.memory_space<hbm>>, %arg6: memref<6x128xi32, #tpu.memory_space<vmem>>, %arg7: memref<6x128xi32, #tpu.memory_space<vmem>>, %arg8: memref<768x32xf32, #tpu.memory_space<vmem>>, %arg9: memref<51200x32xf32, #tpu.memory_space<vmem_shared>>, %arg10: memref<!tpu.dma_semaphore, #tpu.memory_space<semaphore_mem>>, %arg11: memref<!tpu.dma_semaphore, #tpu.memory_space<semaphore_mem>>) attributes {dimension_semantics = [#tpu.dimension_semantics<core_parallel>, #tpu.dimension_semantics<subcore_parallel>], iteration_bounds = array<i64: 2, 16>, scalar_prefetch = 0 : i64, scratch_operands = 6 : i64, tpu.core_type = #tpu.core_type<sc_vector_subcore>, window_params = [{transform_indices = #map}, {transform_indices = #map1}, {transform_indices = #map}, {transform_indices = #map1}]} {
    %scan3A = arith.constant 0 : i32
    %scan3A_0 = arith.constant 0 : i32
    %scan3A_1 = arith.constant 768 : i32
    %scan3A_2 = arith.addi %scan3A_0, %scan3A_1 : i32
    %scan3A_3 = arith.constant 1 : i32
    scf.for %scan3A_42 = %scan3A_0 to %scan3A_2 step %scan3A_3  : i32 {
      %broadcast_in_dim3A = arith.constant 0.000000e+00 : f32
      %broadcast_in_dim3A_43 = vector.broadcast %broadcast_in_dim3A : f32 to vector<16xf32>
      %swap3A = arith.index_cast %scan3A_42 : i32 to index
      %swap3A_44 = arith.constant 0 : index
      %swap3A_45 = tpu.vector_load %arg8[%swap3A, %swap3A_44] {strides = array<i32>} : memref<768x32xf32, #tpu.memory_space<vmem>>, vector<1x16xf32>,
      %swap3A_46 = vector.shape_cast %swap3A_45 : vector<1x16xf32> to vector<16xf32>
      %swap3A_47 = vector.shape_cast %broadcast_in_dim3A_43 : vector<16xf32> to vector<1x16xf32>
      tpu.vector_store %arg8[%swap3A, %swap3A_44], %swap3A_47 {strides = array<i32>} : memref<768x32xf32, #tpu.memory_space<vmem>>, vector<1x16xf32>,
      %broadcast_in_dim3A_48 = arith.constant 0.000000e+00 : f32
      %broadcast_in_dim3A_49 = vector.broadcast %broadcast_in_dim3A_48 : f32 to vector<16xf32>
      %swap3A_50 = arith.index_cast %scan3A_42 : i32 to index
      %swap3A_51 = arith.constant 16 : index
      %swap3A_52 = tpu.vector_load %arg8[%swap3A_50, %swap3A_51] {strides = array<i32>} : memref<768x32xf32, #tpu.memory_space<vmem>>, vector<1x16xf32>,
      %swap3A_53 = vector.shape_cast %swap3A_52 : vector<1x16xf32> to vector<16xf32>
      %swap3A_54 = vector.shape_cast %broadcast_in_dim3A_49 : vector<16xf32> to vector<1x16xf32>
      tpu.vector_store %arg8[%swap3A_50, %swap3A_51], %swap3A_54 {strides = array<i32>} : memref<768x32xf32, #tpu.memory_space<vmem>>, vector<1x16xf32>,
    }
    %scan3A_4 = arith.constant 768 : i32
    %mul3A = arith.constant 3200 : i32
    %mul3A_5 = arith.muli %arg1, %mul3A : i32
    %add3A = arith.constant 0 : i32
    %add3A_6 = arith.addi %mul3A_5, %add3A : i32
    "tpu.region"() ({
      %run_scoped3A = tpu.sem_alloc : memref<!tpu.dma_semaphore, #tpu.memory_space<semaphore_mem>>
      %dma_start3A = arith.constant 0 : i32
      %dma_start3A_42 = arith.constant 0 : i32
      %dma_start3A_43 = tpu.memref_slice %arg8[%dma_start3A, %dma_start3A_42] : memref<768x32xf32, #tpu.memory_space<vmem>> -> memref<768x32xf32, #tpu.memory_space<vmem>>
      %dma_start3A_44 = arith.constant 0 : i32
      %dma_start3A_45 = tpu.memref_slice %arg9[%add3A_6, %dma_start3A_44] : memref<51200x32xf32, #tpu.memory_space<vmem_shared>> -> memref<768x32xf32, #tpu.memory_space<vmem_shared>>
      %dma_start3A_46 = arith.constant 0 : i32
      %dma_start3A_47 = tpu.memref_slice %arg9[%add3A_6, %dma_start3A_46] : memref<51200x32xf32, #tpu.memory_space<vmem_shared>> -> memref<768x32xf32, #tpu.memory_space<vmem_shared>>
      %dma_start3A_48 = arith.constant 0 : i32
      %dma_start3A_49 = arith.constant 0 : i32
      %dma_start3A_50 = tpu.memref_slice %arg8[%dma_start3A_48, %dma_start3A_49] : memref<768x32xf32, #tpu.memory_space<vmem>> -> memref<768x32xf32, #tpu.memory_space<vmem>>
      tpu.enqueue_dma source(%dma_start3A_50 : memref<768x32xf32, #tpu.memory_space<vmem>>) target(%dma_start3A_47 : memref<768x32xf32, #tpu.memory_space<vmem_shared>>) target_semaphore(%run_scoped3A : memref<!tpu.dma_semaphore, #tpu.memory_space<semaphore_mem>>)
      %dma_wait3A = arith.constant 0 : i32
      %dma_wait3A_51 = arith.constant 0 : i32
      %dma_wait3A_52 = tpu.memref_slice %arg8[%dma_wait3A, %dma_wait3A_51] : memref<768x32xf32, #tpu.memory_space<vmem>> -> memref<768x32xf32, #tpu.memory_space<vmem>>
      %dma_wait3A_53 = arith.constant 0 : i32
      %dma_wait3A_54 = tpu.memref_slice %arg9[%add3A_6, %dma_wait3A_53] : memref<51200x32xf32, #tpu.memory_space<vmem_shared>> -> memref<768x32xf32, #tpu.memory_space<vmem_shared>>
      %dma_wait3A_55 = arith.constant 0 : i32
      %dma_wait3A_56 = tpu.memref_slice %arg9[%add3A_6, %dma_wait3A_55] : memref<51200x32xf32, #tpu.memory_space<vmem_shared>> -> memref<768x32xf32, #tpu.memory_space<vmem_shared>>
      %dma_wait3A_57 = arith.constant 0 : i32
      %dma_wait3A_58 = arith.constant 0 : i32
      %dma_wait3A_59 = tpu.memref_slice %arg8[%dma_wait3A_57, %dma_wait3A_58] : memref<768x32xf32, #tpu.memory_space<vmem>> -> memref<768x32xf32, #tpu.memory_space<vmem>>
      tpu.wait_dma2 semaphore(%run_scoped3A : memref<!tpu.dma_semaphore, #tpu.memory_space<semaphore_mem>>) src(%dma_wait3A_59 : memref<768x32xf32, #tpu.memory_space<vmem>>) dst(%dma_wait3A_56 : memref<768x32xf32, #tpu.memory_space<vmem_shared>>)
      tpu.yield
    }) : () -> ()
    %add3A_7 = arith.constant 768 : i32
    %add3A_8 = arith.addi %mul3A_5, %add3A_7 : i32
    "tpu.region"() ({
      %run_scoped3A = tpu.sem_alloc : memref<!tpu.dma_semaphore, #tpu.memory_space<semaphore_mem>>
      %dma_start3A = arith.constant 0 : i32
      %dma_start3A_42 = arith.constant 0 : i32
      %dma_start3A_43 = tpu.memref_slice %arg8[%dma_start3A, %dma_start3A_42] : memref<768x32xf32, #tpu.memory_space<vmem>> -> memref<768x32xf32, #tpu.memory_space<vmem>>
      %dma_start3A_44 = arith.constant 0 : i32
      %dma_start3A_45 = tpu.memref_slice %arg9[%add3A_8, %dma_start3A_44] : memref<51200x32xf32, #tpu.memory_space<vmem_shared>> -> memref<768x32xf32, #tpu.memory_space<vmem_shared>>
      %dma_start3A_46 = arith.constant 0 : i32
      %dma_start3A_47 = tpu.memref_slice %arg9[%add3A_8, %dma_start3A_46] : memref<51200x32xf32, #tpu.memory_space<vmem_shared>> -> memref<768x32xf32, #tpu.memory_space<vmem_shared>>
      %dma_start3A_48 = arith.constant 0 : i32
      %dma_start3A_49 = arith.constant 0 : i32
      %dma_start3A_50 = tpu.memref_slice %arg8[%dma_start3A_48, %dma_start3A_49] : memref<768x32xf32, #tpu.memory_space<vmem>> -> memref<768x32xf32, #tpu.memory_space<vmem>>
      tpu.enqueue_dma source(%dma_start3A_50 : memref<768x32xf32, #tpu.memory_space<vmem>>) target(%dma_start3A_47 : memref<768x32xf32, #tpu.memory_space<vmem_shared>>) target_semaphore(%run_scoped3A : memref<!tpu.dma_semaphore, #tpu.memory_space<semaphore_mem>>)
      %dma_wait3A = arith.constant 0 : i32
      %dma_wait3A_51 = arith.constant 0 : i32
      %dma_wait3A_52 = tpu.memref_slice %arg8[%dma_wait3A, %dma_wait3A_51] : memref<768x32xf32, #tpu.memory_space<vmem>> -> memref<768x32xf32, #tpu.memory_space<vmem>>
      %dma_wait3A_53 = arith.constant 0 : i32
      %dma_wait3A_54 = tpu.memref_slice %arg9[%add3A_8, %dma_wait3A_53] : memref<51200x32xf32, #tpu.memory_space<vmem_shared>> -> memref<768x32xf32, #tpu.memory_space<vmem_shared>>
      %dma_wait3A_55 = arith.constant 0 : i32
      %dma_wait3A_56 = tpu.memref_slice %arg9[%add3A_8, %dma_wait3A_55] : memref<51200x32xf32, #tpu.memory_space<vmem_shared>> -> memref<768x32xf32, #tpu.memory_space<vmem_shared>>
      %dma_wait3A_57 = arith.constant 0 : i32
      %dma_wait3A_58 = arith.constant 0 : i32
      %dma_wait3A_59 = tpu.memref_slice %arg8[%dma_wait3A_57, %dma_wait3A_58] : memref<768x32xf32, #tpu.memory_space<vmem>> -> memref<768x32xf32, #tpu.memory_space<vmem>>
      tpu.wait_dma2 semaphore(%run_scoped3A : memref<!tpu.dma_semaphore, #tpu.memory_space<semaphore_mem>>) src(%dma_wait3A_59 : memref<768x32xf32, #tpu.memory_space<vmem>>) dst(%dma_wait3A_56 : memref<768x32xf32, #tpu.memory_space<vmem_shared>>)
      tpu.yield
    }) : () -> ()
    %add3A_9 = arith.constant 1536 : i32
    %add3A_10 = arith.addi %mul3A_5, %add3A_9 : i32
    "tpu.region"() ({
      %run_scoped3A = tpu.sem_alloc : memref<!tpu.dma_semaphore, #tpu.memory_space<semaphore_mem>>
      %dma_start3A = arith.constant 0 : i32
      %dma_start3A_42 = arith.constant 0 : i32
      %dma_start3A_43 = tpu.memref_slice %arg8[%dma_start3A, %dma_start3A_42] : memref<768x32xf32, #tpu.memory_space<vmem>> -> memref<768x32xf32, #tpu.memory_space<vmem>>
      %dma_start3A_44 = arith.constant 0 : i32
      %dma_start3A_45 = tpu.memref_slice %arg9[%add3A_10, %dma_start3A_44] : memref<51200x32xf32, #tpu.memory_space<vmem_shared>> -> memref<768x32xf32, #tpu.memory_space<vmem_shared>>
      %dma_start3A_46 = arith.constant 0 : i32
      %dma_start3A_47 = tpu.memref_slice %arg9[%add3A_10, %dma_start3A_46] : memref<51200x32xf32, #tpu.memory_space<vmem_shared>> -> memref<768x32xf32, #tpu.memory_space<vmem_shared>>
      %dma_start3A_48 = arith.constant 0 : i32
      %dma_start3A_49 = arith.constant 0 : i32
      %dma_start3A_50 = tpu.memref_slice %arg8[%dma_start3A_48, %dma_start3A_49] : memref<768x32xf32, #tpu.memory_space<vmem>> -> memref<768x32xf32, #tpu.memory_space<vmem>>
      tpu.enqueue_dma source(%dma_start3A_50 : memref<768x32xf32, #tpu.memory_space<vmem>>) target(%dma_start3A_47 : memref<768x32xf32, #tpu.memory_space<vmem_shared>>) target_semaphore(%run_scoped3A : memref<!tpu.dma_semaphore, #tpu.memory_space<semaphore_mem>>)
      %dma_wait3A = arith.constant 0 : i32
      %dma_wait3A_51 = arith.constant 0 : i32
      %dma_wait3A_52 = tpu.memref_slice %arg8[%dma_wait3A, %dma_wait3A_51] : memref<768x32xf32, #tpu.memory_space<vmem>> -> memref<768x32xf32, #tpu.memory_space<vmem>>
      %dma_wait3A_53 = arith.constant 0 : i32
      %dma_wait3A_54 = tpu.memref_slice %arg9[%add3A_10, %dma_wait3A_53] : memref<51200x32xf32, #tpu.memory_space<vmem_shared>> -> memref<768x32xf32, #tpu.memory_space<vmem_shared>>
      %dma_wait3A_55 = arith.constant 0 : i32
      %dma_wait3A_56 = tpu.memref_slice %arg9[%add3A_10, %dma_wait3A_55] : memref<51200x32xf32, #tpu.memory_space<vmem_shared>> -> memref<768x32xf32, #tpu.memory_space<vmem_shared>>
      %dma_wait3A_57 = arith.constant 0 : i32
      %dma_wait3A_58 = arith.constant 0 : i32
      %dma_wait3A_59 = tpu.memref_slice %arg8[%dma_wait3A_57, %dma_wait3A_58] : memref<768x32xf32, #tpu.memory_space<vmem>> -> memref<768x32xf32, #tpu.memory_space<vmem>>
      tpu.wait_dma2 semaphore(%run_scoped3A : memref<!tpu.dma_semaphore, #tpu.memory_space<semaphore_mem>>) src(%dma_wait3A_59 : memref<768x32xf32, #tpu.memory_space<vmem>>) dst(%dma_wait3A_56 : memref<768x32xf32, #tpu.memory_space<vmem_shared>>)
      tpu.yield
    }) : () -> ()
    %add3A_11 = arith.constant 2304 : i32
    %add3A_12 = arith.addi %mul3A_5, %add3A_11 : i32
    "tpu.region"() ({
      %run_scoped3A = tpu.sem_alloc : memref<!tpu.dma_semaphore, #tpu.memory_space<semaphore_mem>>
      %dma_start3A = arith.constant 0 : i32
      %dma_start3A_42 = arith.constant 0 : i32
      %dma_start3A_43 = tpu.memref_slice %arg8[%dma_start3A, %dma_start3A_42] : memref<768x32xf32, #tpu.memory_space<vmem>> -> memref<768x32xf32, #tpu.memory_space<vmem>>
      %dma_start3A_44 = arith.constant 0 : i32
      %dma_start3A_45 = tpu.memref_slice %arg9[%add3A_12, %dma_start3A_44] : memref<51200x32xf32, #tpu.memory_space<vmem_shared>> -> memref<768x32xf32, #tpu.memory_space<vmem_shared>>
      %dma_start3A_46 = arith.constant 0 : i32
      %dma_start3A_47 = tpu.memref_slice %arg9[%add3A_12, %dma_start3A_46] : memref<51200x32xf32, #tpu.memory_space<vmem_shared>> -> memref<768x32xf32, #tpu.memory_space<vmem_shared>>
      %dma_start3A_48 = arith.constant 0 : i32
      %dma_start3A_49 = arith.constant 0 : i32
      %dma_start3A_50 = tpu.memref_slice %arg8[%dma_start3A_48, %dma_start3A_49] : memref<768x32xf32, #tpu.memory_space<vmem>> -> memref<768x32xf32, #tpu.memory_space<vmem>>
      tpu.enqueue_dma source(%dma_start3A_50 : memref<768x32xf32, #tpu.memory_space<vmem>>) target(%dma_start3A_47 : memref<768x32xf32, #tpu.memory_space<vmem_shared>>) target_semaphore(%run_scoped3A : memref<!tpu.dma_semaphore, #tpu.memory_space<semaphore_mem>>)
      %dma_wait3A = arith.constant 0 : i32
      %dma_wait3A_51 = arith.constant 0 : i32
      %dma_wait3A_52 = tpu.memref_slice %arg8[%dma_wait3A, %dma_wait3A_51] : memref<768x32xf32, #tpu.memory_space<vmem>> -> memref<768x32xf32, #tpu.memory_space<vmem>>
      %dma_wait3A_53 = arith.constant 0 : i32
      %dma_wait3A_54 = tpu.memref_slice %arg9[%add3A_12, %dma_wait3A_53] : memref<51200x32xf32, #tpu.memory_space<vmem_shared>> -> memref<768x32xf32, #tpu.memory_space<vmem_shared>>
      %dma_wait3A_55 = arith.constant 0 : i32
      %dma_wait3A_56 = tpu.memref_slice %arg9[%add3A_12, %dma_wait3A_55] : memref<51200x32xf32, #tpu.memory_space<vmem_shared>> -> memref<768x32xf32, #tpu.memory_space<vmem_shared>>
      %dma_wait3A_57 = arith.constant 0 : i32
      %dma_wait3A_58 = arith.constant 0 : i32
      %dma_wait3A_59 = tpu.memref_slice %arg8[%dma_wait3A_57, %dma_wait3A_58] : memref<768x32xf32, #tpu.memory_space<vmem>> -> memref<768x32xf32, #tpu.memory_space<vmem>>
      tpu.wait_dma2 semaphore(%run_scoped3A : memref<!tpu.dma_semaphore, #tpu.memory_space<semaphore_mem>>) src(%dma_wait3A_59 : memref<768x32xf32, #tpu.memory_space<vmem>>) dst(%dma_wait3A_56 : memref<768x32xf32, #tpu.memory_space<vmem_shared>>)
      tpu.yield
    }) : () -> ()
    %add3A_13 = arith.constant 3072 : i32
    %add3A_14 = arith.addi %mul3A_5, %add3A_13 : i32
    "tpu.region"() ({
      %run_scoped3A = tpu.sem_alloc : memref<!tpu.dma_semaphore, #tpu.memory_space<semaphore_mem>>
      %dma_start3A = arith.constant 0 : i32
      %dma_start3A_42 = arith.constant 0 : i32
      %dma_start3A_43 = tpu.memref_slice %arg8[%dma_start3A, %dma_start3A_42] : memref<768x32xf32, #tpu.memory_space<vmem>> -> memref<128x32xf32, #tpu.memory_space<vmem>>
      %dma_start3A_44 = arith.constant 0 : i32
      %dma_start3A_45 = tpu.memref_slice %arg9[%add3A_14, %dma_start3A_44] : memref<51200x32xf32, #tpu.memory_space<vmem_shared>> -> memref<128x32xf32, #tpu.memory_space<vmem_shared>>
      %dma_start3A_46 = arith.constant 0 : i32
      %dma_start3A_47 = tpu.memref_slice %arg9[%add3A_14, %dma_start3A_46] : memref<51200x32xf32, #tpu.memory_space<vmem_shared>> -> memref<128x32xf32, #tpu.memory_space<vmem_shared>>
      %dma_start3A_48 = arith.constant 0 : i32
      %dma_start3A_49 = arith.constant 0 : i32
      %dma_start3A_50 = tpu.memref_slice %arg8[%dma_start3A_48, %dma_start3A_49] : memref<768x32xf32, #tpu.memory_space<vmem>> -> memref<128x32xf32, #tpu.memory_space<vmem>>
      tpu.enqueue_dma source(%dma_start3A_50 : memref<128x32xf32, #tpu.memory_space<vmem>>) target(%dma_start3A_47 : memref<128x32xf32, #tpu.memory_space<vmem_shared>>) target_semaphore(%run_scoped3A : memref<!tpu.dma_semaphore, #tpu.memory_space<semaphore_mem>>)
      %dma_wait3A = arith.constant 0 : i32
      %dma_wait3A_51 = arith.constant 0 : i32
      %dma_wait3A_52 = tpu.memref_slice %arg8[%dma_wait3A, %dma_wait3A_51] : memref<768x32xf32, #tpu.memory_space<vmem>> -> memref<128x32xf32, #tpu.memory_space<vmem>>
      %dma_wait3A_53 = arith.constant 0 : i32
      %dma_wait3A_54 = tpu.memref_slice %arg9[%add3A_14, %dma_wait3A_53] : memref<51200x32xf32, #tpu.memory_space<vmem_shared>> -> memref<128x32xf32, #tpu.memory_space<vmem_shared>>
      %dma_wait3A_55 = arith.constant 0 : i32
      %dma_wait3A_56 = tpu.memref_slice %arg9[%add3A_14, %dma_wait3A_55] : memref<51200x32xf32, #tpu.memory_space<vmem_shared>> -> memref<128x32xf32, #tpu.memory_space<vmem_shared>>
      %dma_wait3A_57 = arith.constant 0 : i32
      %dma_wait3A_58 = arith.constant 0 : i32
      %dma_wait3A_59 = tpu.memref_slice %arg8[%dma_wait3A_57, %dma_wait3A_58] : memref<768x32xf32, #tpu.memory_space<vmem>> -> memref<128x32xf32, #tpu.memory_space<vmem>>
      tpu.wait_dma2 semaphore(%run_scoped3A : memref<!tpu.dma_semaphore, #tpu.memory_space<semaphore_mem>>) src(%dma_wait3A_59 : memref<128x32xf32, #tpu.memory_space<vmem>>) dst(%dma_wait3A_56 : memref<128x32xf32, #tpu.memory_space<vmem_shared>>)
      tpu.yield
    }) : () -> ()
    %barrier3A = arith.constant 0 : index
    tpu.barrier barrier_id(%barrier3A)
    %scan3A_15 = arith.constant 0 : i32
    %scan3A_16 = arith.constant 0 : i32
    %scan3A_17 = arith.constant 66 : i32
    %scan3A_18 = arith.addi %scan3A_16, %scan3A_17 : i32
    %scan3A_19 = arith.constant 1 : i32
    scf.for %scan3A_42 = %scan3A_16 to %scan3A_18 step %scan3A_19  : i32 {
      %mul3A_43 = arith.constant 396 : i32
      %mul3A_44 = arith.muli %arg1, %mul3A_43 : i32
      %mul3A_45 = arith.constant 6 : i32
      %mul3A_46 = arith.muli %scan3A_42, %mul3A_45 : i32
      %add3A_47 = arith.addi %mul3A_44, %mul3A_46 : i32
      "tpu.region"() ({
        %run_scoped3A = tpu.sem_alloc : memref<!tpu.dma_semaphore, #tpu.memory_space<semaphore_mem>>
        %dma_start3A_286 = arith.constant 0 : i32
        %dma_start3A_287 = arith.constant 0 : i32
        %dma_start3A_288 = tpu.memref_slice %arg3[%arg0, %dma_start3A_286, %dma_start3A_287] : memref<2x6336x128xi32, #tpu.memory_space<hbm>> -> memref<1x6336x128xi32, #tpu.memory_space<hbm>>
        %dma_start3A_289 = tpu.memref_squeeze %dma_start3A_288 : memref<1x6336x128xi32, #tpu.memory_space<hbm>> -> memref<6336x128xi32, #tpu.memory_space<hbm>>
        %dma_start3A_290 = arith.constant 0 : i32
        %dma_start3A_291 = tpu.memref_slice %dma_start3A_289[%add3A_47, %dma_start3A_290] : memref<6336x128xi32, #tpu.memory_space<hbm>> -> memref<6x128xi32, #tpu.memory_space<hbm>>
        %dma_start3A_292 = arith.constant 0 : i32
        %dma_start3A_293 = arith.constant 0 : i32
        %dma_start3A_294 = tpu.memref_slice %arg3[%arg0, %dma_start3A_292, %dma_start3A_293] : memref<2x6336x128xi32, #tpu.memory_space<hbm>> -> memref<1x6336x128xi32, #tpu.memory_space<hbm>>
        %dma_start3A_295 = tpu.memref_squeeze %dma_start3A_294 : memref<1x6336x128xi32, #tpu.memory_space<hbm>> -> memref<6336x128xi32, #tpu.memory_space<hbm>>
        %dma_start3A_296 = arith.constant 0 : i32
        %dma_start3A_297 = tpu.memref_slice %dma_start3A_295[%add3A_47, %dma_start3A_296] : memref<6336x128xi32, #tpu.memory_space<hbm>> -> memref<6x128xi32, #tpu.memory_space<hbm>>
        tpu.enqueue_dma source(%dma_start3A_297 : memref<6x128xi32, #tpu.memory_space<hbm>>) target(%arg6 : memref<6x128xi32, #tpu.memory_space<vmem>>) target_semaphore(%run_scoped3A : memref<!tpu.dma_semaphore, #tpu.memory_space<semaphore_mem>>)
        %dma_wait3A_298 = arith.constant 0 : i32
        %dma_wait3A_299 = arith.constant 0 : i32
        %dma_wait3A_300 = tpu.memref_slice %arg3[%arg0, %dma_wait3A_298, %dma_wait3A_299] : memref<2x6336x128xi32, #tpu.memory_space<hbm>> -> memref<1x6336x128xi32, #tpu.memory_space<hbm>>
        %dma_wait3A_301 = tpu.memref_squeeze %dma_wait3A_300 : memref<1x6336x128xi32, #tpu.memory_space<hbm>> -> memref<6336x128xi32, #tpu.memory_space<hbm>>
        %dma_wait3A_302 = arith.constant 0 : i32
        %dma_wait3A_303 = tpu.memref_slice %dma_wait3A_301[%add3A_47, %dma_wait3A_302] : memref<6336x128xi32, #tpu.memory_space<hbm>> -> memref<6x128xi32, #tpu.memory_space<hbm>>
        %dma_wait3A_304 = arith.constant 0 : i32
        %dma_wait3A_305 = arith.constant 0 : i32
        %dma_wait3A_306 = tpu.memref_slice %arg3[%arg0, %dma_wait3A_304, %dma_wait3A_305] : memref<2x6336x128xi32, #tpu.memory_space<hbm>> -> memref<1x6336x128xi32, #tpu.memory_space<hbm>>
        %dma_wait3A_307 = tpu.memref_squeeze %dma_wait3A_306 : memref<1x6336x128xi32, #tpu.memory_space<hbm>> -> memref<6336x128xi32, #tpu.memory_space<hbm>>
        %dma_wait3A_308 = arith.constant 0 : i32
        %dma_wait3A_309 = tpu.memref_slice %dma_wait3A_307[%add3A_47, %dma_wait3A_308] : memref<6336x128xi32, #tpu.memory_space<hbm>> -> memref<6x128xi32, #tpu.memory_space<hbm>>
        tpu.wait_dma2 semaphore(%run_scoped3A : memref<!tpu.dma_semaphore, #tpu.memory_space<semaphore_mem>>) src(%dma_wait3A_309 : memref<6x128xi32, #tpu.memory_space<hbm>>) dst(%arg6 : memref<6x128xi32, #tpu.memory_space<vmem>>)
        tpu.yield
      }) : () -> ()
      "tpu.region"() ({
        %run_scoped3A = tpu.sem_alloc : memref<!tpu.dma_semaphore, #tpu.memory_space<semaphore_mem>>
        %dma_start3A_286 = arith.constant 0 : i32
        %dma_start3A_287 = tpu.memref_slice %arg4[%add3A_47, %dma_start3A_286] : memref<6336x128xi32, #tpu.memory_space<hbm>> -> memref<6x128xi32, #tpu.memory_space<hbm>>
        %dma_start3A_288 = arith.constant 0 : i32
        %dma_start3A_289 = tpu.memref_slice %arg4[%add3A_47, %dma_start3A_288] : memref<6336x128xi32, #tpu.memory_space<hbm>> -> memref<6x128xi32, #tpu.memory_space<hbm>>
        tpu.enqueue_dma source(%dma_start3A_289 : memref<6x128xi32, #tpu.memory_space<hbm>>) target(%arg7 : memref<6x128xi32, #tpu.memory_space<vmem>>) target_semaphore(%run_scoped3A : memref<!tpu.dma_semaphore, #tpu.memory_space<semaphore_mem>>)
        %dma_wait3A_290 = arith.constant 0 : i32
        %dma_wait3A_291 = tpu.memref_slice %arg4[%add3A_47, %dma_wait3A_290] : memref<6336x128xi32, #tpu.memory_space<hbm>> -> memref<6x128xi32, #tpu.memory_space<hbm>>
        %dma_wait3A_292 = arith.constant 0 : i32
        %dma_wait3A_293 = tpu.memref_slice %arg4[%add3A_47, %dma_wait3A_292] : memref<6336x128xi32, #tpu.memory_space<hbm>> -> memref<6x128xi32, #tpu.memory_space<hbm>>
        tpu.wait_dma2 semaphore(%run_scoped3A : memref<!tpu.dma_semaphore, #tpu.memory_space<semaphore_mem>>) src(%dma_wait3A_293 : memref<6x128xi32, #tpu.memory_space<hbm>>) dst(%arg7 : memref<6x128xi32, #tpu.memory_space<vmem>>)
        tpu.yield
      }) : () -> ()
      %dma_start3A = arith.constant 0 : i32
      %dma_start3A_48 = arith.constant 0 : i32
      %dma_start3A_49 = arith.constant 0 : i32
      %dma_start3A_50 = tpu.memref_slice %arg8[%dma_start3A_48, %dma_start3A_49] : memref<768x32xf32, #tpu.memory_space<vmem>> -> memref<128x32xf32, #tpu.memory_space<vmem>>
      %dma_start3A_51 = arith.constant 0 : i32
      %dma_start3A_52 = tpu.memref_slice %arg6[%dma_start3A, %dma_start3A_51] : memref<6x128xi32, #tpu.memory_space<vmem>> -> memref<1x128xi32, #tpu.memory_space<vmem>>
      %dma_start3A_53 = tpu.memref_squeeze %dma_start3A_52 : memref<1x128xi32, #tpu.memory_space<vmem>> -> memref<128xi32, #tpu.memory_space<vmem>>
      %dma_start3A_54 = arith.constant 0 : i32
      %dma_start3A_55 = arith.constant 0 : i32
      %dma_start3A_56 = tpu.memref_slice %arg2[%dma_start3A_54, %dma_start3A_55] : memref<100000x32xf32, #tpu.memory_space<hbm>> -> memref<100000x32xf32, #tpu.memory_space<hbm>>
      tpu.enqueue_indirect_dma source(%dma_start3A_56 : memref<100000x32xf32, #tpu.memory_space<hbm>>) target(%dma_start3A_50 : memref<128x32xf32, #tpu.memory_space<vmem>>) offsets(%dma_start3A_53 : memref<128xi32, #tpu.memory_space<vmem>>) semaphore(%arg10 : memref<!tpu.dma_semaphore, #tpu.memory_space<semaphore_mem>>)
      %dma_start3A_57 = arith.constant 1 : i32
      %dma_start3A_58 = arith.constant 128 : i32
      %dma_start3A_59 = arith.constant 0 : i32
      %dma_start3A_60 = tpu.memref_slice %arg8[%dma_start3A_58, %dma_start3A_59] : memref<768x32xf32, #tpu.memory_space<vmem>> -> memref<128x32xf32, #tpu.memory_space<vmem>>
      %dma_start3A_61 = arith.constant 0 : i32
      %dma_start3A_62 = tpu.memref_slice %arg6[%dma_start3A_57, %dma_start3A_61] : memref<6x128xi32, #tpu.memory_space<vmem>> -> memref<1x128xi32, #tpu.memory_space<vmem>>
      %dma_start3A_63 = tpu.memref_squeeze %dma_start3A_62 : memref<1x128xi32, #tpu.memory_space<vmem>> -> memref<128xi32, #tpu.memory_space<vmem>>
      %dma_start3A_64 = arith.constant 0 : i32
      %dma_start3A_65 = arith.constant 0 : i32
      %dma_start3A_66 = tpu.memref_slice %arg2[%dma_start3A_64, %dma_start3A_65] : memref<100000x32xf32, #tpu.memory_space<hbm>> -> memref<100000x32xf32, #tpu.memory_space<hbm>>
      tpu.enqueue_indirect_dma source(%dma_start3A_66 : memref<100000x32xf32, #tpu.memory_space<hbm>>) target(%dma_start3A_60 : memref<128x32xf32, #tpu.memory_space<vmem>>) offsets(%dma_start3A_63 : memref<128xi32, #tpu.memory_space<vmem>>) semaphore(%arg10 : memref<!tpu.dma_semaphore, #tpu.memory_space<semaphore_mem>>)
      %dma_start3A_67 = arith.constant 2 : i32
      %dma_start3A_68 = arith.constant 256 : i32
      %dma_start3A_69 = arith.constant 0 : i32
      %dma_start3A_70 = tpu.memref_slice %arg8[%dma_start3A_68, %dma_start3A_69] : memref<768x32xf32, #tpu.memory_space<vmem>> -> memref<128x32xf32, #tpu.memory_space<vmem>>
      %dma_start3A_71 = arith.constant 0 : i32
      %dma_start3A_72 = tpu.memref_slice %arg6[%dma_start3A_67, %dma_start3A_71] : memref<6x128xi32, #tpu.memory_space<vmem>> -> memref<1x128xi32, #tpu.memory_space<vmem>>
      %dma_start3A_73 = tpu.memref_squeeze %dma_start3A_72 : memref<1x128xi32, #tpu.memory_space<vmem>> -> memref<128xi32, #tpu.memory_space<vmem>>
      %dma_start3A_74 = arith.constant 0 : i32
      %dma_start3A_75 = arith.constant 0 : i32
      %dma_start3A_76 = tpu.memref_slice %arg2[%dma_start3A_74, %dma_start3A_75] : memref<100000x32xf32, #tpu.memory_space<hbm>> -> memref<100000x32xf32, #tpu.memory_space<hbm>>
      tpu.enqueue_indirect_dma source(%dma_start3A_76 : memref<100000x32xf32, #tpu.memory_space<hbm>>) target(%dma_start3A_70 : memref<128x32xf32, #tpu.memory_space<vmem>>) offsets(%dma_start3A_73 : memref<128xi32, #tpu.memory_space<vmem>>) semaphore(%arg10 : memref<!tpu.dma_semaphore, #tpu.memory_space<semaphore_mem>>)
      %dma_start3A_77 = arith.constant 3 : i32
      %dma_start3A_78 = arith.constant 384 : i32
      %dma_start3A_79 = arith.constant 0 : i32
      %dma_start3A_80 = tpu.memref_slice %arg8[%dma_start3A_78, %dma_start3A_79] : memref<768x32xf32, #tpu.memory_space<vmem>> -> memref<128x32xf32, #tpu.memory_space<vmem>>
      %dma_start3A_81 = arith.constant 0 : i32
      %dma_start3A_82 = tpu.memref_slice %arg6[%dma_start3A_77, %dma_start3A_81] : memref<6x128xi32, #tpu.memory_space<vmem>> -> memref<1x128xi32, #tpu.memory_space<vmem>>
      %dma_start3A_83 = tpu.memref_squeeze %dma_start3A_82 : memref<1x128xi32, #tpu.memory_space<vmem>> -> memref<128xi32, #tpu.memory_space<vmem>>
      %dma_start3A_84 = arith.constant 0 : i32
      %dma_start3A_85 = arith.constant 0 : i32
      %dma_start3A_86 = tpu.memref_slice %arg2[%dma_start3A_84, %dma_start3A_85] : memref<100000x32xf32, #tpu.memory_space<hbm>> -> memref<100000x32xf32, #tpu.memory_space<hbm>>
      tpu.enqueue_indirect_dma source(%dma_start3A_86 : memref<100000x32xf32, #tpu.memory_space<hbm>>) target(%dma_start3A_80 : memref<128x32xf32, #tpu.memory_space<vmem>>) offsets(%dma_start3A_83 : memref<128xi32, #tpu.memory_space<vmem>>) semaphore(%arg10 : memref<!tpu.dma_semaphore, #tpu.memory_space<semaphore_mem>>)
      %dma_start3A_87 = arith.constant 4 : i32
      %dma_start3A_88 = arith.constant 512 : i32
      %dma_start3A_89 = arith.constant 0 : i32
      %dma_start3A_90 = tpu.memref_slice %arg8[%dma_start3A_88, %dma_start3A_89] : memref<768x32xf32, #tpu.memory_space<vmem>> -> memref<128x32xf32, #tpu.memory_space<vmem>>
      %dma_start3A_91 = arith.constant 0 : i32
      %dma_start3A_92 = tpu.memref_slice %arg6[%dma_start3A_87, %dma_start3A_91] : memref<6x128xi32, #tpu.memory_space<vmem>> -> memref<1x128xi32, #tpu.memory_space<vmem>>
      %dma_start3A_93 = tpu.memref_squeeze %dma_start3A_92 : memref<1x128xi32, #tpu.memory_space<vmem>> -> memref<128xi32, #tpu.memory_space<vmem>>
      %dma_start3A_94 = arith.constant 0 : i32
      %dma_start3A_95 = arith.constant 0 : i32
      %dma_start3A_96 = tpu.memref_slice %arg2[%dma_start3A_94, %dma_start3A_95] : memref<100000x32xf32, #tpu.memory_space<hbm>> -> memref<100000x32xf32, #tpu.memory_space<hbm>>
      tpu.enqueue_indirect_dma source(%dma_start3A_96 : memref<100000x32xf32, #tpu.memory_space<hbm>>) target(%dma_start3A_90 : memref<128x32xf32, #tpu.memory_space<vmem>>) offsets(%dma_start3A_93 : memref<128xi32, #tpu.memory_space<vmem>>) semaphore(%arg10 : memref<!tpu.dma_semaphore, #tpu.memory_space<semaphore_mem>>)
      %dma_start3A_97 = arith.constant 5 : i32
      %dma_start3A_98 = arith.constant 640 : i32
      %dma_start3A_99 = arith.constant 0 : i32
      %dma_start3A_100 = tpu.memref_slice %arg8[%dma_start3A_98, %dma_start3A_99] : memref<768x32xf32, #tpu.memory_space<vmem>> -> memref<128x32xf32, #tpu.memory_space<vmem>>
      %dma_start3A_101 = arith.constant 0 : i32
      %dma_start3A_102 = tpu.memref_slice %arg6[%dma_start3A_97, %dma_start3A_101] : memref<6x128xi32, #tpu.memory_space<vmem>> -> memref<1x128xi32, #tpu.memory_space<vmem>>
      %dma_start3A_103 = tpu.memref_squeeze %dma_start3A_102 : memref<1x128xi32, #tpu.memory_space<vmem>> -> memref<128xi32, #tpu.memory_space<vmem>>
      %dma_start3A_104 = arith.constant 0 : i32
      %dma_start3A_105 = arith.constant 0 : i32
      %dma_start3A_106 = tpu.memref_slice %arg2[%dma_start3A_104, %dma_start3A_105] : memref<100000x32xf32, #tpu.memory_space<hbm>> -> memref<100000x32xf32, #tpu.memory_space<hbm>>
      tpu.enqueue_indirect_dma source(%dma_start3A_106 : memref<100000x32xf32, #tpu.memory_space<hbm>>) target(%dma_start3A_100 : memref<128x32xf32, #tpu.memory_space<vmem>>) offsets(%dma_start3A_103 : memref<128xi32, #tpu.memory_space<vmem>>) semaphore(%arg10 : memref<!tpu.dma_semaphore, #tpu.memory_space<semaphore_mem>>)
      %dma_wait3A = arith.constant 0 : i32
      %dma_wait3A_107 = arith.constant 0 : i32
      %dma_wait3A_108 = arith.constant 0 : i32
      %dma_wait3A_109 = tpu.memref_slice %arg8[%dma_wait3A_107, %dma_wait3A_108] : memref<768x32xf32, #tpu.memory_space<vmem>> -> memref<128x32xf32, #tpu.memory_space<vmem>>
      %dma_wait3A_110 = arith.constant 0 : i32
      %dma_wait3A_111 = tpu.memref_slice %arg6[%dma_wait3A, %dma_wait3A_110] : memref<6x128xi32, #tpu.memory_space<vmem>> -> memref<1x128xi32, #tpu.memory_space<vmem>>
      %dma_wait3A_112 = tpu.memref_squeeze %dma_wait3A_111 : memref<1x128xi32, #tpu.memory_space<vmem>> -> memref<128xi32, #tpu.memory_space<vmem>>
      %dma_wait3A_113 = arith.constant 0 : i32
      %dma_wait3A_114 = arith.constant 0 : i32
      %dma_wait3A_115 = tpu.memref_slice %arg2[%dma_wait3A_113, %dma_wait3A_114] : memref<100000x32xf32, #tpu.memory_space<hbm>> -> memref<100000x32xf32, #tpu.memory_space<hbm>>
      tpu.wait_indirect_dma semaphore(%arg10 : memref<!tpu.dma_semaphore, #tpu.memory_space<semaphore_mem>>) src(%dma_wait3A_115 : memref<100000x32xf32, #tpu.memory_space<hbm>>) dst(%dma_wait3A_109 : memref<128x32xf32, #tpu.memory_space<vmem>>)
      %dma_start3A_116 = arith.constant 0 : i32
      %dma_start3A_117 = arith.constant 0 : i32
      %dma_start3A_118 = arith.constant 0 : i32
      %dma_start3A_119 = tpu.memref_slice %arg8[%dma_start3A_117, %dma_start3A_118] : memref<768x32xf32, #tpu.memory_space<vmem>> -> memref<128x32xf32, #tpu.memory_space<vmem>>
      %dma_start3A_120 = arith.constant 0 : i32
      %dma_start3A_121 = tpu.memref_slice %arg7[%dma_start3A_116, %dma_start3A_120] : memref<6x128xi32, #tpu.memory_space<vmem>> -> memref<1x128xi32, #tpu.memory_space<vmem>>
      %dma_start3A_122 = tpu.memref_squeeze %dma_start3A_121 : memref<1x128xi32, #tpu.memory_space<vmem>> -> memref<128xi32, #tpu.memory_space<vmem>>
      %dma_start3A_123 = arith.constant 0 : i32
      %dma_start3A_124 = arith.constant 0 : i32
      %dma_start3A_125 = tpu.memref_slice %arg9[%dma_start3A_123, %dma_start3A_124] : memref<51200x32xf32, #tpu.memory_space<vmem_shared>> -> memref<51200x32xf32, #tpu.memory_space<vmem_shared>>
      tpu.enqueue_indirect_dma source(%dma_start3A_119 : memref<128x32xf32, #tpu.memory_space<vmem>>) target(%dma_start3A_125 : memref<51200x32xf32, #tpu.memory_space<vmem_shared>>) offsets(%dma_start3A_122 : memref<128xi32, #tpu.memory_space<vmem>>) semaphore(%arg11 : memref<!tpu.dma_semaphore, #tpu.memory_space<semaphore_mem>>) {add = true}
      %dma_wait3A_126 = arith.constant 1 : i32
      %dma_wait3A_127 = arith.constant 128 : i32
      %dma_wait3A_128 = arith.constant 0 : i32
      %dma_wait3A_129 = tpu.memref_slice %arg8[%dma_wait3A_127, %dma_wait3A_128] : memref<768x32xf32, #tpu.memory_space<vmem>> -> memref<128x32xf32, #tpu.memory_space<vmem>>
      %dma_wait3A_130 = arith.constant 0 : i32
      %dma_wait3A_131 = tpu.memref_slice %arg6[%dma_wait3A_126, %dma_wait3A_130] : memref<6x128xi32, #tpu.memory_space<vmem>> -> memref<1x128xi32, #tpu.memory_space<vmem>>
      %dma_wait3A_132 = tpu.memref_squeeze %dma_wait3A_131 : memref<1x128xi32, #tpu.memory_space<vmem>> -> memref<128xi32, #tpu.memory_space<vmem>>
      %dma_wait3A_133 = arith.constant 0 : i32
      %dma_wait3A_134 = arith.constant 0 : i32
      %dma_wait3A_135 = tpu.memref_slice %arg2[%dma_wait3A_133, %dma_wait3A_134] : memref<100000x32xf32, #tpu.memory_space<hbm>> -> memref<100000x32xf32, #tpu.memory_space<hbm>>
      tpu.wait_indirect_dma semaphore(%arg10 : memref<!tpu.dma_semaphore, #tpu.memory_space<semaphore_mem>>) src(%dma_wait3A_135 : memref<100000x32xf32, #tpu.memory_space<hbm>>) dst(%dma_wait3A_129 : memref<128x32xf32, #tpu.memory_space<vmem>>)
      %dma_start3A_136 = arith.constant 1 : i32
      %dma_start3A_137 = arith.constant 128 : i32
      %dma_start3A_138 = arith.constant 0 : i32
      %dma_start3A_139 = tpu.memref_slice %arg8[%dma_start3A_137, %dma_start3A_138] : memref<768x32xf32, #tpu.memory_space<vmem>> -> memref<128x32xf32, #tpu.memory_space<vmem>>
      %dma_start3A_140 = arith.constant 0 : i32
      %dma_start3A_141 = tpu.memref_slice %arg7[%dma_start3A_136, %dma_start3A_140] : memref<6x128xi32, #tpu.memory_space<vmem>> -> memref<1x128xi32, #tpu.memory_space<vmem>>
      %dma_start3A_142 = tpu.memref_squeeze %dma_start3A_141 : memref<1x128xi32, #tpu.memory_space<vmem>> -> memref<128xi32, #tpu.memory_space<vmem>>
      %dma_start3A_143 = arith.constant 0 : i32
      %dma_start3A_144 = arith.constant 0 : i32
      %dma_start3A_145 = tpu.memref_slice %arg9[%dma_start3A_143, %dma_start3A_144] : memref<51200x32xf32, #tpu.memory_space<vmem_shared>> -> memref<51200x32xf32, #tpu.memory_space<vmem_shared>>
      tpu.enqueue_indirect_dma source(%dma_start3A_139 : memref<128x32xf32, #tpu.memory_space<vmem>>) target(%dma_start3A_145 : memref<51200x32xf32, #tpu.memory_space<vmem_shared>>) offsets(%dma_start3A_142 : memref<128xi32, #tpu.memory_space<vmem>>) semaphore(%arg11 : memref<!tpu.dma_semaphore, #tpu.memory_space<semaphore_mem>>) {add = true}
      %dma_wait3A_146 = arith.constant 2 : i32
      %dma_wait3A_147 = arith.constant 256 : i32
      %dma_wait3A_148 = arith.constant 0 : i32
      %dma_wait3A_149 = tpu.memref_slice %arg8[%dma_wait3A_147, %dma_wait3A_148] : memref<768x32xf32, #tpu.memory_space<vmem>> -> memref<128x32xf32, #tpu.memory_space<vmem>>
      %dma_wait3A_150 = arith.constant 0 : i32
      %dma_wait3A_151 = tpu.memref_slice %arg6[%dma_wait3A_146, %dma_wait3A_150] : memref<6x128xi32, #tpu.memory_space<vmem>> -> memref<1x128xi32, #tpu.memory_space<vmem>>
      %dma_wait3A_152 = tpu.memref_squeeze %dma_wait3A_151 : memref<1x128xi32, #tpu.memory_space<vmem>> -> memref<128xi32, #tpu.memory_space<vmem>>
      %dma_wait3A_153 = arith.constant 0 : i32
      %dma_wait3A_154 = arith.constant 0 : i32
      %dma_wait3A_155 = tpu.memref_slice %arg2[%dma_wait3A_153, %dma_wait3A_154] : memref<100000x32xf32, #tpu.memory_space<hbm>> -> memref<100000x32xf32, #tpu.memory_space<hbm>>
      tpu.wait_indirect_dma semaphore(%arg10 : memref<!tpu.dma_semaphore, #tpu.memory_space<semaphore_mem>>) src(%dma_wait3A_155 : memref<100000x32xf32, #tpu.memory_space<hbm>>) dst(%dma_wait3A_149 : memref<128x32xf32, #tpu.memory_space<vmem>>)
      %dma_start3A_156 = arith.constant 2 : i32
      %dma_start3A_157 = arith.constant 256 : i32
      %dma_start3A_158 = arith.constant 0 : i32
      %dma_start3A_159 = tpu.memref_slice %arg8[%dma_start3A_157, %dma_start3A_158] : memref<768x32xf32, #tpu.memory_space<vmem>> -> memref<128x32xf32, #tpu.memory_space<vmem>>
      %dma_start3A_160 = arith.constant 0 : i32
      %dma_start3A_161 = tpu.memref_slice %arg7[%dma_start3A_156, %dma_start3A_160] : memref<6x128xi32, #tpu.memory_space<vmem>> -> memref<1x128xi32, #tpu.memory_space<vmem>>
      %dma_start3A_162 = tpu.memref_squeeze %dma_start3A_161 : memref<1x128xi32, #tpu.memory_space<vmem>> -> memref<128xi32, #tpu.memory_space<vmem>>
      %dma_start3A_163 = arith.constant 0 : i32
      %dma_start3A_164 = arith.constant 0 : i32
      %dma_start3A_165 = tpu.memref_slice %arg9[%dma_start3A_163, %dma_start3A_164] : memref<51200x32xf32, #tpu.memory_space<vmem_shared>> -> memref<51200x32xf32, #tpu.memory_space<vmem_shared>>
      tpu.enqueue_indirect_dma source(%dma_start3A_159 : memref<128x32xf32, #tpu.memory_space<vmem>>) target(%dma_start3A_165 : memref<51200x32xf32, #tpu.memory_space<vmem_shared>>) offsets(%dma_start3A_162 : memref<128xi32, #tpu.memory_space<vmem>>) semaphore(%arg11 : memref<!tpu.dma_semaphore, #tpu.memory_space<semaphore_mem>>) {add = true}
      %dma_wait3A_166 = arith.constant 3 : i32
      %dma_wait3A_167 = arith.constant 384 : i32
      %dma_wait3A_168 = arith.constant 0 : i32
      %dma_wait3A_169 = tpu.memref_slice %arg8[%dma_wait3A_167, %dma_wait3A_168] : memref<768x32xf32, #tpu.memory_space<vmem>> -> memref<128x32xf32, #tpu.memory_space<vmem>>
      %dma_wait3A_170 = arith.constant 0 : i32
      %dma_wait3A_171 = tpu.memref_slice %arg6[%dma_wait3A_166, %dma_wait3A_170] : memref<6x128xi32, #tpu.memory_space<vmem>> -> memref<1x128xi32, #tpu.memory_space<vmem>>
      %dma_wait3A_172 = tpu.memref_squeeze %dma_wait3A_171 : memref<1x128xi32, #tpu.memory_space<vmem>> -> memref<128xi32, #tpu.memory_space<vmem>>
      %dma_wait3A_173 = arith.constant 0 : i32
      %dma_wait3A_174 = arith.constant 0 : i32
      %dma_wait3A_175 = tpu.memref_slice %arg2[%dma_wait3A_173, %dma_wait3A_174] : memref<100000x32xf32, #tpu.memory_space<hbm>> -> memref<100000x32xf32, #tpu.memory_space<hbm>>
      tpu.wait_indirect_dma semaphore(%arg10 : memref<!tpu.dma_semaphore, #tpu.memory_space<semaphore_mem>>) src(%dma_wait3A_175 : memref<100000x32xf32, #tpu.memory_space<hbm>>) dst(%dma_wait3A_169 : memref<128x32xf32, #tpu.memory_space<vmem>>)
      %dma_start3A_176 = arith.constant 3 : i32
      %dma_start3A_177 = arith.constant 384 : i32
      %dma_start3A_178 = arith.constant 0 : i32
      %dma_start3A_179 = tpu.memref_slice %arg8[%dma_start3A_177, %dma_start3A_178] : memref<768x32xf32, #tpu.memory_space<vmem>> -> memref<128x32xf32, #tpu.memory_space<vmem>>
      %dma_start3A_180 = arith.constant 0 : i32
      %dma_start3A_181 = tpu.memref_slice %arg7[%dma_start3A_176, %dma_start3A_180] : memref<6x128xi32, #tpu.memory_space<vmem>> -> memref<1x128xi32, #tpu.memory_space<vmem>>
      %dma_start3A_182 = tpu.memref_squeeze %dma_start3A_181 : memref<1x128xi32, #tpu.memory_space<vmem>> -> memref<128xi32, #tpu.memory_space<vmem>>
      %dma_start3A_183 = arith.constant 0 : i32
      %dma_start3A_184 = arith.constant 0 : i32
      %dma_start3A_185 = tpu.memref_slice %arg9[%dma_start3A_183, %dma_start3A_184] : memref<51200x32xf32, #tpu.memory_space<vmem_shared>> -> memref<51200x32xf32, #tpu.memory_space<vmem_shared>>
      tpu.enqueue_indirect_dma source(%dma_start3A_179 : memref<128x32xf32, #tpu.memory_space<vmem>>) target(%dma_start3A_185 : memref<51200x32xf32, #tpu.memory_space<vmem_shared>>) offsets(%dma_start3A_182 : memref<128xi32, #tpu.memory_space<vmem>>) semaphore(%arg11 : memref<!tpu.dma_semaphore, #tpu.memory_space<semaphore_mem>>) {add = true}
      %dma_wait3A_186 = arith.constant 4 : i32
      %dma_wait3A_187 = arith.constant 512 : i32
      %dma_wait3A_188 = arith.constant 0 : i32
      %dma_wait3A_189 = tpu.memref_slice %arg8[%dma_wait3A_187, %dma_wait3A_188] : memref<768x32xf32, #tpu.memory_space<vmem>> -> memref<128x32xf32, #tpu.memory_space<vmem>>
      %dma_wait3A_190 = arith.constant 0 : i32
      %dma_wait3A_191 = tpu.memref_slice %arg6[%dma_wait3A_186, %dma_wait3A_190] : memref<6x128xi32, #tpu.memory_space<vmem>> -> memref<1x128xi32, #tpu.memory_space<vmem>>
      %dma_wait3A_192 = tpu.memref_squeeze %dma_wait3A_191 : memref<1x128xi32, #tpu.memory_space<vmem>> -> memref<128xi32, #tpu.memory_space<vmem>>
      %dma_wait3A_193 = arith.constant 0 : i32
      %dma_wait3A_194 = arith.constant 0 : i32
      %dma_wait3A_195 = tpu.memref_slice %arg2[%dma_wait3A_193, %dma_wait3A_194] : memref<100000x32xf32, #tpu.memory_space<hbm>> -> memref<100000x32xf32, #tpu.memory_space<hbm>>
      tpu.wait_indirect_dma semaphore(%arg10 : memref<!tpu.dma_semaphore, #tpu.memory_space<semaphore_mem>>) src(%dma_wait3A_195 : memref<100000x32xf32, #tpu.memory_space<hbm>>) dst(%dma_wait3A_189 : memref<128x32xf32, #tpu.memory_space<vmem>>)
      %dma_start3A_196 = arith.constant 4 : i32
      %dma_start3A_197 = arith.constant 512 : i32
      %dma_start3A_198 = arith.constant 0 : i32
      %dma_start3A_199 = tpu.memref_slice %arg8[%dma_start3A_197, %dma_start3A_198] : memref<768x32xf32, #tpu.memory_space<vmem>> -> memref<128x32xf32, #tpu.memory_space<vmem>>
      %dma_start3A_200 = arith.constant 0 : i32
      %dma_start3A_201 = tpu.memref_slice %arg7[%dma_start3A_196, %dma_start3A_200] : memref<6x128xi32, #tpu.memory_space<vmem>> -> memref<1x128xi32, #tpu.memory_space<vmem>>
      %dma_start3A_202 = tpu.memref_squeeze %dma_start3A_201 : memref<1x128xi32, #tpu.memory_space<vmem>> -> memref<128xi32, #tpu.memory_space<vmem>>
      %dma_start3A_203 = arith.constant 0 : i32
      %dma_start3A_204 = arith.constant 0 : i32
      %dma_start3A_205 = tpu.memref_slice %arg9[%dma_start3A_203, %dma_start3A_204] : memref<51200x32xf32, #tpu.memory_space<vmem_shared>> -> memref<51200x32xf32, #tpu.memory_space<vmem_shared>>
      tpu.enqueue_indirect_dma source(%dma_start3A_199 : memref<128x32xf32, #tpu.memory_space<vmem>>) target(%dma_start3A_205 : memref<51200x32xf32, #tpu.memory_space<vmem_shared>>) offsets(%dma_start3A_202 : memref<128xi32, #tpu.memory_space<vmem>>) semaphore(%arg11 : memref<!tpu.dma_semaphore, #tpu.memory_space<semaphore_mem>>) {add = true}
      %dma_wait3A_206 = arith.constant 5 : i32
      %dma_wait3A_207 = arith.constant 640 : i32
      %dma_wait3A_208 = arith.constant 0 : i32
      %dma_wait3A_209 = tpu.memref_slice %arg8[%dma_wait3A_207, %dma_wait3A_208] : memref<768x32xf32, #tpu.memory_space<vmem>> -> memref<128x32xf32, #tpu.memory_space<vmem>>
      %dma_wait3A_210 = arith.constant 0 : i32
      %dma_wait3A_211 = tpu.memref_slice %arg6[%dma_wait3A_206, %dma_wait3A_210] : memref<6x128xi32, #tpu.memory_space<vmem>> -> memref<1x128xi32, #tpu.memory_space<vmem>>
      %dma_wait3A_212 = tpu.memref_squeeze %dma_wait3A_211 : memref<1x128xi32, #tpu.memory_space<vmem>> -> memref<128xi32, #tpu.memory_space<vmem>>
      %dma_wait3A_213 = arith.constant 0 : i32
      %dma_wait3A_214 = arith.constant 0 : i32
      %dma_wait3A_215 = tpu.memref_slice %arg2[%dma_wait3A_213, %dma_wait3A_214] : memref<100000x32xf32, #tpu.memory_space<hbm>> -> memref<100000x32xf32, #tpu.memory_space<hbm>>
      tpu.wait_indirect_dma semaphore(%arg10 : memref<!tpu.dma_semaphore, #tpu.memory_space<semaphore_mem>>) src(%dma_wait3A_215 : memref<100000x32xf32, #tpu.memory_space<hbm>>) dst(%dma_wait3A_209 : memref<128x32xf32, #tpu.memory_space<vmem>>)
      %dma_start3A_216 = arith.constant 5 : i32
      %dma_start3A_217 = arith.constant 640 : i32
      %dma_start3A_218 = arith.constant 0 : i32
      %dma_start3A_219 = tpu.memref_slice %arg8[%dma_start3A_217, %dma_start3A_218] : memref<768x32xf32, #tpu.memory_space<vmem>> -> memref<128x32xf32, #tpu.memory_space<vmem>>
      %dma_start3A_220 = arith.constant 0 : i32
      %dma_start3A_221 = tpu.memref_slice %arg7[%dma_start3A_216, %dma_start3A_220] : memref<6x128xi32, #tpu.memory_space<vmem>> -> memref<1x128xi32, #tpu.memory_space<vmem>>
      %dma_start3A_222 = tpu.memref_squeeze %dma_start3A_221 : memref<1x128xi32, #tpu.memory_space<vmem>> -> memref<128xi32, #tpu.memory_space<vmem>>
      %dma_start3A_223 = arith.constant 0 : i32
      %dma_start3A_224 = arith.constant 0 : i32
      %dma_start3A_225 = tpu.memref_slice %arg9[%dma_start3A_223, %dma_start3A_224] : memref<51200x32xf32, #tpu.memory_space<vmem_shared>> -> memref<51200x32xf32, #tpu.memory_space<vmem_shared>>
      tpu.enqueue_indirect_dma source(%dma_start3A_219 : memref<128x32xf32, #tpu.memory_space<vmem>>) target(%dma_start3A_225 : memref<51200x32xf32, #tpu.memory_space<vmem_shared>>) offsets(%dma_start3A_222 : memref<128xi32, #tpu.memory_space<vmem>>) semaphore(%arg11 : memref<!tpu.dma_semaphore, #tpu.memory_space<semaphore_mem>>) {add = true}
      %dma_wait3A_226 = arith.constant 0 : i32
      %dma_wait3A_227 = arith.constant 0 : i32
      %dma_wait3A_228 = arith.constant 0 : i32
      %dma_wait3A_229 = tpu.memref_slice %arg8[%dma_wait3A_227, %dma_wait3A_228] : memref<768x32xf32, #tpu.memory_space<vmem>> -> memref<128x32xf32, #tpu.memory_space<vmem>>
      %dma_wait3A_230 = arith.constant 0 : i32
      %dma_wait3A_231 = tpu.memref_slice %arg7[%dma_wait3A_226, %dma_wait3A_230] : memref<6x128xi32, #tpu.memory_space<vmem>> -> memref<1x128xi32, #tpu.memory_space<vmem>>
      %dma_wait3A_232 = tpu.memref_squeeze %dma_wait3A_231 : memref<1x128xi32, #tpu.memory_space<vmem>> -> memref<128xi32, #tpu.memory_space<vmem>>
      %dma_wait3A_233 = arith.constant 0 : i32
      %dma_wait3A_234 = arith.constant 0 : i32
      %dma_wait3A_235 = tpu.memref_slice %arg9[%dma_wait3A_233, %dma_wait3A_234] : memref<51200x32xf32, #tpu.memory_space<vmem_shared>> -> memref<51200x32xf32, #tpu.memory_space<vmem_shared>>
      tpu.wait_indirect_dma semaphore(%arg11 : memref<!tpu.dma_semaphore, #tpu.memory_space<semaphore_mem>>) src(%dma_wait3A_229 : memref<128x32xf32, #tpu.memory_space<vmem>>) dst(%dma_wait3A_235 : memref<51200x32xf32, #tpu.memory_space<vmem_shared>>)
      %dma_wait3A_236 = arith.constant 1 : i32
      %dma_wait3A_237 = arith.constant 128 : i32
      %dma_wait3A_238 = arith.constant 0 : i32
      %dma_wait3A_239 = tpu.memref_slice %arg8[%dma_wait3A_237, %dma_wait3A_238] : memref<768x32xf32, #tpu.memory_space<vmem>> -> memref<128x32xf32, #tpu.memory_space<vmem>>
      %dma_wait3A_240 = arith.constant 0 : i32
      %dma_wait3A_241 = tpu.memref_slice %arg7[%dma_wait3A_236, %dma_wait3A_240] : memref<6x128xi32, #tpu.memory_space<vmem>> -> memref<1x128xi32, #tpu.memory_space<vmem>>
      %dma_wait3A_242 = tpu.memref_squeeze %dma_wait3A_241 : memref<1x128xi32, #tpu.memory_space<vmem>> -> memref<128xi32, #tpu.memory_space<vmem>>
      %dma_wait3A_243 = arith.constant 0 : i32
      %dma_wait3A_244 = arith.constant 0 : i32
      %dma_wait3A_245 = tpu.memref_slice %arg9[%dma_wait3A_243, %dma_wait3A_244] : memref<51200x32xf32, #tpu.memory_space<vmem_shared>> -> memref<51200x32xf32, #tpu.memory_space<vmem_shared>>
      tpu.wait_indirect_dma semaphore(%arg11 : memref<!tpu.dma_semaphore, #tpu.memory_space<semaphore_mem>>) src(%dma_wait3A_239 : memref<128x32xf32, #tpu.memory_space<vmem>>) dst(%dma_wait3A_245 : memref<51200x32xf32, #tpu.memory_space<vmem_shared>>)
      %dma_wait3A_246 = arith.constant 2 : i32
      %dma_wait3A_247 = arith.constant 256 : i32
      %dma_wait3A_248 = arith.constant 0 : i32
      %dma_wait3A_249 = tpu.memref_slice %arg8[%dma_wait3A_247, %dma_wait3A_248] : memref<768x32xf32, #tpu.memory_space<vmem>> -> memref<128x32xf32, #tpu.memory_space<vmem>>
      %dma_wait3A_250 = arith.constant 0 : i32
      %dma_wait3A_251 = tpu.memref_slice %arg7[%dma_wait3A_246, %dma_wait3A_250] : memref<6x128xi32, #tpu.memory_space<vmem>> -> memref<1x128xi32, #tpu.memory_space<vmem>>
      %dma_wait3A_252 = tpu.memref_squeeze %dma_wait3A_251 : memref<1x128xi32, #tpu.memory_space<vmem>> -> memref<128xi32, #tpu.memory_space<vmem>>
      %dma_wait3A_253 = arith.constant 0 : i32
      %dma_wait3A_254 = arith.constant 0 : i32
      %dma_wait3A_255 = tpu.memref_slice %arg9[%dma_wait3A_253, %dma_wait3A_254] : memref<51200x32xf32, #tpu.memory_space<vmem_shared>> -> memref<51200x32xf32, #tpu.memory_space<vmem_shared>>
      tpu.wait_indirect_dma semaphore(%arg11 : memref<!tpu.dma_semaphore, #tpu.memory_space<semaphore_mem>>) src(%dma_wait3A_249 : memref<128x32xf32, #tpu.memory_space<vmem>>) dst(%dma_wait3A_255 : memref<51200x32xf32, #tpu.memory_space<vmem_shared>>)
      %dma_wait3A_256 = arith.constant 3 : i32
      %dma_wait3A_257 = arith.constant 384 : i32
      %dma_wait3A_258 = arith.constant 0 : i32
      %dma_wait3A_259 = tpu.memref_slice %arg8[%dma_wait3A_257, %dma_wait3A_258] : memref<768x32xf32, #tpu.memory_space<vmem>> -> memref<128x32xf32, #tpu.memory_space<vmem>>
      %dma_wait3A_260 = arith.constant 0 : i32
      %dma_wait3A_261 = tpu.memref_slice %arg7[%dma_wait3A_256, %dma_wait3A_260] : memref<6x128xi32, #tpu.memory_space<vmem>> -> memref<1x128xi32, #tpu.memory_space<vmem>>
      %dma_wait3A_262 = tpu.memref_squeeze %dma_wait3A_261 : memref<1x128xi32, #tpu.memory_space<vmem>> -> memref<128xi32, #tpu.memory_space<vmem>>
      %dma_wait3A_263 = arith.constant 0 : i32
      %dma_wait3A_264 = arith.constant 0 : i32
      %dma_wait3A_265 = tpu.memref_slice %arg9[%dma_wait3A_263, %dma_wait3A_264] : memref<51200x32xf32, #tpu.memory_space<vmem_shared>> -> memref<51200x32xf32, #tpu.memory_space<vmem_shared>>
      tpu.wait_indirect_dma semaphore(%arg11 : memref<!tpu.dma_semaphore, #tpu.memory_space<semaphore_mem>>) src(%dma_wait3A_259 : memref<128x32xf32, #tpu.memory_space<vmem>>) dst(%dma_wait3A_265 : memref<51200x32xf32, #tpu.memory_space<vmem_shared>>)
      %dma_wait3A_266 = arith.constant 4 : i32
      %dma_wait3A_267 = arith.constant 512 : i32
      %dma_wait3A_268 = arith.constant 0 : i32
      %dma_wait3A_269 = tpu.memref_slice %arg8[%dma_wait3A_267, %dma_wait3A_268] : memref<768x32xf32, #tpu.memory_space<vmem>> -> memref<128x32xf32, #tpu.memory_space<vmem>>
      %dma_wait3A_270 = arith.constant 0 : i32
      %dma_wait3A_271 = tpu.memref_slice %arg7[%dma_wait3A_266, %dma_wait3A_270] : memref<6x128xi32, #tpu.memory_space<vmem>> -> memref<1x128xi32, #tpu.memory_space<vmem>>
      %dma_wait3A_272 = tpu.memref_squeeze %dma_wait3A_271 : memref<1x128xi32, #tpu.memory_space<vmem>> -> memref<128xi32, #tpu.memory_space<vmem>>
      %dma_wait3A_273 = arith.constant 0 : i32
      %dma_wait3A_274 = arith.constant 0 : i32
      %dma_wait3A_275 = tpu.memref_slice %arg9[%dma_wait3A_273, %dma_wait3A_274] : memref<51200x32xf32, #tpu.memory_space<vmem_shared>> -> memref<51200x32xf32, #tpu.memory_space<vmem_shared>>
      tpu.wait_indirect_dma semaphore(%arg11 : memref<!tpu.dma_semaphore, #tpu.memory_space<semaphore_mem>>) src(%dma_wait3A_269 : memref<128x32xf32, #tpu.memory_space<vmem>>) dst(%dma_wait3A_275 : memref<51200x32xf32, #tpu.memory_space<vmem_shared>>)
      %dma_wait3A_276 = arith.constant 5 : i32
      %dma_wait3A_277 = arith.constant 640 : i32
      %dma_wait3A_278 = arith.constant 0 : i32
      %dma_wait3A_279 = tpu.memref_slice %arg8[%dma_wait3A_277, %dma_wait3A_278] : memref<768x32xf32, #tpu.memory_space<vmem>> -> memref<128x32xf32, #tpu.memory_space<vmem>>
      %dma_wait3A_280 = arith.constant 0 : i32
      %dma_wait3A_281 = tpu.memref_slice %arg7[%dma_wait3A_276, %dma_wait3A_280] : memref<6x128xi32, #tpu.memory_space<vmem>> -> memref<1x128xi32, #tpu.memory_space<vmem>>
      %dma_wait3A_282 = tpu.memref_squeeze %dma_wait3A_281 : memref<1x128xi32, #tpu.memory_space<vmem>> -> memref<128xi32, #tpu.memory_space<vmem>>
      %dma_wait3A_283 = arith.constant 0 : i32
      %dma_wait3A_284 = arith.constant 0 : i32
      %dma_wait3A_285 = tpu.memref_slice %arg9[%dma_wait3A_283, %dma_wait3A_284] : memref<51200x32xf32, #tpu.memory_space<vmem_shared>> -> memref<51200x32xf32, #tpu.memory_space<vmem_shared>>
      tpu.wait_indirect_dma semaphore(%arg11 : memref<!tpu.dma_semaphore, #tpu.memory_space<semaphore_mem>>) src(%dma_wait3A_279 : memref<128x32xf32, #tpu.memory_space<vmem>>) dst(%dma_wait3A_285 : memref<51200x32xf32, #tpu.memory_space<vmem_shared>>)
    }
    %scan3A_20 = arith.constant 66 : i32
    %barrier3A_21 = arith.constant 0 : index
    tpu.barrier barrier_id(%barrier3A_21)
    %add3A_22 = arith.constant 0 : i32
    %add3A_23 = arith.addi %mul3A_5, %add3A_22 : i32
    "tpu.region"() ({
      %run_scoped3A = tpu.sem_alloc : memref<!tpu.dma_semaphore, #tpu.memory_space<semaphore_mem>>
      %dma_start3A = arith.constant 0 : i32
      %dma_start3A_42 = arith.constant 0 : i32
      %dma_start3A_43 = tpu.memref_slice %arg8[%dma_start3A, %dma_start3A_42] : memref<768x32xf32, #tpu.memory_space<vmem>> -> memref<768x32xf32, #tpu.memory_space<vmem>>
      %dma_start3A_44 = arith.constant 0 : i32
      %dma_start3A_45 = tpu.memref_slice %arg9[%add3A_23, %dma_start3A_44] : memref<51200x32xf32, #tpu.memory_space<vmem_shared>> -> memref<768x32xf32, #tpu.memory_space<vmem_shared>>
      %dma_start3A_46 = arith.constant 0 : i32
      %dma_start3A_47 = arith.constant 0 : i32
      %dma_start3A_48 = tpu.memref_slice %arg8[%dma_start3A_46, %dma_start3A_47] : memref<768x32xf32, #tpu.memory_space<vmem>> -> memref<768x32xf32, #tpu.memory_space<vmem>>
      %dma_start3A_49 = arith.constant 0 : i32
      %dma_start3A_50 = tpu.memref_slice %arg9[%add3A_23, %dma_start3A_49] : memref<51200x32xf32, #tpu.memory_space<vmem_shared>> -> memref<768x32xf32, #tpu.memory_space<vmem_shared>>
      tpu.enqueue_dma source(%dma_start3A_50 : memref<768x32xf32, #tpu.memory_space<vmem_shared>>) target(%dma_start3A_48 : memref<768x32xf32, #tpu.memory_space<vmem>>) target_semaphore(%run_scoped3A : memref<!tpu.dma_semaphore, #tpu.memory_space<semaphore_mem>>)
      %dma_wait3A = arith.constant 0 : i32
      %dma_wait3A_51 = arith.constant 0 : i32
      %dma_wait3A_52 = tpu.memref_slice %arg8[%dma_wait3A, %dma_wait3A_51] : memref<768x32xf32, #tpu.memory_space<vmem>> -> memref<768x32xf32, #tpu.memory_space<vmem>>
      %dma_wait3A_53 = arith.constant 0 : i32
      %dma_wait3A_54 = tpu.memref_slice %arg9[%add3A_23, %dma_wait3A_53] : memref<51200x32xf32, #tpu.memory_space<vmem_shared>> -> memref<768x32xf32, #tpu.memory_space<vmem_shared>>
      %dma_wait3A_55 = arith.constant 0 : i32
      %dma_wait3A_56 = arith.constant 0 : i32
      %dma_wait3A_57 = tpu.memref_slice %arg8[%dma_wait3A_55, %dma_wait3A_56] : memref<768x32xf32, #tpu.memory_space<vmem>> -> memref<768x32xf32, #tpu.memory_space<vmem>>
      %dma_wait3A_58 = arith.constant 0 : i32
      %dma_wait3A_59 = tpu.memref_slice %arg9[%add3A_23, %dma_wait3A_58] : memref<51200x32xf32, #tpu.memory_space<vmem_shared>> -> memref<768x32xf32, #tpu.memory_space<vmem_shared>>
      tpu.wait_dma2 semaphore(%run_scoped3A : memref<!tpu.dma_semaphore, #tpu.memory_space<semaphore_mem>>) src(%dma_wait3A_59 : memref<768x32xf32, #tpu.memory_space<vmem_shared>>) dst(%dma_wait3A_57 : memref<768x32xf32, #tpu.memory_space<vmem>>)
      tpu.yield
    }) : () -> ()
    %add3A_24 = arith.constant 0 : i32
    %add3A_25 = arith.addi %mul3A_5, %add3A_24 : i32
    "tpu.region"() ({
      %run_scoped3A = tpu.sem_alloc : memref<!tpu.dma_semaphore, #tpu.memory_space<semaphore_mem>>
      %dma_start3A = arith.constant 0 : i32
      %dma_start3A_42 = arith.constant 0 : i32
      %dma_start3A_43 = tpu.memref_slice %arg8[%dma_start3A, %dma_start3A_42] : memref<768x32xf32, #tpu.memory_space<vmem>> -> memref<768x32xf32, #tpu.memory_space<vmem>>
      %dma_start3A_44 = arith.constant 0 : i32
      %dma_start3A_45 = arith.constant 0 : i32
      %dma_start3A_46 = tpu.memref_slice %arg5[%arg0, %dma_start3A_44, %dma_start3A_45] : memref<2x51200x32xf32, #tpu.memory_space<hbm>> -> memref<1x51200x32xf32, #tpu.memory_space<hbm>>
      %dma_start3A_47 = tpu.memref_squeeze %dma_start3A_46 : memref<1x51200x32xf32, #tpu.memory_space<hbm>> -> memref<51200x32xf32, #tpu.memory_space<hbm>>
      %dma_start3A_48 = arith.constant 0 : i32
      %dma_start3A_49 = tpu.memref_slice %dma_start3A_47[%add3A_25, %dma_start3A_48] : memref<51200x32xf32, #tpu.memory_space<hbm>> -> memref<768x32xf32, #tpu.memory_space<hbm>>
      %dma_start3A_50 = arith.constant 0 : i32
      %dma_start3A_51 = arith.constant 0 : i32
      %dma_start3A_52 = tpu.memref_slice %arg5[%arg0, %dma_start3A_50, %dma_start3A_51] : memref<2x51200x32xf32, #tpu.memory_space<hbm>> -> memref<1x51200x32xf32, #tpu.memory_space<hbm>>
      %dma_start3A_53 = tpu.memref_squeeze %dma_start3A_52 : memref<1x51200x32xf32, #tpu.memory_space<hbm>> -> memref<51200x32xf32, #tpu.memory_space<hbm>>
      %dma_start3A_54 = arith.constant 0 : i32
      %dma_start3A_55 = tpu.memref_slice %dma_start3A_53[%add3A_25, %dma_start3A_54] : memref<51200x32xf32, #tpu.memory_space<hbm>> -> memref<768x32xf32, #tpu.memory_space<hbm>>
      %dma_start3A_56 = arith.constant 0 : i32
      %dma_start3A_57 = arith.constant 0 : i32
      %dma_start3A_58 = tpu.memref_slice %arg8[%dma_start3A_56, %dma_start3A_57] : memref<768x32xf32, #tpu.memory_space<vmem>> -> memref<768x32xf32, #tpu.memory_space<vmem>>
      tpu.enqueue_dma source(%dma_start3A_58 : memref<768x32xf32, #tpu.memory_space<vmem>>) target(%dma_start3A_55 : memref<768x32xf32, #tpu.memory_space<hbm>>) target_semaphore(%run_scoped3A : memref<!tpu.dma_semaphore, #tpu.memory_space<semaphore_mem>>)
      %dma_wait3A = arith.constant 0 : i32
      %dma_wait3A_59 = arith.constant 0 : i32
      %dma_wait3A_60 = tpu.memref_slice %arg8[%dma_wait3A, %dma_wait3A_59] : memref<768x32xf32, #tpu.memory_space<vmem>> -> memref<768x32xf32, #tpu.memory_space<vmem>>
      %dma_wait3A_61 = arith.constant 0 : i32
      %dma_wait3A_62 = arith.constant 0 : i32
      %dma_wait3A_63 = tpu.memref_slice %arg5[%arg0, %dma_wait3A_61, %dma_wait3A_62] : memref<2x51200x32xf32, #tpu.memory_space<hbm>> -> memref<1x51200x32xf32, #tpu.memory_space<hbm>>
      %dma_wait3A_64 = tpu.memref_squeeze %dma_wait3A_63 : memref<1x51200x32xf32, #tpu.memory_space<hbm>> -> memref<51200x32xf32, #tpu.memory_space<hbm>>
      %dma_wait3A_65 = arith.constant 0 : i32
      %dma_wait3A_66 = tpu.memref_slice %dma_wait3A_64[%add3A_25, %dma_wait3A_65] : memref<51200x32xf32, #tpu.memory_space<hbm>> -> memref<768x32xf32, #tpu.memory_space<hbm>>
      %dma_wait3A_67 = arith.constant 0 : i32
      %dma_wait3A_68 = arith.constant 0 : i32
      %dma_wait3A_69 = tpu.memref_slice %arg5[%arg0, %dma_wait3A_67, %dma_wait3A_68] : memref<2x51200x32xf32, #tpu.memory_space<hbm>> -> memref<1x51200x32xf32, #tpu.memory_space<hbm>>
      %dma_wait3A_70 = tpu.memref_squeeze %dma_wait3A_69 : memref<1x51200x32xf32, #tpu.memory_space<hbm>> -> memref<51200x32xf32, #tpu.memory_space<hbm>>
      %dma_wait3A_71 = arith.constant 0 : i32
      %dma_wait3A_72 = tpu.memref_slice %dma_wait3A_70[%add3A_25, %dma_wait3A_71] : memref<51200x32xf32, #tpu.memory_space<hbm>> -> memref<768x32xf32, #tpu.memory_space<hbm>>
      %dma_wait3A_73 = arith.constant 0 : i32
      %dma_wait3A_74 = arith.constant 0 : i32
      %dma_wait3A_75 = tpu.memref_slice %arg8[%dma_wait3A_73, %dma_wait3A_74] : memref<768x32xf32, #tpu.memory_space<vmem>> -> memref<768x32xf32, #tpu.memory_space<vmem>>
      tpu.wait_dma2 semaphore(%run_scoped3A : memref<!tpu.dma_semaphore, #tpu.memory_space<semaphore_mem>>) src(%dma_wait3A_75 : memref<768x32xf32, #tpu.memory_space<vmem>>) dst(%dma_wait3A_72 : memref<768x32xf32, #tpu.memory_space<hbm>>)
      tpu.yield
    }) : () -> ()
    %add3A_26 = arith.constant 768 : i32
    %add3A_27 = arith.addi %mul3A_5, %add3A_26 : i32
    "tpu.region"() ({
      %run_scoped3A = tpu.sem_alloc : memref<!tpu.dma_semaphore, #tpu.memory_space<semaphore_mem>>
      %dma_start3A = arith.constant 0 : i32
      %dma_start3A_42 = arith.constant 0 : i32
      %dma_start3A_43 = tpu.memref_slice %arg8[%dma_start3A, %dma_start3A_42] : memref<768x32xf32, #tpu.memory_space<vmem>> -> memref<768x32xf32, #tpu.memory_space<vmem>>
      %dma_start3A_44 = arith.constant 0 : i32
      %dma_start3A_45 = tpu.memref_slice %arg9[%add3A_27, %dma_start3A_44] : memref<51200x32xf32, #tpu.memory_space<vmem_shared>> -> memref<768x32xf32, #tpu.memory_space<vmem_shared>>
      %dma_start3A_46 = arith.constant 0 : i32
      %dma_start3A_47 = arith.constant 0 : i32
      %dma_start3A_48 = tpu.memref_slice %arg8[%dma_start3A_46, %dma_start3A_47] : memref<768x32xf32, #tpu.memory_space<vmem>> -> memref<768x32xf32, #tpu.memory_space<vmem>>
      %dma_start3A_49 = arith.constant 0 : i32
      %dma_start3A_50 = tpu.memref_slice %arg9[%add3A_27, %dma_start3A_49] : memref<51200x32xf32, #tpu.memory_space<vmem_shared>> -> memref<768x32xf32, #tpu.memory_space<vmem_shared>>
      tpu.enqueue_dma source(%dma_start3A_50 : memref<768x32xf32, #tpu.memory_space<vmem_shared>>) target(%dma_start3A_48 : memref<768x32xf32, #tpu.memory_space<vmem>>) target_semaphore(%run_scoped3A : memref<!tpu.dma_semaphore, #tpu.memory_space<semaphore_mem>>)
      %dma_wait3A = arith.constant 0 : i32
      %dma_wait3A_51 = arith.constant 0 : i32
      %dma_wait3A_52 = tpu.memref_slice %arg8[%dma_wait3A, %dma_wait3A_51] : memref<768x32xf32, #tpu.memory_space<vmem>> -> memref<768x32xf32, #tpu.memory_space<vmem>>
      %dma_wait3A_53 = arith.constant 0 : i32
      %dma_wait3A_54 = tpu.memref_slice %arg9[%add3A_27, %dma_wait3A_53] : memref<51200x32xf32, #tpu.memory_space<vmem_shared>> -> memref<768x32xf32, #tpu.memory_space<vmem_shared>>
      %dma_wait3A_55 = arith.constant 0 : i32
      %dma_wait3A_56 = arith.constant 0 : i32
      %dma_wait3A_57 = tpu.memref_slice %arg8[%dma_wait3A_55, %dma_wait3A_56] : memref<768x32xf32, #tpu.memory_space<vmem>> -> memref<768x32xf32, #tpu.memory_space<vmem>>
      %dma_wait3A_58 = arith.constant 0 : i32
      %dma_wait3A_59 = tpu.memref_slice %arg9[%add3A_27, %dma_wait3A_58] : memref<51200x32xf32, #tpu.memory_space<vmem_shared>> -> memref<768x32xf32, #tpu.memory_space<vmem_shared>>
      tpu.wait_dma2 semaphore(%run_scoped3A : memref<!tpu.dma_semaphore, #tpu.memory_space<semaphore_mem>>) src(%dma_wait3A_59 : memref<768x32xf32, #tpu.memory_space<vmem_shared>>) dst(%dma_wait3A_57 : memref<768x32xf32, #tpu.memory_space<vmem>>)
      tpu.yield
    }) : () -> ()
    %add3A_28 = arith.constant 768 : i32
    %add3A_29 = arith.addi %mul3A_5, %add3A_28 : i32
    "tpu.region"() ({
      %run_scoped3A = tpu.sem_alloc : memref<!tpu.dma_semaphore, #tpu.memory_space<semaphore_mem>>
      %dma_start3A = arith.constant 0 : i32
      %dma_start3A_42 = arith.constant 0 : i32
      %dma_start3A_43 = tpu.memref_slice %arg8[%dma_start3A, %dma_start3A_42] : memref<768x32xf32, #tpu.memory_space<vmem>> -> memref<768x32xf32, #tpu.memory_space<vmem>>
      %dma_start3A_44 = arith.constant 0 : i32
      %dma_start3A_45 = arith.constant 0 : i32
      %dma_start3A_46 = tpu.memref_slice %arg5[%arg0, %dma_start3A_44, %dma_start3A_45] : memref<2x51200x32xf32, #tpu.memory_space<hbm>> -> memref<1x51200x32xf32, #tpu.memory_space<hbm>>
      %dma_start3A_47 = tpu.memref_squeeze %dma_start3A_46 : memref<1x51200x32xf32, #tpu.memory_space<hbm>> -> memref<51200x32xf32, #tpu.memory_space<hbm>>
      %dma_start3A_48 = arith.constant 0 : i32
      %dma_start3A_49 = tpu.memref_slice %dma_start3A_47[%add3A_29, %dma_start3A_48] : memref<51200x32xf32, #tpu.memory_space<hbm>> -> memref<768x32xf32, #tpu.memory_space<hbm>>
      %dma_start3A_50 = arith.constant 0 : i32
      %dma_start3A_51 = arith.constant 0 : i32
      %dma_start3A_52 = tpu.memref_slice %arg5[%arg0, %dma_start3A_50, %dma_start3A_51] : memref<2x51200x32xf32, #tpu.memory_space<hbm>> -> memref<1x51200x32xf32, #tpu.memory_space<hbm>>
      %dma_start3A_53 = tpu.memref_squeeze %dma_start3A_52 : memref<1x51200x32xf32, #tpu.memory_space<hbm>> -> memref<51200x32xf32, #tpu.memory_space<hbm>>
      %dma_start3A_54 = arith.constant 0 : i32
      %dma_start3A_55 = tpu.memref_slice %dma_start3A_53[%add3A_29, %dma_start3A_54] : memref<51200x32xf32, #tpu.memory_space<hbm>> -> memref<768x32xf32, #tpu.memory_space<hbm>>
      %dma_start3A_56 = arith.constant 0 : i32
      %dma_start3A_57 = arith.constant 0 : i32
      %dma_start3A_58 = tpu.memref_slice %arg8[%dma_start3A_56, %dma_start3A_57] : memref<768x32xf32, #tpu.memory_space<vmem>> -> memref<768x32xf32, #tpu.memory_space<vmem>>
      tpu.enqueue_dma source(%dma_start3A_58 : memref<768x32xf32, #tpu.memory_space<vmem>>) target(%dma_start3A_55 : memref<768x32xf32, #tpu.memory_space<hbm>>) target_semaphore(%run_scoped3A : memref<!tpu.dma_semaphore, #tpu.memory_space<semaphore_mem>>)
      %dma_wait3A = arith.constant 0 : i32
      %dma_wait3A_59 = arith.constant 0 : i32
      %dma_wait3A_60 = tpu.memref_slice %arg8[%dma_wait3A, %dma_wait3A_59] : memref<768x32xf32, #tpu.memory_space<vmem>> -> memref<768x32xf32, #tpu.memory_space<vmem>>
      %dma_wait3A_61 = arith.constant 0 : i32
      %dma_wait3A_62 = arith.constant 0 : i32
      %dma_wait3A_63 = tpu.memref_slice %arg5[%arg0, %dma_wait3A_61, %dma_wait3A_62] : memref<2x51200x32xf32, #tpu.memory_space<hbm>> -> memref<1x51200x32xf32, #tpu.memory_space<hbm>>
      %dma_wait3A_64 = tpu.memref_squeeze %dma_wait3A_63 : memref<1x51200x32xf32, #tpu.memory_space<hbm>> -> memref<51200x32xf32, #tpu.memory_space<hbm>>
      %dma_wait3A_65 = arith.constant 0 : i32
      %dma_wait3A_66 = tpu.memref_slice %dma_wait3A_64[%add3A_29, %dma_wait3A_65] : memref<51200x32xf32, #tpu.memory_space<hbm>> -> memref<768x32xf32, #tpu.memory_space<hbm>>
      %dma_wait3A_67 = arith.constant 0 : i32
      %dma_wait3A_68 = arith.constant 0 : i32
      %dma_wait3A_69 = tpu.memref_slice %arg5[%arg0, %dma_wait3A_67, %dma_wait3A_68] : memref<2x51200x32xf32, #tpu.memory_space<hbm>> -> memref<1x51200x32xf32, #tpu.memory_space<hbm>>
      %dma_wait3A_70 = tpu.memref_squeeze %dma_wait3A_69 : memref<1x51200x32xf32, #tpu.memory_space<hbm>> -> memref<51200x32xf32, #tpu.memory_space<hbm>>
      %dma_wait3A_71 = arith.constant 0 : i32
      %dma_wait3A_72 = tpu.memref_slice %dma_wait3A_70[%add3A_29, %dma_wait3A_71] : memref<51200x32xf32, #tpu.memory_space<hbm>> -> memref<768x32xf32, #tpu.memory_space<hbm>>
      %dma_wait3A_73 = arith.constant 0 : i32
      %dma_wait3A_74 = arith.constant 0 : i32
      %dma_wait3A_75 = tpu.memref_slice %arg8[%dma_wait3A_73, %dma_wait3A_74] : memref<768x32xf32, #tpu.memory_space<vmem>> -> memref<768x32xf32, #tpu.memory_space<vmem>>
      tpu.wait_dma2 semaphore(%run_scoped3A : memref<!tpu.dma_semaphore, #tpu.memory_space<semaphore_mem>>) src(%dma_wait3A_75 : memref<768x32xf32, #tpu.memory_space<vmem>>) dst(%dma_wait3A_72 : memref<768x32xf32, #tpu.memory_space<hbm>>)
      tpu.yield
    }) : () -> ()
    %add3A_30 = arith.constant 1536 : i32
    %add3A_31 = arith.addi %mul3A_5, %add3A_30 : i32
    "tpu.region"() ({
      %run_scoped3A = tpu.sem_alloc : memref<!tpu.dma_semaphore, #tpu.memory_space<semaphore_mem>>
      %dma_start3A = arith.constant 0 : i32
      %dma_start3A_42 = arith.constant 0 : i32
      %dma_start3A_43 = tpu.memref_slice %arg8[%dma_start3A, %dma_start3A_42] : memref<768x32xf32, #tpu.memory_space<vmem>> -> memref<768x32xf32, #tpu.memory_space<vmem>>
      %dma_start3A_44 = arith.constant 0 : i32
      %dma_start3A_45 = tpu.memref_slice %arg9[%add3A_31, %dma_start3A_44] : memref<51200x32xf32, #tpu.memory_space<vmem_shared>> -> memref<768x32xf32, #tpu.memory_space<vmem_shared>>
      %dma_start3A_46 = arith.constant 0 : i32
      %dma_start3A_47 = arith.constant 0 : i32
      %dma_start3A_48 = tpu.memref_slice %arg8[%dma_start3A_46, %dma_start3A_47] : memref<768x32xf32, #tpu.memory_space<vmem>> -> memref<768x32xf32, #tpu.memory_space<vmem>>
      %dma_start3A_49 = arith.constant 0 : i32
      %dma_start3A_50 = tpu.memref_slice %arg9[%add3A_31, %dma_start3A_49] : memref<51200x32xf32, #tpu.memory_space<vmem_shared>> -> memref<768x32xf32, #tpu.memory_space<vmem_shared>>
      tpu.enqueue_dma source(%dma_start3A_50 : memref<768x32xf32, #tpu.memory_space<vmem_shared>>) target(%dma_start3A_48 : memref<768x32xf32, #tpu.memory_space<vmem>>) target_semaphore(%run_scoped3A : memref<!tpu.dma_semaphore, #tpu.memory_space<semaphore_mem>>)
      %dma_wait3A = arith.constant 0 : i32
      %dma_wait3A_51 = arith.constant 0 : i32
      %dma_wait3A_52 = tpu.memref_slice %arg8[%dma_wait3A, %dma_wait3A_51] : memref<768x32xf32, #tpu.memory_space<vmem>> -> memref<768x32xf32, #tpu.memory_space<vmem>>
      %dma_wait3A_53 = arith.constant 0 : i32
      %dma_wait3A_54 = tpu.memref_slice %arg9[%add3A_31, %dma_wait3A_53] : memref<51200x32xf32, #tpu.memory_space<vmem_shared>> -> memref<768x32xf32, #tpu.memory_space<vmem_shared>>
      %dma_wait3A_55 = arith.constant 0 : i32
      %dma_wait3A_56 = arith.constant 0 : i32
      %dma_wait3A_57 = tpu.memref_slice %arg8[%dma_wait3A_55, %dma_wait3A_56] : memref<768x32xf32, #tpu.memory_space<vmem>> -> memref<768x32xf32, #tpu.memory_space<vmem>>
      %dma_wait3A_58 = arith.constant 0 : i32
      %dma_wait3A_59 = tpu.memref_slice %arg9[%add3A_31, %dma_wait3A_58] : memref<51200x32xf32, #tpu.memory_space<vmem_shared>> -> memref<768x32xf32, #tpu.memory_space<vmem_shared>>
      tpu.wait_dma2 semaphore(%run_scoped3A : memref<!tpu.dma_semaphore, #tpu.memory_space<semaphore_mem>>) src(%dma_wait3A_59 : memref<768x32xf32, #tpu.memory_space<vmem_shared>>) dst(%dma_wait3A_57 : memref<768x32xf32, #tpu.memory_space<vmem>>)
      tpu.yield
    }) : () -> ()
    %add3A_32 = arith.constant 1536 : i32
    %add3A_33 = arith.addi %mul3A_5, %add3A_32 : i32
    "tpu.region"() ({
      %run_scoped3A = tpu.sem_alloc : memref<!tpu.dma_semaphore, #tpu.memory_space<semaphore_mem>>
      %dma_start3A = arith.constant 0 : i32
      %dma_start3A_42 = arith.constant 0 : i32
      %dma_start3A_43 = tpu.memref_slice %arg8[%dma_start3A, %dma_start3A_42] : memref<768x32xf32, #tpu.memory_space<vmem>> -> memref<768x32xf32, #tpu.memory_space<vmem>>
      %dma_start3A_44 = arith.constant 0 : i32
      %dma_start3A_45 = arith.constant 0 : i32
      %dma_start3A_46 = tpu.memref_slice %arg5[%arg0, %dma_start3A_44, %dma_start3A_45] : memref<2x51200x32xf32, #tpu.memory_space<hbm>> -> memref<1x51200x32xf32, #tpu.memory_space<hbm>>
      %dma_start3A_47 = tpu.memref_squeeze %dma_start3A_46 : memref<1x51200x32xf32, #tpu.memory_space<hbm>> -> memref<51200x32xf32, #tpu.memory_space<hbm>>
      %dma_start3A_48 = arith.constant 0 : i32
      %dma_start3A_49 = tpu.memref_slice %dma_start3A_47[%add3A_33, %dma_start3A_48] : memref<51200x32xf32, #tpu.memory_space<hbm>> -> memref<768x32xf32, #tpu.memory_space<hbm>>
      %dma_start3A_50 = arith.constant 0 : i32
      %dma_start3A_51 = arith.constant 0 : i32
      %dma_start3A_52 = tpu.memref_slice %arg5[%arg0, %dma_start3A_50, %dma_start3A_51] : memref<2x51200x32xf32, #tpu.memory_space<hbm>> -> memref<1x51200x32xf32, #tpu.memory_space<hbm>>
      %dma_start3A_53 = tpu.memref_squeeze %dma_start3A_52 : memref<1x51200x32xf32, #tpu.memory_space<hbm>> -> memref<51200x32xf32, #tpu.memory_space<hbm>>
      %dma_start3A_54 = arith.constant 0 : i32
      %dma_start3A_55 = tpu.memref_slice %dma_start3A_53[%add3A_33, %dma_start3A_54] : memref<51200x32xf32, #tpu.memory_space<hbm>> -> memref<768x32xf32, #tpu.memory_space<hbm>>
      %dma_start3A_56 = arith.constant 0 : i32
      %dma_start3A_57 = arith.constant 0 : i32
      %dma_start3A_58 = tpu.memref_slice %arg8[%dma_start3A_56, %dma_start3A_57] : memref<768x32xf32, #tpu.memory_space<vmem>> -> memref<768x32xf32, #tpu.memory_space<vmem>>
      tpu.enqueue_dma source(%dma_start3A_58 : memref<768x32xf32, #tpu.memory_space<vmem>>) target(%dma_start3A_55 : memref<768x32xf32, #tpu.memory_space<hbm>>) target_semaphore(%run_scoped3A : memref<!tpu.dma_semaphore, #tpu.memory_space<semaphore_mem>>)
      %dma_wait3A = arith.constant 0 : i32
      %dma_wait3A_59 = arith.constant 0 : i32
      %dma_wait3A_60 = tpu.memref_slice %arg8[%dma_wait3A, %dma_wait3A_59] : memref<768x32xf32, #tpu.memory_space<vmem>> -> memref<768x32xf32, #tpu.memory_space<vmem>>
      %dma_wait3A_61 = arith.constant 0 : i32
      %dma_wait3A_62 = arith.constant 0 : i32
      %dma_wait3A_63 = tpu.memref_slice %arg5[%arg0, %dma_wait3A_61, %dma_wait3A_62] : memref<2x51200x32xf32, #tpu.memory_space<hbm>> -> memref<1x51200x32xf32, #tpu.memory_space<hbm>>
      %dma_wait3A_64 = tpu.memref_squeeze %dma_wait3A_63 : memref<1x51200x32xf32, #tpu.memory_space<hbm>> -> memref<51200x32xf32, #tpu.memory_space<hbm>>
      %dma_wait3A_65 = arith.constant 0 : i32
      %dma_wait3A_66 = tpu.memref_slice %dma_wait3A_64[%add3A_33, %dma_wait3A_65] : memref<51200x32xf32, #tpu.memory_space<hbm>> -> memref<768x32xf32, #tpu.memory_space<hbm>>
      %dma_wait3A_67 = arith.constant 0 : i32
      %dma_wait3A_68 = arith.constant 0 : i32
      %dma_wait3A_69 = tpu.memref_slice %arg5[%arg0, %dma_wait3A_67, %dma_wait3A_68] : memref<2x51200x32xf32, #tpu.memory_space<hbm>> -> memref<1x51200x32xf32, #tpu.memory_space<hbm>>
      %dma_wait3A_70 = tpu.memref_squeeze %dma_wait3A_69 : memref<1x51200x32xf32, #tpu.memory_space<hbm>> -> memref<51200x32xf32, #tpu.memory_space<hbm>>
      %dma_wait3A_71 = arith.constant 0 : i32
      %dma_wait3A_72 = tpu.memref_slice %dma_wait3A_70[%add3A_33, %dma_wait3A_71] : memref<51200x32xf32, #tpu.memory_space<hbm>> -> memref<768x32xf32, #tpu.memory_space<hbm>>
      %dma_wait3A_73 = arith.constant 0 : i32
      %dma_wait3A_74 = arith.constant 0 : i32
      %dma_wait3A_75 = tpu.memref_slice %arg8[%dma_wait3A_73, %dma_wait3A_74] : memref<768x32xf32, #tpu.memory_space<vmem>> -> memref<768x32xf32, #tpu.memory_space<vmem>>
      tpu.wait_dma2 semaphore(%run_scoped3A : memref<!tpu.dma_semaphore, #tpu.memory_space<semaphore_mem>>) src(%dma_wait3A_75 : memref<768x32xf32, #tpu.memory_space<vmem>>) dst(%dma_wait3A_72 : memref<768x32xf32, #tpu.memory_space<hbm>>)
      tpu.yield
    }) : () -> ()
    %add3A_34 = arith.constant 2304 : i32
    %add3A_35 = arith.addi %mul3A_5, %add3A_34 : i32
    "tpu.region"() ({
      %run_scoped3A = tpu.sem_alloc : memref<!tpu.dma_semaphore, #tpu.memory_space<semaphore_mem>>
      %dma_start3A = arith.constant 0 : i32
      %dma_start3A_42 = arith.constant 0 : i32
      %dma_start3A_43 = tpu.memref_slice %arg8[%dma_start3A, %dma_start3A_42] : memref<768x32xf32, #tpu.memory_space<vmem>> -> memref<768x32xf32, #tpu.memory_space<vmem>>
      %dma_start3A_44 = arith.constant 0 : i32
      %dma_start3A_45 = tpu.memref_slice %arg9[%add3A_35, %dma_start3A_44] : memref<51200x32xf32, #tpu.memory_space<vmem_shared>> -> memref<768x32xf32, #tpu.memory_space<vmem_shared>>
      %dma_start3A_46 = arith.constant 0 : i32
      %dma_start3A_47 = arith.constant 0 : i32
      %dma_start3A_48 = tpu.memref_slice %arg8[%dma_start3A_46, %dma_start3A_47] : memref<768x32xf32, #tpu.memory_space<vmem>> -> memref<768x32xf32, #tpu.memory_space<vmem>>
      %dma_start3A_49 = arith.constant 0 : i32
      %dma_start3A_50 = tpu.memref_slice %arg9[%add3A_35, %dma_start3A_49] : memref<51200x32xf32, #tpu.memory_space<vmem_shared>> -> memref<768x32xf32, #tpu.memory_space<vmem_shared>>
      tpu.enqueue_dma source(%dma_start3A_50 : memref<768x32xf32, #tpu.memory_space<vmem_shared>>) target(%dma_start3A_48 : memref<768x32xf32, #tpu.memory_space<vmem>>) target_semaphore(%run_scoped3A : memref<!tpu.dma_semaphore, #tpu.memory_space<semaphore_mem>>)
      %dma_wait3A = arith.constant 0 : i32
      %dma_wait3A_51 = arith.constant 0 : i32
      %dma_wait3A_52 = tpu.memref_slice %arg8[%dma_wait3A, %dma_wait3A_51] : memref<768x32xf32, #tpu.memory_space<vmem>> -> memref<768x32xf32, #tpu.memory_space<vmem>>
      %dma_wait3A_53 = arith.constant 0 : i32
      %dma_wait3A_54 = tpu.memref_slice %arg9[%add3A_35, %dma_wait3A_53] : memref<51200x32xf32, #tpu.memory_space<vmem_shared>> -> memref<768x32xf32, #tpu.memory_space<vmem_shared>>
      %dma_wait3A_55 = arith.constant 0 : i32
      %dma_wait3A_56 = arith.constant 0 : i32
      %dma_wait3A_57 = tpu.memref_slice %arg8[%dma_wait3A_55, %dma_wait3A_56] : memref<768x32xf32, #tpu.memory_space<vmem>> -> memref<768x32xf32, #tpu.memory_space<vmem>>
      %dma_wait3A_58 = arith.constant 0 : i32
      %dma_wait3A_59 = tpu.memref_slice %arg9[%add3A_35, %dma_wait3A_58] : memref<51200x32xf32, #tpu.memory_space<vmem_shared>> -> memref<768x32xf32, #tpu.memory_space<vmem_shared>>
      tpu.wait_dma2 semaphore(%run_scoped3A : memref<!tpu.dma_semaphore, #tpu.memory_space<semaphore_mem>>) src(%dma_wait3A_59 : memref<768x32xf32, #tpu.memory_space<vmem_shared>>) dst(%dma_wait3A_57 : memref<768x32xf32, #tpu.memory_space<vmem>>)
      tpu.yield
    }) : () -> ()
    %add3A_36 = arith.constant 2304 : i32
    %add3A_37 = arith.addi %mul3A_5, %add3A_36 : i32
    "tpu.region"() ({
      %run_scoped3A = tpu.sem_alloc : memref<!tpu.dma_semaphore, #tpu.memory_space<semaphore_mem>>
      %dma_start3A = arith.constant 0 : i32
      %dma_start3A_42 = arith.constant 0 : i32
      %dma_start3A_43 = tpu.memref_slice %arg8[%dma_start3A, %dma_start3A_42] : memref<768x32xf32, #tpu.memory_space<vmem>> -> memref<768x32xf32, #tpu.memory_space<vmem>>
      %dma_start3A_44 = arith.constant 0 : i32
      %dma_start3A_45 = arith.constant 0 : i32
      %dma_start3A_46 = tpu.memref_slice %arg5[%arg0, %dma_start3A_44, %dma_start3A_45] : memref<2x51200x32xf32, #tpu.memory_space<hbm>> -> memref<1x51200x32xf32, #tpu.memory_space<hbm>>
      %dma_start3A_47 = tpu.memref_squeeze %dma_start3A_46 : memref<1x51200x32xf32, #tpu.memory_space<hbm>> -> memref<51200x32xf32, #tpu.memory_space<hbm>>
      %dma_start3A_48 = arith.constant 0 : i32
      %dma_start3A_49 = tpu.memref_slice %dma_start3A_47[%add3A_37, %dma_start3A_48] : memref<51200x32xf32, #tpu.memory_space<hbm>> -> memref<768x32xf32, #tpu.memory_space<hbm>>
      %dma_start3A_50 = arith.constant 0 : i32
      %dma_start3A_51 = arith.constant 0 : i32
      %dma_start3A_52 = tpu.memref_slice %arg5[%arg0, %dma_start3A_50, %dma_start3A_51] : memref<2x51200x32xf32, #tpu.memory_space<hbm>> -> memref<1x51200x32xf32, #tpu.memory_space<hbm>>
      %dma_start3A_53 = tpu.memref_squeeze %dma_start3A_52 : memref<1x51200x32xf32, #tpu.memory_space<hbm>> -> memref<51200x32xf32, #tpu.memory_space<hbm>>
      %dma_start3A_54 = arith.constant 0 : i32
      %dma_start3A_55 = tpu.memref_slice %dma_start3A_53[%add3A_37, %dma_start3A_54] : memref<51200x32xf32, #tpu.memory_space<hbm>> -> memref<768x32xf32, #tpu.memory_space<hbm>>
      %dma_start3A_56 = arith.constant 0 : i32
      %dma_start3A_57 = arith.constant 0 : i32
      %dma_start3A_58 = tpu.memref_slice %arg8[%dma_start3A_56, %dma_start3A_57] : memref<768x32xf32, #tpu.memory_space<vmem>> -> memref<768x32xf32, #tpu.memory_space<vmem>>
      tpu.enqueue_dma source(%dma_start3A_58 : memref<768x32xf32, #tpu.memory_space<vmem>>) target(%dma_start3A_55 : memref<768x32xf32, #tpu.memory_space<hbm>>) target_semaphore(%run_scoped3A : memref<!tpu.dma_semaphore, #tpu.memory_space<semaphore_mem>>)
      %dma_wait3A = arith.constant 0 : i32
      %dma_wait3A_59 = arith.constant 0 : i32
      %dma_wait3A_60 = tpu.memref_slice %arg8[%dma_wait3A, %dma_wait3A_59] : memref<768x32xf32, #tpu.memory_space<vmem>> -> memref<768x32xf32, #tpu.memory_space<vmem>>
      %dma_wait3A_61 = arith.constant 0 : i32
      %dma_wait3A_62 = arith.constant 0 : i32
      %dma_wait3A_63 = tpu.memref_slice %arg5[%arg0, %dma_wait3A_61, %dma_wait3A_62] : memref<2x51200x32xf32, #tpu.memory_space<hbm>> -> memref<1x51200x32xf32, #tpu.memory_space<hbm>>
      %dma_wait3A_64 = tpu.memref_squeeze %dma_wait3A_63 : memref<1x51200x32xf32, #tpu.memory_space<hbm>> -> memref<51200x32xf32, #tpu.memory_space<hbm>>
      %dma_wait3A_65 = arith.constant 0 : i32
      %dma_wait3A_66 = tpu.memref_slice %dma_wait3A_64[%add3A_37, %dma_wait3A_65] : memref<51200x32xf32, #tpu.memory_space<hbm>> -> memref<768x32xf32, #tpu.memory_space<hbm>>
      %dma_wait3A_67 = arith.constant 0 : i32
      %dma_wait3A_68 = arith.constant 0 : i32
      %dma_wait3A_69 = tpu.memref_slice %arg5[%arg0, %dma_wait3A_67, %dma_wait3A_68] : memref<2x51200x32xf32, #tpu.memory_space<hbm>> -> memref<1x51200x32xf32, #tpu.memory_space<hbm>>
      %dma_wait3A_70 = tpu.memref_squeeze %dma_wait3A_69 : memref<1x51200x32xf32, #tpu.memory_space<hbm>> -> memref<51200x32xf32, #tpu.memory_space<hbm>>
      %dma_wait3A_71 = arith.constant 0 : i32
      %dma_wait3A_72 = tpu.memref_slice %dma_wait3A_70[%add3A_37, %dma_wait3A_71] : memref<51200x32xf32, #tpu.memory_space<hbm>> -> memref<768x32xf32, #tpu.memory_space<hbm>>
      %dma_wait3A_73 = arith.constant 0 : i32
      %dma_wait3A_74 = arith.constant 0 : i32
      %dma_wait3A_75 = tpu.memref_slice %arg8[%dma_wait3A_73, %dma_wait3A_74] : memref<768x32xf32, #tpu.memory_space<vmem>> -> memref<768x32xf32, #tpu.memory_space<vmem>>
      tpu.wait_dma2 semaphore(%run_scoped3A : memref<!tpu.dma_semaphore, #tpu.memory_space<semaphore_mem>>) src(%dma_wait3A_75 : memref<768x32xf32, #tpu.memory_space<vmem>>) dst(%dma_wait3A_72 : memref<768x32xf32, #tpu.memory_space<hbm>>)
      tpu.yield
    }) : () -> ()
    %add3A_38 = arith.constant 3072 : i32
    %add3A_39 = arith.addi %mul3A_5, %add3A_38 : i32
    "tpu.region"() ({
      %run_scoped3A = tpu.sem_alloc : memref<!tpu.dma_semaphore, #tpu.memory_space<semaphore_mem>>
      %dma_start3A = arith.constant 0 : i32
      %dma_start3A_42 = arith.constant 0 : i32
      %dma_start3A_43 = tpu.memref_slice %arg8[%dma_start3A, %dma_start3A_42] : memref<768x32xf32, #tpu.memory_space<vmem>> -> memref<128x32xf32, #tpu.memory_space<vmem>>
      %dma_start3A_44 = arith.constant 0 : i32
      %dma_start3A_45 = tpu.memref_slice %arg9[%add3A_39, %dma_start3A_44] : memref<51200x32xf32, #tpu.memory_space<vmem_shared>> -> memref<128x32xf32, #tpu.memory_space<vmem_shared>>
      %dma_start3A_46 = arith.constant 0 : i32
      %dma_start3A_47 = arith.constant 0 : i32
      %dma_start3A_48 = tpu.memref_slice %arg8[%dma_start3A_46, %dma_start3A_47] : memref<768x32xf32, #tpu.memory_space<vmem>> -> memref<128x32xf32, #tpu.memory_space<vmem>>
      %dma_start3A_49 = arith.constant 0 : i32
      %dma_start3A_50 = tpu.memref_slice %arg9[%add3A_39, %dma_start3A_49] : memref<51200x32xf32, #tpu.memory_space<vmem_shared>> -> memref<128x32xf32, #tpu.memory_space<vmem_shared>>
      tpu.enqueue_dma source(%dma_start3A_50 : memref<128x32xf32, #tpu.memory_space<vmem_shared>>) target(%dma_start3A_48 : memref<128x32xf32, #tpu.memory_space<vmem>>) target_semaphore(%run_scoped3A : memref<!tpu.dma_semaphore, #tpu.memory_space<semaphore_mem>>)
      %dma_wait3A = arith.constant 0 : i32
      %dma_wait3A_51 = arith.constant 0 : i32
      %dma_wait3A_52 = tpu.memref_slice %arg8[%dma_wait3A, %dma_wait3A_51] : memref<768x32xf32, #tpu.memory_space<vmem>> -> memref<128x32xf32, #tpu.memory_space<vmem>>
      %dma_wait3A_53 = arith.constant 0 : i32
      %dma_wait3A_54 = tpu.memref_slice %arg9[%add3A_39, %dma_wait3A_53] : memref<51200x32xf32, #tpu.memory_space<vmem_shared>> -> memref<128x32xf32, #tpu.memory_space<vmem_shared>>
      %dma_wait3A_55 = arith.constant 0 : i32
      %dma_wait3A_56 = arith.constant 0 : i32
      %dma_wait3A_57 = tpu.memref_slice %arg8[%dma_wait3A_55, %dma_wait3A_56] : memref<768x32xf32, #tpu.memory_space<vmem>> -> memref<128x32xf32, #tpu.memory_space<vmem>>
      %dma_wait3A_58 = arith.constant 0 : i32
      %dma_wait3A_59 = tpu.memref_slice %arg9[%add3A_39, %dma_wait3A_58] : memref<51200x32xf32, #tpu.memory_space<vmem_shared>> -> memref<128x32xf32, #tpu.memory_space<vmem_shared>>
      tpu.wait_dma2 semaphore(%run_scoped3A : memref<!tpu.dma_semaphore, #tpu.memory_space<semaphore_mem>>) src(%dma_wait3A_59 : memref<128x32xf32, #tpu.memory_space<vmem_shared>>) dst(%dma_wait3A_57 : memref<128x32xf32, #tpu.memory_space<vmem>>)
      tpu.yield
    }) : () -> ()
    %add3A_40 = arith.constant 3072 : i32
    %add3A_41 = arith.addi %mul3A_5, %add3A_40 : i32
    "tpu.region"() ({
      %run_scoped3A = tpu.sem_alloc : memref<!tpu.dma_semaphore, #tpu.memory_space<semaphore_mem>>
      %dma_start3A = arith.constant 0 : i32
      %dma_start3A_42 = arith.constant 0 : i32
      %dma_start3A_43 = tpu.memref_slice %arg8[%dma_start3A, %dma_start3A_42] : memref<768x32xf32, #tpu.memory_space<vmem>> -> memref<128x32xf32, #tpu.memory_space<vmem>>
      %dma_start3A_44 = arith.constant 0 : i32
      %dma_start3A_45 = arith.constant 0 : i32
      %dma_start3A_46 = tpu.memref_slice %arg5[%arg0, %dma_start3A_44, %dma_start3A_45] : memref<2x51200x32xf32, #tpu.memory_space<hbm>> -> memref<1x51200x32xf32, #tpu.memory_space<hbm>>
      %dma_start3A_47 = tpu.memref_squeeze %dma_start3A_46 : memref<1x51200x32xf32, #tpu.memory_space<hbm>> -> memref<51200x32xf32, #tpu.memory_space<hbm>>
      %dma_start3A_48 = arith.constant 0 : i32
      %dma_start3A_49 = tpu.memref_slice %dma_start3A_47[%add3A_41, %dma_start3A_48] : memref<51200x32xf32, #tpu.memory_space<hbm>> -> memref<128x32xf32, #tpu.memory_space<hbm>>
      %dma_start3A_50 = arith.constant 0 : i32
      %dma_start3A_51 = arith.constant 0 : i32
      %dma_start3A_52 = tpu.memref_slice %arg5[%arg0, %dma_start3A_50, %dma_start3A_51] : memref<2x51200x32xf32, #tpu.memory_space<hbm>> -> memref<1x51200x32xf32, #tpu.memory_space<hbm>>
      %dma_start3A_53 = tpu.memref_squeeze %dma_start3A_52 : memref<1x51200x32xf32, #tpu.memory_space<hbm>> -> memref<51200x32xf32, #tpu.memory_space<hbm>>
      %dma_start3A_54 = arith.constant 0 : i32
      %dma_start3A_55 = tpu.memref_slice %dma_start3A_53[%add3A_41, %dma_start3A_54] : memref<51200x32xf32, #tpu.memory_space<hbm>> -> memref<128x32xf32, #tpu.memory_space<hbm>>
      %dma_start3A_56 = arith.constant 0 : i32
      %dma_start3A_57 = arith.constant 0 : i32
      %dma_start3A_58 = tpu.memref_slice %arg8[%dma_start3A_56, %dma_start3A_57] : memref<768x32xf32, #tpu.memory_space<vmem>> -> memref<128x32xf32, #tpu.memory_space<vmem>>
      tpu.enqueue_dma source(%dma_start3A_58 : memref<128x32xf32, #tpu.memory_space<vmem>>) target(%dma_start3A_55 : memref<128x32xf32, #tpu.memory_space<hbm>>) target_semaphore(%run_scoped3A : memref<!tpu.dma_semaphore, #tpu.memory_space<semaphore_mem>>)
      %dma_wait3A = arith.constant 0 : i32
      %dma_wait3A_59 = arith.constant 0 : i32
      %dma_wait3A_60 = tpu.memref_slice %arg8[%dma_wait3A, %dma_wait3A_59] : memref<768x32xf32, #tpu.memory_space<vmem>> -> memref<128x32xf32, #tpu.memory_space<vmem>>
      %dma_wait3A_61 = arith.constant 0 : i32
      %dma_wait3A_62 = arith.constant 0 : i32
      %dma_wait3A_63 = tpu.memref_slice %arg5[%arg0, %dma_wait3A_61, %dma_wait3A_62] : memref<2x51200x32xf32, #tpu.memory_space<hbm>> -> memref<1x51200x32xf32, #tpu.memory_space<hbm>>
      %dma_wait3A_64 = tpu.memref_squeeze %dma_wait3A_63 : memref<1x51200x32xf32, #tpu.memory_space<hbm>> -> memref<51200x32xf32, #tpu.memory_space<hbm>>
      %dma_wait3A_65 = arith.constant 0 : i32
      %dma_wait3A_66 = tpu.memref_slice %dma_wait3A_64[%add3A_41, %dma_wait3A_65] : memref<51200x32xf32, #tpu.memory_space<hbm>> -> memref<128x32xf32, #tpu.memory_space<hbm>>
      %dma_wait3A_67 = arith.constant 0 : i32
      %dma_wait3A_68 = arith.constant 0 : i32
      %dma_wait3A_69 = tpu.memref_slice %arg5[%arg0, %dma_wait3A_67, %dma_wait3A_68] : memref<2x51200x32xf32, #tpu.memory_space<hbm>> -> memref<1x51200x32xf32, #tpu.memory_space<hbm>>
      %dma_wait3A_70 = tpu.memref_squeeze %dma_wait3A_69 : memref<1x51200x32xf32, #tpu.memory_space<hbm>> -> memref<51200x32xf32, #tpu.memory_space<hbm>>
      %dma_wait3A_71 = arith.constant 0 : i32
      %dma_wait3A_72 = tpu.memref_slice %dma_wait3A_70[%add3A_41, %dma_wait3A_71] : memref<51200x32xf32, #tpu.memory_space<hbm>> -> memref<128x32xf32, #tpu.memory_space<hbm>>
      %dma_wait3A_73 = arith.constant 0 : i32
      %dma_wait3A_74 = arith.constant 0 : i32
      %dma_wait3A_75 = tpu.memref_slice %arg8[%dma_wait3A_73, %dma_wait3A_74] : memref<768x32xf32, #tpu.memory_space<vmem>> -> memref<128x32xf32, #tpu.memory_space<vmem>>
      tpu.wait_dma2 semaphore(%run_scoped3A : memref<!tpu.dma_semaphore, #tpu.memory_space<semaphore_mem>>) src(%dma_wait3A_75 : memref<128x32xf32, #tpu.memory_space<vmem>>) dst(%dma_wait3A_72 : memref<128x32xf32, #tpu.memory_space<hbm>>)
      tpu.yield
    }) : () -> ()
    return
  }
}

module attributes {stable_mosaic.version = 14 : i64} {
  func.func @_pre_body(%arg0: i32, %arg1: memref<1000x128xf32, #tpu.memory_space<vmem>>, %arg2: memref<128x64xf32, #tpu.memory_space<vmem>>, %arg3: memref<1x64xf32, #tpu.memory_space<vmem>>, %arg4: memref<64x64xf32, #tpu.memory_space<vmem>>, %arg5: memref<64x64xf32, #tpu.memory_space<vmem>>, %arg6: memref<2x1000x1xf32, #tpu.memory_space<vmem>>, %arg7: memref<2x1000x32xf32, #tpu.memory_space<vmem>>, %arg8: memref<2x1000x32xf32, #tpu.memory_space<vmem>>, %arg9: memref<1000x1xf32, #tpu.memory_space<vmem>>, %arg10: memref<1000x1xf32, #tpu.memory_space<vmem>>) attributes {dimension_semantics = [#tpu.dimension_semantics<arbitrary>], iteration_bounds = array<i64: 50>, scalar_prefetch = 0 : i64, scratch_operands = 0 : i64, tpu.core_type = #tpu.core_type<tc>, window_params = [{transform_indices = @transform_0, window_bounds = array<i64: 1000, 128>}, {pipeline_mode = #tpu.pipeline_mode<synchronous>, transform_indices = @transform_1, window_bounds = array<i64: 128, 64>}, {pipeline_mode = #tpu.pipeline_mode<synchronous>, transform_indices = @transform_2, window_bounds = array<i64: 1, 64>}, {pipeline_mode = #tpu.pipeline_mode<synchronous>, transform_indices = @transform_3, window_bounds = array<i64: 64, 64>}, {pipeline_mode = #tpu.pipeline_mode<synchronous>, transform_indices = @transform_4, window_bounds = array<i64: 64, 64>}, {transform_indices = @transform_5, window_bounds = array<i64: 2, 1000, 1>}, {transform_indices = @transform_6, window_bounds = array<i64: 2, 1000, 32>}, {transform_indices = @transform_7, window_bounds = array<i64: 2, 1000, 32>}, {transform_indices = @transform_8, window_bounds = array<i64: 1000, 1>}, {transform_indices = @transform_9, window_bounds = array<i64: 1000, 1>}]} {
    %get3A = arith.constant 0 : index
    %get3A_0 = arith.constant 0 : index
    %get3A_1 = vector.load %arg1[%get3A, %get3A_0] : memref<1000x128xf32, #tpu.memory_space<vmem>>, vector<1000x128xf32>
    %get3A_2 = arith.constant 0 : index
    %get3A_3 = arith.constant 0 : index
    %get3A_4 = vector.load %arg2[%get3A_2, %get3A_3] : memref<128x64xf32, #tpu.memory_space<vmem>>, vector<128x64xf32>
    %dot_general3A = arith.constant dense<0.000000e+00> : vector<1000x64xf32>
    %dot_general3A_5 = tpu.matmul %get3A_1, %get3A_4, %dot_general3A {dimension_numbers = #tpu.dot_dimension_numbers<[1], [0], [0], [1], [0, 0, 1, 1], [], []>, transpose_lhs_hint = false} : vector<1000x128xf32>, vector<128x64xf32>, vector<1000x64xf32> -> vector<1000x64xf32>
    %get3A_6 = arith.constant 0 : index
    %get3A_7 = arith.constant 0 : index
    %get3A_8 = vector.load %arg3[%get3A_6, %get3A_7] : memref<1x64xf32, #tpu.memory_space<vmem>>, vector<1x64xf32>
    %add3A = vector.broadcast %get3A_8 : vector<1x64xf32> to vector<1000x64xf32>
    %add3A_9 = arith.addf %dot_general3A_5, %add3A : vector<1000x64xf32>
    %get3A_10 = arith.constant 0 : index
    %get3A_11 = arith.constant 0 : index
    %get3A_12 = arith.constant 0 : index
    %get3A_13 = vector.load %arg6[%get3A_10, %get3A_11, %get3A_12] : memref<2x1000x1xf32, #tpu.memory_space<vmem>>, vector<2x1000x1xf32>
    %slice3A = vector.extract_strided_slice %get3A_13 {offsets = [0, 0, 0], sizes = [1, 1000, 1], strides = [1, 1, 1]} : vector<2x1000x1xf32> to vector<1x1000x1xf32>
    %squeeze3A = vector.shape_cast %slice3A : vector<1x1000x1xf32> to vector<1000x1xf32>
    %add3A_14 = arith.constant 1.000000e+00 : f32
    %add3A_15 = vector.broadcast %add3A_14 : f32 to vector<1000x1xf32>
    %add3A_16 = arith.addf %squeeze3A, %add3A_15 : vector<1000x1xf32>
    %rsqrt3A = math.rsqrt %add3A_16 : vector<1000x1xf32>
    %slice3A_17 = vector.extract_strided_slice %get3A_13 {offsets = [1, 0, 0], sizes = [1, 1000, 1], strides = [1, 1, 1]} : vector<2x1000x1xf32> to vector<1x1000x1xf32>
    %squeeze3A_18 = vector.shape_cast %slice3A_17 : vector<1x1000x1xf32> to vector<1000x1xf32>
    %add3A_19 = arith.constant 1.000000e+00 : f32
    %add3A_20 = vector.broadcast %add3A_19 : f32 to vector<1000x1xf32>
    %add3A_21 = arith.addf %squeeze3A_18, %add3A_20 : vector<1000x1xf32>
    %rsqrt3A_22 = math.rsqrt %add3A_21 : vector<1000x1xf32>
    %get3A_23 = arith.constant 0 : index
    %get3A_24 = arith.constant 0 : index
    %get3A_25 = vector.load %arg4[%get3A_23, %get3A_24] : memref<64x64xf32, #tpu.memory_space<vmem>>, vector<64x64xf32>
    %dot_general3A_26 = arith.constant dense<0.000000e+00> : vector<1000x64xf32>
    %dot_general3A_27 = tpu.matmul %add3A_9, %get3A_25, %dot_general3A_26 {dimension_numbers = #tpu.dot_dimension_numbers<[1], [0], [0], [1], [0, 0, 1, 1], [], []>, transpose_lhs_hint = false} : vector<1000x64xf32>, vector<64x64xf32>, vector<1000x64xf32> -> vector<1000x64xf32>
    %get3A_28 = arith.constant 0 : index
    %get3A_29 = arith.constant 0 : index
    %get3A_30 = vector.load %arg5[%get3A_28, %get3A_29] : memref<64x64xf32, #tpu.memory_space<vmem>>, vector<64x64xf32>
    %dot_general3A_31 = arith.constant dense<0.000000e+00> : vector<1000x64xf32>
    %dot_general3A_32 = tpu.matmul %add3A_9, %get3A_30, %dot_general3A_31 {dimension_numbers = #tpu.dot_dimension_numbers<[1], [0], [0], [1], [0, 0, 1, 1], [], []>, transpose_lhs_hint = false} : vector<1000x64xf32>, vector<64x64xf32>, vector<1000x64xf32> -> vector<1000x64xf32>
    %mul3A = vector.broadcast %rsqrt3A : vector<1000x1xf32> to vector<1000x64xf32>
    %mul3A_33 = arith.mulf %dot_general3A_27, %mul3A : vector<1000x64xf32>
    %mul3A_34 = vector.broadcast %rsqrt3A_22 : vector<1000x1xf32> to vector<1000x64xf32>
    %mul3A_35 = arith.mulf %dot_general3A_32, %mul3A_34 : vector<1000x64xf32>
    %slice3A_36 = vector.extract_strided_slice %mul3A_33 {offsets = [0, 0], sizes = [1000, 32], strides = [1, 1]} : vector<1000x64xf32> to vector<1000x32xf32>
    %slice3A_37 = vector.extract_strided_slice %mul3A_33 {offsets = [0, 32], sizes = [1000, 32], strides = [1, 1]} : vector<1000x64xf32> to vector<1000x32xf32>
    %stack3A = vector.shape_cast %slice3A_36 : vector<1000x32xf32> to vector<1x1000x32xf32>
    %stack3A_38 = vector.shape_cast %slice3A_37 : vector<1000x32xf32> to vector<1x1000x32xf32>
    %stack3A_39 = tpu.concatenate %stack3A, %stack3A_38 in 0 : vector<1x1000x32xf32>, vector<1x1000x32xf32> -> vector<2x1000x32xf32>
    %swap3A = arith.constant 0 : index
    %swap3A_40 = arith.constant 0 : index
    %swap3A_41 = arith.constant 0 : index
    %swap3A_42 = vector.load %arg7[%swap3A, %swap3A_40, %swap3A_41] : memref<2x1000x32xf32, #tpu.memory_space<vmem>>, vector<2x1000x32xf32>
    tpu.vector_store %arg7[%swap3A, %swap3A_40, %swap3A_41], %stack3A_39 {strides = array<i32>} : memref<2x1000x32xf32, #tpu.memory_space<vmem>>, vector<2x1000x32xf32>,
    %slice3A_43 = vector.extract_strided_slice %mul3A_35 {offsets = [0, 0], sizes = [1000, 32], strides = [1, 1]} : vector<1000x64xf32> to vector<1000x32xf32>
    %slice3A_44 = vector.extract_strided_slice %mul3A_35 {offsets = [0, 32], sizes = [1000, 32], strides = [1, 1]} : vector<1000x64xf32> to vector<1000x32xf32>
    %stack3A_45 = vector.shape_cast %slice3A_43 : vector<1000x32xf32> to vector<1x1000x32xf32>
    %stack3A_46 = vector.shape_cast %slice3A_44 : vector<1000x32xf32> to vector<1x1000x32xf32>
    %stack3A_47 = tpu.concatenate %stack3A_45, %stack3A_46 in 0 : vector<1x1000x32xf32>, vector<1x1000x32xf32> -> vector<2x1000x32xf32>
    %swap3A_48 = arith.constant 0 : index
    %swap3A_49 = arith.constant 0 : index
    %swap3A_50 = arith.constant 0 : index
    %swap3A_51 = vector.load %arg8[%swap3A_48, %swap3A_49, %swap3A_50] : memref<2x1000x32xf32, #tpu.memory_space<vmem>>, vector<2x1000x32xf32>
    tpu.vector_store %arg8[%swap3A_48, %swap3A_49, %swap3A_50], %stack3A_47 {strides = array<i32>} : memref<2x1000x32xf32, #tpu.memory_space<vmem>>, vector<2x1000x32xf32>,
    %swap3A_52 = arith.constant 0 : index
    %swap3A_53 = arith.constant 0 : index
    %swap3A_54 = vector.load %arg9[%swap3A_52, %swap3A_53] : memref<1000x1xf32, #tpu.memory_space<vmem>>, vector<1000x1xf32>
    tpu.vector_store %arg9[%swap3A_52, %swap3A_53], %rsqrt3A {strides = array<i32>} : memref<1000x1xf32, #tpu.memory_space<vmem>>, vector<1000x1xf32>,
    %swap3A_55 = arith.constant 0 : index
    %swap3A_56 = arith.constant 0 : index
    %swap3A_57 = vector.load %arg10[%swap3A_55, %swap3A_56] : memref<1000x1xf32, #tpu.memory_space<vmem>>, vector<1000x1xf32>
    tpu.vector_store %arg10[%swap3A_55, %swap3A_56], %rsqrt3A_22 {strides = array<i32>} : memref<1000x1xf32, #tpu.memory_space<vmem>>, vector<1000x1xf32>,
    return
  }
  func.func @transform_0(%arg0: i32) -> (i32, i32) {
    %c0_i32 = arith.constant 0 : i32
    %c0_i32_0 = arith.constant 0 : i32
    return %arg0, %c0_i32 : i32, i32
  }
  func.func @transform_1(%arg0: i32) -> (i32, i32) {
    %c0_i32 = arith.constant 0 : i32
    %c0_i32_0 = arith.constant 0 : i32
    %c0_i32_1 = arith.constant 0 : i32
    return %c0_i32, %c0_i32_0 : i32, i32
  }
  func.func @transform_2(%arg0: i32) -> (i32, i32) {
    %c0_i32 = arith.constant 0 : i32
    %c0_i32_0 = arith.constant 0 : i32
    %c0_i32_1 = arith.constant 0 : i32
    return %c0_i32, %c0_i32_0 : i32, i32
  }
  func.func @transform_3(%arg0: i32) -> (i32, i32) {
    %c0_i32 = arith.constant 0 : i32
    %c0_i32_0 = arith.constant 0 : i32
    %c0_i32_1 = arith.constant 0 : i32
    return %c0_i32, %c0_i32_0 : i32, i32
  }
  func.func @transform_4(%arg0: i32) -> (i32, i32) {
    %c0_i32 = arith.constant 0 : i32
    %c0_i32_0 = arith.constant 0 : i32
    %c0_i32_1 = arith.constant 0 : i32
    return %c0_i32, %c0_i32_0 : i32, i32
  }
  func.func @transform_5(%arg0: i32) -> (i32, i32, i32) {
    %c0_i32 = arith.constant 0 : i32
    %c0_i32_0 = arith.constant 0 : i32
    %c0_i32_1 = arith.constant 0 : i32
    return %c0_i32, %arg0, %c0_i32_0 : i32, i32, i32
  }
  func.func @transform_6(%arg0: i32) -> (i32, i32, i32) {
    %c0_i32 = arith.constant 0 : i32
    %c0_i32_0 = arith.constant 0 : i32
    %c0_i32_1 = arith.constant 0 : i32
    return %c0_i32, %arg0, %c0_i32_0 : i32, i32, i32
  }
  func.func @transform_7(%arg0: i32) -> (i32, i32, i32) {
    %c0_i32 = arith.constant 0 : i32
    %c0_i32_0 = arith.constant 0 : i32
    %c0_i32_1 = arith.constant 0 : i32
    return %c0_i32, %arg0, %c0_i32_0 : i32, i32, i32
  }
  func.func @transform_8(%arg0: i32) -> (i32, i32) {
    %c0_i32 = arith.constant 0 : i32
    %c0_i32_0 = arith.constant 0 : i32
    return %arg0, %c0_i32 : i32, i32
  }
  func.func @transform_9(%arg0: i32) -> (i32, i32) {
    %c0_i32 = arith.constant 0 : i32
    %c0_i32_0 = arith.constant 0 : i32
    return %arg0, %c0_i32 : i32, i32
  }
}

module attributes {stable_mosaic.version = 14 : i64} {
  func.func @_ode_body(%arg0: i32, %arg1: memref<2x1000x32xf32, #tpu.memory_space<vmem>>, %arg2: memref<2x1000x32xf32, #tpu.memory_space<vmem>>, %arg3: memref<2x1000x32xf32, #tpu.memory_space<vmem>>, %arg4: memref<2x1000x32xf32, #tpu.memory_space<vmem>>, %arg5: memref<1000x1xf32, #tpu.memory_space<vmem>>, %arg6: memref<1000x1xf32, #tpu.memory_space<vmem>>, %arg7: memref<1x64xf32, #tpu.memory_space<vmem>>, %arg8: memref<1x64xf32, #tpu.memory_space<vmem>>, %arg9: memref<128x128xf32, #tpu.memory_space<vmem>>, %arg10: memref<1x128xf32, #tpu.memory_space<vmem>>, %arg11: memref<1x1xf32, #tpu.memory_space<smem>>, %arg12: memref<1000x128xf32, #tpu.memory_space<vmem>>) attributes {dimension_semantics = [#tpu.dimension_semantics<arbitrary>], iteration_bounds = array<i64: 50>, scalar_prefetch = 0 : i64, scratch_operands = 0 : i64, tpu.core_type = #tpu.core_type<tc>, window_params = [{transform_indices = @transform_0, window_bounds = array<i64: 2, 1000, 32>}, {transform_indices = @transform_1, window_bounds = array<i64: 2, 1000, 32>}, {transform_indices = @transform_2, window_bounds = array<i64: 2, 1000, 32>}, {transform_indices = @transform_3, window_bounds = array<i64: 2, 1000, 32>}, {transform_indices = @transform_4, window_bounds = array<i64: 1000, 1>}, {transform_indices = @transform_5, window_bounds = array<i64: 1000, 1>}, {pipeline_mode = #tpu.pipeline_mode<synchronous>, transform_indices = @transform_6, window_bounds = array<i64: 1, 64>}, {pipeline_mode = #tpu.pipeline_mode<synchronous>, transform_indices = @transform_7, window_bounds = array<i64: 1, 64>}, {pipeline_mode = #tpu.pipeline_mode<synchronous>, transform_indices = @transform_8, window_bounds = array<i64: 128, 128>}, {pipeline_mode = #tpu.pipeline_mode<synchronous>, transform_indices = @transform_9, window_bounds = array<i64: 1, 128>}, {transform_indices = @transform_10, window_bounds = array<i64: 1, 1>}, {transform_indices = @transform_11, window_bounds = array<i64: 1000, 128>}]} {
    %get3A = arith.constant 0 : index
    %get3A_0 = arith.constant 0 : index
    %get3A_1 = arith.constant 0 : index
    %get3A_2 = vector.load %arg1[%get3A, %get3A_0, %get3A_1] : memref<2x1000x32xf32, #tpu.memory_space<vmem>>, vector<2x1000x32xf32>
    %get3A_3 = arith.constant 0 : index
    %get3A_4 = arith.constant 0 : index
    %get3A_5 = arith.constant 0 : index
    %get3A_6 = vector.load %arg3[%get3A_3, %get3A_4, %get3A_5] : memref<2x1000x32xf32, #tpu.memory_space<vmem>>, vector<2x1000x32xf32>
    %add3A = arith.addf %get3A_2, %get3A_6 : vector<2x1000x32xf32>
    %get3A_7 = arith.constant 0 : index
    %get3A_8 = arith.constant 0 : index
    %get3A_9 = arith.constant 0 : index
    %get3A_10 = vector.load %arg2[%get3A_7, %get3A_8, %get3A_9] : memref<2x1000x32xf32, #tpu.memory_space<vmem>>, vector<2x1000x32xf32>
    %get3A_11 = arith.constant 0 : index
    %get3A_12 = arith.constant 0 : index
    %get3A_13 = arith.constant 0 : index
    %get3A_14 = vector.load %arg4[%get3A_11, %get3A_12, %get3A_13] : memref<2x1000x32xf32, #tpu.memory_space<vmem>>, vector<2x1000x32xf32>
    %add3A_15 = arith.addf %get3A_10, %get3A_14 : vector<2x1000x32xf32>
    %get3A_16 = arith.constant 0 : index
    %get3A_17 = arith.constant 0 : index
    %get3A_18 = vector.load %arg5[%get3A_16, %get3A_17] : memref<1000x1xf32, #tpu.memory_space<vmem>>, vector<1000x1xf32>
    %slice3A = vector.extract_strided_slice %add3A {offsets = [0, 0, 0], sizes = [1, 1000, 32], strides = [1, 1, 1]} : vector<2x1000x32xf32> to vector<1x1000x32xf32>
    %squeeze3A = vector.shape_cast %slice3A : vector<1x1000x32xf32> to vector<1000x32xf32>
    %slice3A_19 = vector.extract_strided_slice %add3A {offsets = [1, 0, 0], sizes = [1, 1000, 32], strides = [1, 1, 1]} : vector<2x1000x32xf32> to vector<1x1000x32xf32>
    %squeeze3A_20 = vector.shape_cast %slice3A_19 : vector<1x1000x32xf32> to vector<1000x32xf32>
    %concatenate3A = tpu.concatenate %squeeze3A, %squeeze3A_20 in 1 : vector<1000x32xf32>, vector<1000x32xf32> -> vector<1000x64xf32>
    %mul3A = vector.broadcast %get3A_18 : vector<1000x1xf32> to vector<1000x64xf32>
    %mul3A_21 = arith.mulf %mul3A, %concatenate3A : vector<1000x64xf32>
    %get3A_22 = arith.constant 0 : index
    %get3A_23 = arith.constant 0 : index
    %get3A_24 = vector.load %arg7[%get3A_22, %get3A_23] : memref<1x64xf32, #tpu.memory_space<vmem>>, vector<1x64xf32>
    %add3A_25 = vector.broadcast %get3A_24 : vector<1x64xf32> to vector<1000x64xf32>
    %add3A_26 = arith.addf %mul3A_21, %add3A_25 : vector<1000x64xf32>
    %get3A_27 = arith.constant 0 : index
    %get3A_28 = arith.constant 0 : index
    %get3A_29 = vector.load %arg6[%get3A_27, %get3A_28] : memref<1000x1xf32, #tpu.memory_space<vmem>>, vector<1000x1xf32>
    %slice3A_30 = vector.extract_strided_slice %add3A_15 {offsets = [0, 0, 0], sizes = [1, 1000, 32], strides = [1, 1, 1]} : vector<2x1000x32xf32> to vector<1x1000x32xf32>
    %squeeze3A_31 = vector.shape_cast %slice3A_30 : vector<1x1000x32xf32> to vector<1000x32xf32>
    %slice3A_32 = vector.extract_strided_slice %add3A_15 {offsets = [1, 0, 0], sizes = [1, 1000, 32], strides = [1, 1, 1]} : vector<2x1000x32xf32> to vector<1x1000x32xf32>
    %squeeze3A_33 = vector.shape_cast %slice3A_32 : vector<1x1000x32xf32> to vector<1000x32xf32>
    %concatenate3A_34 = tpu.concatenate %squeeze3A_31, %squeeze3A_33 in 1 : vector<1000x32xf32>, vector<1000x32xf32> -> vector<1000x64xf32>
    %mul3A_35 = vector.broadcast %get3A_29 : vector<1000x1xf32> to vector<1000x64xf32>
    %mul3A_36 = arith.mulf %mul3A_35, %concatenate3A_34 : vector<1000x64xf32>
    %get3A_37 = arith.constant 0 : index
    %get3A_38 = arith.constant 0 : index
    %get3A_39 = vector.load %arg8[%get3A_37, %get3A_38] : memref<1x64xf32, #tpu.memory_space<vmem>>, vector<1x64xf32>
    %add3A_40 = vector.broadcast %get3A_39 : vector<1x64xf32> to vector<1000x64xf32>
    %add3A_41 = arith.addf %mul3A_36, %add3A_40 : vector<1000x64xf32>
    %concatenate3A_42 = tpu.concatenate %add3A_26, %add3A_41 in 1 : vector<1000x64xf32>, vector<1000x64xf32> -> vector<1000x128xf32>
    %get3A_43 = arith.constant 0 : index
    %get3A_44 = arith.constant 0 : index
    %get3A_45 = vector.load %arg9[%get3A_43, %get3A_44] : memref<128x128xf32, #tpu.memory_space<vmem>>, vector<128x128xf32>
    %convert_element_type3A = arith.truncf %get3A_45 : vector<128x128xf32> to vector<128x128xbf16>
    %get3A_46 = arith.constant 0 : index
    %get3A_47 = arith.constant 0 : index
    %get3A_48 = vector.load %arg10[%get3A_46, %get3A_47] : memref<1x128xf32, #tpu.memory_space<vmem>>, vector<1x128xf32>
    %get3A_49 = arith.constant 0 : index
    %get3A_50 = arith.constant 0 : index
    %get3A_51 = memref.load %arg11[%get3A_49, %get3A_50] : memref<1x1xf32, #tpu.memory_space<smem>>
    %convert_element_type3A_52 = arith.truncf %concatenate3A_42 : vector<1000x128xf32> to vector<1000x128xbf16>
    %dot_general3A = arith.constant dense<0.000000e+00> : vector<1000x128xf32>
    %dot_general3A_53 = tpu.matmul %convert_element_type3A_52, %convert_element_type3A, %dot_general3A {dimension_numbers = #tpu.dot_dimension_numbers<[1], [0], [0], [1], [0, 0, 1, 1], [], []>, transpose_lhs_hint = false} : vector<1000x128xbf16>, vector<128x128xbf16>, vector<1000x128xf32> -> vector<1000x128xf32>
    %add3A_54 = vector.broadcast %get3A_48 : vector<1x128xf32> to vector<1000x128xf32>
    %add3A_55 = arith.addf %dot_general3A_53, %add3A_54 : vector<1000x128xf32>
    %tanh3A = math.tanh %add3A_55 : vector<1000x128xf32>
    %convert_element_type3A_56 = arith.truncf %tanh3A : vector<1000x128xf32> to vector<1000x128xbf16>
    %mul3A_57 = arith.constant 2.000000e-01 : f32
    %mul3A_58 = arith.mulf %get3A_51, %mul3A_57 : f32
    %convert_element_type3A_59 = arith.truncf %mul3A_58 : f32 to bf16
    %mul3A_60 = vector.broadcast %convert_element_type3A_59 : bf16 to vector<1000x128xbf16>
    %mul3A_61 = arith.mulf %mul3A_60, %convert_element_type3A_56 : vector<1000x128xbf16>
    %add3A_62 = arith.addf %convert_element_type3A_52, %mul3A_61 : vector<1000x128xbf16>
    %dot_general3A_63 = arith.constant dense<0.000000e+00> : vector<1000x128xf32>
    %dot_general3A_64 = tpu.matmul %add3A_62, %convert_element_type3A, %dot_general3A_63 {dimension_numbers = #tpu.dot_dimension_numbers<[1], [0], [0], [1], [0, 0, 1, 1], [], []>, transpose_lhs_hint = false} : vector<1000x128xbf16>, vector<128x128xbf16>, vector<1000x128xf32> -> vector<1000x128xf32>
    %add3A_65 = vector.broadcast %get3A_48 : vector<1x128xf32> to vector<1000x128xf32>
    %add3A_66 = arith.addf %dot_general3A_64, %add3A_65 : vector<1000x128xf32>
    %tanh3A_67 = math.tanh %add3A_66 : vector<1000x128xf32>
    %convert_element_type3A_68 = arith.truncf %tanh3A_67 : vector<1000x128xf32> to vector<1000x128xbf16>
    %mul3A_69 = arith.constant 7.500000e-02 : f32
    %mul3A_70 = arith.mulf %get3A_51, %mul3A_69 : f32
    %convert_element_type3A_71 = arith.truncf %mul3A_70 : f32 to bf16
    %mul3A_72 = vector.broadcast %convert_element_type3A_71 : bf16 to vector<1000x128xbf16>
    %mul3A_73 = arith.mulf %mul3A_72, %convert_element_type3A_56 : vector<1000x128xbf16>
    %add3A_74 = arith.addf %convert_element_type3A_52, %mul3A_73 : vector<1000x128xbf16>
    %mul3A_75 = arith.constant 2.250000e-01 : f32
    %mul3A_76 = arith.mulf %get3A_51, %mul3A_75 : f32
    %convert_element_type3A_77 = arith.truncf %mul3A_76 : f32 to bf16
    %mul3A_78 = vector.broadcast %convert_element_type3A_77 : bf16 to vector<1000x128xbf16>
    %mul3A_79 = arith.mulf %mul3A_78, %convert_element_type3A_68 : vector<1000x128xbf16>
    %add3A_80 = arith.addf %add3A_74, %mul3A_79 : vector<1000x128xbf16>
    %dot_general3A_81 = arith.constant dense<0.000000e+00> : vector<1000x128xf32>
    %dot_general3A_82 = tpu.matmul %add3A_80, %convert_element_type3A, %dot_general3A_81 {dimension_numbers = #tpu.dot_dimension_numbers<[1], [0], [0], [1], [0, 0, 1, 1], [], []>, transpose_lhs_hint = false} : vector<1000x128xbf16>, vector<128x128xbf16>, vector<1000x128xf32> -> vector<1000x128xf32>
    %add3A_83 = vector.broadcast %get3A_48 : vector<1x128xf32> to vector<1000x128xf32>
    %add3A_84 = arith.addf %dot_general3A_82, %add3A_83 : vector<1000x128xf32>
    %tanh3A_85 = math.tanh %add3A_84 : vector<1000x128xf32>
    %convert_element_type3A_86 = arith.truncf %tanh3A_85 : vector<1000x128xf32> to vector<1000x128xbf16>
    %mul3A_87 = arith.constant 0.977777779 : f32
    %mul3A_88 = arith.mulf %get3A_51, %mul3A_87 : f32
    %convert_element_type3A_89 = arith.truncf %mul3A_88 : f32 to bf16
    %mul3A_90 = vector.broadcast %convert_element_type3A_89 : bf16 to vector<1000x128xbf16>
    %mul3A_91 = arith.mulf %mul3A_90, %convert_element_type3A_56 : vector<1000x128xbf16>
    %add3A_92 = arith.addf %convert_element_type3A_52, %mul3A_91 : vector<1000x128xbf16>
    %mul3A_93 = arith.constant -3.73333335 : f32
    %mul3A_94 = arith.mulf %get3A_51, %mul3A_93 : f32
    %convert_element_type3A_95 = arith.truncf %mul3A_94 : f32 to bf16
    %mul3A_96 = vector.broadcast %convert_element_type3A_95 : bf16 to vector<1000x128xbf16>
    %mul3A_97 = arith.mulf %mul3A_96, %convert_element_type3A_68 : vector<1000x128xbf16>
    %add3A_98 = arith.addf %add3A_92, %mul3A_97 : vector<1000x128xbf16>
    %mul3A_99 = arith.constant 3.55555558 : f32
    %mul3A_100 = arith.mulf %get3A_51, %mul3A_99 : f32
    %convert_element_type3A_101 = arith.truncf %mul3A_100 : f32 to bf16
    %mul3A_102 = vector.broadcast %convert_element_type3A_101 : bf16 to vector<1000x128xbf16>
    %mul3A_103 = arith.mulf %mul3A_102, %convert_element_type3A_86 : vector<1000x128xbf16>
    %add3A_104 = arith.addf %add3A_98, %mul3A_103 : vector<1000x128xbf16>
    %dot_general3A_105 = arith.constant dense<0.000000e+00> : vector<1000x128xf32>
    %dot_general3A_106 = tpu.matmul %add3A_104, %convert_element_type3A, %dot_general3A_105 {dimension_numbers = #tpu.dot_dimension_numbers<[1], [0], [0], [1], [0, 0, 1, 1], [], []>, transpose_lhs_hint = false} : vector<1000x128xbf16>, vector<128x128xbf16>, vector<1000x128xf32> -> vector<1000x128xf32>
    %add3A_107 = vector.broadcast %get3A_48 : vector<1x128xf32> to vector<1000x128xf32>
    %add3A_108 = arith.addf %dot_general3A_106, %add3A_107 : vector<1000x128xf32>
    %tanh3A_109 = math.tanh %add3A_108 : vector<1000x128xf32>
    %convert_element_type3A_110 = arith.truncf %tanh3A_109 : vector<1000x128xf32> to vector<1000x128xbf16>
    %mul3A_111 = arith.constant 2.95259857 : f32
    %mul3A_112 = arith.mulf %get3A_51, %mul3A_111 : f32
    %convert_element_type3A_113 = arith.truncf %mul3A_112 : f32 to bf16
    %mul3A_114 = vector.broadcast %convert_element_type3A_113 : bf16 to vector<1000x128xbf16>
    %mul3A_115 = arith.mulf %mul3A_114, %convert_element_type3A_56 : vector<1000x128xbf16>
    %add3A_116 = arith.addf %convert_element_type3A_52, %mul3A_115 : vector<1000x128xbf16>
    %mul3A_117 = arith.constant -11.5957937 : f32
    %mul3A_118 = arith.mulf %get3A_51, %mul3A_117 : f32
    %convert_element_type3A_119 = arith.truncf %mul3A_118 : f32 to bf16
    %mul3A_120 = vector.broadcast %convert_element_type3A_119 : bf16 to vector<1000x128xbf16>
    %mul3A_121 = arith.mulf %mul3A_120, %convert_element_type3A_68 : vector<1000x128xbf16>
    %add3A_122 = arith.addf %add3A_116, %mul3A_121 : vector<1000x128xbf16>
    %mul3A_123 = arith.constant 9.82289314 : f32
    %mul3A_124 = arith.mulf %get3A_51, %mul3A_123 : f32
    %convert_element_type3A_125 = arith.truncf %mul3A_124 : f32 to bf16
    %mul3A_126 = vector.broadcast %convert_element_type3A_125 : bf16 to vector<1000x128xbf16>
    %mul3A_127 = arith.mulf %mul3A_126, %convert_element_type3A_86 : vector<1000x128xbf16>
    %add3A_128 = arith.addf %add3A_122, %mul3A_127 : vector<1000x128xbf16>
    %mul3A_129 = arith.constant -0.290809333 : f32
    %mul3A_130 = arith.mulf %get3A_51, %mul3A_129 : f32
    %convert_element_type3A_131 = arith.truncf %mul3A_130 : f32 to bf16
    %mul3A_132 = vector.broadcast %convert_element_type3A_131 : bf16 to vector<1000x128xbf16>
    %mul3A_133 = arith.mulf %mul3A_132, %convert_element_type3A_110 : vector<1000x128xbf16>
    %add3A_134 = arith.addf %add3A_128, %mul3A_133 : vector<1000x128xbf16>
    %dot_general3A_135 = arith.constant dense<0.000000e+00> : vector<1000x128xf32>
    %dot_general3A_136 = tpu.matmul %add3A_134, %convert_element_type3A, %dot_general3A_135 {dimension_numbers = #tpu.dot_dimension_numbers<[1], [0], [0], [1], [0, 0, 1, 1], [], []>, transpose_lhs_hint = false} : vector<1000x128xbf16>, vector<128x128xbf16>, vector<1000x128xf32> -> vector<1000x128xf32>
    %add3A_137 = vector.broadcast %get3A_48 : vector<1x128xf32> to vector<1000x128xf32>
    %add3A_138 = arith.addf %dot_general3A_136, %add3A_137 : vector<1000x128xf32>
    %tanh3A_139 = math.tanh %add3A_138 : vector<1000x128xf32>
    %convert_element_type3A_140 = arith.truncf %tanh3A_139 : vector<1000x128xf32> to vector<1000x128xbf16>
    %mul3A_141 = arith.constant 2.84627533 : f32
    %mul3A_142 = arith.mulf %get3A_51, %mul3A_141 : f32
    %convert_element_type3A_143 = arith.truncf %mul3A_142 : f32 to bf16
    %mul3A_144 = vector.broadcast %convert_element_type3A_143 : bf16 to vector<1000x128xbf16>
    %mul3A_145 = arith.mulf %mul3A_144, %convert_element_type3A_56 : vector<1000x128xbf16>
    %add3A_146 = arith.addf %convert_element_type3A_52, %mul3A_145 : vector<1000x128xbf16>
    %mul3A_147 = arith.constant -10.757576 : f32
    %mul3A_148 = arith.mulf %get3A_51, %mul3A_147 : f32
    %convert_element_type3A_149 = arith.truncf %mul3A_148 : f32 to bf16
    %mul3A_150 = vector.broadcast %convert_element_type3A_149 : bf16 to vector<1000x128xbf16>
    %mul3A_151 = arith.mulf %mul3A_150, %convert_element_type3A_68 : vector<1000x128xbf16>
    %add3A_152 = arith.addf %add3A_146, %mul3A_151 : vector<1000x128xbf16>
    %mul3A_153 = arith.constant 8.90642261 : f32
    %mul3A_154 = arith.mulf %get3A_51, %mul3A_153 : f32
    %convert_element_type3A_155 = arith.truncf %mul3A_154 : f32 to bf16
    %mul3A_156 = vector.broadcast %convert_element_type3A_155 : bf16 to vector<1000x128xbf16>
    %mul3A_157 = arith.mulf %mul3A_156, %convert_element_type3A_86 : vector<1000x128xbf16>
    %add3A_158 = arith.addf %add3A_152, %mul3A_157 : vector<1000x128xbf16>
    %mul3A_159 = arith.constant 0.278409094 : f32
    %mul3A_160 = arith.mulf %get3A_51, %mul3A_159 : f32
    %convert_element_type3A_161 = arith.truncf %mul3A_160 : f32 to bf16
    %mul3A_162 = vector.broadcast %convert_element_type3A_161 : bf16 to vector<1000x128xbf16>
    %mul3A_163 = arith.mulf %mul3A_162, %convert_element_type3A_110 : vector<1000x128xbf16>
    %add3A_164 = arith.addf %add3A_158, %mul3A_163 : vector<1000x128xbf16>
    %mul3A_165 = arith.constant -0.273531318 : f32
    %mul3A_166 = arith.mulf %get3A_51, %mul3A_165 : f32
    %convert_element_type3A_167 = arith.truncf %mul3A_166 : f32 to bf16
    %mul3A_168 = vector.broadcast %convert_element_type3A_167 : bf16 to vector<1000x128xbf16>
    %mul3A_169 = arith.mulf %mul3A_168, %convert_element_type3A_140 : vector<1000x128xbf16>
    %add3A_170 = arith.addf %add3A_164, %mul3A_169 : vector<1000x128xbf16>
    %dot_general3A_171 = arith.constant dense<0.000000e+00> : vector<1000x128xf32>
    %dot_general3A_172 = tpu.matmul %add3A_170, %convert_element_type3A, %dot_general3A_171 {dimension_numbers = #tpu.dot_dimension_numbers<[1], [0], [0], [1], [0, 0, 1, 1], [], []>, transpose_lhs_hint = false} : vector<1000x128xbf16>, vector<128x128xbf16>, vector<1000x128xf32> -> vector<1000x128xf32>
    %add3A_173 = vector.broadcast %get3A_48 : vector<1x128xf32> to vector<1000x128xf32>
    %add3A_174 = arith.addf %dot_general3A_172, %add3A_173 : vector<1000x128xf32>
    %tanh3A_175 = math.tanh %add3A_174 : vector<1000x128xf32>
    %convert_element_type3A_176 = arith.truncf %tanh3A_175 : vector<1000x128xf32> to vector<1000x128xbf16>
    %mul3A_177 = arith.constant 0.0911458358 : f32
    %mul3A_178 = arith.mulf %get3A_51, %mul3A_177 : f32
    %convert_element_type3A_179 = arith.truncf %mul3A_178 : f32 to bf16
    %mul3A_180 = vector.broadcast %convert_element_type3A_179 : bf16 to vector<1000x128xbf16>
    %mul3A_181 = arith.mulf %mul3A_180, %convert_element_type3A_56 : vector<1000x128xbf16>
    %mul3A_182 = arith.constant 0.449236304 : f32
    %mul3A_183 = arith.mulf %get3A_51, %mul3A_182 : f32
    %convert_element_type3A_184 = arith.truncf %mul3A_183 : f32 to bf16
    %mul3A_185 = vector.broadcast %convert_element_type3A_184 : bf16 to vector<1000x128xbf16>
    %mul3A_186 = arith.mulf %mul3A_185, %convert_element_type3A_86 : vector<1000x128xbf16>
    %add3A_187 = arith.addf %mul3A_181, %mul3A_186 : vector<1000x128xbf16>
    %mul3A_188 = arith.constant 0.651041686 : f32
    %mul3A_189 = arith.mulf %get3A_51, %mul3A_188 : f32
    %convert_element_type3A_190 = arith.truncf %mul3A_189 : f32 to bf16
    %mul3A_191 = vector.broadcast %convert_element_type3A_190 : bf16 to vector<1000x128xbf16>
    %mul3A_192 = arith.mulf %mul3A_191, %convert_element_type3A_110 : vector<1000x128xbf16>
    %add3A_193 = arith.addf %add3A_187, %mul3A_192 : vector<1000x128xbf16>
    %mul3A_194 = arith.constant -0.322376192 : f32
    %mul3A_195 = arith.mulf %get3A_51, %mul3A_194 : f32
    %convert_element_type3A_196 = arith.truncf %mul3A_195 : f32 to bf16
    %mul3A_197 = vector.broadcast %convert_element_type3A_196 : bf16 to vector<1000x128xbf16>
    %mul3A_198 = arith.mulf %mul3A_197, %convert_element_type3A_140 : vector<1000x128xbf16>
    %add3A_199 = arith.addf %add3A_193, %mul3A_198 : vector<1000x128xbf16>
    %mul3A_200 = arith.constant 0.130952388 : f32
    %mul3A_201 = arith.mulf %get3A_51, %mul3A_200 : f32
    %convert_element_type3A_202 = arith.truncf %mul3A_201 : f32 to bf16
    %mul3A_203 = vector.broadcast %convert_element_type3A_202 : bf16 to vector<1000x128xbf16>
    %mul3A_204 = arith.mulf %mul3A_203, %convert_element_type3A_176 : vector<1000x128xbf16>
    %add3A_205 = arith.addf %add3A_199, %mul3A_204 : vector<1000x128xbf16>
    %convert_element_type3A_206 = arith.extf %add3A_205 : vector<1000x128xbf16> to vector<1000x128xf32>
    %add3A_207 = arith.addf %concatenate3A_42, %convert_element_type3A_206 : vector<1000x128xf32>
    %convert_element_type3A_208 = arith.truncf %add3A_207 : vector<1000x128xf32> to vector<1000x128xbf16>
    %dot_general3A_209 = arith.constant dense<0.000000e+00> : vector<1000x128xf32>
    %dot_general3A_210 = tpu.matmul %convert_element_type3A_208, %convert_element_type3A, %dot_general3A_209 {dimension_numbers = #tpu.dot_dimension_numbers<[1], [0], [0], [1], [0, 0, 1, 1], [], []>, transpose_lhs_hint = false} : vector<1000x128xbf16>, vector<128x128xbf16>, vector<1000x128xf32> -> vector<1000x128xf32>
    %add3A_211 = vector.broadcast %get3A_48 : vector<1x128xf32> to vector<1000x128xf32>
    %add3A_212 = arith.addf %dot_general3A_210, %add3A_211 : vector<1000x128xf32>
    %tanh3A_213 = math.tanh %add3A_212 : vector<1000x128xf32>
    %convert_element_type3A_214 = arith.truncf %tanh3A_213 : vector<1000x128xf32> to vector<1000x128xbf16>
    %mul3A_215 = arith.constant 2.000000e-01 : f32
    %mul3A_216 = arith.mulf %get3A_51, %mul3A_215 : f32
    %convert_element_type3A_217 = arith.truncf %mul3A_216 : f32 to bf16
    %mul3A_218 = vector.broadcast %convert_element_type3A_217 : bf16 to vector<1000x128xbf16>
    %mul3A_219 = arith.mulf %mul3A_218, %convert_element_type3A_214 : vector<1000x128xbf16>
    %add3A_220 = arith.addf %convert_element_type3A_208, %mul3A_219 : vector<1000x128xbf16>
    %dot_general3A_221 = arith.constant dense<0.000000e+00> : vector<1000x128xf32>
    %dot_general3A_222 = tpu.matmul %add3A_220, %convert_element_type3A, %dot_general3A_221 {dimension_numbers = #tpu.dot_dimension_numbers<[1], [0], [0], [1], [0, 0, 1, 1], [], []>, transpose_lhs_hint = false} : vector<1000x128xbf16>, vector<128x128xbf16>, vector<1000x128xf32> -> vector<1000x128xf32>
    %add3A_223 = vector.broadcast %get3A_48 : vector<1x128xf32> to vector<1000x128xf32>
    %add3A_224 = arith.addf %dot_general3A_222, %add3A_223 : vector<1000x128xf32>
    %tanh3A_225 = math.tanh %add3A_224 : vector<1000x128xf32>
    %convert_element_type3A_226 = arith.truncf %tanh3A_225 : vector<1000x128xf32> to vector<1000x128xbf16>
    %mul3A_227 = arith.constant 7.500000e-02 : f32
    %mul3A_228 = arith.mulf %get3A_51, %mul3A_227 : f32
    %convert_element_type3A_229 = arith.truncf %mul3A_228 : f32 to bf16
    %mul3A_230 = vector.broadcast %convert_element_type3A_229 : bf16 to vector<1000x128xbf16>
    %mul3A_231 = arith.mulf %mul3A_230, %convert_element_type3A_214 : vector<1000x128xbf16>
    %add3A_232 = arith.addf %convert_element_type3A_208, %mul3A_231 : vector<1000x128xbf16>
    %mul3A_233 = arith.constant 2.250000e-01 : f32
    %mul3A_234 = arith.mulf %get3A_51, %mul3A_233 : f32
    %convert_element_type3A_235 = arith.truncf %mul3A_234 : f32 to bf16
    %mul3A_236 = vector.broadcast %convert_element_type3A_235 : bf16 to vector<1000x128xbf16>
    %mul3A_237 = arith.mulf %mul3A_236, %convert_element_type3A_226 : vector<1000x128xbf16>
    %add3A_238 = arith.addf %add3A_232, %mul3A_237 : vector<1000x128xbf16>
    %dot_general3A_239 = arith.constant dense<0.000000e+00> : vector<1000x128xf32>
    %dot_general3A_240 = tpu.matmul %add3A_238, %convert_element_type3A, %dot_general3A_239 {dimension_numbers = #tpu.dot_dimension_numbers<[1], [0], [0], [1], [0, 0, 1, 1], [], []>, transpose_lhs_hint = false} : vector<1000x128xbf16>, vector<128x128xbf16>, vector<1000x128xf32> -> vector<1000x128xf32>
    %add3A_241 = vector.broadcast %get3A_48 : vector<1x128xf32> to vector<1000x128xf32>
    %add3A_242 = arith.addf %dot_general3A_240, %add3A_241 : vector<1000x128xf32>
    %tanh3A_243 = math.tanh %add3A_242 : vector<1000x128xf32>
    %convert_element_type3A_244 = arith.truncf %tanh3A_243 : vector<1000x128xf32> to vector<1000x128xbf16>
    %mul3A_245 = arith.constant 0.977777779 : f32
    %mul3A_246 = arith.mulf %get3A_51, %mul3A_245 : f32
    %convert_element_type3A_247 = arith.truncf %mul3A_246 : f32 to bf16
    %mul3A_248 = vector.broadcast %convert_element_type3A_247 : bf16 to vector<1000x128xbf16>
    %mul3A_249 = arith.mulf %mul3A_248, %convert_element_type3A_214 : vector<1000x128xbf16>
    %add3A_250 = arith.addf %convert_element_type3A_208, %mul3A_249 : vector<1000x128xbf16>
    %mul3A_251 = arith.constant -3.73333335 : f32
    %mul3A_252 = arith.mulf %get3A_51, %mul3A_251 : f32
    %convert_element_type3A_253 = arith.truncf %mul3A_252 : f32 to bf16
    %mul3A_254 = vector.broadcast %convert_element_type3A_253 : bf16 to vector<1000x128xbf16>
    %mul3A_255 = arith.mulf %mul3A_254, %convert_element_type3A_226 : vector<1000x128xbf16>
    %add3A_256 = arith.addf %add3A_250, %mul3A_255 : vector<1000x128xbf16>
    %mul3A_257 = arith.constant 3.55555558 : f32
    %mul3A_258 = arith.mulf %get3A_51, %mul3A_257 : f32
    %convert_element_type3A_259 = arith.truncf %mul3A_258 : f32 to bf16
    %mul3A_260 = vector.broadcast %convert_element_type3A_259 : bf16 to vector<1000x128xbf16>
    %mul3A_261 = arith.mulf %mul3A_260, %convert_element_type3A_244 : vector<1000x128xbf16>
    %add3A_262 = arith.addf %add3A_256, %mul3A_261 : vector<1000x128xbf16>
    %dot_general3A_263 = arith.constant dense<0.000000e+00> : vector<1000x128xf32>
    %dot_general3A_264 = tpu.matmul %add3A_262, %convert_element_type3A, %dot_general3A_263 {dimension_numbers = #tpu.dot_dimension_numbers<[1], [0], [0], [1], [0, 0, 1, 1], [], []>, transpose_lhs_hint = false} : vector<1000x128xbf16>, vector<128x128xbf16>, vector<1000x128xf32> -> vector<1000x128xf32>
    %add3A_265 = vector.broadcast %get3A_48 : vector<1x128xf32> to vector<1000x128xf32>
    %add3A_266 = arith.addf %dot_general3A_264, %add3A_265 : vector<1000x128xf32>
    %tanh3A_267 = math.tanh %add3A_266 : vector<1000x128xf32>
    %convert_element_type3A_268 = arith.truncf %tanh3A_267 : vector<1000x128xf32> to vector<1000x128xbf16>
    %mul3A_269 = arith.constant 2.95259857 : f32
    %mul3A_270 = arith.mulf %get3A_51, %mul3A_269 : f32
    %convert_element_type3A_271 = arith.truncf %mul3A_270 : f32 to bf16
    %mul3A_272 = vector.broadcast %convert_element_type3A_271 : bf16 to vector<1000x128xbf16>
    %mul3A_273 = arith.mulf %mul3A_272, %convert_element_type3A_214 : vector<1000x128xbf16>
    %add3A_274 = arith.addf %convert_element_type3A_208, %mul3A_273 : vector<1000x128xbf16>
    %mul3A_275 = arith.constant -11.5957937 : f32
    %mul3A_276 = arith.mulf %get3A_51, %mul3A_275 : f32
    %convert_element_type3A_277 = arith.truncf %mul3A_276 : f32 to bf16
    %mul3A_278 = vector.broadcast %convert_element_type3A_277 : bf16 to vector<1000x128xbf16>
    %mul3A_279 = arith.mulf %mul3A_278, %convert_element_type3A_226 : vector<1000x128xbf16>
    %add3A_280 = arith.addf %add3A_274, %mul3A_279 : vector<1000x128xbf16>
    %mul3A_281 = arith.constant 9.82289314 : f32
    %mul3A_282 = arith.mulf %get3A_51, %mul3A_281 : f32
    %convert_element_type3A_283 = arith.truncf %mul3A_282 : f32 to bf16
    %mul3A_284 = vector.broadcast %convert_element_type3A_283 : bf16 to vector<1000x128xbf16>
    %mul3A_285 = arith.mulf %mul3A_284, %convert_element_type3A_244 : vector<1000x128xbf16>
    %add3A_286 = arith.addf %add3A_280, %mul3A_285 : vector<1000x128xbf16>
    %mul3A_287 = arith.constant -0.290809333 : f32
    %mul3A_288 = arith.mulf %get3A_51, %mul3A_287 : f32
    %convert_element_type3A_289 = arith.truncf %mul3A_288 : f32 to bf16
    %mul3A_290 = vector.broadcast %convert_element_type3A_289 : bf16 to vector<1000x128xbf16>
    %mul3A_291 = arith.mulf %mul3A_290, %convert_element_type3A_268 : vector<1000x128xbf16>
    %add3A_292 = arith.addf %add3A_286, %mul3A_291 : vector<1000x128xbf16>
    %dot_general3A_293 = arith.constant dense<0.000000e+00> : vector<1000x128xf32>
    %dot_general3A_294 = tpu.matmul %add3A_292, %convert_element_type3A, %dot_general3A_293 {dimension_numbers = #tpu.dot_dimension_numbers<[1], [0], [0], [1], [0, 0, 1, 1], [], []>, transpose_lhs_hint = false} : vector<1000x128xbf16>, vector<128x128xbf16>, vector<1000x128xf32> -> vector<1000x128xf32>
    %add3A_295 = vector.broadcast %get3A_48 : vector<1x128xf32> to vector<1000x128xf32>
    %add3A_296 = arith.addf %dot_general3A_294, %add3A_295 : vector<1000x128xf32>
    %tanh3A_297 = math.tanh %add3A_296 : vector<1000x128xf32>
    %convert_element_type3A_298 = arith.truncf %tanh3A_297 : vector<1000x128xf32> to vector<1000x128xbf16>
    %mul3A_299 = arith.constant 2.84627533 : f32
    %mul3A_300 = arith.mulf %get3A_51, %mul3A_299 : f32
    %convert_element_type3A_301 = arith.truncf %mul3A_300 : f32 to bf16
    %mul3A_302 = vector.broadcast %convert_element_type3A_301 : bf16 to vector<1000x128xbf16>
    %mul3A_303 = arith.mulf %mul3A_302, %convert_element_type3A_214 : vector<1000x128xbf16>
    %add3A_304 = arith.addf %convert_element_type3A_208, %mul3A_303 : vector<1000x128xbf16>
    %mul3A_305 = arith.constant -10.757576 : f32
    %mul3A_306 = arith.mulf %get3A_51, %mul3A_305 : f32
    %convert_element_type3A_307 = arith.truncf %mul3A_306 : f32 to bf16
    %mul3A_308 = vector.broadcast %convert_element_type3A_307 : bf16 to vector<1000x128xbf16>
    %mul3A_309 = arith.mulf %mul3A_308, %convert_element_type3A_226 : vector<1000x128xbf16>
    %add3A_310 = arith.addf %add3A_304, %mul3A_309 : vector<1000x128xbf16>
    %mul3A_311 = arith.constant 8.90642261 : f32
    %mul3A_312 = arith.mulf %get3A_51, %mul3A_311 : f32
    %convert_element_type3A_313 = arith.truncf %mul3A_312 : f32 to bf16
    %mul3A_314 = vector.broadcast %convert_element_type3A_313 : bf16 to vector<1000x128xbf16>
    %mul3A_315 = arith.mulf %mul3A_314, %convert_element_type3A_244 : vector<1000x128xbf16>
    %add3A_316 = arith.addf %add3A_310, %mul3A_315 : vector<1000x128xbf16>
    %mul3A_317 = arith.constant 0.278409094 : f32
    %mul3A_318 = arith.mulf %get3A_51, %mul3A_317 : f32
    %convert_element_type3A_319 = arith.truncf %mul3A_318 : f32 to bf16
    %mul3A_320 = vector.broadcast %convert_element_type3A_319 : bf16 to vector<1000x128xbf16>
    %mul3A_321 = arith.mulf %mul3A_320, %convert_element_type3A_268 : vector<1000x128xbf16>
    %add3A_322 = arith.addf %add3A_316, %mul3A_321 : vector<1000x128xbf16>
    %mul3A_323 = arith.constant -0.273531318 : f32
    %mul3A_324 = arith.mulf %get3A_51, %mul3A_323 : f32
    %convert_element_type3A_325 = arith.truncf %mul3A_324 : f32 to bf16
    %mul3A_326 = vector.broadcast %convert_element_type3A_325 : bf16 to vector<1000x128xbf16>
    %mul3A_327 = arith.mulf %mul3A_326, %convert_element_type3A_298 : vector<1000x128xbf16>
    %add3A_328 = arith.addf %add3A_322, %mul3A_327 : vector<1000x128xbf16>
    %dot_general3A_329 = arith.constant dense<0.000000e+00> : vector<1000x128xf32>
    %dot_general3A_330 = tpu.matmul %add3A_328, %convert_element_type3A, %dot_general3A_329 {dimension_numbers = #tpu.dot_dimension_numbers<[1], [0], [0], [1], [0, 0, 1, 1], [], []>, transpose_lhs_hint = false} : vector<1000x128xbf16>, vector<128x128xbf16>, vector<1000x128xf32> -> vector<1000x128xf32>
    %add3A_331 = vector.broadcast %get3A_48 : vector<1x128xf32> to vector<1000x128xf32>
    %add3A_332 = arith.addf %dot_general3A_330, %add3A_331 : vector<1000x128xf32>
    %tanh3A_333 = math.tanh %add3A_332 : vector<1000x128xf32>
    %convert_element_type3A_334 = arith.truncf %tanh3A_333 : vector<1000x128xf32> to vector<1000x128xbf16>
    %mul3A_335 = arith.constant 0.0911458358 : f32
    %mul3A_336 = arith.mulf %get3A_51, %mul3A_335 : f32
    %convert_element_type3A_337 = arith.truncf %mul3A_336 : f32 to bf16
    %mul3A_338 = vector.broadcast %convert_element_type3A_337 : bf16 to vector<1000x128xbf16>
    %mul3A_339 = arith.mulf %mul3A_338, %convert_element_type3A_214 : vector<1000x128xbf16>
    %mul3A_340 = arith.constant 0.449236304 : f32
    %mul3A_341 = arith.mulf %get3A_51, %mul3A_340 : f32
    %convert_element_type3A_342 = arith.truncf %mul3A_341 : f32 to bf16
    %mul3A_343 = vector.broadcast %convert_element_type3A_342 : bf16 to vector<1000x128xbf16>
    %mul3A_344 = arith.mulf %mul3A_343, %convert_element_type3A_244 : vector<1000x128xbf16>
    %add3A_345 = arith.addf %mul3A_339, %mul3A_344 : vector<1000x128xbf16>
    %mul3A_346 = arith.constant 0.651041686 : f32
    %mul3A_347 = arith.mulf %get3A_51, %mul3A_346 : f32
    %convert_element_type3A_348 = arith.truncf %mul3A_347 : f32 to bf16
    %mul3A_349 = vector.broadcast %convert_element_type3A_348 : bf16 to vector<1000x128xbf16>
    %mul3A_350 = arith.mulf %mul3A_349, %convert_element_type3A_268 : vector<1000x128xbf16>
    %add3A_351 = arith.addf %add3A_345, %mul3A_350 : vector<1000x128xbf16>
    %mul3A_352 = arith.constant -0.322376192 : f32
    %mul3A_353 = arith.mulf %get3A_51, %mul3A_352 : f32
    %convert_element_type3A_354 = arith.truncf %mul3A_353 : f32 to bf16
    %mul3A_355 = vector.broadcast %convert_element_type3A_354 : bf16 to vector<1000x128xbf16>
    %mul3A_356 = arith.mulf %mul3A_355, %convert_element_type3A_298 : vector<1000x128xbf16>
    %add3A_357 = arith.addf %add3A_351, %mul3A_356 : vector<1000x128xbf16>
    %mul3A_358 = arith.constant 0.130952388 : f32
    %mul3A_359 = arith.mulf %get3A_51, %mul3A_358 : f32
    %convert_element_type3A_360 = arith.truncf %mul3A_359 : f32 to bf16
    %mul3A_361 = vector.broadcast %convert_element_type3A_360 : bf16 to vector<1000x128xbf16>
    %mul3A_362 = arith.mulf %mul3A_361, %convert_element_type3A_334 : vector<1000x128xbf16>
    %add3A_363 = arith.addf %add3A_357, %mul3A_362 : vector<1000x128xbf16>
    %convert_element_type3A_364 = arith.extf %add3A_363 : vector<1000x128xbf16> to vector<1000x128xf32>
    %add3A_365 = arith.addf %add3A_207, %convert_element_type3A_364 : vector<1000x128xf32>
    %convert_element_type3A_366 = arith.truncf %add3A_365 : vector<1000x128xf32> to vector<1000x128xbf16>
    %dot_general3A_367 = arith.constant dense<0.000000e+00> : vector<1000x128xf32>
    %dot_general3A_368 = tpu.matmul %convert_element_type3A_366, %convert_element_type3A, %dot_general3A_367 {dimension_numbers = #tpu.dot_dimension_numbers<[1], [0], [0], [1], [0, 0, 1, 1], [], []>, transpose_lhs_hint = false} : vector<1000x128xbf16>, vector<128x128xbf16>, vector<1000x128xf32> -> vector<1000x128xf32>
    %add3A_369 = vector.broadcast %get3A_48 : vector<1x128xf32> to vector<1000x128xf32>
    %add3A_370 = arith.addf %dot_general3A_368, %add3A_369 : vector<1000x128xf32>
    %tanh3A_371 = math.tanh %add3A_370 : vector<1000x128xf32>
    %convert_element_type3A_372 = arith.truncf %tanh3A_371 : vector<1000x128xf32> to vector<1000x128xbf16>
    %mul3A_373 = arith.constant 2.000000e-01 : f32
    %mul3A_374 = arith.mulf %get3A_51, %mul3A_373 : f32
    %convert_element_type3A_375 = arith.truncf %mul3A_374 : f32 to bf16
    %mul3A_376 = vector.broadcast %convert_element_type3A_375 : bf16 to vector<1000x128xbf16>
    %mul3A_377 = arith.mulf %mul3A_376, %convert_element_type3A_372 : vector<1000x128xbf16>
    %add3A_378 = arith.addf %convert_element_type3A_366, %mul3A_377 : vector<1000x128xbf16>
    %dot_general3A_379 = arith.constant dense<0.000000e+00> : vector<1000x128xf32>
    %dot_general3A_380 = tpu.matmul %add3A_378, %convert_element_type3A, %dot_general3A_379 {dimension_numbers = #tpu.dot_dimension_numbers<[1], [0], [0], [1], [0, 0, 1, 1], [], []>, transpose_lhs_hint = false} : vector<1000x128xbf16>, vector<128x128xbf16>, vector<1000x128xf32> -> vector<1000x128xf32>
    %add3A_381 = vector.broadcast %get3A_48 : vector<1x128xf32> to vector<1000x128xf32>
    %add3A_382 = arith.addf %dot_general3A_380, %add3A_381 : vector<1000x128xf32>
    %tanh3A_383 = math.tanh %add3A_382 : vector<1000x128xf32>
    %convert_element_type3A_384 = arith.truncf %tanh3A_383 : vector<1000x128xf32> to vector<1000x128xbf16>
    %mul3A_385 = arith.constant 7.500000e-02 : f32
    %mul3A_386 = arith.mulf %get3A_51, %mul3A_385 : f32
    %convert_element_type3A_387 = arith.truncf %mul3A_386 : f32 to bf16
    %mul3A_388 = vector.broadcast %convert_element_type3A_387 : bf16 to vector<1000x128xbf16>
    %mul3A_389 = arith.mulf %mul3A_388, %convert_element_type3A_372 : vector<1000x128xbf16>
    %add3A_390 = arith.addf %convert_element_type3A_366, %mul3A_389 : vector<1000x128xbf16>
    %mul3A_391 = arith.constant 2.250000e-01 : f32
    %mul3A_392 = arith.mulf %get3A_51, %mul3A_391 : f32
    %convert_element_type3A_393 = arith.truncf %mul3A_392 : f32 to bf16
    %mul3A_394 = vector.broadcast %convert_element_type3A_393 : bf16 to vector<1000x128xbf16>
    %mul3A_395 = arith.mulf %mul3A_394, %convert_element_type3A_384 : vector<1000x128xbf16>
    %add3A_396 = arith.addf %add3A_390, %mul3A_395 : vector<1000x128xbf16>
    %dot_general3A_397 = arith.constant dense<0.000000e+00> : vector<1000x128xf32>
    %dot_general3A_398 = tpu.matmul %add3A_396, %convert_element_type3A, %dot_general3A_397 {dimension_numbers = #tpu.dot_dimension_numbers<[1], [0], [0], [1], [0, 0, 1, 1], [], []>, transpose_lhs_hint = false} : vector<1000x128xbf16>, vector<128x128xbf16>, vector<1000x128xf32> -> vector<1000x128xf32>
    %add3A_399 = vector.broadcast %get3A_48 : vector<1x128xf32> to vector<1000x128xf32>
    %add3A_400 = arith.addf %dot_general3A_398, %add3A_399 : vector<1000x128xf32>
    %tanh3A_401 = math.tanh %add3A_400 : vector<1000x128xf32>
    %convert_element_type3A_402 = arith.truncf %tanh3A_401 : vector<1000x128xf32> to vector<1000x128xbf16>
    %mul3A_403 = arith.constant 0.977777779 : f32
    %mul3A_404 = arith.mulf %get3A_51, %mul3A_403 : f32
    %convert_element_type3A_405 = arith.truncf %mul3A_404 : f32 to bf16
    %mul3A_406 = vector.broadcast %convert_element_type3A_405 : bf16 to vector<1000x128xbf16>
    %mul3A_407 = arith.mulf %mul3A_406, %convert_element_type3A_372 : vector<1000x128xbf16>
    %add3A_408 = arith.addf %convert_element_type3A_366, %mul3A_407 : vector<1000x128xbf16>
    %mul3A_409 = arith.constant -3.73333335 : f32
    %mul3A_410 = arith.mulf %get3A_51, %mul3A_409 : f32
    %convert_element_type3A_411 = arith.truncf %mul3A_410 : f32 to bf16
    %mul3A_412 = vector.broadcast %convert_element_type3A_411 : bf16 to vector<1000x128xbf16>
    %mul3A_413 = arith.mulf %mul3A_412, %convert_element_type3A_384 : vector<1000x128xbf16>
    %add3A_414 = arith.addf %add3A_408, %mul3A_413 : vector<1000x128xbf16>
    %mul3A_415 = arith.constant 3.55555558 : f32
    %mul3A_416 = arith.mulf %get3A_51, %mul3A_415 : f32
    %convert_element_type3A_417 = arith.truncf %mul3A_416 : f32 to bf16
    %mul3A_418 = vector.broadcast %convert_element_type3A_417 : bf16 to vector<1000x128xbf16>
    %mul3A_419 = arith.mulf %mul3A_418, %convert_element_type3A_402 : vector<1000x128xbf16>
    %add3A_420 = arith.addf %add3A_414, %mul3A_419 : vector<1000x128xbf16>
    %dot_general3A_421 = arith.constant dense<0.000000e+00> : vector<1000x128xf32>
    %dot_general3A_422 = tpu.matmul %add3A_420, %convert_element_type3A, %dot_general3A_421 {dimension_numbers = #tpu.dot_dimension_numbers<[1], [0], [0], [1], [0, 0, 1, 1], [], []>, transpose_lhs_hint = false} : vector<1000x128xbf16>, vector<128x128xbf16>, vector<1000x128xf32> -> vector<1000x128xf32>
    %add3A_423 = vector.broadcast %get3A_48 : vector<1x128xf32> to vector<1000x128xf32>
    %add3A_424 = arith.addf %dot_general3A_422, %add3A_423 : vector<1000x128xf32>
    %tanh3A_425 = math.tanh %add3A_424 : vector<1000x128xf32>
    %convert_element_type3A_426 = arith.truncf %tanh3A_425 : vector<1000x128xf32> to vector<1000x128xbf16>
    %mul3A_427 = arith.constant 2.95259857 : f32
    %mul3A_428 = arith.mulf %get3A_51, %mul3A_427 : f32
    %convert_element_type3A_429 = arith.truncf %mul3A_428 : f32 to bf16
    %mul3A_430 = vector.broadcast %convert_element_type3A_429 : bf16 to vector<1000x128xbf16>
    %mul3A_431 = arith.mulf %mul3A_430, %convert_element_type3A_372 : vector<1000x128xbf16>
    %add3A_432 = arith.addf %convert_element_type3A_366, %mul3A_431 : vector<1000x128xbf16>
    %mul3A_433 = arith.constant -11.5957937 : f32
    %mul3A_434 = arith.mulf %get3A_51, %mul3A_433 : f32
    %convert_element_type3A_435 = arith.truncf %mul3A_434 : f32 to bf16
    %mul3A_436 = vector.broadcast %convert_element_type3A_435 : bf16 to vector<1000x128xbf16>
    %mul3A_437 = arith.mulf %mul3A_436, %convert_element_type3A_384 : vector<1000x128xbf16>
    %add3A_438 = arith.addf %add3A_432, %mul3A_437 : vector<1000x128xbf16>
    %mul3A_439 = arith.constant 9.82289314 : f32
    %mul3A_440 = arith.mulf %get3A_51, %mul3A_439 : f32
    %convert_element_type3A_441 = arith.truncf %mul3A_440 : f32 to bf16
    %mul3A_442 = vector.broadcast %convert_element_type3A_441 : bf16 to vector<1000x128xbf16>
    %mul3A_443 = arith.mulf %mul3A_442, %convert_element_type3A_402 : vector<1000x128xbf16>
    %add3A_444 = arith.addf %add3A_438, %mul3A_443 : vector<1000x128xbf16>
    %mul3A_445 = arith.constant -0.290809333 : f32
    %mul3A_446 = arith.mulf %get3A_51, %mul3A_445 : f32
    %convert_element_type3A_447 = arith.truncf %mul3A_446 : f32 to bf16
    %mul3A_448 = vector.broadcast %convert_element_type3A_447 : bf16 to vector<1000x128xbf16>
    %mul3A_449 = arith.mulf %mul3A_448, %convert_element_type3A_426 : vector<1000x128xbf16>
    %add3A_450 = arith.addf %add3A_444, %mul3A_449 : vector<1000x128xbf16>
    %dot_general3A_451 = arith.constant dense<0.000000e+00> : vector<1000x128xf32>
    %dot_general3A_452 = tpu.matmul %add3A_450, %convert_element_type3A, %dot_general3A_451 {dimension_numbers = #tpu.dot_dimension_numbers<[1], [0], [0], [1], [0, 0, 1, 1], [], []>, transpose_lhs_hint = false} : vector<1000x128xbf16>, vector<128x128xbf16>, vector<1000x128xf32> -> vector<1000x128xf32>
    %add3A_453 = vector.broadcast %get3A_48 : vector<1x128xf32> to vector<1000x128xf32>
    %add3A_454 = arith.addf %dot_general3A_452, %add3A_453 : vector<1000x128xf32>
    %tanh3A_455 = math.tanh %add3A_454 : vector<1000x128xf32>
    %convert_element_type3A_456 = arith.truncf %tanh3A_455 : vector<1000x128xf32> to vector<1000x128xbf16>
    %mul3A_457 = arith.constant 2.84627533 : f32
    %mul3A_458 = arith.mulf %get3A_51, %mul3A_457 : f32
    %convert_element_type3A_459 = arith.truncf %mul3A_458 : f32 to bf16
    %mul3A_460 = vector.broadcast %convert_element_type3A_459 : bf16 to vector<1000x128xbf16>
    %mul3A_461 = arith.mulf %mul3A_460, %convert_element_type3A_372 : vector<1000x128xbf16>
    %add3A_462 = arith.addf %convert_element_type3A_366, %mul3A_461 : vector<1000x128xbf16>
    %mul3A_463 = arith.constant -10.757576 : f32
    %mul3A_464 = arith.mulf %get3A_51, %mul3A_463 : f32
    %convert_element_type3A_465 = arith.truncf %mul3A_464 : f32 to bf16
    %mul3A_466 = vector.broadcast %convert_element_type3A_465 : bf16 to vector<1000x128xbf16>
    %mul3A_467 = arith.mulf %mul3A_466, %convert_element_type3A_384 : vector<1000x128xbf16>
    %add3A_468 = arith.addf %add3A_462, %mul3A_467 : vector<1000x128xbf16>
    %mul3A_469 = arith.constant 8.90642261 : f32
    %mul3A_470 = arith.mulf %get3A_51, %mul3A_469 : f32
    %convert_element_type3A_471 = arith.truncf %mul3A_470 : f32 to bf16
    %mul3A_472 = vector.broadcast %convert_element_type3A_471 : bf16 to vector<1000x128xbf16>
    %mul3A_473 = arith.mulf %mul3A_472, %convert_element_type3A_402 : vector<1000x128xbf16>
    %add3A_474 = arith.addf %add3A_468, %mul3A_473 : vector<1000x128xbf16>
    %mul3A_475 = arith.constant 0.278409094 : f32
    %mul3A_476 = arith.mulf %get3A_51, %mul3A_475 : f32
    %convert_element_type3A_477 = arith.truncf %mul3A_476 : f32 to bf16
    %mul3A_478 = vector.broadcast %convert_element_type3A_477 : bf16 to vector<1000x128xbf16>
    %mul3A_479 = arith.mulf %mul3A_478, %convert_element_type3A_426 : vector<1000x128xbf16>
    %add3A_480 = arith.addf %add3A_474, %mul3A_479 : vector<1000x128xbf16>
    %mul3A_481 = arith.constant -0.273531318 : f32
    %mul3A_482 = arith.mulf %get3A_51, %mul3A_481 : f32
    %convert_element_type3A_483 = arith.truncf %mul3A_482 : f32 to bf16
    %mul3A_484 = vector.broadcast %convert_element_type3A_483 : bf16 to vector<1000x128xbf16>
    %mul3A_485 = arith.mulf %mul3A_484, %convert_element_type3A_456 : vector<1000x128xbf16>
    %add3A_486 = arith.addf %add3A_480, %mul3A_485 : vector<1000x128xbf16>
    %dot_general3A_487 = arith.constant dense<0.000000e+00> : vector<1000x128xf32>
    %dot_general3A_488 = tpu.matmul %add3A_486, %convert_element_type3A, %dot_general3A_487 {dimension_numbers = #tpu.dot_dimension_numbers<[1], [0], [0], [1], [0, 0, 1, 1], [], []>, transpose_lhs_hint = false} : vector<1000x128xbf16>, vector<128x128xbf16>, vector<1000x128xf32> -> vector<1000x128xf32>
    %add3A_489 = vector.broadcast %get3A_48 : vector<1x128xf32> to vector<1000x128xf32>
    %add3A_490 = arith.addf %dot_general3A_488, %add3A_489 : vector<1000x128xf32>
    %tanh3A_491 = math.tanh %add3A_490 : vector<1000x128xf32>
    %convert_element_type3A_492 = arith.truncf %tanh3A_491 : vector<1000x128xf32> to vector<1000x128xbf16>
    %mul3A_493 = arith.constant 0.0911458358 : f32
    %mul3A_494 = arith.mulf %get3A_51, %mul3A_493 : f32
    %convert_element_type3A_495 = arith.truncf %mul3A_494 : f32 to bf16
    %mul3A_496 = vector.broadcast %convert_element_type3A_495 : bf16 to vector<1000x128xbf16>
    %mul3A_497 = arith.mulf %mul3A_496, %convert_element_type3A_372 : vector<1000x128xbf16>
    %mul3A_498 = arith.constant 0.449236304 : f32
    %mul3A_499 = arith.mulf %get3A_51, %mul3A_498 : f32
    %convert_element_type3A_500 = arith.truncf %mul3A_499 : f32 to bf16
    %mul3A_501 = vector.broadcast %convert_element_type3A_500 : bf16 to vector<1000x128xbf16>
    %mul3A_502 = arith.mulf %mul3A_501, %convert_element_type3A_402 : vector<1000x128xbf16>
    %add3A_503 = arith.addf %mul3A_497, %mul3A_502 : vector<1000x128xbf16>
    %mul3A_504 = arith.constant 0.651041686 : f32
    %mul3A_505 = arith.mulf %get3A_51, %mul3A_504 : f32
    %convert_element_type3A_506 = arith.truncf %mul3A_505 : f32 to bf16
    %mul3A_507 = vector.broadcast %convert_element_type3A_506 : bf16 to vector<1000x128xbf16>
    %mul3A_508 = arith.mulf %mul3A_507, %convert_element_type3A_426 : vector<1000x128xbf16>
    %add3A_509 = arith.addf %add3A_503, %mul3A_508 : vector<1000x128xbf16>
    %mul3A_510 = arith.constant -0.322376192 : f32
    %mul3A_511 = arith.mulf %get3A_51, %mul3A_510 : f32
    %convert_element_type3A_512 = arith.truncf %mul3A_511 : f32 to bf16
    %mul3A_513 = vector.broadcast %convert_element_type3A_512 : bf16 to vector<1000x128xbf16>
    %mul3A_514 = arith.mulf %mul3A_513, %convert_element_type3A_456 : vector<1000x128xbf16>
    %add3A_515 = arith.addf %add3A_509, %mul3A_514 : vector<1000x128xbf16>
    %mul3A_516 = arith.constant 0.130952388 : f32
    %mul3A_517 = arith.mulf %get3A_51, %mul3A_516 : f32
    %convert_element_type3A_518 = arith.truncf %mul3A_517 : f32 to bf16
    %mul3A_519 = vector.broadcast %convert_element_type3A_518 : bf16 to vector<1000x128xbf16>
    %mul3A_520 = arith.mulf %mul3A_519, %convert_element_type3A_492 : vector<1000x128xbf16>
    %add3A_521 = arith.addf %add3A_515, %mul3A_520 : vector<1000x128xbf16>
    %convert_element_type3A_522 = arith.extf %add3A_521 : vector<1000x128xbf16> to vector<1000x128xf32>
    %add3A_523 = arith.addf %add3A_365, %convert_element_type3A_522 : vector<1000x128xf32>
    %convert_element_type3A_524 = arith.truncf %add3A_523 : vector<1000x128xf32> to vector<1000x128xbf16>
    %dot_general3A_525 = arith.constant dense<0.000000e+00> : vector<1000x128xf32>
    %dot_general3A_526 = tpu.matmul %convert_element_type3A_524, %convert_element_type3A, %dot_general3A_525 {dimension_numbers = #tpu.dot_dimension_numbers<[1], [0], [0], [1], [0, 0, 1, 1], [], []>, transpose_lhs_hint = false} : vector<1000x128xbf16>, vector<128x128xbf16>, vector<1000x128xf32> -> vector<1000x128xf32>
    %add3A_527 = vector.broadcast %get3A_48 : vector<1x128xf32> to vector<1000x128xf32>
    %add3A_528 = arith.addf %dot_general3A_526, %add3A_527 : vector<1000x128xf32>
    %tanh3A_529 = math.tanh %add3A_528 : vector<1000x128xf32>
    %convert_element_type3A_530 = arith.truncf %tanh3A_529 : vector<1000x128xf32> to vector<1000x128xbf16>
    %mul3A_531 = arith.constant 2.000000e-01 : f32
    %mul3A_532 = arith.mulf %get3A_51, %mul3A_531 : f32
    %convert_element_type3A_533 = arith.truncf %mul3A_532 : f32 to bf16
    %mul3A_534 = vector.broadcast %convert_element_type3A_533 : bf16 to vector<1000x128xbf16>
    %mul3A_535 = arith.mulf %mul3A_534, %convert_element_type3A_530 : vector<1000x128xbf16>
    %add3A_536 = arith.addf %convert_element_type3A_524, %mul3A_535 : vector<1000x128xbf16>
    %dot_general3A_537 = arith.constant dense<0.000000e+00> : vector<1000x128xf32>
    %dot_general3A_538 = tpu.matmul %add3A_536, %convert_element_type3A, %dot_general3A_537 {dimension_numbers = #tpu.dot_dimension_numbers<[1], [0], [0], [1], [0, 0, 1, 1], [], []>, transpose_lhs_hint = false} : vector<1000x128xbf16>, vector<128x128xbf16>, vector<1000x128xf32> -> vector<1000x128xf32>
    %add3A_539 = vector.broadcast %get3A_48 : vector<1x128xf32> to vector<1000x128xf32>
    %add3A_540 = arith.addf %dot_general3A_538, %add3A_539 : vector<1000x128xf32>
    %tanh3A_541 = math.tanh %add3A_540 : vector<1000x128xf32>
    %convert_element_type3A_542 = arith.truncf %tanh3A_541 : vector<1000x128xf32> to vector<1000x128xbf16>
    %mul3A_543 = arith.constant 7.500000e-02 : f32
    %mul3A_544 = arith.mulf %get3A_51, %mul3A_543 : f32
    %convert_element_type3A_545 = arith.truncf %mul3A_544 : f32 to bf16
    %mul3A_546 = vector.broadcast %convert_element_type3A_545 : bf16 to vector<1000x128xbf16>
    %mul3A_547 = arith.mulf %mul3A_546, %convert_element_type3A_530 : vector<1000x128xbf16>
    %add3A_548 = arith.addf %convert_element_type3A_524, %mul3A_547 : vector<1000x128xbf16>
    %mul3A_549 = arith.constant 2.250000e-01 : f32
    %mul3A_550 = arith.mulf %get3A_51, %mul3A_549 : f32
    %convert_element_type3A_551 = arith.truncf %mul3A_550 : f32 to bf16
    %mul3A_552 = vector.broadcast %convert_element_type3A_551 : bf16 to vector<1000x128xbf16>
    %mul3A_553 = arith.mulf %mul3A_552, %convert_element_type3A_542 : vector<1000x128xbf16>
    %add3A_554 = arith.addf %add3A_548, %mul3A_553 : vector<1000x128xbf16>
    %dot_general3A_555 = arith.constant dense<0.000000e+00> : vector<1000x128xf32>
    %dot_general3A_556 = tpu.matmul %add3A_554, %convert_element_type3A, %dot_general3A_555 {dimension_numbers = #tpu.dot_dimension_numbers<[1], [0], [0], [1], [0, 0, 1, 1], [], []>, transpose_lhs_hint = false} : vector<1000x128xbf16>, vector<128x128xbf16>, vector<1000x128xf32> -> vector<1000x128xf32>
    %add3A_557 = vector.broadcast %get3A_48 : vector<1x128xf32> to vector<1000x128xf32>
    %add3A_558 = arith.addf %dot_general3A_556, %add3A_557 : vector<1000x128xf32>
    %tanh3A_559 = math.tanh %add3A_558 : vector<1000x128xf32>
    %convert_element_type3A_560 = arith.truncf %tanh3A_559 : vector<1000x128xf32> to vector<1000x128xbf16>
    %mul3A_561 = arith.constant 0.977777779 : f32
    %mul3A_562 = arith.mulf %get3A_51, %mul3A_561 : f32
    %convert_element_type3A_563 = arith.truncf %mul3A_562 : f32 to bf16
    %mul3A_564 = vector.broadcast %convert_element_type3A_563 : bf16 to vector<1000x128xbf16>
    %mul3A_565 = arith.mulf %mul3A_564, %convert_element_type3A_530 : vector<1000x128xbf16>
    %add3A_566 = arith.addf %convert_element_type3A_524, %mul3A_565 : vector<1000x128xbf16>
    %mul3A_567 = arith.constant -3.73333335 : f32
    %mul3A_568 = arith.mulf %get3A_51, %mul3A_567 : f32
    %convert_element_type3A_569 = arith.truncf %mul3A_568 : f32 to bf16
    %mul3A_570 = vector.broadcast %convert_element_type3A_569 : bf16 to vector<1000x128xbf16>
    %mul3A_571 = arith.mulf %mul3A_570, %convert_element_type3A_542 : vector<1000x128xbf16>
    %add3A_572 = arith.addf %add3A_566, %mul3A_571 : vector<1000x128xbf16>
    %mul3A_573 = arith.constant 3.55555558 : f32
    %mul3A_574 = arith.mulf %get3A_51, %mul3A_573 : f32
    %convert_element_type3A_575 = arith.truncf %mul3A_574 : f32 to bf16
    %mul3A_576 = vector.broadcast %convert_element_type3A_575 : bf16 to vector<1000x128xbf16>
    %mul3A_577 = arith.mulf %mul3A_576, %convert_element_type3A_560 : vector<1000x128xbf16>
    %add3A_578 = arith.addf %add3A_572, %mul3A_577 : vector<1000x128xbf16>
    %dot_general3A_579 = arith.constant dense<0.000000e+00> : vector<1000x128xf32>
    %dot_general3A_580 = tpu.matmul %add3A_578, %convert_element_type3A, %dot_general3A_579 {dimension_numbers = #tpu.dot_dimension_numbers<[1], [0], [0], [1], [0, 0, 1, 1], [], []>, transpose_lhs_hint = false} : vector<1000x128xbf16>, vector<128x128xbf16>, vector<1000x128xf32> -> vector<1000x128xf32>
    %add3A_581 = vector.broadcast %get3A_48 : vector<1x128xf32> to vector<1000x128xf32>
    %add3A_582 = arith.addf %dot_general3A_580, %add3A_581 : vector<1000x128xf32>
    %tanh3A_583 = math.tanh %add3A_582 : vector<1000x128xf32>
    %convert_element_type3A_584 = arith.truncf %tanh3A_583 : vector<1000x128xf32> to vector<1000x128xbf16>
    %mul3A_585 = arith.constant 2.95259857 : f32
    %mul3A_586 = arith.mulf %get3A_51, %mul3A_585 : f32
    %convert_element_type3A_587 = arith.truncf %mul3A_586 : f32 to bf16
    %mul3A_588 = vector.broadcast %convert_element_type3A_587 : bf16 to vector<1000x128xbf16>
    %mul3A_589 = arith.mulf %mul3A_588, %convert_element_type3A_530 : vector<1000x128xbf16>
    %add3A_590 = arith.addf %convert_element_type3A_524, %mul3A_589 : vector<1000x128xbf16>
    %mul3A_591 = arith.constant -11.5957937 : f32
    %mul3A_592 = arith.mulf %get3A_51, %mul3A_591 : f32
    %convert_element_type3A_593 = arith.truncf %mul3A_592 : f32 to bf16
    %mul3A_594 = vector.broadcast %convert_element_type3A_593 : bf16 to vector<1000x128xbf16>
    %mul3A_595 = arith.mulf %mul3A_594, %convert_element_type3A_542 : vector<1000x128xbf16>
    %add3A_596 = arith.addf %add3A_590, %mul3A_595 : vector<1000x128xbf16>
    %mul3A_597 = arith.constant 9.82289314 : f32
    %mul3A_598 = arith.mulf %get3A_51, %mul3A_597 : f32
    %convert_element_type3A_599 = arith.truncf %mul3A_598 : f32 to bf16
    %mul3A_600 = vector.broadcast %convert_element_type3A_599 : bf16 to vector<1000x128xbf16>
    %mul3A_601 = arith.mulf %mul3A_600, %convert_element_type3A_560 : vector<1000x128xbf16>
    %add3A_602 = arith.addf %add3A_596, %mul3A_601 : vector<1000x128xbf16>
    %mul3A_603 = arith.constant -0.290809333 : f32
    %mul3A_604 = arith.mulf %get3A_51, %mul3A_603 : f32
    %convert_element_type3A_605 = arith.truncf %mul3A_604 : f32 to bf16
    %mul3A_606 = vector.broadcast %convert_element_type3A_605 : bf16 to vector<1000x128xbf16>
    %mul3A_607 = arith.mulf %mul3A_606, %convert_element_type3A_584 : vector<1000x128xbf16>
    %add3A_608 = arith.addf %add3A_602, %mul3A_607 : vector<1000x128xbf16>
    %dot_general3A_609 = arith.constant dense<0.000000e+00> : vector<1000x128xf32>
    %dot_general3A_610 = tpu.matmul %add3A_608, %convert_element_type3A, %dot_general3A_609 {dimension_numbers = #tpu.dot_dimension_numbers<[1], [0], [0], [1], [0, 0, 1, 1], [], []>, transpose_lhs_hint = false} : vector<1000x128xbf16>, vector<128x128xbf16>, vector<1000x128xf32> -> vector<1000x128xf32>
    %add3A_611 = vector.broadcast %get3A_48 : vector<1x128xf32> to vector<1000x128xf32>
    %add3A_612 = arith.addf %dot_general3A_610, %add3A_611 : vector<1000x128xf32>
    %tanh3A_613 = math.tanh %add3A_612 : vector<1000x128xf32>
    %convert_element_type3A_614 = arith.truncf %tanh3A_613 : vector<1000x128xf32> to vector<1000x128xbf16>
    %mul3A_615 = arith.constant 2.84627533 : f32
    %mul3A_616 = arith.mulf %get3A_51, %mul3A_615 : f32
    %convert_element_type3A_617 = arith.truncf %mul3A_616 : f32 to bf16
    %mul3A_618 = vector.broadcast %convert_element_type3A_617 : bf16 to vector<1000x128xbf16>
    %mul3A_619 = arith.mulf %mul3A_618, %convert_element_type3A_530 : vector<1000x128xbf16>
    %add3A_620 = arith.addf %convert_element_type3A_524, %mul3A_619 : vector<1000x128xbf16>
    %mul3A_621 = arith.constant -10.757576 : f32
    %mul3A_622 = arith.mulf %get3A_51, %mul3A_621 : f32
    %convert_element_type3A_623 = arith.truncf %mul3A_622 : f32 to bf16
    %mul3A_624 = vector.broadcast %convert_element_type3A_623 : bf16 to vector<1000x128xbf16>
    %mul3A_625 = arith.mulf %mul3A_624, %convert_element_type3A_542 : vector<1000x128xbf16>
    %add3A_626 = arith.addf %add3A_620, %mul3A_625 : vector<1000x128xbf16>
    %mul3A_627 = arith.constant 8.90642261 : f32
    %mul3A_628 = arith.mulf %get3A_51, %mul3A_627 : f32
    %convert_element_type3A_629 = arith.truncf %mul3A_628 : f32 to bf16
    %mul3A_630 = vector.broadcast %convert_element_type3A_629 : bf16 to vector<1000x128xbf16>
    %mul3A_631 = arith.mulf %mul3A_630, %convert_element_type3A_560 : vector<1000x128xbf16>
    %add3A_632 = arith.addf %add3A_626, %mul3A_631 : vector<1000x128xbf16>
    %mul3A_633 = arith.constant 0.278409094 : f32
    %mul3A_634 = arith.mulf %get3A_51, %mul3A_633 : f32
    %convert_element_type3A_635 = arith.truncf %mul3A_634 : f32 to bf16
    %mul3A_636 = vector.broadcast %convert_element_type3A_635 : bf16 to vector<1000x128xbf16>
    %mul3A_637 = arith.mulf %mul3A_636, %convert_element_type3A_584 : vector<1000x128xbf16>
    %add3A_638 = arith.addf %add3A_632, %mul3A_637 : vector<1000x128xbf16>
    %mul3A_639 = arith.constant -0.273531318 : f32
    %mul3A_640 = arith.mulf %get3A_51, %mul3A_639 : f32
    %convert_element_type3A_641 = arith.truncf %mul3A_640 : f32 to bf16
    %mul3A_642 = vector.broadcast %convert_element_type3A_641 : bf16 to vector<1000x128xbf16>
    %mul3A_643 = arith.mulf %mul3A_642, %convert_element_type3A_614 : vector<1000x128xbf16>
    %add3A_644 = arith.addf %add3A_638, %mul3A_643 : vector<1000x128xbf16>
    %dot_general3A_645 = arith.constant dense<0.000000e+00> : vector<1000x128xf32>
    %dot_general3A_646 = tpu.matmul %add3A_644, %convert_element_type3A, %dot_general3A_645 {dimension_numbers = #tpu.dot_dimension_numbers<[1], [0], [0], [1], [0, 0, 1, 1], [], []>, transpose_lhs_hint = false} : vector<1000x128xbf16>, vector<128x128xbf16>, vector<1000x128xf32> -> vector<1000x128xf32>
    %add3A_647 = vector.broadcast %get3A_48 : vector<1x128xf32> to vector<1000x128xf32>
    %add3A_648 = arith.addf %dot_general3A_646, %add3A_647 : vector<1000x128xf32>
    %tanh3A_649 = math.tanh %add3A_648 : vector<1000x128xf32>
    %convert_element_type3A_650 = arith.truncf %tanh3A_649 : vector<1000x128xf32> to vector<1000x128xbf16>
    %mul3A_651 = arith.constant 0.0911458358 : f32
    %mul3A_652 = arith.mulf %get3A_51, %mul3A_651 : f32
    %convert_element_type3A_653 = arith.truncf %mul3A_652 : f32 to bf16
    %mul3A_654 = vector.broadcast %convert_element_type3A_653 : bf16 to vector<1000x128xbf16>
    %mul3A_655 = arith.mulf %mul3A_654, %convert_element_type3A_530 : vector<1000x128xbf16>
    %mul3A_656 = arith.constant 0.449236304 : f32
    %mul3A_657 = arith.mulf %get3A_51, %mul3A_656 : f32
    %convert_element_type3A_658 = arith.truncf %mul3A_657 : f32 to bf16
    %mul3A_659 = vector.broadcast %convert_element_type3A_658 : bf16 to vector<1000x128xbf16>
    %mul3A_660 = arith.mulf %mul3A_659, %convert_element_type3A_560 : vector<1000x128xbf16>
    %add3A_661 = arith.addf %mul3A_655, %mul3A_660 : vector<1000x128xbf16>
    %mul3A_662 = arith.constant 0.651041686 : f32
    %mul3A_663 = arith.mulf %get3A_51, %mul3A_662 : f32
    %convert_element_type3A_664 = arith.truncf %mul3A_663 : f32 to bf16
    %mul3A_665 = vector.broadcast %convert_element_type3A_664 : bf16 to vector<1000x128xbf16>
    %mul3A_666 = arith.mulf %mul3A_665, %convert_element_type3A_584 : vector<1000x128xbf16>
    %add3A_667 = arith.addf %add3A_661, %mul3A_666 : vector<1000x128xbf16>
    %mul3A_668 = arith.constant -0.322376192 : f32
    %mul3A_669 = arith.mulf %get3A_51, %mul3A_668 : f32
    %convert_element_type3A_670 = arith.truncf %mul3A_669 : f32 to bf16
    %mul3A_671 = vector.broadcast %convert_element_type3A_670 : bf16 to vector<1000x128xbf16>
    %mul3A_672 = arith.mulf %mul3A_671, %convert_element_type3A_614 : vector<1000x128xbf16>
    %add3A_673 = arith.addf %add3A_667, %mul3A_672 : vector<1000x128xbf16>
    %mul3A_674 = arith.constant 0.130952388 : f32
    %mul3A_675 = arith.mulf %get3A_51, %mul3A_674 : f32
    %convert_element_type3A_676 = arith.truncf %mul3A_675 : f32 to bf16
    %mul3A_677 = vector.broadcast %convert_element_type3A_676 : bf16 to vector<1000x128xbf16>
    %mul3A_678 = arith.mulf %mul3A_677, %convert_element_type3A_650 : vector<1000x128xbf16>
    %add3A_679 = arith.addf %add3A_673, %mul3A_678 : vector<1000x128xbf16>
    %convert_element_type3A_680 = arith.extf %add3A_679 : vector<1000x128xbf16> to vector<1000x128xf32>
    %add3A_681 = arith.addf %add3A_523, %convert_element_type3A_680 : vector<1000x128xf32>
    %convert_element_type3A_682 = arith.truncf %add3A_681 : vector<1000x128xf32> to vector<1000x128xbf16>
    %dot_general3A_683 = arith.constant dense<0.000000e+00> : vector<1000x128xf32>
    %dot_general3A_684 = tpu.matmul %convert_element_type3A_682, %convert_element_type3A, %dot_general3A_683 {dimension_numbers = #tpu.dot_dimension_numbers<[1], [0], [0], [1], [0, 0, 1, 1], [], []>, transpose_lhs_hint = false} : vector<1000x128xbf16>, vector<128x128xbf16>, vector<1000x128xf32> -> vector<1000x128xf32>
    %add3A_685 = vector.broadcast %get3A_48 : vector<1x128xf32> to vector<1000x128xf32>
    %add3A_686 = arith.addf %dot_general3A_684, %add3A_685 : vector<1000x128xf32>
    %tanh3A_687 = math.tanh %add3A_686 : vector<1000x128xf32>
    %convert_element_type3A_688 = arith.truncf %tanh3A_687 : vector<1000x128xf32> to vector<1000x128xbf16>
    %mul3A_689 = arith.constant 2.000000e-01 : f32
    %mul3A_690 = arith.mulf %get3A_51, %mul3A_689 : f32
    %convert_element_type3A_691 = arith.truncf %mul3A_690 : f32 to bf16
    %mul3A_692 = vector.broadcast %convert_element_type3A_691 : bf16 to vector<1000x128xbf16>
    %mul3A_693 = arith.mulf %mul3A_692, %convert_element_type3A_688 : vector<1000x128xbf16>
    %add3A_694 = arith.addf %convert_element_type3A_682, %mul3A_693 : vector<1000x128xbf16>
    %dot_general3A_695 = arith.constant dense<0.000000e+00> : vector<1000x128xf32>
    %dot_general3A_696 = tpu.matmul %add3A_694, %convert_element_type3A, %dot_general3A_695 {dimension_numbers = #tpu.dot_dimension_numbers<[1], [0], [0], [1], [0, 0, 1, 1], [], []>, transpose_lhs_hint = false} : vector<1000x128xbf16>, vector<128x128xbf16>, vector<1000x128xf32> -> vector<1000x128xf32>
    %add3A_697 = vector.broadcast %get3A_48 : vector<1x128xf32> to vector<1000x128xf32>
    %add3A_698 = arith.addf %dot_general3A_696, %add3A_697 : vector<1000x128xf32>
    %tanh3A_699 = math.tanh %add3A_698 : vector<1000x128xf32>
    %convert_element_type3A_700 = arith.truncf %tanh3A_699 : vector<1000x128xf32> to vector<1000x128xbf16>
    %mul3A_701 = arith.constant 7.500000e-02 : f32
    %mul3A_702 = arith.mulf %get3A_51, %mul3A_701 : f32
    %convert_element_type3A_703 = arith.truncf %mul3A_702 : f32 to bf16
    %mul3A_704 = vector.broadcast %convert_element_type3A_703 : bf16 to vector<1000x128xbf16>
    %mul3A_705 = arith.mulf %mul3A_704, %convert_element_type3A_688 : vector<1000x128xbf16>
    %add3A_706 = arith.addf %convert_element_type3A_682, %mul3A_705 : vector<1000x128xbf16>
    %mul3A_707 = arith.constant 2.250000e-01 : f32
    %mul3A_708 = arith.mulf %get3A_51, %mul3A_707 : f32
    %convert_element_type3A_709 = arith.truncf %mul3A_708 : f32 to bf16
    %mul3A_710 = vector.broadcast %convert_element_type3A_709 : bf16 to vector<1000x128xbf16>
    %mul3A_711 = arith.mulf %mul3A_710, %convert_element_type3A_700 : vector<1000x128xbf16>
    %add3A_712 = arith.addf %add3A_706, %mul3A_711 : vector<1000x128xbf16>
    %dot_general3A_713 = arith.constant dense<0.000000e+00> : vector<1000x128xf32>
    %dot_general3A_714 = tpu.matmul %add3A_712, %convert_element_type3A, %dot_general3A_713 {dimension_numbers = #tpu.dot_dimension_numbers<[1], [0], [0], [1], [0, 0, 1, 1], [], []>, transpose_lhs_hint = false} : vector<1000x128xbf16>, vector<128x128xbf16>, vector<1000x128xf32> -> vector<1000x128xf32>
    %add3A_715 = vector.broadcast %get3A_48 : vector<1x128xf32> to vector<1000x128xf32>
    %add3A_716 = arith.addf %dot_general3A_714, %add3A_715 : vector<1000x128xf32>
    %tanh3A_717 = math.tanh %add3A_716 : vector<1000x128xf32>
    %convert_element_type3A_718 = arith.truncf %tanh3A_717 : vector<1000x128xf32> to vector<1000x128xbf16>
    %mul3A_719 = arith.constant 0.977777779 : f32
    %mul3A_720 = arith.mulf %get3A_51, %mul3A_719 : f32
    %convert_element_type3A_721 = arith.truncf %mul3A_720 : f32 to bf16
    %mul3A_722 = vector.broadcast %convert_element_type3A_721 : bf16 to vector<1000x128xbf16>
    %mul3A_723 = arith.mulf %mul3A_722, %convert_element_type3A_688 : vector<1000x128xbf16>
    %add3A_724 = arith.addf %convert_element_type3A_682, %mul3A_723 : vector<1000x128xbf16>
    %mul3A_725 = arith.constant -3.73333335 : f32
    %mul3A_726 = arith.mulf %get3A_51, %mul3A_725 : f32
    %convert_element_type3A_727 = arith.truncf %mul3A_726 : f32 to bf16
    %mul3A_728 = vector.broadcast %convert_element_type3A_727 : bf16 to vector<1000x128xbf16>
    %mul3A_729 = arith.mulf %mul3A_728, %convert_element_type3A_700 : vector<1000x128xbf16>
    %add3A_730 = arith.addf %add3A_724, %mul3A_729 : vector<1000x128xbf16>
    %mul3A_731 = arith.constant 3.55555558 : f32
    %mul3A_732 = arith.mulf %get3A_51, %mul3A_731 : f32
    %convert_element_type3A_733 = arith.truncf %mul3A_732 : f32 to bf16
    %mul3A_734 = vector.broadcast %convert_element_type3A_733 : bf16 to vector<1000x128xbf16>
    %mul3A_735 = arith.mulf %mul3A_734, %convert_element_type3A_718 : vector<1000x128xbf16>
    %add3A_736 = arith.addf %add3A_730, %mul3A_735 : vector<1000x128xbf16>
    %dot_general3A_737 = arith.constant dense<0.000000e+00> : vector<1000x128xf32>
    %dot_general3A_738 = tpu.matmul %add3A_736, %convert_element_type3A, %dot_general3A_737 {dimension_numbers = #tpu.dot_dimension_numbers<[1], [0], [0], [1], [0, 0, 1, 1], [], []>, transpose_lhs_hint = false} : vector<1000x128xbf16>, vector<128x128xbf16>, vector<1000x128xf32> -> vector<1000x128xf32>
    %add3A_739 = vector.broadcast %get3A_48 : vector<1x128xf32> to vector<1000x128xf32>
    %add3A_740 = arith.addf %dot_general3A_738, %add3A_739 : vector<1000x128xf32>
    %tanh3A_741 = math.tanh %add3A_740 : vector<1000x128xf32>
    %convert_element_type3A_742 = arith.truncf %tanh3A_741 : vector<1000x128xf32> to vector<1000x128xbf16>
    %mul3A_743 = arith.constant 2.95259857 : f32
    %mul3A_744 = arith.mulf %get3A_51, %mul3A_743 : f32
    %convert_element_type3A_745 = arith.truncf %mul3A_744 : f32 to bf16
    %mul3A_746 = vector.broadcast %convert_element_type3A_745 : bf16 to vector<1000x128xbf16>
    %mul3A_747 = arith.mulf %mul3A_746, %convert_element_type3A_688 : vector<1000x128xbf16>
    %add3A_748 = arith.addf %convert_element_type3A_682, %mul3A_747 : vector<1000x128xbf16>
    %mul3A_749 = arith.constant -11.5957937 : f32
    %mul3A_750 = arith.mulf %get3A_51, %mul3A_749 : f32
    %convert_element_type3A_751 = arith.truncf %mul3A_750 : f32 to bf16
    %mul3A_752 = vector.broadcast %convert_element_type3A_751 : bf16 to vector<1000x128xbf16>
    %mul3A_753 = arith.mulf %mul3A_752, %convert_element_type3A_700 : vector<1000x128xbf16>
    %add3A_754 = arith.addf %add3A_748, %mul3A_753 : vector<1000x128xbf16>
    %mul3A_755 = arith.constant 9.82289314 : f32
    %mul3A_756 = arith.mulf %get3A_51, %mul3A_755 : f32
    %convert_element_type3A_757 = arith.truncf %mul3A_756 : f32 to bf16
    %mul3A_758 = vector.broadcast %convert_element_type3A_757 : bf16 to vector<1000x128xbf16>
    %mul3A_759 = arith.mulf %mul3A_758, %convert_element_type3A_718 : vector<1000x128xbf16>
    %add3A_760 = arith.addf %add3A_754, %mul3A_759 : vector<1000x128xbf16>
    %mul3A_761 = arith.constant -0.290809333 : f32
    %mul3A_762 = arith.mulf %get3A_51, %mul3A_761 : f32
    %convert_element_type3A_763 = arith.truncf %mul3A_762 : f32 to bf16
    %mul3A_764 = vector.broadcast %convert_element_type3A_763 : bf16 to vector<1000x128xbf16>
    %mul3A_765 = arith.mulf %mul3A_764, %convert_element_type3A_742 : vector<1000x128xbf16>
    %add3A_766 = arith.addf %add3A_760, %mul3A_765 : vector<1000x128xbf16>
    %dot_general3A_767 = arith.constant dense<0.000000e+00> : vector<1000x128xf32>
    %dot_general3A_768 = tpu.matmul %add3A_766, %convert_element_type3A, %dot_general3A_767 {dimension_numbers = #tpu.dot_dimension_numbers<[1], [0], [0], [1], [0, 0, 1, 1], [], []>, transpose_lhs_hint = false} : vector<1000x128xbf16>, vector<128x128xbf16>, vector<1000x128xf32> -> vector<1000x128xf32>
    %add3A_769 = vector.broadcast %get3A_48 : vector<1x128xf32> to vector<1000x128xf32>
    %add3A_770 = arith.addf %dot_general3A_768, %add3A_769 : vector<1000x128xf32>
    %tanh3A_771 = math.tanh %add3A_770 : vector<1000x128xf32>
    %convert_element_type3A_772 = arith.truncf %tanh3A_771 : vector<1000x128xf32> to vector<1000x128xbf16>
    %mul3A_773 = arith.constant 2.84627533 : f32
    %mul3A_774 = arith.mulf %get3A_51, %mul3A_773 : f32
    %convert_element_type3A_775 = arith.truncf %mul3A_774 : f32 to bf16
    %mul3A_776 = vector.broadcast %convert_element_type3A_775 : bf16 to vector<1000x128xbf16>
    %mul3A_777 = arith.mulf %mul3A_776, %convert_element_type3A_688 : vector<1000x128xbf16>
    %add3A_778 = arith.addf %convert_element_type3A_682, %mul3A_777 : vector<1000x128xbf16>
    %mul3A_779 = arith.constant -10.757576 : f32
    %mul3A_780 = arith.mulf %get3A_51, %mul3A_779 : f32
    %convert_element_type3A_781 = arith.truncf %mul3A_780 : f32 to bf16
    %mul3A_782 = vector.broadcast %convert_element_type3A_781 : bf16 to vector<1000x128xbf16>
    %mul3A_783 = arith.mulf %mul3A_782, %convert_element_type3A_700 : vector<1000x128xbf16>
    %add3A_784 = arith.addf %add3A_778, %mul3A_783 : vector<1000x128xbf16>
    %mul3A_785 = arith.constant 8.90642261 : f32
    %mul3A_786 = arith.mulf %get3A_51, %mul3A_785 : f32
    %convert_element_type3A_787 = arith.truncf %mul3A_786 : f32 to bf16
    %mul3A_788 = vector.broadcast %convert_element_type3A_787 : bf16 to vector<1000x128xbf16>
    %mul3A_789 = arith.mulf %mul3A_788, %convert_element_type3A_718 : vector<1000x128xbf16>
    %add3A_790 = arith.addf %add3A_784, %mul3A_789 : vector<1000x128xbf16>
    %mul3A_791 = arith.constant 0.278409094 : f32
    %mul3A_792 = arith.mulf %get3A_51, %mul3A_791 : f32
    %convert_element_type3A_793 = arith.truncf %mul3A_792 : f32 to bf16
    %mul3A_794 = vector.broadcast %convert_element_type3A_793 : bf16 to vector<1000x128xbf16>
    %mul3A_795 = arith.mulf %mul3A_794, %convert_element_type3A_742 : vector<1000x128xbf16>
    %add3A_796 = arith.addf %add3A_790, %mul3A_795 : vector<1000x128xbf16>
    %mul3A_797 = arith.constant -0.273531318 : f32
    %mul3A_798 = arith.mulf %get3A_51, %mul3A_797 : f32
    %convert_element_type3A_799 = arith.truncf %mul3A_798 : f32 to bf16
    %mul3A_800 = vector.broadcast %convert_element_type3A_799 : bf16 to vector<1000x128xbf16>
    %mul3A_801 = arith.mulf %mul3A_800, %convert_element_type3A_772 : vector<1000x128xbf16>
    %add3A_802 = arith.addf %add3A_796, %mul3A_801 : vector<1000x128xbf16>
    %dot_general3A_803 = arith.constant dense<0.000000e+00> : vector<1000x128xf32>
    %dot_general3A_804 = tpu.matmul %add3A_802, %convert_element_type3A, %dot_general3A_803 {dimension_numbers = #tpu.dot_dimension_numbers<[1], [0], [0], [1], [0, 0, 1, 1], [], []>, transpose_lhs_hint = false} : vector<1000x128xbf16>, vector<128x128xbf16>, vector<1000x128xf32> -> vector<1000x128xf32>
    %add3A_805 = vector.broadcast %get3A_48 : vector<1x128xf32> to vector<1000x128xf32>
    %add3A_806 = arith.addf %dot_general3A_804, %add3A_805 : vector<1000x128xf32>
    %tanh3A_807 = math.tanh %add3A_806 : vector<1000x128xf32>
    %convert_element_type3A_808 = arith.truncf %tanh3A_807 : vector<1000x128xf32> to vector<1000x128xbf16>
    %mul3A_809 = arith.constant 0.0911458358 : f32
    %mul3A_810 = arith.mulf %get3A_51, %mul3A_809 : f32
    %convert_element_type3A_811 = arith.truncf %mul3A_810 : f32 to bf16
    %mul3A_812 = vector.broadcast %convert_element_type3A_811 : bf16 to vector<1000x128xbf16>
    %mul3A_813 = arith.mulf %mul3A_812, %convert_element_type3A_688 : vector<1000x128xbf16>
    %mul3A_814 = arith.constant 0.449236304 : f32
    %mul3A_815 = arith.mulf %get3A_51, %mul3A_814 : f32
    %convert_element_type3A_816 = arith.truncf %mul3A_815 : f32 to bf16
    %mul3A_817 = vector.broadcast %convert_element_type3A_816 : bf16 to vector<1000x128xbf16>
    %mul3A_818 = arith.mulf %mul3A_817, %convert_element_type3A_718 : vector<1000x128xbf16>
    %add3A_819 = arith.addf %mul3A_813, %mul3A_818 : vector<1000x128xbf16>
    %mul3A_820 = arith.constant 0.651041686 : f32
    %mul3A_821 = arith.mulf %get3A_51, %mul3A_820 : f32
    %convert_element_type3A_822 = arith.truncf %mul3A_821 : f32 to bf16
    %mul3A_823 = vector.broadcast %convert_element_type3A_822 : bf16 to vector<1000x128xbf16>
    %mul3A_824 = arith.mulf %mul3A_823, %convert_element_type3A_742 : vector<1000x128xbf16>
    %add3A_825 = arith.addf %add3A_819, %mul3A_824 : vector<1000x128xbf16>
    %mul3A_826 = arith.constant -0.322376192 : f32
    %mul3A_827 = arith.mulf %get3A_51, %mul3A_826 : f32
    %convert_element_type3A_828 = arith.truncf %mul3A_827 : f32 to bf16
    %mul3A_829 = vector.broadcast %convert_element_type3A_828 : bf16 to vector<1000x128xbf16>
    %mul3A_830 = arith.mulf %mul3A_829, %convert_element_type3A_772 : vector<1000x128xbf16>
    %add3A_831 = arith.addf %add3A_825, %mul3A_830 : vector<1000x128xbf16>
    %mul3A_832 = arith.constant 0.130952388 : f32
    %mul3A_833 = arith.mulf %get3A_51, %mul3A_832 : f32
    %convert_element_type3A_834 = arith.truncf %mul3A_833 : f32 to bf16
    %mul3A_835 = vector.broadcast %convert_element_type3A_834 : bf16 to vector<1000x128xbf16>
    %mul3A_836 = arith.mulf %mul3A_835, %convert_element_type3A_808 : vector<1000x128xbf16>
    %add3A_837 = arith.addf %add3A_831, %mul3A_836 : vector<1000x128xbf16>
    %convert_element_type3A_838 = arith.extf %add3A_837 : vector<1000x128xbf16> to vector<1000x128xf32>
    %add3A_839 = arith.addf %add3A_681, %convert_element_type3A_838 : vector<1000x128xf32>
    %convert_element_type3A_840 = arith.truncf %add3A_839 : vector<1000x128xf32> to vector<1000x128xbf16>
    %dot_general3A_841 = arith.constant dense<0.000000e+00> : vector<1000x128xf32>
    %dot_general3A_842 = tpu.matmul %convert_element_type3A_840, %convert_element_type3A, %dot_general3A_841 {dimension_numbers = #tpu.dot_dimension_numbers<[1], [0], [0], [1], [0, 0, 1, 1], [], []>, transpose_lhs_hint = false} : vector<1000x128xbf16>, vector<128x128xbf16>, vector<1000x128xf32> -> vector<1000x128xf32>
    %add3A_843 = vector.broadcast %get3A_48 : vector<1x128xf32> to vector<1000x128xf32>
    %add3A_844 = arith.addf %dot_general3A_842, %add3A_843 : vector<1000x128xf32>
    %tanh3A_845 = math.tanh %add3A_844 : vector<1000x128xf32>
    %convert_element_type3A_846 = arith.truncf %tanh3A_845 : vector<1000x128xf32> to vector<1000x128xbf16>
    %mul3A_847 = arith.constant 2.000000e-01 : f32
    %mul3A_848 = arith.mulf %get3A_51, %mul3A_847 : f32
    %convert_element_type3A_849 = arith.truncf %mul3A_848 : f32 to bf16
    %mul3A_850 = vector.broadcast %convert_element_type3A_849 : bf16 to vector<1000x128xbf16>
    %mul3A_851 = arith.mulf %mul3A_850, %convert_element_type3A_846 : vector<1000x128xbf16>
    %add3A_852 = arith.addf %convert_element_type3A_840, %mul3A_851 : vector<1000x128xbf16>
    %dot_general3A_853 = arith.constant dense<0.000000e+00> : vector<1000x128xf32>
    %dot_general3A_854 = tpu.matmul %add3A_852, %convert_element_type3A, %dot_general3A_853 {dimension_numbers = #tpu.dot_dimension_numbers<[1], [0], [0], [1], [0, 0, 1, 1], [], []>, transpose_lhs_hint = false} : vector<1000x128xbf16>, vector<128x128xbf16>, vector<1000x128xf32> -> vector<1000x128xf32>
    %add3A_855 = vector.broadcast %get3A_48 : vector<1x128xf32> to vector<1000x128xf32>
    %add3A_856 = arith.addf %dot_general3A_854, %add3A_855 : vector<1000x128xf32>
    %tanh3A_857 = math.tanh %add3A_856 : vector<1000x128xf32>
    %convert_element_type3A_858 = arith.truncf %tanh3A_857 : vector<1000x128xf32> to vector<1000x128xbf16>
    %mul3A_859 = arith.constant 7.500000e-02 : f32
    %mul3A_860 = arith.mulf %get3A_51, %mul3A_859 : f32
    %convert_element_type3A_861 = arith.truncf %mul3A_860 : f32 to bf16
    %mul3A_862 = vector.broadcast %convert_element_type3A_861 : bf16 to vector<1000x128xbf16>
    %mul3A_863 = arith.mulf %mul3A_862, %convert_element_type3A_846 : vector<1000x128xbf16>
    %add3A_864 = arith.addf %convert_element_type3A_840, %mul3A_863 : vector<1000x128xbf16>
    %mul3A_865 = arith.constant 2.250000e-01 : f32
    %mul3A_866 = arith.mulf %get3A_51, %mul3A_865 : f32
    %convert_element_type3A_867 = arith.truncf %mul3A_866 : f32 to bf16
    %mul3A_868 = vector.broadcast %convert_element_type3A_867 : bf16 to vector<1000x128xbf16>
    %mul3A_869 = arith.mulf %mul3A_868, %convert_element_type3A_858 : vector<1000x128xbf16>
    %add3A_870 = arith.addf %add3A_864, %mul3A_869 : vector<1000x128xbf16>
    %dot_general3A_871 = arith.constant dense<0.000000e+00> : vector<1000x128xf32>
    %dot_general3A_872 = tpu.matmul %add3A_870, %convert_element_type3A, %dot_general3A_871 {dimension_numbers = #tpu.dot_dimension_numbers<[1], [0], [0], [1], [0, 0, 1, 1], [], []>, transpose_lhs_hint = false} : vector<1000x128xbf16>, vector<128x128xbf16>, vector<1000x128xf32> -> vector<1000x128xf32>
    %add3A_873 = vector.broadcast %get3A_48 : vector<1x128xf32> to vector<1000x128xf32>
    %add3A_874 = arith.addf %dot_general3A_872, %add3A_873 : vector<1000x128xf32>
    %tanh3A_875 = math.tanh %add3A_874 : vector<1000x128xf32>
    %convert_element_type3A_876 = arith.truncf %tanh3A_875 : vector<1000x128xf32> to vector<1000x128xbf16>
    %mul3A_877 = arith.constant 0.977777779 : f32
    %mul3A_878 = arith.mulf %get3A_51, %mul3A_877 : f32
    %convert_element_type3A_879 = arith.truncf %mul3A_878 : f32 to bf16
    %mul3A_880 = vector.broadcast %convert_element_type3A_879 : bf16 to vector<1000x128xbf16>
    %mul3A_881 = arith.mulf %mul3A_880, %convert_element_type3A_846 : vector<1000x128xbf16>
    %add3A_882 = arith.addf %convert_element_type3A_840, %mul3A_881 : vector<1000x128xbf16>
    %mul3A_883 = arith.constant -3.73333335 : f32
    %mul3A_884 = arith.mulf %get3A_51, %mul3A_883 : f32
    %convert_element_type3A_885 = arith.truncf %mul3A_884 : f32 to bf16
    %mul3A_886 = vector.broadcast %convert_element_type3A_885 : bf16 to vector<1000x128xbf16>
    %mul3A_887 = arith.mulf %mul3A_886, %convert_element_type3A_858 : vector<1000x128xbf16>
    %add3A_888 = arith.addf %add3A_882, %mul3A_887 : vector<1000x128xbf16>
    %mul3A_889 = arith.constant 3.55555558 : f32
    %mul3A_890 = arith.mulf %get3A_51, %mul3A_889 : f32
    %convert_element_type3A_891 = arith.truncf %mul3A_890 : f32 to bf16
    %mul3A_892 = vector.broadcast %convert_element_type3A_891 : bf16 to vector<1000x128xbf16>
    %mul3A_893 = arith.mulf %mul3A_892, %convert_element_type3A_876 : vector<1000x128xbf16>
    %add3A_894 = arith.addf %add3A_888, %mul3A_893 : vector<1000x128xbf16>
    %dot_general3A_895 = arith.constant dense<0.000000e+00> : vector<1000x128xf32>
    %dot_general3A_896 = tpu.matmul %add3A_894, %convert_element_type3A, %dot_general3A_895 {dimension_numbers = #tpu.dot_dimension_numbers<[1], [0], [0], [1], [0, 0, 1, 1], [], []>, transpose_lhs_hint = false} : vector<1000x128xbf16>, vector<128x128xbf16>, vector<1000x128xf32> -> vector<1000x128xf32>
    %add3A_897 = vector.broadcast %get3A_48 : vector<1x128xf32> to vector<1000x128xf32>
    %add3A_898 = arith.addf %dot_general3A_896, %add3A_897 : vector<1000x128xf32>
    %tanh3A_899 = math.tanh %add3A_898 : vector<1000x128xf32>
    %convert_element_type3A_900 = arith.truncf %tanh3A_899 : vector<1000x128xf32> to vector<1000x128xbf16>
    %mul3A_901 = arith.constant 2.95259857 : f32
    %mul3A_902 = arith.mulf %get3A_51, %mul3A_901 : f32
    %convert_element_type3A_903 = arith.truncf %mul3A_902 : f32 to bf16
    %mul3A_904 = vector.broadcast %convert_element_type3A_903 : bf16 to vector<1000x128xbf16>
    %mul3A_905 = arith.mulf %mul3A_904, %convert_element_type3A_846 : vector<1000x128xbf16>
    %add3A_906 = arith.addf %convert_element_type3A_840, %mul3A_905 : vector<1000x128xbf16>
    %mul3A_907 = arith.constant -11.5957937 : f32
    %mul3A_908 = arith.mulf %get3A_51, %mul3A_907 : f32
    %convert_element_type3A_909 = arith.truncf %mul3A_908 : f32 to bf16
    %mul3A_910 = vector.broadcast %convert_element_type3A_909 : bf16 to vector<1000x128xbf16>
    %mul3A_911 = arith.mulf %mul3A_910, %convert_element_type3A_858 : vector<1000x128xbf16>
    %add3A_912 = arith.addf %add3A_906, %mul3A_911 : vector<1000x128xbf16>
    %mul3A_913 = arith.constant 9.82289314 : f32
    %mul3A_914 = arith.mulf %get3A_51, %mul3A_913 : f32
    %convert_element_type3A_915 = arith.truncf %mul3A_914 : f32 to bf16
    %mul3A_916 = vector.broadcast %convert_element_type3A_915 : bf16 to vector<1000x128xbf16>
    %mul3A_917 = arith.mulf %mul3A_916, %convert_element_type3A_876 : vector<1000x128xbf16>
    %add3A_918 = arith.addf %add3A_912, %mul3A_917 : vector<1000x128xbf16>
    %mul3A_919 = arith.constant -0.290809333 : f32
    %mul3A_920 = arith.mulf %get3A_51, %mul3A_919 : f32
    %convert_element_type3A_921 = arith.truncf %mul3A_920 : f32 to bf16
    %mul3A_922 = vector.broadcast %convert_element_type3A_921 : bf16 to vector<1000x128xbf16>
    %mul3A_923 = arith.mulf %mul3A_922, %convert_element_type3A_900 : vector<1000x128xbf16>
    %add3A_924 = arith.addf %add3A_918, %mul3A_923 : vector<1000x128xbf16>
    %dot_general3A_925 = arith.constant dense<0.000000e+00> : vector<1000x128xf32>
    %dot_general3A_926 = tpu.matmul %add3A_924, %convert_element_type3A, %dot_general3A_925 {dimension_numbers = #tpu.dot_dimension_numbers<[1], [0], [0], [1], [0, 0, 1, 1], [], []>, transpose_lhs_hint = false} : vector<1000x128xbf16>, vector<128x128xbf16>, vector<1000x128xf32> -> vector<1000x128xf32>
    %add3A_927 = vector.broadcast %get3A_48 : vector<1x128xf32> to vector<1000x128xf32>
    %add3A_928 = arith.addf %dot_general3A_926, %add3A_927 : vector<1000x128xf32>
    %tanh3A_929 = math.tanh %add3A_928 : vector<1000x128xf32>
    %convert_element_type3A_930 = arith.truncf %tanh3A_929 : vector<1000x128xf32> to vector<1000x128xbf16>
    %mul3A_931 = arith.constant 2.84627533 : f32
    %mul3A_932 = arith.mulf %get3A_51, %mul3A_931 : f32
    %convert_element_type3A_933 = arith.truncf %mul3A_932 : f32 to bf16
    %mul3A_934 = vector.broadcast %convert_element_type3A_933 : bf16 to vector<1000x128xbf16>
    %mul3A_935 = arith.mulf %mul3A_934, %convert_element_type3A_846 : vector<1000x128xbf16>
    %add3A_936 = arith.addf %convert_element_type3A_840, %mul3A_935 : vector<1000x128xbf16>
    %mul3A_937 = arith.constant -10.757576 : f32
    %mul3A_938 = arith.mulf %get3A_51, %mul3A_937 : f32
    %convert_element_type3A_939 = arith.truncf %mul3A_938 : f32 to bf16
    %mul3A_940 = vector.broadcast %convert_element_type3A_939 : bf16 to vector<1000x128xbf16>
    %mul3A_941 = arith.mulf %mul3A_940, %convert_element_type3A_858 : vector<1000x128xbf16>
    %add3A_942 = arith.addf %add3A_936, %mul3A_941 : vector<1000x128xbf16>
    %mul3A_943 = arith.constant 8.90642261 : f32
    %mul3A_944 = arith.mulf %get3A_51, %mul3A_943 : f32
    %convert_element_type3A_945 = arith.truncf %mul3A_944 : f32 to bf16
    %mul3A_946 = vector.broadcast %convert_element_type3A_945 : bf16 to vector<1000x128xbf16>
    %mul3A_947 = arith.mulf %mul3A_946, %convert_element_type3A_876 : vector<1000x128xbf16>
    %add3A_948 = arith.addf %add3A_942, %mul3A_947 : vector<1000x128xbf16>
    %mul3A_949 = arith.constant 0.278409094 : f32
    %mul3A_950 = arith.mulf %get3A_51, %mul3A_949 : f32
    %convert_element_type3A_951 = arith.truncf %mul3A_950 : f32 to bf16
    %mul3A_952 = vector.broadcast %convert_element_type3A_951 : bf16 to vector<1000x128xbf16>
    %mul3A_953 = arith.mulf %mul3A_952, %convert_element_type3A_900 : vector<1000x128xbf16>
    %add3A_954 = arith.addf %add3A_948, %mul3A_953 : vector<1000x128xbf16>
    %mul3A_955 = arith.constant -0.273531318 : f32
    %mul3A_956 = arith.mulf %get3A_51, %mul3A_955 : f32
    %convert_element_type3A_957 = arith.truncf %mul3A_956 : f32 to bf16
    %mul3A_958 = vector.broadcast %convert_element_type3A_957 : bf16 to vector<1000x128xbf16>
    %mul3A_959 = arith.mulf %mul3A_958, %convert_element_type3A_930 : vector<1000x128xbf16>
    %add3A_960 = arith.addf %add3A_954, %mul3A_959 : vector<1000x128xbf16>
    %dot_general3A_961 = arith.constant dense<0.000000e+00> : vector<1000x128xf32>
    %dot_general3A_962 = tpu.matmul %add3A_960, %convert_element_type3A, %dot_general3A_961 {dimension_numbers = #tpu.dot_dimension_numbers<[1], [0], [0], [1], [0, 0, 1, 1], [], []>, transpose_lhs_hint = false} : vector<1000x128xbf16>, vector<128x128xbf16>, vector<1000x128xf32> -> vector<1000x128xf32>
    %add3A_963 = vector.broadcast %get3A_48 : vector<1x128xf32> to vector<1000x128xf32>
    %add3A_964 = arith.addf %dot_general3A_962, %add3A_963 : vector<1000x128xf32>
    %tanh3A_965 = math.tanh %add3A_964 : vector<1000x128xf32>
    %convert_element_type3A_966 = arith.truncf %tanh3A_965 : vector<1000x128xf32> to vector<1000x128xbf16>
    %mul3A_967 = arith.constant 0.0911458358 : f32
    %mul3A_968 = arith.mulf %get3A_51, %mul3A_967 : f32
    %convert_element_type3A_969 = arith.truncf %mul3A_968 : f32 to bf16
    %mul3A_970 = vector.broadcast %convert_element_type3A_969 : bf16 to vector<1000x128xbf16>
    %mul3A_971 = arith.mulf %mul3A_970, %convert_element_type3A_846 : vector<1000x128xbf16>
    %mul3A_972 = arith.constant 0.449236304 : f32
    %mul3A_973 = arith.mulf %get3A_51, %mul3A_972 : f32
    %convert_element_type3A_974 = arith.truncf %mul3A_973 : f32 to bf16
    %mul3A_975 = vector.broadcast %convert_element_type3A_974 : bf16 to vector<1000x128xbf16>
    %mul3A_976 = arith.mulf %mul3A_975, %convert_element_type3A_876 : vector<1000x128xbf16>
    %add3A_977 = arith.addf %mul3A_971, %mul3A_976 : vector<1000x128xbf16>
    %mul3A_978 = arith.constant 0.651041686 : f32
    %mul3A_979 = arith.mulf %get3A_51, %mul3A_978 : f32
    %convert_element_type3A_980 = arith.truncf %mul3A_979 : f32 to bf16
    %mul3A_981 = vector.broadcast %convert_element_type3A_980 : bf16 to vector<1000x128xbf16>
    %mul3A_982 = arith.mulf %mul3A_981, %convert_element_type3A_900 : vector<1000x128xbf16>
    %add3A_983 = arith.addf %add3A_977, %mul3A_982 : vector<1000x128xbf16>
    %mul3A_984 = arith.constant -0.322376192 : f32
    %mul3A_985 = arith.mulf %get3A_51, %mul3A_984 : f32
    %convert_element_type3A_986 = arith.truncf %mul3A_985 : f32 to bf16
    %mul3A_987 = vector.broadcast %convert_element_type3A_986 : bf16 to vector<1000x128xbf16>
    %mul3A_988 = arith.mulf %mul3A_987, %convert_element_type3A_930 : vector<1000x128xbf16>
    %add3A_989 = arith.addf %add3A_983, %mul3A_988 : vector<1000x128xbf16>
    %mul3A_990 = arith.constant 0.130952388 : f32
    %mul3A_991 = arith.mulf %get3A_51, %mul3A_990 : f32
    %convert_element_type3A_992 = arith.truncf %mul3A_991 : f32 to bf16
    %mul3A_993 = vector.broadcast %convert_element_type3A_992 : bf16 to vector<1000x128xbf16>
    %mul3A_994 = arith.mulf %mul3A_993, %convert_element_type3A_966 : vector<1000x128xbf16>
    %add3A_995 = arith.addf %add3A_989, %mul3A_994 : vector<1000x128xbf16>
    %convert_element_type3A_996 = arith.extf %add3A_995 : vector<1000x128xbf16> to vector<1000x128xf32>
    %add3A_997 = arith.addf %add3A_839, %convert_element_type3A_996 : vector<1000x128xf32>
    %convert_element_type3A_998 = arith.truncf %add3A_997 : vector<1000x128xf32> to vector<1000x128xbf16>
    %dot_general3A_999 = arith.constant dense<0.000000e+00> : vector<1000x128xf32>
    %dot_general3A_1000 = tpu.matmul %convert_element_type3A_998, %convert_element_type3A, %dot_general3A_999 {dimension_numbers = #tpu.dot_dimension_numbers<[1], [0], [0], [1], [0, 0, 1, 1], [], []>, transpose_lhs_hint = false} : vector<1000x128xbf16>, vector<128x128xbf16>, vector<1000x128xf32> -> vector<1000x128xf32>
    %add3A_1001 = vector.broadcast %get3A_48 : vector<1x128xf32> to vector<1000x128xf32>
    %add3A_1002 = arith.addf %dot_general3A_1000, %add3A_1001 : vector<1000x128xf32>
    %tanh3A_1003 = math.tanh %add3A_1002 : vector<1000x128xf32>
    %convert_element_type3A_1004 = arith.truncf %tanh3A_1003 : vector<1000x128xf32> to vector<1000x128xbf16>
    %mul3A_1005 = arith.constant 2.000000e-01 : f32
    %mul3A_1006 = arith.mulf %get3A_51, %mul3A_1005 : f32
    %convert_element_type3A_1007 = arith.truncf %mul3A_1006 : f32 to bf16
    %mul3A_1008 = vector.broadcast %convert_element_type3A_1007 : bf16 to vector<1000x128xbf16>
    %mul3A_1009 = arith.mulf %mul3A_1008, %convert_element_type3A_1004 : vector<1000x128xbf16>
    %add3A_1010 = arith.addf %convert_element_type3A_998, %mul3A_1009 : vector<1000x128xbf16>
    %dot_general3A_1011 = arith.constant dense<0.000000e+00> : vector<1000x128xf32>
    %dot_general3A_1012 = tpu.matmul %add3A_1010, %convert_element_type3A, %dot_general3A_1011 {dimension_numbers = #tpu.dot_dimension_numbers<[1], [0], [0], [1], [0, 0, 1, 1], [], []>, transpose_lhs_hint = false} : vector<1000x128xbf16>, vector<128x128xbf16>, vector<1000x128xf32> -> vector<1000x128xf32>
    %add3A_1013 = vector.broadcast %get3A_48 : vector<1x128xf32> to vector<1000x128xf32>
    %add3A_1014 = arith.addf %dot_general3A_1012, %add3A_1013 : vector<1000x128xf32>
    %tanh3A_1015 = math.tanh %add3A_1014 : vector<1000x128xf32>
    %convert_element_type3A_1016 = arith.truncf %tanh3A_1015 : vector<1000x128xf32> to vector<1000x128xbf16>
    %mul3A_1017 = arith.constant 7.500000e-02 : f32
    %mul3A_1018 = arith.mulf %get3A_51, %mul3A_1017 : f32
    %convert_element_type3A_1019 = arith.truncf %mul3A_1018 : f32 to bf16
    %mul3A_1020 = vector.broadcast %convert_element_type3A_1019 : bf16 to vector<1000x128xbf16>
    %mul3A_1021 = arith.mulf %mul3A_1020, %convert_element_type3A_1004 : vector<1000x128xbf16>
    %add3A_1022 = arith.addf %convert_element_type3A_998, %mul3A_1021 : vector<1000x128xbf16>
    %mul3A_1023 = arith.constant 2.250000e-01 : f32
    %mul3A_1024 = arith.mulf %get3A_51, %mul3A_1023 : f32
    %convert_element_type3A_1025 = arith.truncf %mul3A_1024 : f32 to bf16
    %mul3A_1026 = vector.broadcast %convert_element_type3A_1025 : bf16 to vector<1000x128xbf16>
    %mul3A_1027 = arith.mulf %mul3A_1026, %convert_element_type3A_1016 : vector<1000x128xbf16>
    %add3A_1028 = arith.addf %add3A_1022, %mul3A_1027 : vector<1000x128xbf16>
    %dot_general3A_1029 = arith.constant dense<0.000000e+00> : vector<1000x128xf32>
    %dot_general3A_1030 = tpu.matmul %add3A_1028, %convert_element_type3A, %dot_general3A_1029 {dimension_numbers = #tpu.dot_dimension_numbers<[1], [0], [0], [1], [0, 0, 1, 1], [], []>, transpose_lhs_hint = false} : vector<1000x128xbf16>, vector<128x128xbf16>, vector<1000x128xf32> -> vector<1000x128xf32>
    %add3A_1031 = vector.broadcast %get3A_48 : vector<1x128xf32> to vector<1000x128xf32>
    %add3A_1032 = arith.addf %dot_general3A_1030, %add3A_1031 : vector<1000x128xf32>
    %tanh3A_1033 = math.tanh %add3A_1032 : vector<1000x128xf32>
    %convert_element_type3A_1034 = arith.truncf %tanh3A_1033 : vector<1000x128xf32> to vector<1000x128xbf16>
    %mul3A_1035 = arith.constant 0.977777779 : f32
    %mul3A_1036 = arith.mulf %get3A_51, %mul3A_1035 : f32
    %convert_element_type3A_1037 = arith.truncf %mul3A_1036 : f32 to bf16
    %mul3A_1038 = vector.broadcast %convert_element_type3A_1037 : bf16 to vector<1000x128xbf16>
    %mul3A_1039 = arith.mulf %mul3A_1038, %convert_element_type3A_1004 : vector<1000x128xbf16>
    %add3A_1040 = arith.addf %convert_element_type3A_998, %mul3A_1039 : vector<1000x128xbf16>
    %mul3A_1041 = arith.constant -3.73333335 : f32
    %mul3A_1042 = arith.mulf %get3A_51, %mul3A_1041 : f32
    %convert_element_type3A_1043 = arith.truncf %mul3A_1042 : f32 to bf16
    %mul3A_1044 = vector.broadcast %convert_element_type3A_1043 : bf16 to vector<1000x128xbf16>
    %mul3A_1045 = arith.mulf %mul3A_1044, %convert_element_type3A_1016 : vector<1000x128xbf16>
    %add3A_1046 = arith.addf %add3A_1040, %mul3A_1045 : vector<1000x128xbf16>
    %mul3A_1047 = arith.constant 3.55555558 : f32
    %mul3A_1048 = arith.mulf %get3A_51, %mul3A_1047 : f32
    %convert_element_type3A_1049 = arith.truncf %mul3A_1048 : f32 to bf16
    %mul3A_1050 = vector.broadcast %convert_element_type3A_1049 : bf16 to vector<1000x128xbf16>
    %mul3A_1051 = arith.mulf %mul3A_1050, %convert_element_type3A_1034 : vector<1000x128xbf16>
    %add3A_1052 = arith.addf %add3A_1046, %mul3A_1051 : vector<1000x128xbf16>
    %dot_general3A_1053 = arith.constant dense<0.000000e+00> : vector<1000x128xf32>
    %dot_general3A_1054 = tpu.matmul %add3A_1052, %convert_element_type3A, %dot_general3A_1053 {dimension_numbers = #tpu.dot_dimension_numbers<[1], [0], [0], [1], [0, 0, 1, 1], [], []>, transpose_lhs_hint = false} : vector<1000x128xbf16>, vector<128x128xbf16>, vector<1000x128xf32> -> vector<1000x128xf32>
    %add3A_1055 = vector.broadcast %get3A_48 : vector<1x128xf32> to vector<1000x128xf32>
    %add3A_1056 = arith.addf %dot_general3A_1054, %add3A_1055 : vector<1000x128xf32>
    %tanh3A_1057 = math.tanh %add3A_1056 : vector<1000x128xf32>
    %convert_element_type3A_1058 = arith.truncf %tanh3A_1057 : vector<1000x128xf32> to vector<1000x128xbf16>
    %mul3A_1059 = arith.constant 2.95259857 : f32
    %mul3A_1060 = arith.mulf %get3A_51, %mul3A_1059 : f32
    %convert_element_type3A_1061 = arith.truncf %mul3A_1060 : f32 to bf16
    %mul3A_1062 = vector.broadcast %convert_element_type3A_1061 : bf16 to vector<1000x128xbf16>
    %mul3A_1063 = arith.mulf %mul3A_1062, %convert_element_type3A_1004 : vector<1000x128xbf16>
    %add3A_1064 = arith.addf %convert_element_type3A_998, %mul3A_1063 : vector<1000x128xbf16>
    %mul3A_1065 = arith.constant -11.5957937 : f32
    %mul3A_1066 = arith.mulf %get3A_51, %mul3A_1065 : f32
    %convert_element_type3A_1067 = arith.truncf %mul3A_1066 : f32 to bf16
    %mul3A_1068 = vector.broadcast %convert_element_type3A_1067 : bf16 to vector<1000x128xbf16>
    %mul3A_1069 = arith.mulf %mul3A_1068, %convert_element_type3A_1016 : vector<1000x128xbf16>
    %add3A_1070 = arith.addf %add3A_1064, %mul3A_1069 : vector<1000x128xbf16>
    %mul3A_1071 = arith.constant 9.82289314 : f32
    %mul3A_1072 = arith.mulf %get3A_51, %mul3A_1071 : f32
    %convert_element_type3A_1073 = arith.truncf %mul3A_1072 : f32 to bf16
    %mul3A_1074 = vector.broadcast %convert_element_type3A_1073 : bf16 to vector<1000x128xbf16>
    %mul3A_1075 = arith.mulf %mul3A_1074, %convert_element_type3A_1034 : vector<1000x128xbf16>
    %add3A_1076 = arith.addf %add3A_1070, %mul3A_1075 : vector<1000x128xbf16>
    %mul3A_1077 = arith.constant -0.290809333 : f32
    %mul3A_1078 = arith.mulf %get3A_51, %mul3A_1077 : f32
    %convert_element_type3A_1079 = arith.truncf %mul3A_1078 : f32 to bf16
    %mul3A_1080 = vector.broadcast %convert_element_type3A_1079 : bf16 to vector<1000x128xbf16>
    %mul3A_1081 = arith.mulf %mul3A_1080, %convert_element_type3A_1058 : vector<1000x128xbf16>
    %add3A_1082 = arith.addf %add3A_1076, %mul3A_1081 : vector<1000x128xbf16>
    %dot_general3A_1083 = arith.constant dense<0.000000e+00> : vector<1000x128xf32>
    %dot_general3A_1084 = tpu.matmul %add3A_1082, %convert_element_type3A, %dot_general3A_1083 {dimension_numbers = #tpu.dot_dimension_numbers<[1], [0], [0], [1], [0, 0, 1, 1], [], []>, transpose_lhs_hint = false} : vector<1000x128xbf16>, vector<128x128xbf16>, vector<1000x128xf32> -> vector<1000x128xf32>
    %add3A_1085 = vector.broadcast %get3A_48 : vector<1x128xf32> to vector<1000x128xf32>
    %add3A_1086 = arith.addf %dot_general3A_1084, %add3A_1085 : vector<1000x128xf32>
    %tanh3A_1087 = math.tanh %add3A_1086 : vector<1000x128xf32>
    %convert_element_type3A_1088 = arith.truncf %tanh3A_1087 : vector<1000x128xf32> to vector<1000x128xbf16>
    %mul3A_1089 = arith.constant 2.84627533 : f32
    %mul3A_1090 = arith.mulf %get3A_51, %mul3A_1089 : f32
    %convert_element_type3A_1091 = arith.truncf %mul3A_1090 : f32 to bf16
    %mul3A_1092 = vector.broadcast %convert_element_type3A_1091 : bf16 to vector<1000x128xbf16>
    %mul3A_1093 = arith.mulf %mul3A_1092, %convert_element_type3A_1004 : vector<1000x128xbf16>
    %add3A_1094 = arith.addf %convert_element_type3A_998, %mul3A_1093 : vector<1000x128xbf16>
    %mul3A_1095 = arith.constant -10.757576 : f32
    %mul3A_1096 = arith.mulf %get3A_51, %mul3A_1095 : f32
    %convert_element_type3A_1097 = arith.truncf %mul3A_1096 : f32 to bf16
    %mul3A_1098 = vector.broadcast %convert_element_type3A_1097 : bf16 to vector<1000x128xbf16>
    %mul3A_1099 = arith.mulf %mul3A_1098, %convert_element_type3A_1016 : vector<1000x128xbf16>
    %add3A_1100 = arith.addf %add3A_1094, %mul3A_1099 : vector<1000x128xbf16>
    %mul3A_1101 = arith.constant 8.90642261 : f32
    %mul3A_1102 = arith.mulf %get3A_51, %mul3A_1101 : f32
    %convert_element_type3A_1103 = arith.truncf %mul3A_1102 : f32 to bf16
    %mul3A_1104 = vector.broadcast %convert_element_type3A_1103 : bf16 to vector<1000x128xbf16>
    %mul3A_1105 = arith.mulf %mul3A_1104, %convert_element_type3A_1034 : vector<1000x128xbf16>
    %add3A_1106 = arith.addf %add3A_1100, %mul3A_1105 : vector<1000x128xbf16>
    %mul3A_1107 = arith.constant 0.278409094 : f32
    %mul3A_1108 = arith.mulf %get3A_51, %mul3A_1107 : f32
    %convert_element_type3A_1109 = arith.truncf %mul3A_1108 : f32 to bf16
    %mul3A_1110 = vector.broadcast %convert_element_type3A_1109 : bf16 to vector<1000x128xbf16>
    %mul3A_1111 = arith.mulf %mul3A_1110, %convert_element_type3A_1058 : vector<1000x128xbf16>
    %add3A_1112 = arith.addf %add3A_1106, %mul3A_1111 : vector<1000x128xbf16>
    %mul3A_1113 = arith.constant -0.273531318 : f32
    %mul3A_1114 = arith.mulf %get3A_51, %mul3A_1113 : f32
    %convert_element_type3A_1115 = arith.truncf %mul3A_1114 : f32 to bf16
    %mul3A_1116 = vector.broadcast %convert_element_type3A_1115 : bf16 to vector<1000x128xbf16>
    %mul3A_1117 = arith.mulf %mul3A_1116, %convert_element_type3A_1088 : vector<1000x128xbf16>
    %add3A_1118 = arith.addf %add3A_1112, %mul3A_1117 : vector<1000x128xbf16>
    %dot_general3A_1119 = arith.constant dense<0.000000e+00> : vector<1000x128xf32>
    %dot_general3A_1120 = tpu.matmul %add3A_1118, %convert_element_type3A, %dot_general3A_1119 {dimension_numbers = #tpu.dot_dimension_numbers<[1], [0], [0], [1], [0, 0, 1, 1], [], []>, transpose_lhs_hint = false} : vector<1000x128xbf16>, vector<128x128xbf16>, vector<1000x128xf32> -> vector<1000x128xf32>
    %add3A_1121 = vector.broadcast %get3A_48 : vector<1x128xf32> to vector<1000x128xf32>
    %add3A_1122 = arith.addf %dot_general3A_1120, %add3A_1121 : vector<1000x128xf32>
    %tanh3A_1123 = math.tanh %add3A_1122 : vector<1000x128xf32>
    %convert_element_type3A_1124 = arith.truncf %tanh3A_1123 : vector<1000x128xf32> to vector<1000x128xbf16>
    %mul3A_1125 = arith.constant 0.0911458358 : f32
    %mul3A_1126 = arith.mulf %get3A_51, %mul3A_1125 : f32
    %convert_element_type3A_1127 = arith.truncf %mul3A_1126 : f32 to bf16
    %mul3A_1128 = vector.broadcast %convert_element_type3A_1127 : bf16 to vector<1000x128xbf16>
    %mul3A_1129 = arith.mulf %mul3A_1128, %convert_element_type3A_1004 : vector<1000x128xbf16>
    %mul3A_1130 = arith.constant 0.449236304 : f32
    %mul3A_1131 = arith.mulf %get3A_51, %mul3A_1130 : f32
    %convert_element_type3A_1132 = arith.truncf %mul3A_1131 : f32 to bf16
    %mul3A_1133 = vector.broadcast %convert_element_type3A_1132 : bf16 to vector<1000x128xbf16>
    %mul3A_1134 = arith.mulf %mul3A_1133, %convert_element_type3A_1034 : vector<1000x128xbf16>
    %add3A_1135 = arith.addf %mul3A_1129, %mul3A_1134 : vector<1000x128xbf16>
    %mul3A_1136 = arith.constant 0.651041686 : f32
    %mul3A_1137 = arith.mulf %get3A_51, %mul3A_1136 : f32
    %convert_element_type3A_1138 = arith.truncf %mul3A_1137 : f32 to bf16
    %mul3A_1139 = vector.broadcast %convert_element_type3A_1138 : bf16 to vector<1000x128xbf16>
    %mul3A_1140 = arith.mulf %mul3A_1139, %convert_element_type3A_1058 : vector<1000x128xbf16>
    %add3A_1141 = arith.addf %add3A_1135, %mul3A_1140 : vector<1000x128xbf16>
    %mul3A_1142 = arith.constant -0.322376192 : f32
    %mul3A_1143 = arith.mulf %get3A_51, %mul3A_1142 : f32
    %convert_element_type3A_1144 = arith.truncf %mul3A_1143 : f32 to bf16
    %mul3A_1145 = vector.broadcast %convert_element_type3A_1144 : bf16 to vector<1000x128xbf16>
    %mul3A_1146 = arith.mulf %mul3A_1145, %convert_element_type3A_1088 : vector<1000x128xbf16>
    %add3A_1147 = arith.addf %add3A_1141, %mul3A_1146 : vector<1000x128xbf16>
    %mul3A_1148 = arith.constant 0.130952388 : f32
    %mul3A_1149 = arith.mulf %get3A_51, %mul3A_1148 : f32
    %convert_element_type3A_1150 = arith.truncf %mul3A_1149 : f32 to bf16
    %mul3A_1151 = vector.broadcast %convert_element_type3A_1150 : bf16 to vector<1000x128xbf16>
    %mul3A_1152 = arith.mulf %mul3A_1151, %convert_element_type3A_1124 : vector<1000x128xbf16>
    %add3A_1153 = arith.addf %add3A_1147, %mul3A_1152 : vector<1000x128xbf16>
    %convert_element_type3A_1154 = arith.extf %add3A_1153 : vector<1000x128xbf16> to vector<1000x128xf32>
    %add3A_1155 = arith.addf %add3A_997, %convert_element_type3A_1154 : vector<1000x128xf32>
    %convert_element_type3A_1156 = arith.truncf %add3A_1155 : vector<1000x128xf32> to vector<1000x128xbf16>
    %dot_general3A_1157 = arith.constant dense<0.000000e+00> : vector<1000x128xf32>
    %dot_general3A_1158 = tpu.matmul %convert_element_type3A_1156, %convert_element_type3A, %dot_general3A_1157 {dimension_numbers = #tpu.dot_dimension_numbers<[1], [0], [0], [1], [0, 0, 1, 1], [], []>, transpose_lhs_hint = false} : vector<1000x128xbf16>, vector<128x128xbf16>, vector<1000x128xf32> -> vector<1000x128xf32>
    %add3A_1159 = vector.broadcast %get3A_48 : vector<1x128xf32> to vector<1000x128xf32>
    %add3A_1160 = arith.addf %dot_general3A_1158, %add3A_1159 : vector<1000x128xf32>
    %tanh3A_1161 = math.tanh %add3A_1160 : vector<1000x128xf32>
    %convert_element_type3A_1162 = arith.truncf %tanh3A_1161 : vector<1000x128xf32> to vector<1000x128xbf16>
    %mul3A_1163 = arith.constant 2.000000e-01 : f32
    %mul3A_1164 = arith.mulf %get3A_51, %mul3A_1163 : f32
    %convert_element_type3A_1165 = arith.truncf %mul3A_1164 : f32 to bf16
    %mul3A_1166 = vector.broadcast %convert_element_type3A_1165 : bf16 to vector<1000x128xbf16>
    %mul3A_1167 = arith.mulf %mul3A_1166, %convert_element_type3A_1162 : vector<1000x128xbf16>
    %add3A_1168 = arith.addf %convert_element_type3A_1156, %mul3A_1167 : vector<1000x128xbf16>
    %dot_general3A_1169 = arith.constant dense<0.000000e+00> : vector<1000x128xf32>
    %dot_general3A_1170 = tpu.matmul %add3A_1168, %convert_element_type3A, %dot_general3A_1169 {dimension_numbers = #tpu.dot_dimension_numbers<[1], [0], [0], [1], [0, 0, 1, 1], [], []>, transpose_lhs_hint = false} : vector<1000x128xbf16>, vector<128x128xbf16>, vector<1000x128xf32> -> vector<1000x128xf32>
    %add3A_1171 = vector.broadcast %get3A_48 : vector<1x128xf32> to vector<1000x128xf32>
    %add3A_1172 = arith.addf %dot_general3A_1170, %add3A_1171 : vector<1000x128xf32>
    %tanh3A_1173 = math.tanh %add3A_1172 : vector<1000x128xf32>
    %convert_element_type3A_1174 = arith.truncf %tanh3A_1173 : vector<1000x128xf32> to vector<1000x128xbf16>
    %mul3A_1175 = arith.constant 7.500000e-02 : f32
    %mul3A_1176 = arith.mulf %get3A_51, %mul3A_1175 : f32
    %convert_element_type3A_1177 = arith.truncf %mul3A_1176 : f32 to bf16
    %mul3A_1178 = vector.broadcast %convert_element_type3A_1177 : bf16 to vector<1000x128xbf16>
    %mul3A_1179 = arith.mulf %mul3A_1178, %convert_element_type3A_1162 : vector<1000x128xbf16>
    %add3A_1180 = arith.addf %convert_element_type3A_1156, %mul3A_1179 : vector<1000x128xbf16>
    %mul3A_1181 = arith.constant 2.250000e-01 : f32
    %mul3A_1182 = arith.mulf %get3A_51, %mul3A_1181 : f32
    %convert_element_type3A_1183 = arith.truncf %mul3A_1182 : f32 to bf16
    %mul3A_1184 = vector.broadcast %convert_element_type3A_1183 : bf16 to vector<1000x128xbf16>
    %mul3A_1185 = arith.mulf %mul3A_1184, %convert_element_type3A_1174 : vector<1000x128xbf16>
    %add3A_1186 = arith.addf %add3A_1180, %mul3A_1185 : vector<1000x128xbf16>
    %dot_general3A_1187 = arith.constant dense<0.000000e+00> : vector<1000x128xf32>
    %dot_general3A_1188 = tpu.matmul %add3A_1186, %convert_element_type3A, %dot_general3A_1187 {dimension_numbers = #tpu.dot_dimension_numbers<[1], [0], [0], [1], [0, 0, 1, 1], [], []>, transpose_lhs_hint = false} : vector<1000x128xbf16>, vector<128x128xbf16>, vector<1000x128xf32> -> vector<1000x128xf32>
    %add3A_1189 = vector.broadcast %get3A_48 : vector<1x128xf32> to vector<1000x128xf32>
    %add3A_1190 = arith.addf %dot_general3A_1188, %add3A_1189 : vector<1000x128xf32>
    %tanh3A_1191 = math.tanh %add3A_1190 : vector<1000x128xf32>
    %convert_element_type3A_1192 = arith.truncf %tanh3A_1191 : vector<1000x128xf32> to vector<1000x128xbf16>
    %mul3A_1193 = arith.constant 0.977777779 : f32
    %mul3A_1194 = arith.mulf %get3A_51, %mul3A_1193 : f32
    %convert_element_type3A_1195 = arith.truncf %mul3A_1194 : f32 to bf16
    %mul3A_1196 = vector.broadcast %convert_element_type3A_1195 : bf16 to vector<1000x128xbf16>
    %mul3A_1197 = arith.mulf %mul3A_1196, %convert_element_type3A_1162 : vector<1000x128xbf16>
    %add3A_1198 = arith.addf %convert_element_type3A_1156, %mul3A_1197 : vector<1000x128xbf16>
    %mul3A_1199 = arith.constant -3.73333335 : f32
    %mul3A_1200 = arith.mulf %get3A_51, %mul3A_1199 : f32
    %convert_element_type3A_1201 = arith.truncf %mul3A_1200 : f32 to bf16
    %mul3A_1202 = vector.broadcast %convert_element_type3A_1201 : bf16 to vector<1000x128xbf16>
    %mul3A_1203 = arith.mulf %mul3A_1202, %convert_element_type3A_1174 : vector<1000x128xbf16>
    %add3A_1204 = arith.addf %add3A_1198, %mul3A_1203 : vector<1000x128xbf16>
    %mul3A_1205 = arith.constant 3.55555558 : f32
    %mul3A_1206 = arith.mulf %get3A_51, %mul3A_1205 : f32
    %convert_element_type3A_1207 = arith.truncf %mul3A_1206 : f32 to bf16
    %mul3A_1208 = vector.broadcast %convert_element_type3A_1207 : bf16 to vector<1000x128xbf16>
    %mul3A_1209 = arith.mulf %mul3A_1208, %convert_element_type3A_1192 : vector<1000x128xbf16>
    %add3A_1210 = arith.addf %add3A_1204, %mul3A_1209 : vector<1000x128xbf16>
    %dot_general3A_1211 = arith.constant dense<0.000000e+00> : vector<1000x128xf32>
    %dot_general3A_1212 = tpu.matmul %add3A_1210, %convert_element_type3A, %dot_general3A_1211 {dimension_numbers = #tpu.dot_dimension_numbers<[1], [0], [0], [1], [0, 0, 1, 1], [], []>, transpose_lhs_hint = false} : vector<1000x128xbf16>, vector<128x128xbf16>, vector<1000x128xf32> -> vector<1000x128xf32>
    %add3A_1213 = vector.broadcast %get3A_48 : vector<1x128xf32> to vector<1000x128xf32>
    %add3A_1214 = arith.addf %dot_general3A_1212, %add3A_1213 : vector<1000x128xf32>
    %tanh3A_1215 = math.tanh %add3A_1214 : vector<1000x128xf32>
    %convert_element_type3A_1216 = arith.truncf %tanh3A_1215 : vector<1000x128xf32> to vector<1000x128xbf16>
    %mul3A_1217 = arith.constant 2.95259857 : f32
    %mul3A_1218 = arith.mulf %get3A_51, %mul3A_1217 : f32
    %convert_element_type3A_1219 = arith.truncf %mul3A_1218 : f32 to bf16
    %mul3A_1220 = vector.broadcast %convert_element_type3A_1219 : bf16 to vector<1000x128xbf16>
    %mul3A_1221 = arith.mulf %mul3A_1220, %convert_element_type3A_1162 : vector<1000x128xbf16>
    %add3A_1222 = arith.addf %convert_element_type3A_1156, %mul3A_1221 : vector<1000x128xbf16>
    %mul3A_1223 = arith.constant -11.5957937 : f32
    %mul3A_1224 = arith.mulf %get3A_51, %mul3A_1223 : f32
    %convert_element_type3A_1225 = arith.truncf %mul3A_1224 : f32 to bf16
    %mul3A_1226 = vector.broadcast %convert_element_type3A_1225 : bf16 to vector<1000x128xbf16>
    %mul3A_1227 = arith.mulf %mul3A_1226, %convert_element_type3A_1174 : vector<1000x128xbf16>
    %add3A_1228 = arith.addf %add3A_1222, %mul3A_1227 : vector<1000x128xbf16>
    %mul3A_1229 = arith.constant 9.82289314 : f32
    %mul3A_1230 = arith.mulf %get3A_51, %mul3A_1229 : f32
    %convert_element_type3A_1231 = arith.truncf %mul3A_1230 : f32 to bf16
    %mul3A_1232 = vector.broadcast %convert_element_type3A_1231 : bf16 to vector<1000x128xbf16>
    %mul3A_1233 = arith.mulf %mul3A_1232, %convert_element_type3A_1192 : vector<1000x128xbf16>
    %add3A_1234 = arith.addf %add3A_1228, %mul3A_1233 : vector<1000x128xbf16>
    %mul3A_1235 = arith.constant -0.290809333 : f32
    %mul3A_1236 = arith.mulf %get3A_51, %mul3A_1235 : f32
    %convert_element_type3A_1237 = arith.truncf %mul3A_1236 : f32 to bf16
    %mul3A_1238 = vector.broadcast %convert_element_type3A_1237 : bf16 to vector<1000x128xbf16>
    %mul3A_1239 = arith.mulf %mul3A_1238, %convert_element_type3A_1216 : vector<1000x128xbf16>
    %add3A_1240 = arith.addf %add3A_1234, %mul3A_1239 : vector<1000x128xbf16>
    %dot_general3A_1241 = arith.constant dense<0.000000e+00> : vector<1000x128xf32>
    %dot_general3A_1242 = tpu.matmul %add3A_1240, %convert_element_type3A, %dot_general3A_1241 {dimension_numbers = #tpu.dot_dimension_numbers<[1], [0], [0], [1], [0, 0, 1, 1], [], []>, transpose_lhs_hint = false} : vector<1000x128xbf16>, vector<128x128xbf16>, vector<1000x128xf32> -> vector<1000x128xf32>
    %add3A_1243 = vector.broadcast %get3A_48 : vector<1x128xf32> to vector<1000x128xf32>
    %add3A_1244 = arith.addf %dot_general3A_1242, %add3A_1243 : vector<1000x128xf32>
    %tanh3A_1245 = math.tanh %add3A_1244 : vector<1000x128xf32>
    %convert_element_type3A_1246 = arith.truncf %tanh3A_1245 : vector<1000x128xf32> to vector<1000x128xbf16>
    %mul3A_1247 = arith.constant 2.84627533 : f32
    %mul3A_1248 = arith.mulf %get3A_51, %mul3A_1247 : f32
    %convert_element_type3A_1249 = arith.truncf %mul3A_1248 : f32 to bf16
    %mul3A_1250 = vector.broadcast %convert_element_type3A_1249 : bf16 to vector<1000x128xbf16>
    %mul3A_1251 = arith.mulf %mul3A_1250, %convert_element_type3A_1162 : vector<1000x128xbf16>
    %add3A_1252 = arith.addf %convert_element_type3A_1156, %mul3A_1251 : vector<1000x128xbf16>
    %mul3A_1253 = arith.constant -10.757576 : f32
    %mul3A_1254 = arith.mulf %get3A_51, %mul3A_1253 : f32
    %convert_element_type3A_1255 = arith.truncf %mul3A_1254 : f32 to bf16
    %mul3A_1256 = vector.broadcast %convert_element_type3A_1255 : bf16 to vector<1000x128xbf16>
    %mul3A_1257 = arith.mulf %mul3A_1256, %convert_element_type3A_1174 : vector<1000x128xbf16>
    %add3A_1258 = arith.addf %add3A_1252, %mul3A_1257 : vector<1000x128xbf16>
    %mul3A_1259 = arith.constant 8.90642261 : f32
    %mul3A_1260 = arith.mulf %get3A_51, %mul3A_1259 : f32
    %convert_element_type3A_1261 = arith.truncf %mul3A_1260 : f32 to bf16
    %mul3A_1262 = vector.broadcast %convert_element_type3A_1261 : bf16 to vector<1000x128xbf16>
    %mul3A_1263 = arith.mulf %mul3A_1262, %convert_element_type3A_1192 : vector<1000x128xbf16>
    %add3A_1264 = arith.addf %add3A_1258, %mul3A_1263 : vector<1000x128xbf16>
    %mul3A_1265 = arith.constant 0.278409094 : f32
    %mul3A_1266 = arith.mulf %get3A_51, %mul3A_1265 : f32
    %convert_element_type3A_1267 = arith.truncf %mul3A_1266 : f32 to bf16
    %mul3A_1268 = vector.broadcast %convert_element_type3A_1267 : bf16 to vector<1000x128xbf16>
    %mul3A_1269 = arith.mulf %mul3A_1268, %convert_element_type3A_1216 : vector<1000x128xbf16>
    %add3A_1270 = arith.addf %add3A_1264, %mul3A_1269 : vector<1000x128xbf16>
    %mul3A_1271 = arith.constant -0.273531318 : f32
    %mul3A_1272 = arith.mulf %get3A_51, %mul3A_1271 : f32
    %convert_element_type3A_1273 = arith.truncf %mul3A_1272 : f32 to bf16
    %mul3A_1274 = vector.broadcast %convert_element_type3A_1273 : bf16 to vector<1000x128xbf16>
    %mul3A_1275 = arith.mulf %mul3A_1274, %convert_element_type3A_1246 : vector<1000x128xbf16>
    %add3A_1276 = arith.addf %add3A_1270, %mul3A_1275 : vector<1000x128xbf16>
    %dot_general3A_1277 = arith.constant dense<0.000000e+00> : vector<1000x128xf32>
    %dot_general3A_1278 = tpu.matmul %add3A_1276, %convert_element_type3A, %dot_general3A_1277 {dimension_numbers = #tpu.dot_dimension_numbers<[1], [0], [0], [1], [0, 0, 1, 1], [], []>, transpose_lhs_hint = false} : vector<1000x128xbf16>, vector<128x128xbf16>, vector<1000x128xf32> -> vector<1000x128xf32>
    %add3A_1279 = vector.broadcast %get3A_48 : vector<1x128xf32> to vector<1000x128xf32>
    %add3A_1280 = arith.addf %dot_general3A_1278, %add3A_1279 : vector<1000x128xf32>
    %tanh3A_1281 = math.tanh %add3A_1280 : vector<1000x128xf32>
    %convert_element_type3A_1282 = arith.truncf %tanh3A_1281 : vector<1000x128xf32> to vector<1000x128xbf16>
    %mul3A_1283 = arith.constant 0.0911458358 : f32
    %mul3A_1284 = arith.mulf %get3A_51, %mul3A_1283 : f32
    %convert_element_type3A_1285 = arith.truncf %mul3A_1284 : f32 to bf16
    %mul3A_1286 = vector.broadcast %convert_element_type3A_1285 : bf16 to vector<1000x128xbf16>
    %mul3A_1287 = arith.mulf %mul3A_1286, %convert_element_type3A_1162 : vector<1000x128xbf16>
    %mul3A_1288 = arith.constant 0.449236304 : f32
    %mul3A_1289 = arith.mulf %get3A_51, %mul3A_1288 : f32
    %convert_element_type3A_1290 = arith.truncf %mul3A_1289 : f32 to bf16
    %mul3A_1291 = vector.broadcast %convert_element_type3A_1290 : bf16 to vector<1000x128xbf16>
    %mul3A_1292 = arith.mulf %mul3A_1291, %convert_element_type3A_1192 : vector<1000x128xbf16>
    %add3A_1293 = arith.addf %mul3A_1287, %mul3A_1292 : vector<1000x128xbf16>
    %mul3A_1294 = arith.constant 0.651041686 : f32
    %mul3A_1295 = arith.mulf %get3A_51, %mul3A_1294 : f32
    %convert_element_type3A_1296 = arith.truncf %mul3A_1295 : f32 to bf16
    %mul3A_1297 = vector.broadcast %convert_element_type3A_1296 : bf16 to vector<1000x128xbf16>
    %mul3A_1298 = arith.mulf %mul3A_1297, %convert_element_type3A_1216 : vector<1000x128xbf16>
    %add3A_1299 = arith.addf %add3A_1293, %mul3A_1298 : vector<1000x128xbf16>
    %mul3A_1300 = arith.constant -0.322376192 : f32
    %mul3A_1301 = arith.mulf %get3A_51, %mul3A_1300 : f32
    %convert_element_type3A_1302 = arith.truncf %mul3A_1301 : f32 to bf16
    %mul3A_1303 = vector.broadcast %convert_element_type3A_1302 : bf16 to vector<1000x128xbf16>
    %mul3A_1304 = arith.mulf %mul3A_1303, %convert_element_type3A_1246 : vector<1000x128xbf16>
    %add3A_1305 = arith.addf %add3A_1299, %mul3A_1304 : vector<1000x128xbf16>
    %mul3A_1306 = arith.constant 0.130952388 : f32
    %mul3A_1307 = arith.mulf %get3A_51, %mul3A_1306 : f32
    %convert_element_type3A_1308 = arith.truncf %mul3A_1307 : f32 to bf16
    %mul3A_1309 = vector.broadcast %convert_element_type3A_1308 : bf16 to vector<1000x128xbf16>
    %mul3A_1310 = arith.mulf %mul3A_1309, %convert_element_type3A_1282 : vector<1000x128xbf16>
    %add3A_1311 = arith.addf %add3A_1305, %mul3A_1310 : vector<1000x128xbf16>
    %convert_element_type3A_1312 = arith.extf %add3A_1311 : vector<1000x128xbf16> to vector<1000x128xf32>
    %add3A_1313 = arith.addf %add3A_1155, %convert_element_type3A_1312 : vector<1000x128xf32>
    %swap3A = arith.constant 0 : index
    %swap3A_1314 = arith.constant 0 : index
    %swap3A_1315 = vector.load %arg12[%swap3A, %swap3A_1314] : memref<1000x128xf32, #tpu.memory_space<vmem>>, vector<1000x128xf32>
    tpu.vector_store %arg12[%swap3A, %swap3A_1314], %add3A_1313 {strides = array<i32>} : memref<1000x128xf32, #tpu.memory_space<vmem>>, vector<1000x128xf32>,
    return
  }
  func.func @transform_0(%arg0: i32) -> (i32, i32, i32) {
    %c0_i32 = arith.constant 0 : i32
    %c0_i32_0 = arith.constant 0 : i32
    %c0_i32_1 = arith.constant 0 : i32
    return %c0_i32, %arg0, %c0_i32_0 : i32, i32, i32
  }
  func.func @transform_1(%arg0: i32) -> (i32, i32, i32) {
    %c0_i32 = arith.constant 0 : i32
    %c0_i32_0 = arith.constant 0 : i32
    %c0_i32_1 = arith.constant 0 : i32
    return %c0_i32, %arg0, %c0_i32_0 : i32, i32, i32
  }
  func.func @transform_2(%arg0: i32) -> (i32, i32, i32) {
    %c0_i32 = arith.constant 0 : i32
    %c0_i32_0 = arith.constant 0 : i32
    %c0_i32_1 = arith.constant 0 : i32
    return %c0_i32, %arg0, %c0_i32_0 : i32, i32, i32
  }
  func.func @transform_3(%arg0: i32) -> (i32, i32, i32) {
    %c0_i32 = arith.constant 0 : i32
    %c0_i32_0 = arith.constant 0 : i32
    %c0_i32_1 = arith.constant 0 : i32
    return %c0_i32, %arg0, %c0_i32_0 : i32, i32, i32
  }
  func.func @transform_4(%arg0: i32) -> (i32, i32) {
    %c0_i32 = arith.constant 0 : i32
    %c0_i32_0 = arith.constant 0 : i32
    return %arg0, %c0_i32 : i32, i32
  }
  func.func @transform_5(%arg0: i32) -> (i32, i32) {
    %c0_i32 = arith.constant 0 : i32
    %c0_i32_0 = arith.constant 0 : i32
    return %arg0, %c0_i32 : i32, i32
  }
  func.func @transform_6(%arg0: i32) -> (i32, i32) {
    %c0_i32 = arith.constant 0 : i32
    %c0_i32_0 = arith.constant 0 : i32
    %c0_i32_1 = arith.constant 0 : i32
    return %c0_i32, %c0_i32_0 : i32, i32
  }
  func.func @transform_7(%arg0: i32) -> (i32, i32) {
    %c0_i32 = arith.constant 0 : i32
    %c0_i32_0 = arith.constant 0 : i32
    %c0_i32_1 = arith.constant 0 : i32
    return %c0_i32, %c0_i32_0 : i32, i32
  }
  func.func @transform_8(%arg0: i32) -> (i32, i32) {
    %c0_i32 = arith.constant 0 : i32
    %c0_i32_0 = arith.constant 0 : i32
    %c0_i32_1 = arith.constant 0 : i32
    return %c0_i32, %c0_i32_0 : i32, i32
  }
  func.func @transform_9(%arg0: i32) -> (i32, i32) {
    %c0_i32 = arith.constant 0 : i32
    %c0_i32_0 = arith.constant 0 : i32
    %c0_i32_1 = arith.constant 0 : i32
    return %c0_i32, %c0_i32_0 : i32, i32
  }
  func.func @transform_10(%arg0: i32) -> (i32, i32) {
    %c0_i32 = arith.constant 0 : i32
    %c0_i32_0 = arith.constant 0 : i32
    %c0_i32_1 = arith.constant 0 : i32
    return %c0_i32, %c0_i32_0 : i32, i32
  }
  func.func @transform_11(%arg0: i32) -> (i32, i32) {
    %c0_i32 = arith.constant 0 : i32
    %c0_i32_0 = arith.constant 0 : i32
    return %arg0, %c0_i32 : i32, i32
  }
}

</mosaic_0001>

<sc_bundles>
// kernel: kernel.10.cloned.1.call-start
scs
__scs_entry_jumppad:
0x0: {  	(pc) =	sbr.rel $0x88, $3  }
0x1: {  	(tag) =	ssettag $0x0;
	lr =	simm.s32 $0x1  }
0x2: {  	[smem:$0x3F95] =	sst lr;
	_ =	strace $0xD0000000  }
0x3: {  	_ = 	snop  }
0x4: {  	_ = 	snop  }
0x5: {  	_ = 	snop  }
0x6: {  	_ = 	snop  }
0x7: {  	_ = 	snop  }
__scs_overlays_trampoline_lowered:
0x8: {  	[smem:$0x3FA4] =	sst s0  }
0x9: {  	[smem:$0x3FA5] =	sst s1  }
0xa: {  	[smem:$0x3FA6] =	sst s2  }
0xb: {  	[smem:$0x3FA7] =	sst s3  }
0xc: {  	[smem:$0x3FA8] =	sst s4  }
0xd: {  	[smem:$0x3FA9] =	sst s5  }
0xe: {  	[smem:$0x3FAA] =	sst s6  }
0xf: {  	[smem:$0x3FAB] =	sst s7  }
0x10: {  	[smem:$0x3FAC] =	sst s8  }
0x11: {  	[smem:$0x3FAD] =	sst s9;
	s0 =	simm.s32 @!p0 $0x0  }
0x12: {  	s1 =	sld [smem:$0x3F93];
	s0 =	simm.s32 @p0 $0x1  }
0x13: {  	[smem:$0x3FAE] =	sst s0;
	s0 =	simm.s32 @!p1 $0x0  }
0x14: {  	s2 =	sld [smem:$0x3F92];
	s0 =	simm.s32 @p1 $0x1  }
0x15: {  	[smem:$0x3FAF] =	sst s0;
	s0 =	simm.s32 @!p2 $0x0  }
0x16: {  	s3 =	sld [smem:$0x3FDB];
	s0 =	simm.s32 @p2 $0x1  }
0x17: {  	s4 =	simm.s32 $0x1BF5;
	[smem:$0x3FB1] =	sst s0  }
0x18: {  	s0 =	sld [smem:$0x3F94];
	_ =	swait.ge [sflag:s4], $0x0  }
0x19: {  	s7 =	sld [smem:$0x3F95]  }
0x1a: {  	s8 =	sadd.s32 $0xFFFFE003, lr  }
0x1b: {  	s9 =	sadd.s32 $0xFFFFFEF7, lr;
	s5 =	simm.s32 $0xFFFFFFFF;
	p2 =	slt.u32 s8, $0xFFFFF086  }
0x1c: {  	p1 =	slt.u32 s9, $0xF7A;
	s5 =	simm.s32 @!p2 $0x0  }
0x1d: {  	s5 =	simm.s32 @p1 $0x1;
	p0 =	seq.s32 s7, s2  }
0x1e: {  	s7 =	smul.u32 @!p0 $0xF7A, s2;
	p2 =	seq.s32 @!p0 s5, $0x0  }
0x1f: {  	s9 =	smul.u32 $0xF7A, s1;
	s8 =	simm.s32 @!p0 $0x1BF5;
	p2 =	por !p2, p0  }
0x20: {  	[sflag:s8] =	ssyncset.s32 @!p0 $0xFFFFF086;
	s6 =	sadd.s32 @!p0 s3, s7;
	s7 =	simm.s32 @!p0 $0x108  }
0x21: {  	s3 =	sadd.s32 s3, s9;
	s6 =	sadd.s32 @!p0 $0x88, s6;
	s7 =	simm.s32 @p2 $0x1082  }
0x22: {  	[simem:s7], [sflag:s8] =	dma.local @!p0 [hbm:s6], $0xF7A  }
0x23: {  	s9 =	sor.u32 $0xD0000000, s2;
	s6 =	simm.s32 $0x108;
	_ =	swait.ge @!p0 [sflag:s8], $0x0  }
0x24: {  	s3 =	sadd.s32 $0x88, s3;
	s6 =	simm.s32 @!p1 $0x1082;
	[sflag:s4] =	ssyncset.s32 $0xFFFFF086  }
0x25: {  	[simem:s6], [sflag:s4] =	dma.local [hbm:s3], $0xF7A  }
0x26: {  	[smem:$0x3F95] =	sst s1;
	(tag) =	ssettag s2;
	_ =	strace s9  }
0x27: {  	s1 =	sld [smem:$0x3FA5]  }
0x28: {  	s2 =	sld [smem:$0x3FA6]  }
0x29: {  	s4 =	sld [smem:$0x3FA8]  }
0x2a: {  	p0 =	seq.s32 s5, $0x0;
	s5 =	sld [smem:$0x3FA9]  }
0x2b: {  	s6 =	sld [smem:$0x3FAA]  }
0x2c: {  	s7 =	sld [smem:$0x3FAB]  }
0x2d: {  	s3 =	simm.s32 $0x108;
	s8 =	sld [smem:$0x3FAC]  }
0x2e: {  	s3 =	simm.s32 @!p0 $0x1082;
	s9 =	sld [smem:$0x3FAD]  }
0x2f: {  	lr =	sadd.s32 s0, s3;
	s0 =	sld [smem:$0x3FA4]  }
0x30: {  	s3 =	sld [smem:$0x3FA7]  }
0x31: {  	[smem:$0x3FB0] =	sst s10  }
0x32: {  	s10 =	sld [smem:$0x3FAE];
	_ =	sdelay $0x3  }
0x33: {  	p0 =	seq.s32 s10, $0x1;
	s10 =	sld [smem:$0x3FB0];
	_ =	sdelay $0x3  }
0x34: {  	[smem:$0x3FB0] =	sst s10  }
0x35: {  	s10 =	sld [smem:$0x3FAF];
	_ =	sdelay $0x3  }
0x36: {  	p1 =	seq.s32 s10, $0x1;
	s10 =	sld [smem:$0x3FB0];
	_ =	sdelay $0x3  }
0x37: {  	[smem:$0x3FB0] =	sst s10  }
0x38: {  	s10 =	sld [smem:$0x3FB1]  }
0x39: {  	_ = 	snop;
	(pc) =	sbr.ind lr, $3  }
0x3a: {  	_ = 	snop  }
0x3b: {  	_ = 	snop  }
0x3c: {  	p2 =	seq.s32 s10, $0x1;
	s10 =	sld [smem:$0x3FB0]  }
0x3d: {  	_ =	shalt  }
0x3e: {  	_ =	shalt  }
0x3f: {  	_ =	shalt  }
0x40: {  	_ =	shalt  }
0x41: {  	_ =	shalt  }
0x42: {  	_ =	shalt  }
0x43: {  	_ =	shalt  }
0x44: {  	_ =	shalt  }
0x45: {  	_ =	shalt  }
0x46: {  	_ =	shalt  }
0x47: {  	_ =	shalt  }
0x48: {  	_ =	shalt  }
0x49: {  	_ =	shalt  }
0x4a: {  	_ =	shalt  }
0x4b: {  	_ =	shalt  }
0x4c: {  	_ =	shalt  }
0x4d: {  	_ =	shalt  }
0x4e: {  	_ =	shalt  }
0x4f: {  	_ =	shalt  }
0x50: {  	_ =	shalt  }
0x51: {  	_ =	shalt  }
0x52: {  	_ =	shalt  }
0x53: {  	_ =	shalt  }
0x54: {  	_ =	shalt  }
0x55: {  	_ =	shalt  }
0x56: {  	_ =	shalt  }
0x57: {  	_ =	shalt  }
0x58: {  	_ =	shalt  }
0x59: {  	_ =	shalt  }
0x5a: {  	_ =	shalt  }
0x5b: {  	_ =	shalt  }
0x5c: {  	_ =	shalt  }
0x5d: {  	_ =	shalt  }
0x5e: {  	_ =	shalt  }
0x5f: {  	_ =	shalt  }
0x60: {  	_ =	shalt  }
0x61: {  	_ =	shalt  }
0x62: {  	_ =	shalt  }
0x63: {  	_ =	shalt  }
0x64: {  	_ =	shalt  }
0x65: {  	_ =	shalt  }
0x66: {  	_ =	shalt  }
0x67: {  	_ =	shalt  }
0x68: {  	_ =	shalt  }
0x69: {  	_ =	shalt  }
0x6a: {  	_ =	shalt  }
0x6b: {  	_ =	shalt  }
0x6c: {  	_ =	shalt  }
0x6d: {  	_ =	shalt  }
0x6e: {  	_ =	shalt  }
0x6f: {  	_ =	shalt  }
0x70: {  	_ =	shalt  }
0x71: {  	_ =	shalt  }
0x72: {  	_ =	shalt  }
0x73: {  	_ =	shalt  }
0x74: {  	_ =	shalt  }
0x75: {  	_ =	shalt  }
0x76: {  	_ =	shalt  }
0x77: {  	_ =	shalt  }
0x78: {  	_ =	shalt  }
0x79: {  	_ =	shalt  }
0x7a: {  	_ =	shalt  }
0x7b: {  	_ =	shalt  }
0x7c: {  	_ =	shalt  }
0x7d: {  	_ =	shalt  }
0x7e: {  	_ =	shalt  }
0x7f: {  	_ =	shalt  }
0x80: {  	_ =	shalt  }
0x81: {  	_ =	shalt  }
0x82: {  	_ =	shalt  }
0x83: {  	_ =	shalt  }
0x84: {  	_ =	shalt  }
0x85: {  	_ =	shalt  }
0x86: {  	_ =	shalt  }
0x87: {  	_ =	shalt  }
.Lfunc_end0:
.L_simem_size_0:
called_computation.1_lowered:
.L_overlay_start_0:
0x88: {  	s2 =	sld [smem:$0x3FD9]  }
0x89: {  	s3 =	sld [smem:$0x3FFE];
	_ =	sdelay $0x1  }
0x8a: {  	s1 =	srdreg.scid  }
0x8b: {  	s0 =	sand.u32 $0x1, s1  }
0x8c: {  	s17 =	sshll.u32 s0, $0xA;
	s2 =	sadd.s32 s3, s2  }
0x8d: {  	s2 =	sadd.s32 s2, s17  }
0x8e: {  	[smem:$0x3FBC] =	sst s2  }
0x8f: {  	_ = 	snop  }
0x90: {  	s18 =	sld [smem:$0x3FD0];
	(tm) =	ssettm $0x1  }
0x91: {  	s19 =	sld [smem:$0x3FFB];
	_ =	sdelay $0x3  }
0x92: {  	_ =	strace s19  }
0x93: {  	s2 =	sld [smem:$0x3FFC];
	_ =	sdelay $0x3  }
0x94: {  	_ =	strace s2  }
0x95: {  	s2 =	sld [smem:$0x3FFD];
	_ =	sdelay $0x3  }
0x96: {  	_ =	strace s2  }
0x97: {  	_ =	strace $0x8FFFFFFF  }
0x98: {  	s20 =	sld [smem:$0x3FDB];
	_ =	sdelay $0x1  }
0x99: {  	s4 =	simm.s32 $_scs_section_size  }
0x9a: {  	s5 =	simm.s32 $_size__tile_overlayer_lowered;
	s6 =	simm.s32 $_tile_overlayer_lowered  }
0x9b: {  	s7 =	simm.s32 $0x1BFF;
	s21 =	sshll.u32 s6, $0x1;
	s4 =	sadd.s32 s4, s20  }
0x9c: {  	s22 =	simm.s32 $0x0;
	s5 =	sshll.u32 s5, $0x1;
	s6 =	sadd.s32 s21, s4  }
0x9d: {  	[timem:s22], [sflag:s7] =	dma.local [hbm:s6], s5  }
0x9e: {  	_ =	swait.ge [sflag:s7], s5  }
0x9f: {  	s5 =	ssub.s32 $0x0, s5;
	[sflag:s7] =	ssyncset.done $0x0  }
0xa0: {  	[sflag:s7] =	ssyncadd.s32 s5;
	_ =	sdelay $0x1  }
0xa1: {  	s23 =	simm.s32 $0x1B8B  }
0xa2: {  	_ =	swait.ge [sflag:s23], $0x1  }
0xa3: {  	[sflag:s23] =	ssyncset.done $0x0  }
0xa4: {  	[sflag:s23] =	ssyncadd.s32 $0xFFFFFFFF  }
0xa5: {  	s5 =	sld [smem:$0x0]  }
0xa6: {  	s6 =	sand.u32 $0xFFFFFFFE, s1  }
0xa7: {  	p0 =	sne.s32 s1, s6  }
0xa8: {  	s6 =	sshll.u32 @p0 s6, $0xE  }
0xa9: {  	s6 =	sadd.s32 @p0 $0x11B8D, s6;
	s7 =	sshll.u32 @p0 s5, $0x11  }
0xaa: {  	s6 =	sor.u32 @p0 s7, s6  }
0xab: {  	[sflag:s6] =	ssyncadd.remote.s32 @p0 $0x1;
	_ =	sdelay $0x1  }
0xac: {  	s6 =	simm.s32 @p0 $0x1B8D  }
0xad: {  	_ =	swait.eq @p0 [sflag:s6], $0x1  }
0xae: {  	[sflag:s6] =	ssyncadd.s32 @p0 $0xFFFFFFFF  }
0xaf: {  	s7 =	sshll.u32 @!p0 s1, $0xE  }
0xb0: {  	s7 =	sor.u32 @!p0 $0x4000, s7;
	s6 =	simm.s32 @!p0 $0x1B8D  }
0xb1: {  	s5 =	sshll.u32 @!p0 s5, $0x11;
	s7 =	sadd.s32 @!p0 $0x11B8D, s7;
	_ =	swait.eq @!p0 [sflag:s6], $0x1  }
0xb2: {  	s5 =	sor.u32 @!p0 s5, s7;
	[sflag:s6] =	ssyncadd.s32 @!p0 $0xFFFFFFFF  }
0xb3: {  	s25 =	simm.s32 $0x1B8E;
	s24 =	sld [smem:$0x3FFE];
	[sflag:s5] =	ssyncadd.remote.s32 @!p0 $0x1  }
0xb4: {  	s26 =	simm.s32 $execute0_lowered;
	[smem:$0x3FD2] =	sst s25  }
0xb5: {  	s6 =	sshll.u32 s26, $0x1;
	_ =	strace $0x8000004C;
	[dreg:$0x1] =	wrdreg $0xFFFFFFFF  }
0xb6: {  	s28 =	simm.s32 $_size_execute0_lowered;
	s4 =	sadd.s32 s4, s6;
	[dreg:$0x0] =	wrdreg $0x0  }
0xb7: {  	s6 =	sshll.u32 s28, $0x1;
	[dreg:$0x2] =	wrdreg s4  }
0xb8: {  	[dreg:$0x3] =	wrdreg s6  }
0xb9: {  	[dreg:$0x4] =	wrdreg $0xC0  }
0xba: {  	_ =	task [dreg:s22], $0x5FFFF  }
0xbb: {  	[dreg:$0x1] =	wrdreg $0xFFFFFFFF  }
0xbc: {  	[dreg:$0x0] =	wrdreg $0x60  }
0xbd: {  	[dreg:$0x2] =	wrdreg s24  }
0xbe: {  	[dreg:$0x3] =	wrdreg s18  }
0xbf: {  	[dreg:$0x4] =	wrdreg $0x66000  }
0xc0: {  	[dreg:$0x5] =	wrdreg $0x9  }
0xc1: {  	_ =	task.clear_ibuf [dreg:s22], $0x6FFFF;
	_ =	strace $0x9000004C  }
0xc2: {  	s29 =	simm.s32 $0x9;
	_ =	strace $0x8000004E  }
0xc3: {  	_ =	swait.ge [sflag:s29], $0x1  }
0xc4: {  	[sflag:s29] =	ssyncadd.s32 $0xFFFFFFFF  }
0xc5: {  	_ =	strace $0x9000004E  }
0xc6: {  	_ =	sfence  }
0xc7: {  	s30 =	sld [smem:$0x0];
	_ =	sdelay $0x2  }
0xc8: {  	s31 =	sshll.u32 s1, $0xD;
	s1 =	sshrl.u32 s1, $0x2  }
0xc9: {  	s4 =	sand.u32 $0x4000, s31;
	s1 =	sadd.s32 s1, s30  }
0xca: {  	s0 =	sor.u32 s4, s0;
	s1 =	sshll.u32 s1, $0x11  }
0xcb: {  	s0 =	sor.u32 s1, s0  }
0xcc: {  	s0 =	sadd.s32 $0x8F2B, s0  }
0xcd: {  	[sflag:s0] =	ssyncadd.remote.s32 $0x1  }
0xce: {  	_ =	sfence.sel $0xFFFF  }
0xcf: {  	[dreg:$0x0] =	wrdreg $0xFFFFFFFF;
	(pc) =	sbr.abs _section_cstart, $3  }
0xd0: {  	[dreg:$0x1] =	wrdreg $0xFFFFFFFF  }
0xd1: {  	_ =	task.clear_ibuf [dreg:s22], $0x2FFFF;
	_ =	strace $0x9FFFFFFF  }
0xd2: {  	(tm) =	ssettm $0x7FFFFFFF  }
0xd3: {  	_ =	shalt  }
tec
execute0_lowered:
.L_overlay_start_1:
0x0: {  	(tag) =	ssettag $0x1  }
0x1: {  	s0 =	rddreg [dreg:$0x0]  }
0x2: {  	s2 =	rddreg [dreg:$0x1]  }
0x3: {  	s1 =	rddreg [dreg:$0x2]  }
0x4: {  	s3 =	srdreg.scid;
	s4 =	stileid.u32;
	s17 =	simm.s32 $0x1600  }
0x5: {  	s18 =	simm.s32 $0x100;
	s19 =	simm.s32 $0x2600;
	s28 =	simm.s32 $0x200  }
0x6: {  	s29 =	simm.s32 $0x4600;
	s30 =	simm.s32 $0x280;
	s7 =	smul.u32 $0x18C0, s4  }
0x7: {  	s31 =	simm.s32 $0x5600;
	s5 =	sand.u32 $0x1, s3;
	s10 =	smul.u32 $0x19000, s4  }
0x8: {  	s3 =	simm.s32 $0x0;
	s4 =	sadd.s32 $0x15F000, s0;
	s6 =	smul.u32 $0x18C00, s5  }
0x9: {  	[smem:$0x7FF] =	sst s3;
	s8 =	ssub.s32 $0x2, s5;
	s5 =	smul.u32 $0x32000, s5  }
0xa: {  	_ =	strace $0x8000004D;
	s9 =	sshrl.u32 s8, $0x1;
	s12 =	sadd.s32 $0x6000, s10  }
0xb: {  	s13 =	sadd.s32 $0xC000, s10;
	s14 =	sadd.s32 $0x12000, s10;
	s15 =	sadd.s32 $0x18000, s10  }
0xc: {  	s25 =	sshrl.u32 s10, $0x3;
	s6 =	sadd.s32 s6, s0;
	s0 =	sadd.s32 s7, s0  }
0xd: {  	s11 =	ssub.s32 s8, s9;
	s8 =	sadd.s32 s10, s1;
	s9 =	sadd.s32 s12, s1  }
0xe: {  	s16 =	sadd.s32 s13, s1;
	s23 =	sadd.s32 s14, s1;
	s24 =	sadd.s32 s15, s1  }
0xf: {  	s2 =	sadd.s32 s2, s5;
	s26 =	sshrl.u32 s12, $0x3;
	s20 =	sshrl.u32 s13, $0x3  }
0x10: {  	s21 =	sshrl.u32 s14, $0x3;
	s22 =	sshrl.u32 s15, $0x3;
	[dreg:$0x6] =	wrdreg s16  }
0x11: {  	s12 =	simm.s32 $0x600;
	s13 =	simm.s32 $0x3;
	[dreg:$0x7] =	wrdreg s23  }
0x12: {  	s15 =	simm.s32 $0x300;
	s10 =	simm.s32 $0x400;
	[dreg:$0x8] =	wrdreg s24  }
0x13: {  	s6 =	sadd.s32 $0x12D800, s6;
	s11 =	smax.u32 s11, $0x1;
	[dreg:$0x4] =	wrdreg s8  }
0x14: {  	s16 =	simm.s32 $0x80;
	s23 =	sadd.s32 s26, s2;
	[dreg:$0x5] =	wrdreg s9  }
0x15: {  	s24 =	sadd.s32 s20, s2;
	s26 =	sadd.s32 s22, s2;
	[dreg:$0x9] =	wrdreg s11  }
0x16: {  	s20 =	simm.s32 $0x480;
	s22 =	simm.s32 $0x580;
	[dreg:$0xb] =	wrdreg s23  }
0x17: {  	s11 =	sadd.s32 $0x1A600, s0;
	s14 =	sadd.s32 s6, s7;
	[dreg:$0xc] =	wrdreg s24  }
0x18: {  	s7 =	sadd.s32 s25, s2;
	s25 =	sadd.s32 s21, s2;
	[dreg:$0xe] =	wrdreg s26  }
0x19: {  	s26 =	simm.s32 $0x3600;
	s0 =	simm.s32 $0x1;
	s2 =	simm.s32 $0x380  }
0x1a: {  	s21 =	simm.s32 $0x500;
	s23 =	simm.s32 $0x2;
	[dreg:$0xa] =	wrdreg s7  }
0x1b: {  	v0 =	vimm.f32 $0.0e+00;
	s24 =	simm.s32 $0x0;
	[dreg:$0xd] =	wrdreg s25;
	s25 =	simm.s32 $0x180  }
.LBB2_1:
0x1c: {  	s5 =	simm.s32 $0x80;
	s6 =	simm.s32 $0x0  }
.LBB2_2:
0x1d: {  	p0 =	sne.s32 s5, $0x17F80;
	[tilespmem:s6+$0x600] =	vst v0;
	s7 =	smov.u32 s5;
	s5 =	sadd.s32 $0x80, s5  }
.Ltmp0:
0x1e: {  	[tilespmem:s6+$0x610] =	vst v0;
	(pc) =	sbr.rel @p0 .LBB2_2-.Ltmp0, $2  }
0x1f: {  	_ =	sdelay $0x2  }
0x20: {  	s6 =	sshra.s32 s7, $0x2  }
0x21: {  	[tilespmem:s6+$0x600] =	vst v0  }
0x22: {  	[tilespmem:s6+$0x610] =	vst v0  }
0x23: {  	[spmem:s8] =	stream.linear.scatter [tilespmem:s12], [sflag:$0x3], $0x6000, $0x38;
	[tilespmem:$0x1F600] =	vst v63  }
0x24: {  	_ =	swait.ge [sflag:s13], $0x6000  }
0x25: {  	[sflag:s13] =	ssyncset.done $0x0  }
0x26: {  	[sflag:s13] =	ssyncadd.s32 $0xFFFFA000  }
0x27: {  	[spmem:s9] =	stream.linear.scatter [tilespmem:s12], [sflag:$0x3], $0x6000, $0x38;
	[tilespmem:$0x1F600] =	vst v63  }
0x28: {  	_ =	swait.ge [sflag:s13], $0x6000  }
0x29: {  	[sflag:s13] =	ssyncset.done $0x0  }
0x2a: {  	s5 =	rddreg [dreg:$0x6];
	[sflag:s13] =	ssyncadd.s32 $0xFFFFA000  }
0x2b: {  	[spmem:s5] =	stream.linear.scatter [tilespmem:s12], [sflag:$0x3], $0x6000, $0x38;
	[tilespmem:$0x1F600] =	vst v63  }
0x2c: {  	_ =	swait.ge [sflag:s13], $0x6000  }
0x2d: {  	[sflag:s13] =	ssyncset.done $0x0  }
0x2e: {  	s6 =	rddreg [dreg:$0x7];
	[sflag:s13] =	ssyncadd.s32 $0xFFFFA000  }
0x2f: {  	[spmem:s6] =	stream.linear.scatter [tilespmem:s12], [sflag:$0x3], $0x6000, $0x38;
	[tilespmem:$0x1F600] =	vst v63  }
0x30: {  	_ =	swait.ge [sflag:s13], $0x6000  }
0x31: {  	[sflag:s13] =	ssyncset.done $0x0  }
0x32: {  	s7 =	rddreg [dreg:$0x8];
	[sflag:s13] =	ssyncadd.s32 $0xFFFFA000  }
0x33: {  	[spmem:s7] =	stream.linear.scatter [tilespmem:s12], [sflag:$0x3], $0x1000, $0x38;
	[tilespmem:$0x1F600] =	vst v63  }
0x34: {  	_ =	swait.ge [sflag:s13], $0x1000  }
0x35: {  	[sflag:s13] =	ssyncset.done $0x0  }
0x36: {  	[sflag:s13] =	ssyncadd.s32 $0xFFFFF000  }
0x37: {  	s8 =	sadd.s32 $0x0, s14;
	[bflag:$0x0] =	sbarrier.arrive $0xFFFF  }
0x38: {  	[tilespmem:s3], [sflag:$0x3] =	stream.linear.gather [hbm4b:s8+s3], $0x300, $0x38;
	[tilespmem:$0x1F600] =	vst v63  }
0x39: {  	_ =	swait.ge [sflag:s13], $0x300  }
0x3a: {  	[sflag:s13] =	ssyncset.done $0x0  }
0x3b: {  	s9 =	sadd.s32 $0x0, s11;
	[sflag:s13] =	ssyncadd.s32 $0xFFFFFD00  }
0x3c: {  	[tilespmem:s15], [sflag:$0x3] =	stream.linear.gather [hbm4b:s9+s3], $0x300, $0x38;
	[tilespmem:$0x1F600] =	vst v63  }
0x3d: {  	_ =	swait.ge [sflag:s13], $0x300  }
0x3e: {  	[sflag:s13] =	ssyncset.done $0x0  }
0x3f: {  	[sflag:s13] =	ssyncadd.s32 $0xFFFFFD00  }
0x40: {  	[tilespmem:s12], [sflag:$0x1] =	stream.indirect.gather [hbm4b:s4+s16], $0x20, s3, s16, $0xb8;
	[tilespmem:$0x1F600] =	vst v63  }
0x41: {  	_ = 	snop  }
0x42: {  	[tilespmem:s17], [sflag:$0x1] =	stream.indirect.gather [hbm4b:s4+s16], $0x20, s16, s16, $0xb8;
	[tilespmem:$0x1F600] =	vst v63  }
0x43: {  	_ = 	snop  }
0x44: {  	[tilespmem:s19], [sflag:$0x1] =	stream.indirect.gather [hbm4b:s4+s16], $0x20, s18, s16, $0xb8;
	[tilespmem:$0x1F600] =	vst v63  }
0x45: {  	_ = 	snop  }
0x46: {  	[tilespmem:s26], [sflag:$0x1] =	stream.indirect.gather [hbm4b:s4+s16], $0x20, s25, s16, $0xb8;
	[tilespmem:$0x1F600] =	vst v63  }
0x47: {  	_ = 	snop  }
0x48: {  	[tilespmem:s29], [sflag:$0x1] =	stream.indirect.gather [hbm4b:s4+s16], $0x20, s28, s16, $0xb8;
	[tilespmem:$0x1F600] =	vst v63  }
0x49: {  	_ = 	snop  }
0x4a: {  	[tilespmem:s31], [sflag:$0x1] =	stream.indirect.gather [hbm4b:s4+s16], $0x20, s30, s16, $0xb8;
	[tilespmem:$0x1F600] =	vst v63  }
0x4b: {  	_ =	swait.ge [sflag:s0], $0x1000  }
0x4c: {  	[sflag:s0] =	ssyncset.done $0x0  }
0x4d: {  	[sflag:s0] =	ssyncadd.s32 $0xFFFFF000  }
0x4e: {  	[spmem:s1] =	stream.indirect.scatter.add.f32 [tilespmem:s12], [sflag:$0x2], $0x20, s15, s16, $0xb8;
	[tilespmem:$0x1F600] =	vst v63  }
0x4f: {  	_ =	swait.ge [sflag:s0], $0x1000  }
0x50: {  	[sflag:s0] =	ssyncset.done $0x0  }
0x51: {  	[sflag:s0] =	ssyncadd.s32 $0xFFFFF000  }
0x52: {  	[spmem:s1] =	stream.indirect.scatter.add.f32 [tilespmem:s17], [sflag:$0x2], $0x20, s2, s16, $0xb8;
	[tilespmem:$0x1F600] =	vst v63  }
0x53: {  	_ =	swait.ge [sflag:s0], $0x1000  }
0x54: {  	[sflag:s0] =	ssyncset.done $0x0  }
0x55: {  	[sflag:s0] =	ssyncadd.s32 $0xFFFFF000  }
0x56: {  	[spmem:s1] =	stream.indirect.scatter.add.f32 [tilespmem:s19], [sflag:$0x2], $0x20, s10, s16, $0xb8;
	[tilespmem:$0x1F600] =	vst v63  }
0x57: {  	_ =	swait.ge [sflag:s0], $0x1000  }
0x58: {  	[sflag:s0] =	ssyncset.done $0x0  }
0x59: {  	[sflag:s0] =	ssyncadd.s32 $0xFFFFF000  }
0x5a: {  	[spmem:s1] =	stream.indirect.scatter.add.f32 [tilespmem:s26], [sflag:$0x2], $0x20, s20, s16, $0xb8;
	[tilespmem:$0x1F600] =	vst v63  }
0x5b: {  	_ =	swait.ge [sflag:s0], $0x1000  }
0x5c: {  	[sflag:s0] =	ssyncset.done $0x0  }
0x5d: {  	[sflag:s0] =	ssyncadd.s32 $0xFFFFF000  }
0x5e: {  	[spmem:s1] =	stream.indirect.scatter.add.f32 [tilespmem:s29], [sflag:$0x2], $0x20, s21, s16, $0xb8;
	[tilespmem:$0x1F600] =	vst v63  }
0x5f: {  	_ =	swait.ge [sflag:s0], $0x1000  }
0x60: {  	[sflag:s0] =	ssyncset.done $0x0  }
0x61: {  	[sflag:s0] =	ssyncadd.s32 $0xFFFFF000  }
0x62: {  	[spmem:s1] =	stream.indirect.scatter.add.f32 [tilespmem:s31], [sflag:$0x2], $0x20, s22, s16, $0xb8;
	[tilespmem:$0x1F600] =	vst v63  }
0x63: {  	_ =	swait.ge [sflag:s23], $0x1000  }
0x64: {  	[sflag:s23] =	ssyncset.done $0x0  }
0x65: {  	[sflag:s23] =	ssyncadd.s32 $0xFFFFF000  }
0x66: {  	_ =	swait.ge [sflag:s23], $0x1000  }
0x67: {  	[sflag:s23] =	ssyncset.done $0x0  }
0x68: {  	[sflag:s23] =	ssyncadd.s32 $0xFFFFF000  }
0x69: {  	_ =	swait.ge [sflag:s23], $0x1000  }
0x6a: {  	[sflag:s23] =	ssyncset.done $0x0  }
0x6b: {  	[sflag:s23] =	ssyncadd.s32 $0xFFFFF000  }
0x6c: {  	_ =	swait.ge [sflag:s23], $0x1000  }
0x6d: {  	[sflag:s23] =	ssyncset.done $0x0  }
0x6e: {  	[sflag:s23] =	ssyncadd.s32 $0xFFFFF000  }
0x6f: {  	_ =	swait.ge [sflag:s23], $0x1000  }
0x70: {  	[sflag:s23] =	ssyncset.done $0x0  }
0x71: {  	[sflag:s23] =	ssyncadd.s32 $0xFFFFF000  }
0x72: {  	_ =	swait.ge [sflag:s23], $0x1000  }
0x73: {  	s5 =	simm.s32 $0x60;
	s6 =	simm.s32 $0xC0;
	[sflag:s23] =	ssyncset.done $0x0  }
.LBB2_4:
0x74: {  	s8 =	sadd.s32 s5, s14  }
0x75: {  	[sflag:s23] =	ssyncadd.s32 $0xFFFFF000;
	s9 =	smov.u32 s6;
	s7 =	sadd.s32 $0x60, s6  }
0x76: {  	[tilespmem:s3], [sflag:$0x3] =	stream.linear.gather [hbm4b:s8+s3], $0x300, $0x38;
	[tilespmem:$0x1F600] =	vst v63  }
0x77: {  	p0 =	sne.s32 s6, $0x1860;
	_ =	swait.ge [sflag:s13], $0x300  }
0x78: {  	[sflag:s13] =	ssyncset.done $0x0  }
0x79: {  	s6 =	sadd.s32 s5, s11;
	s5 =	smov.u32 s9;
	[sflag:s13] =	ssyncadd.s32 $0xFFFFFD00  }
0x7a: {  	[tilespmem:s15], [sflag:$0x3] =	stream.linear.gather [hbm4b:s6+s3], $0x300, $0x38;
	[tilespmem:$0x1F600] =	vst v63  }
0x7b: {  	_ =	swait.ge [sflag:s13], $0x300  }
0x7c: {  	[sflag:s13] =	ssyncset.done $0x0  }
0x7d: {  	[sflag:s13] =	ssyncadd.s32 $0xFFFFFD00  }
0x7e: {  	[tilespmem:s12], [sflag:$0x1] =	stream.indirect.gather [hbm4b:s4+s16], $0x20, s3, s16, $0xb8;
	[tilespmem:$0x1F600] =	vst v63  }
0x7f: {  	_ = 	snop  }
0x80: {  	[tilespmem:s17], [sflag:$0x1] =	stream.indirect.gather [hbm4b:s4+s16], $0x20, s16, s16, $0xb8;
	[tilespmem:$0x1F600] =	vst v63  }
0x81: {  	_ = 	snop  }
0x82: {  	[tilespmem:s19], [sflag:$0x1] =	stream.indirect.gather [hbm4b:s4+s16], $0x20, s18, s16, $0xb8;
	[tilespmem:$0x1F600] =	vst v63  }
0x83: {  	_ = 	snop  }
0x84: {  	[tilespmem:s26], [sflag:$0x1] =	stream.indirect.gather [hbm4b:s4+s16], $0x20, s25, s16, $0xb8;
	[tilespmem:$0x1F600] =	vst v63  }
0x85: {  	_ = 	snop  }
0x86: {  	[tilespmem:s29], [sflag:$0x1] =	stream.indirect.gather [hbm4b:s4+s16], $0x20, s28, s16, $0xb8;
	[tilespmem:$0x1F600] =	vst v63  }
0x87: {  	_ = 	snop  }
0x88: {  	[tilespmem:s31], [sflag:$0x1] =	stream.indirect.gather [hbm4b:s4+s16], $0x20, s30, s16, $0xb8;
	[tilespmem:$0x1F600] =	vst v63  }
0x89: {  	_ =	swait.ge [sflag:s0], $0x1000  }
0x8a: {  	[sflag:s0] =	ssyncset.done $0x0  }
0x8b: {  	[sflag:s0] =	ssyncadd.s32 $0xFFFFF000  }
0x8c: {  	[spmem:s1] =	stream.indirect.scatter.add.f32 [tilespmem:s12], [sflag:$0x2], $0x20, s15, s16, $0xb8;
	[tilespmem:$0x1F600] =	vst v63  }
0x8d: {  	_ =	swait.ge [sflag:s0], $0x1000  }
0x8e: {  	[sflag:s0] =	ssyncset.done $0x0  }
0x8f: {  	[sflag:s0] =	ssyncadd.s32 $0xFFFFF000  }
0x90: {  	[spmem:s1] =	stream.indirect.scatter.add.f32 [tilespmem:s17], [sflag:$0x2], $0x20, s2, s16, $0xb8;
	[tilespmem:$0x1F600] =	vst v63  }
0x91: {  	_ =	swait.ge [sflag:s0], $0x1000  }
0x92: {  	[sflag:s0] =	ssyncset.done $0x0  }
0x93: {  	[sflag:s0] =	ssyncadd.s32 $0xFFFFF000  }
0x94: {  	[spmem:s1] =	stream.indirect.scatter.add.f32 [tilespmem:s19], [sflag:$0x2], $0x20, s10, s16, $0xb8;
	[tilespmem:$0x1F600] =	vst v63  }
0x95: {  	_ =	swait.ge [sflag:s0], $0x1000  }
0x96: {  	[sflag:s0] =	ssyncset.done $0x0  }
0x97: {  	[sflag:s0] =	ssyncadd.s32 $0xFFFFF000  }
0x98: {  	[spmem:s1] =	stream.indirect.scatter.add.f32 [tilespmem:s26], [sflag:$0x2], $0x20, s20, s16, $0xb8;
	[tilespmem:$0x1F600] =	vst v63  }
0x99: {  	_ =	swait.ge [sflag:s0], $0x1000  }
0x9a: {  	[sflag:s0] =	ssyncset.done $0x0  }
0x9b: {  	[sflag:s0] =	ssyncadd.s32 $0xFFFFF000  }
0x9c: {  	[spmem:s1] =	stream.indirect.scatter.add.f32 [tilespmem:s29], [sflag:$0x2], $0x20, s21, s16, $0xb8;
	[tilespmem:$0x1F600] =	vst v63  }
0x9d: {  	_ =	swait.ge [sflag:s0], $0x1000  }
0x9e: {  	[sflag:s0] =	ssyncset.done $0x0  }
0x9f: {  	[sflag:s0] =	ssyncadd.s32 $0xFFFFF000  }
0xa0: {  	[spmem:s1] =	stream.indirect.scatter.add.f32 [tilespmem:s31], [sflag:$0x2], $0x20, s22, s16, $0xb8;
	[tilespmem:$0x1F600] =	vst v63  }
0xa1: {  	_ =	swait.ge [sflag:s23], $0x1000  }
0xa2: {  	[sflag:s23] =	ssyncset.done $0x0  }
0xa3: {  	[sflag:s23] =	ssyncadd.s32 $0xFFFFF000  }
0xa4: {  	_ =	swait.ge [sflag:s23], $0x1000  }
0xa5: {  	[sflag:s23] =	ssyncset.done $0x0  }
0xa6: {  	[sflag:s23] =	ssyncadd.s32 $0xFFFFF000  }
0xa7: {  	_ =	swait.ge [sflag:s23], $0x1000  }
0xa8: {  	[sflag:s23] =	ssyncset.done $0x0  }
0xa9: {  	[sflag:s23] =	ssyncadd.s32 $0xFFFFF000  }
0xaa: {  	_ =	swait.ge [sflag:s23], $0x1000  }
0xab: {  	[sflag:s23] =	ssyncset.done $0x0  }
0xac: {  	[sflag:s23] =	ssyncadd.s32 $0xFFFFF000  }
.Ltmp1:
0xad: {  	_ =	swait.ge [sflag:s23], $0x1000;
	(pc) =	sbr.rel @p0 .LBB2_4-.Ltmp1, $4  }
0xae: {  	[sflag:s23] =	ssyncset.done $0x0  }
0xaf: {  	[sflag:s23] =	ssyncadd.s32 $0xFFFFF000  }
0xb0: {  	_ =	swait.ge [sflag:s23], $0x1000  }
0xb1: {  	s6 =	smov.u32 s7;
	[sflag:s23] =	ssyncset.done $0x0  }
0xb2: {  	s6 =	sadd.s32 s5, s14;
	[sflag:s23] =	ssyncadd.s32 $0xFFFFF000  }
0xb3: {  	[tilespmem:s3], [sflag:$0x3] =	stream.linear.gather [hbm4b:s6+s3], $0x300, $0x38;
	[tilespmem:$0x1F600] =	vst v63  }
0xb4: {  	_ =	swait.ge [sflag:s13], $0x300  }
0xb5: {  	[sflag:s13] =	ssyncset.done $0x0  }
0xb6: {  	s8 =	sadd.s32 s5, s11;
	[sflag:s13] =	ssyncadd.s32 $0xFFFFFD00  }
0xb7: {  	[tilespmem:s15], [sflag:$0x3] =	stream.linear.gather [hbm4b:s8+s3], $0x300, $0x38;
	[tilespmem:$0x1F600] =	vst v63  }
0xb8: {  	_ =	swait.ge [sflag:s13], $0x300  }
0xb9: {  	[sflag:s13] =	ssyncset.done $0x0  }
0xba: {  	[sflag:s13] =	ssyncadd.s32 $0xFFFFFD00  }
0xbb: {  	[tilespmem:s12], [sflag:$0x1] =	stream.indirect.gather [hbm4b:s4+s16], $0x20, s3, s16, $0xb8;
	[tilespmem:$0x1F600] =	vst v63  }
0xbc: {  	_ = 	snop  }
0xbd: {  	[tilespmem:s17], [sflag:$0x1] =	stream.indirect.gather [hbm4b:s4+s16], $0x20, s16, s16, $0xb8;
	[tilespmem:$0x1F600] =	vst v63  }
0xbe: {  	_ = 	snop  }
0xbf: {  	[tilespmem:s19], [sflag:$0x1] =	stream.indirect.gather [hbm4b:s4+s16], $0x20, s18, s16, $0xb8;
	[tilespmem:$0x1F600] =	vst v63  }
0xc0: {  	_ = 	snop  }
0xc1: {  	[tilespmem:s26], [sflag:$0x1] =	stream.indirect.gather [hbm4b:s4+s16], $0x20, s25, s16, $0xb8;
	[tilespmem:$0x1F600] =	vst v63  }
0xc2: {  	_ = 	snop  }
0xc3: {  	[tilespmem:s29], [sflag:$0x1] =	stream.indirect.gather [hbm4b:s4+s16], $0x20, s28, s16, $0xb8;
	[tilespmem:$0x1F600] =	vst v63  }
0xc4: {  	_ = 	snop  }
0xc5: {  	[tilespmem:s31], [sflag:$0x1] =	stream.indirect.gather [hbm4b:s4+s16], $0x20, s30, s16, $0xb8;
	[tilespmem:$0x1F600] =	vst v63  }
0xc6: {  	_ =	swait.ge [sflag:s0], $0x1000  }
0xc7: {  	[sflag:s0] =	ssyncset.done $0x0  }
0xc8: {  	[sflag:s0] =	ssyncadd.s32 $0xFFFFF000  }
0xc9: {  	[spmem:s1] =	stream.indirect.scatter.add.f32 [tilespmem:s12], [sflag:$0x2], $0x20, s15, s16, $0xb8;
	[tilespmem:$0x1F600] =	vst v63  }
0xca: {  	_ =	swait.ge [sflag:s0], $0x1000  }
0xcb: {  	[sflag:s0] =	ssyncset.done $0x0  }
0xcc: {  	[sflag:s0] =	ssyncadd.s32 $0xFFFFF000  }
0xcd: {  	[spmem:s1] =	stream.indirect.scatter.add.f32 [tilespmem:s17], [sflag:$0x2], $0x20, s2, s16, $0xb8;
	[tilespmem:$0x1F600] =	vst v63  }
0xce: {  	_ =	swait.ge [sflag:s0], $0x1000  }
0xcf: {  	[sflag:s0] =	ssyncset.done $0x0  }
0xd0: {  	[sflag:s0] =	ssyncadd.s32 $0xFFFFF000  }
0xd1: {  	[spmem:s1] =	stream.indirect.scatter.add.f32 [tilespmem:s19], [sflag:$0x2], $0x20, s10, s16, $0xb8;
	[tilespmem:$0x1F600] =	vst v63  }
0xd2: {  	_ =	swait.ge [sflag:s0], $0x1000  }
0xd3: {  	[sflag:s0] =	ssyncset.done $0x0  }
0xd4: {  	[sflag:s0] =	ssyncadd.s32 $0xFFFFF000  }
0xd5: {  	[spmem:s1] =	stream.indirect.scatter.add.f32 [tilespmem:s26], [sflag:$0x2], $0x20, s20, s16, $0xb8;
	[tilespmem:$0x1F600] =	vst v63  }
0xd6: {  	_ =	swait.ge [sflag:s0], $0x1000  }
0xd7: {  	[sflag:s0] =	ssyncset.done $0x0  }
0xd8: {  	[sflag:s0] =	ssyncadd.s32 $0xFFFFF000  }
0xd9: {  	[spmem:s1] =	stream.indirect.scatter.add.f32 [tilespmem:s29], [sflag:$0x2], $0x20, s21, s16, $0xb8;
	[tilespmem:$0x1F600] =	vst v63  }
0xda: {  	_ =	swait.ge [sflag:s0], $0x1000  }
0xdb: {  	[sflag:s0] =	ssyncset.done $0x0  }
0xdc: {  	[sflag:s0] =	ssyncadd.s32 $0xFFFFF000  }
0xdd: {  	[spmem:s1] =	stream.indirect.scatter.add.f32 [tilespmem:s31], [sflag:$0x2], $0x20, s22, s16, $0xb8;
	[tilespmem:$0x1F600] =	vst v63  }
0xde: {  	_ =	swait.ge [sflag:s23], $0x1000  }
0xdf: {  	[sflag:s23] =	ssyncset.done $0x0  }
0xe0: {  	[sflag:s23] =	ssyncadd.s32 $0xFFFFF000  }
0xe1: {  	_ =	swait.ge [sflag:s23], $0x1000  }
0xe2: {  	[sflag:s23] =	ssyncset.done $0x0  }
0xe3: {  	[sflag:s23] =	ssyncadd.s32 $0xFFFFF000  }
0xe4: {  	_ =	swait.ge [sflag:s23], $0x1000  }
0xe5: {  	[sflag:s23] =	ssyncset.done $0x0  }
0xe6: {  	[sflag:s23] =	ssyncadd.s32 $0xFFFFF000  }
0xe7: {  	_ =	swait.ge [sflag:s23], $0x1000  }
0xe8: {  	[sflag:s23] =	ssyncset.done $0x0  }
0xe9: {  	[sflag:s23] =	ssyncadd.s32 $0xFFFFF000  }
0xea: {  	_ =	swait.ge [sflag:s23], $0x1000  }
0xeb: {  	[sflag:s23] =	ssyncset.done $0x0  }
0xec: {  	[sflag:s23] =	ssyncadd.s32 $0xFFFFF000  }
0xed: {  	_ =	swait.ge [sflag:s23], $0x1000  }
0xee: {  	[sflag:s23] =	ssyncset.done $0x0  }
0xef: {  	[sflag:s23] =	ssyncadd.s32 $0xFFFFF000  }
0xf0: {  	[bflag:$0x0] =	sbarrier.arrive $0xFFFF  }
0xf1: {  	s8 =	rddreg [dreg:$0x4]  }
0xf2: {  	[tilespmem:s12], [sflag:$0x3] =	stream.linear.gather [spmem:s8], $0x6000, $0x38;
	[tilespmem:$0x1F600] =	vst v63  }
0xf3: {  	_ =	swait.ge [sflag:s13], $0x6000  }
0xf4: {  	[sflag:s13] =	ssyncset.done $0x0  }
0xf5: {  	s9 =	rddreg [dreg:$0xa];
	[sflag:s13] =	ssyncadd.s32 $0xFFFFA000  }
0xf6: {  	[hbm4b:s9+s3] =	stream.linear.scatter [tilespmem:s12], [sflag:$0x3], $0x6000, $0x38;
	[tilespmem:$0x1F600] =	vst v63  }
0xf7: {  	_ =	swait.ge [sflag:s13], $0x6000  }
0xf8: {  	[sflag:s13] =	ssyncset.done $0x0  }
0xf9: {  	s9 =	rddreg [dreg:$0x5];
	[sflag:s13] =	ssyncadd.s32 $0xFFFFA000  }
0xfa: {  	[tilespmem:s12], [sflag:$0x3] =	stream.linear.gather [spmem:s9], $0x6000, $0x38;
	[tilespmem:$0x1F600] =	vst v63  }
0xfb: {  	_ =	swait.ge [sflag:s13], $0x6000  }
0xfc: {  	[sflag:s13] =	ssyncset.done $0x0  }
0xfd: {  	s6 =	rddreg [dreg:$0xb];
	[sflag:s13] =	ssyncadd.s32 $0xFFFFA000  }
0xfe: {  	[hbm4b:s6+s3] =	stream.linear.scatter [tilespmem:s12], [sflag:$0x3], $0x6000, $0x38;
	[tilespmem:$0x1F600] =	vst v63  }
0xff: {  	_ =	swait.ge [sflag:s13], $0x6000  }
0x100: {  	[sflag:s13] =	ssyncset.done $0x0  }
0x101: {  	s7 =	rddreg [dreg:$0x6];
	[sflag:s13] =	ssyncadd.s32 $0xFFFFA000  }
0x102: {  	[tilespmem:s12], [sflag:$0x3] =	stream.linear.gather [spmem:s7], $0x6000, $0x38;
	[tilespmem:$0x1F600] =	vst v63  }
0x103: {  	_ =	swait.ge [sflag:s13], $0x6000  }
0x104: {  	[sflag:s13] =	ssyncset.done $0x0  }
0x105: {  	s6 =	rddreg [dreg:$0xc];
	[sflag:s13] =	ssyncadd.s32 $0xFFFFA000  }
0x106: {  	[hbm4b:s6+s3] =	stream.linear.scatter [tilespmem:s12], [sflag:$0x3], $0x6000, $0x38;
	[tilespmem:$0x1F600] =	vst v63  }
0x107: {  	_ =	swait.ge [sflag:s13], $0x6000  }
0x108: {  	[sflag:s13] =	ssyncset.done $0x0  }
0x109: {  	s7 =	rddreg [dreg:$0x7];
	[sflag:s13] =	ssyncadd.s32 $0xFFFFA000  }
0x10a: {  	[tilespmem:s12], [sflag:$0x3] =	stream.linear.gather [spmem:s7], $0x6000, $0x38;
	[tilespmem:$0x1F600] =	vst v63  }
0x10b: {  	_ =	swait.ge [sflag:s13], $0x6000  }
0x10c: {  	[sflag:s13] =	ssyncset.done $0x0  }
0x10d: {  	s6 =	rddreg [dreg:$0xd];
	[sflag:s13] =	ssyncadd.s32 $0xFFFFA000  }
0x10e: {  	[hbm4b:s6+s3] =	stream.linear.scatter [tilespmem:s12], [sflag:$0x3], $0x6000, $0x38;
	[tilespmem:$0x1F600] =	vst v63  }
0x10f: {  	_ =	swait.ge [sflag:s13], $0x6000  }
0x110: {  	[sflag:s13] =	ssyncset.done $0x0  }
0x111: {  	s7 =	rddreg [dreg:$0x8];
	[sflag:s13] =	ssyncadd.s32 $0xFFFFA000  }
0x112: {  	[tilespmem:s12], [sflag:$0x3] =	stream.linear.gather [spmem:s7], $0x1000, $0x38;
	[tilespmem:$0x1F600] =	vst v63  }
0x113: {  	_ =	swait.ge [sflag:s13], $0x1000  }
0x114: {  	[sflag:s13] =	ssyncset.done $0x0  }
0x115: {  	s6 =	rddreg [dreg:$0xe];
	[sflag:s13] =	ssyncadd.s32 $0xFFFFF000  }
0x116: {  	[hbm4b:s6+s3] =	stream.linear.scatter [tilespmem:s12], [sflag:$0x3], $0x1000, $0x38;
	[tilespmem:$0x1F600] =	vst v63  }
0x117: {  	_ =	swait.ge [sflag:s13], $0x1000  }
0x118: {  	s24 =	sadd.s32 $0x1, s24;
	s7 =	rddreg [dreg:$0x9]  }
0x119: {  	p0 =	sne.s32 s24, s7  }
.Ltmp2:
0x11a: {  	_ = 	snop;
	(pc) =	sbr.rel @p0 .LBB2_1-.Ltmp2, $3  }
0x11b: {  	_ =	sdelay $0x1  }
0x11c: {  	[sflag:s13] =	ssyncset.done $0x0  }
0x11d: {  	[sflag:s13] =	ssyncadd.s32 $0xFFFFF000  }
0x11e: {  	_ =	sfence.sel $0x180000  }
0x11f: {  	[bflag:$0x0] =	sbarrier.arrive $0xFFFF  }
0x120: {  	_ =	strace $0x9000004D  }
0x121: {  	s0 =	stileid.u32;
	[bflag:$0x2] =	sbarrier.arrive $0xFFFF  }
0x122: {  	p0 =	sne.s32 s0, $0x0;
	s0 =	rddreg [dreg:$0x3]  }
0x123: {  	s0 =	sadd.s32 @!p0 $0x100000, s0  }
0x124: {  	[sflag:s0] =	ssyncadd.tile.s32 @!p0 $0x1;
	_ =	shalt  }
.Lfunc_end2:
_tile_overlayer_lowered:
.L_overlay_start_2:
0x125: {  	(tag) =	ssettag $0x2  }
0x126: {  	s0 =	rddreg [dreg:$0x0];
	s2 =	stileid.u32  }
0x127: {  	s1 =	rddreg [dreg:$0x1];
	p0 =	sne.s32 s2, $0x0  }
0x128: {  	s3 =	rddreg [dreg:$0x2];
	[bflag:$0x3] =	sbarrier.arrive $0xFFFF;
	s2 =	simm.s32 @!p0 $0x1C03  }
0x129: {  	[timem:s3], [sflag:s2] =	dma.local @!p0 [hbm:s0], s1  }
0x12a: {  	s0 =	simm.s32 @!p0 $0x3  }
0x12b: {  	_ =	swait.ge @!p0 [sflag:s0], s1  }
0x12c: {  	s1 =	ssub.s32 @!p0 $0x0, s1;
	[sflag:s0] =	ssyncset.done @!p0 $0x0  }
0x12d: {  	[sflag:s0] =	ssyncadd.s32 @!p0 s1  }
0x12e: {  	[bflag:$0x3] =	sbarrier.arrive $0xFFFF  }
0x12f: {  	_ =	shalt  }

// kernel: kernel.13.cloned.1.call-start
scs
__scs_entry_jumppad:
0x0: {  	(pc) =	sbr.rel $0x88, $3  }
0x1: {  	(tag) =	ssettag $0x0;
	lr =	simm.s32 $0x1  }
0x2: {  	[smem:$0x3F95] =	sst lr;
	_ =	strace $0xD0000000  }
0x3: {  	_ = 	snop  }
0x4: {  	_ = 	snop  }
0x5: {  	_ = 	snop  }
0x6: {  	_ = 	snop  }
0x7: {  	_ = 	snop  }
__scs_overlays_trampoline_lowered:
0x8: {  	[smem:$0x3FA4] =	sst s0  }
0x9: {  	[smem:$0x3FA5] =	sst s1  }
0xa: {  	[smem:$0x3FA6] =	sst s2  }
0xb: {  	[smem:$0x3FA7] =	sst s3  }
0xc: {  	[smem:$0x3FA8] =	sst s4  }
0xd: {  	[smem:$0x3FA9] =	sst s5  }
0xe: {  	[smem:$0x3FAA] =	sst s6  }
0xf: {  	[smem:$0x3FAB] =	sst s7  }
0x10: {  	[smem:$0x3FAC] =	sst s8  }
0x11: {  	[smem:$0x3FAD] =	sst s9;
	s0 =	simm.s32 @!p0 $0x0  }
0x12: {  	s1 =	sld [smem:$0x3F93];
	s0 =	simm.s32 @p0 $0x1  }
0x13: {  	[smem:$0x3FAE] =	sst s0;
	s0 =	simm.s32 @!p1 $0x0  }
0x14: {  	s2 =	sld [smem:$0x3F92];
	s0 =	simm.s32 @p1 $0x1  }
0x15: {  	[smem:$0x3FAF] =	sst s0;
	s0 =	simm.s32 @!p2 $0x0  }
0x16: {  	s3 =	sld [smem:$0x3FDB];
	s0 =	simm.s32 @p2 $0x1  }
0x17: {  	s4 =	simm.s32 $0x1BF5;
	[smem:$0x3FB1] =	sst s0  }
0x18: {  	s0 =	sld [smem:$0x3F94];
	_ =	swait.ge [sflag:s4], $0x0  }
0x19: {  	s7 =	sld [smem:$0x3F95]  }
0x1a: {  	s8 =	sadd.s32 $0xFFFFE003, lr  }
0x1b: {  	s9 =	sadd.s32 $0xFFFFFEF7, lr;
	s5 =	simm.s32 $0xFFFFFFFF;
	p2 =	slt.u32 s8, $0xFFFFF086  }
0x1c: {  	p1 =	slt.u32 s9, $0xF7A;
	s5 =	simm.s32 @!p2 $0x0  }
0x1d: {  	s5 =	simm.s32 @p1 $0x1;
	p0 =	seq.s32 s7, s2  }
0x1e: {  	s7 =	smul.u32 @!p0 $0xF7A, s2;
	p2 =	seq.s32 @!p0 s5, $0x0  }
0x1f: {  	s9 =	smul.u32 $0xF7A, s1;
	s8 =	simm.s32 @!p0 $0x1BF5;
	p2 =	por !p2, p0  }
0x20: {  	[sflag:s8] =	ssyncset.s32 @!p0 $0xFFFFF086;
	s6 =	sadd.s32 @!p0 s3, s7;
	s7 =	simm.s32 @!p0 $0x108  }
0x21: {  	s3 =	sadd.s32 s3, s9;
	s6 =	sadd.s32 @!p0 $0x88, s6;
	s7 =	simm.s32 @p2 $0x1082  }
0x22: {  	[simem:s7], [sflag:s8] =	dma.local @!p0 [hbm:s6], $0xF7A  }
0x23: {  	s9 =	sor.u32 $0xD0000000, s2;
	s6 =	simm.s32 $0x108;
	_ =	swait.ge @!p0 [sflag:s8], $0x0  }
0x24: {  	s3 =	sadd.s32 $0x88, s3;
	s6 =	simm.s32 @!p1 $0x1082;
	[sflag:s4] =	ssyncset.s32 $0xFFFFF086  }
0x25: {  	[simem:s6], [sflag:s4] =	dma.local [hbm:s3], $0xF7A  }
0x26: {  	[smem:$0x3F95] =	sst s1;
	(tag) =	ssettag s2;
	_ =	strace s9  }
0x27: {  	s1 =	sld [smem:$0x3FA5]  }
0x28: {  	s2 =	sld [smem:$0x3FA6]  }
0x29: {  	s4 =	sld [smem:$0x3FA8]  }
0x2a: {  	p0 =	seq.s32 s5, $0x0;
	s5 =	sld [smem:$0x3FA9]  }
0x2b: {  	s6 =	sld [smem:$0x3FAA]  }
0x2c: {  	s7 =	sld [smem:$0x3FAB]  }
0x2d: {  	s3 =	simm.s32 $0x108;
	s8 =	sld [smem:$0x3FAC]  }
0x2e: {  	s3 =	simm.s32 @!p0 $0x1082;
	s9 =	sld [smem:$0x3FAD]  }
0x2f: {  	lr =	sadd.s32 s0, s3;
	s0 =	sld [smem:$0x3FA4]  }
0x30: {  	s3 =	sld [smem:$0x3FA7]  }
0x31: {  	[smem:$0x3FB0] =	sst s10  }
0x32: {  	s10 =	sld [smem:$0x3FAE];
	_ =	sdelay $0x3  }
0x33: {  	p0 =	seq.s32 s10, $0x1;
	s10 =	sld [smem:$0x3FB0];
	_ =	sdelay $0x3  }
0x34: {  	[smem:$0x3FB0] =	sst s10  }
0x35: {  	s10 =	sld [smem:$0x3FAF];
	_ =	sdelay $0x3  }
0x36: {  	p1 =	seq.s32 s10, $0x1;
	s10 =	sld [smem:$0x3FB0];
	_ =	sdelay $0x3  }
0x37: {  	[smem:$0x3FB0] =	sst s10  }
0x38: {  	s10 =	sld [smem:$0x3FB1]  }
0x39: {  	_ = 	snop;
	(pc) =	sbr.ind lr, $3  }
0x3a: {  	_ = 	snop  }
0x3b: {  	_ = 	snop  }
0x3c: {  	p2 =	seq.s32 s10, $0x1;
	s10 =	sld [smem:$0x3FB0]  }
0x3d: {  	_ =	shalt  }
0x3e: {  	_ =	shalt  }
0x3f: {  	_ =	shalt  }
0x40: {  	_ =	shalt  }
0x41: {  	_ =	shalt  }
0x42: {  	_ =	shalt  }
0x43: {  	_ =	shalt  }
0x44: {  	_ =	shalt  }
0x45: {  	_ =	shalt  }
0x46: {  	_ =	shalt  }
0x47: {  	_ =	shalt  }
0x48: {  	_ =	shalt  }
0x49: {  	_ =	shalt  }
0x4a: {  	_ =	shalt  }
0x4b: {  	_ =	shalt  }
0x4c: {  	_ =	shalt  }
0x4d: {  	_ =	shalt  }
0x4e: {  	_ =	shalt  }
0x4f: {  	_ =	shalt  }
0x50: {  	_ =	shalt  }
0x51: {  	_ =	shalt  }
0x52: {  	_ =	shalt  }
0x53: {  	_ =	shalt  }
0x54: {  	_ =	shalt  }
0x55: {  	_ =	shalt  }
0x56: {  	_ =	shalt  }
0x57: {  	_ =	shalt  }
0x58: {  	_ =	shalt  }
0x59: {  	_ =	shalt  }
0x5a: {  	_ =	shalt  }
0x5b: {  	_ =	shalt  }
0x5c: {  	_ =	shalt  }
0x5d: {  	_ =	shalt  }
0x5e: {  	_ =	shalt  }
0x5f: {  	_ =	shalt  }
0x60: {  	_ =	shalt  }
0x61: {  	_ =	shalt  }
0x62: {  	_ =	shalt  }
0x63: {  	_ =	shalt  }
0x64: {  	_ =	shalt  }
0x65: {  	_ =	shalt  }
0x66: {  	_ =	shalt  }
0x67: {  	_ =	shalt  }
0x68: {  	_ =	shalt  }
0x69: {  	_ =	shalt  }
0x6a: {  	_ =	shalt  }
0x6b: {  	_ =	shalt  }
0x6c: {  	_ =	shalt  }
0x6d: {  	_ =	shalt  }
0x6e: {  	_ =	shalt  }
0x6f: {  	_ =	shalt  }
0x70: {  	_ =	shalt  }
0x71: {  	_ =	shalt  }
0x72: {  	_ =	shalt  }
0x73: {  	_ =	shalt  }
0x74: {  	_ =	shalt  }
0x75: {  	_ =	shalt  }
0x76: {  	_ =	shalt  }
0x77: {  	_ =	shalt  }
0x78: {  	_ =	shalt  }
0x79: {  	_ =	shalt  }
0x7a: {  	_ =	shalt  }
0x7b: {  	_ =	shalt  }
0x7c: {  	_ =	shalt  }
0x7d: {  	_ =	shalt  }
0x7e: {  	_ =	shalt  }
0x7f: {  	_ =	shalt  }
0x80: {  	_ =	shalt  }
0x81: {  	_ =	shalt  }
0x82: {  	_ =	shalt  }
0x83: {  	_ =	shalt  }
0x84: {  	_ =	shalt  }
0x85: {  	_ =	shalt  }
0x86: {  	_ =	shalt  }
0x87: {  	_ =	shalt  }
.Lfunc_end0:
.L_simem_size_0:
called_computation.2_lowered:
.L_overlay_start_0:
0x88: {  	s2 =	sld [smem:$0x3FD9]  }
0x89: {  	s3 =	sld [smem:$0x3FFE];
	_ =	sdelay $0x1  }
0x8a: {  	s1 =	srdreg.scid  }
0x8b: {  	s0 =	sand.u32 $0x1, s1  }
0x8c: {  	s16 =	sshll.u32 s0, $0xA;
	s2 =	sadd.s32 s3, s2  }
0x8d: {  	s2 =	sadd.s32 s2, s16  }
0x8e: {  	[smem:$0x3FBC] =	sst s2  }
0x8f: {  	_ = 	snop  }
0x90: {  	(tm) =	ssettm $0x1  }
0x91: {  	s17 =	sld [smem:$0x3FFB];
	_ =	sdelay $0x3  }
0x92: {  	_ =	strace s17  }
0x93: {  	s2 =	sld [smem:$0x3FFC];
	_ =	sdelay $0x3  }
0x94: {  	_ =	strace s2  }
0x95: {  	s2 =	sld [smem:$0x3FFD];
	_ =	sdelay $0x3  }
0x96: {  	_ =	strace s2  }
0x97: {  	_ =	strace $0x8FFFFFFF  }
0x98: {  	s18 =	sld [smem:$0x3FDB];
	_ =	sdelay $0x1  }
0x99: {  	s19 =	simm.s32 $_scs_section_size  }
0x9a: {  	s4 =	simm.s32 $_size__tile_overlayer_lowered;
	s5 =	simm.s32 $_tile_overlayer_lowered  }
0x9b: {  	s22 =	simm.s32 $0x1BFF;
	s21 =	sshll.u32 s5, $0x1;
	s2 =	sadd.s32 s19, s18  }
0x9c: {  	s6 =	simm.s32 $0x0;
	s20 =	sshll.u32 s4, $0x1;
	s4 =	sadd.s32 s21, s2  }
0x9d: {  	[timem:s6], [sflag:s22] =	dma.local [hbm:s4], s20  }
0x9e: {  	_ =	swait.ge [sflag:s22], s20  }
0x9f: {  	s3 =	ssub.s32 $0x0, s20;
	[sflag:s22] =	ssyncset.done $0x0  }
0xa0: {  	[sflag:s22] =	ssyncadd.s32 s3;
	_ =	sdelay $0x1  }
0xa1: {  	s23 =	simm.s32 $0x1B8B  }
0xa2: {  	_ =	swait.ge [sflag:s23], $0x1  }
0xa3: {  	[sflag:s23] =	ssyncset.done $0x0  }
0xa4: {  	s25 =	simm.s32 $0x1B8E;
	s24 =	sld [smem:$0x3FFE];
	[sflag:s23] =	ssyncadd.s32 $0xFFFFFFFF  }
0xa5: {  	s26 =	simm.s32 $execute0_lowered;
	[smem:$0x3FD2] =	sst s25  }
0xa6: {  	s4 =	sshll.u32 s26, $0x1;
	_ =	strace $0x80000049;
	[dreg:$0x1] =	wrdreg $0xFFFFFFFF  }
0xa7: {  	s28 =	simm.s32 $_size_execute0_lowered;
	s2 =	sadd.s32 s2, s4;
	[dreg:$0x0] =	wrdreg $0x0  }
0xa8: {  	s4 =	sshll.u32 s28, $0x1;
	[dreg:$0x2] =	wrdreg s2  }
0xa9: {  	[dreg:$0x3] =	wrdreg s4  }
0xaa: {  	[dreg:$0x4] =	wrdreg $0xC0  }
0xab: {  	_ =	task [dreg:s6], $0x5FFFF  }
0xac: {  	[dreg:$0x1] =	wrdreg $0xFFFFFFFF  }
0xad: {  	[dreg:$0x0] =	wrdreg $0x60  }
0xae: {  	[dreg:$0x2] =	wrdreg s24  }
0xaf: {  	[dreg:$0x3] =	wrdreg $0x66000  }
0xb0: {  	[dreg:$0x4] =	wrdreg $0xA  }
0xb1: {  	_ =	task.clear_ibuf [dreg:s6], $0x5FFFF;
	_ =	strace $0x90000049  }
0xb2: {  	s29 =	simm.s32 $0xA;
	_ =	strace $0x8000004B  }
0xb3: {  	_ =	swait.ge [sflag:s29], $0x1  }
0xb4: {  	[sflag:s29] =	ssyncadd.s32 $0xFFFFFFFF  }
0xb5: {  	_ =	strace $0x9000004B  }
0xb6: {  	_ =	sfence  }
0xb7: {  	s30 =	sld [smem:$0x0];
	_ =	sdelay $0x2  }
0xb8: {  	s31 =	sshll.u32 s1, $0xD;
	s1 =	sshrl.u32 s1, $0x2  }
0xb9: {  	s3 =	sand.u32 $0x4000, s31;
	s1 =	sadd.s32 s1, s30  }
0xba: {  	s0 =	sor.u32 s3, s0;
	s1 =	sshll.u32 s1, $0x11  }
0xbb: {  	s0 =	sor.u32 s1, s0  }
0xbc: {  	s0 =	sadd.s32 $0x8F2B, s0  }
0xbd: {  	[sflag:s0] =	ssyncadd.remote.s32 $0x1  }
0xbe: {  	_ =	sfence.sel $0xFFFF  }
0xbf: {  	[dreg:$0x0] =	wrdreg $0xFFFFFFFF;
	(pc) =	sbr.abs _section_cstart, $3  }
0xc0: {  	[dreg:$0x1] =	wrdreg $0xFFFFFFFF  }
0xc1: {  	_ =	task.clear_ibuf [dreg:s6], $0x2FFFF;
	_ =	strace $0x9FFFFFFF  }
0xc2: {  	(tm) =	ssettm $0x7FFFFFFF  }
0xc3: {  	_ =	shalt  }
tec
execute0_lowered:
.L_overlay_start_1:
0x0: {  	(tag) =	ssettag $0x1  }
0x1: {  	s0 =	rddreg [dreg:$0x0]  }
0x2: {  	s1 =	srdreg.scid;
	s2 =	rddreg [dreg:$0x1]  }
0x3: {  	s8 =	stileid.u32;
	s3 =	simm.s32 $0x0;
	s16 =	simm.s32 $0x80  }
0x4: {  	s17 =	simm.s32 $0x1600;
	s28 =	simm.s32 $0x200;
	s6 =	smul.u32 $0x18C0, s8  }
0x5: {  	s29 =	simm.s32 $0x4600;
	s1 =	sand.u32 $0x1, s1;
	s10 =	smul.u32 $0x19000, s8  }
0x6: {  	s30 =	simm.s32 $0x280;
	s31 =	simm.s32 $0x5600;
	s5 =	smul.u32 $0x18C00, s1  }
0x7: {  	[smem:$0x7FF] =	sst s3;
	s4 =	sadd.s32 $0x67C00, s0;
	s7 =	smul.u32 $0x32000, s1  }
0x8: {  	_ =	strace $0x8000004A;
	s1 =	ssub.s32 $0x2, s1;
	s11 =	sadd.s32 s6, s0  }
0x9: {  	s18 =	sshrl.u32 s1, $0x1;
	s12 =	sadd.s32 $0x6000, s10;
	s8 =	sadd.s32 s10, s2  }
0xa: {  	s19 =	sadd.s32 $0xC000, s10;
	s13 =	sadd.s32 $0x12000, s10;
	s14 =	sadd.s32 $0x18000, s10  }
0xb: {  	s10 =	sshrl.u32 s10, $0x3;
	s5 =	sadd.s32 s5, s0;
	s0 =	sadd.s32 s7, s0  }
0xc: {  	s1 =	ssub.s32 s1, s18;
	s9 =	sadd.s32 s12, s2;
	s15 =	sadd.s32 s19, s2  }
0xd: {  	s21 =	sadd.s32 s13, s2;
	s22 =	sadd.s32 s14, s2;
	[dreg:$0x3] =	wrdreg s8  }
0xe: {  	s20 =	sshrl.u32 s12, $0x3;
	s7 =	sshrl.u32 s19, $0x3;
	[dreg:$0x5] =	wrdreg s15  }
0xf: {  	s11 =	sadd.s32 $0x1A00, s11;
	s12 =	simm.s32 $0x600;
	[dreg:$0x6] =	wrdreg s21  }
0x10: {  	s18 =	simm.s32 $0x100;
	s19 =	simm.s32 $0x2600;
	[dreg:$0x7] =	wrdreg s22  }
0x11: {  	s5 =	sadd.s32 $0x36400, s5;
	s0 =	sadd.s32 $0xC9800, s0;
	s21 =	sshrl.u32 s13, $0x3  }
0x12: {  	s22 =	sshrl.u32 s14, $0x3;
	s1 =	smax.u32 s1, $0x1;
	[dreg:$0x4] =	wrdreg s9  }
0x13: {  	s13 =	simm.s32 $0x3;
	s15 =	simm.s32 $0x300;
	[dreg:$0x8] =	wrdreg s1  }
0x14: {  	s14 =	sadd.s32 s5, s6;
	s23 =	sadd.s32 s10, s0;
	s24 =	sadd.s32 s20, s0  }
0x15: {  	s25 =	sadd.s32 s7, s0;
	s26 =	sadd.s32 s21, s0;
	[dreg:$0x9] =	wrdreg s23  }
0x16: {  	s0 =	sadd.s32 s22, s0;
	s1 =	simm.s32 $0x380;
	[dreg:$0xa] =	wrdreg s24  }
0x17: {  	s10 =	simm.s32 $0x400;
	s20 =	simm.s32 $0x480;
	[dreg:$0xb] =	wrdreg s25  }
0x18: {  	s21 =	simm.s32 $0x500;
	s22 =	simm.s32 $0x580;
	[dreg:$0xc] =	wrdreg s26  }
0x19: {  	[dreg:$0xd] =	wrdreg s0;
	s25 =	simm.s32 $0x180;
	s26 =	simm.s32 $0x3600  }
0x1a: {  	v0 =	vimm.f32 $0.0e+00;
	s0 =	simm.s32 $0x1;
	s23 =	simm.s32 $0x2;
	s24 =	simm.s32 $0x0  }
.LBB2_1:
0x1b: {  	s5 =	simm.s32 $0x80;
	s6 =	simm.s32 $0x0  }
.LBB2_2:
0x1c: {  	p0 =	sne.s32 s5, $0x17F80;
	[tilespmem:s6+$0x600] =	vst v0;
	s7 =	smov.u32 s5;
	s5 =	sadd.s32 $0x80, s5  }
.Ltmp0:
0x1d: {  	[tilespmem:s6+$0x610] =	vst v0;
	(pc) =	sbr.rel @p0 .LBB2_2-.Ltmp0, $2  }
0x1e: {  	_ =	sdelay $0x2  }
0x1f: {  	s6 =	sshra.s32 s7, $0x2  }
0x20: {  	[tilespmem:s6+$0x600] =	vst v0  }
0x21: {  	[tilespmem:s6+$0x610] =	vst v0  }
0x22: {  	[spmem:s8] =	stream.linear.scatter [tilespmem:s12], [sflag:$0x3], $0x6000, $0x38;
	[tilespmem:$0x1F600] =	vst v63  }
0x23: {  	_ =	swait.ge [sflag:s13], $0x6000  }
0x24: {  	[sflag:s13] =	ssyncset.done $0x0  }
0x25: {  	[sflag:s13] =	ssyncadd.s32 $0xFFFFA000  }
0x26: {  	[spmem:s9] =	stream.linear.scatter [tilespmem:s12], [sflag:$0x3], $0x6000, $0x38;
	[tilespmem:$0x1F600] =	vst v63  }
0x27: {  	_ =	swait.ge [sflag:s13], $0x6000  }
0x28: {  	[sflag:s13] =	ssyncset.done $0x0  }
0x29: {  	s5 =	rddreg [dreg:$0x5];
	[sflag:s13] =	ssyncadd.s32 $0xFFFFA000  }
0x2a: {  	[spmem:s5] =	stream.linear.scatter [tilespmem:s12], [sflag:$0x3], $0x6000, $0x38;
	[tilespmem:$0x1F600] =	vst v63  }
0x2b: {  	_ =	swait.ge [sflag:s13], $0x6000  }
0x2c: {  	[sflag:s13] =	ssyncset.done $0x0  }
0x2d: {  	s6 =	rddreg [dreg:$0x6];
	[sflag:s13] =	ssyncadd.s32 $0xFFFFA000  }
0x2e: {  	[spmem:s6] =	stream.linear.scatter [tilespmem:s12], [sflag:$0x3], $0x6000, $0x38;
	[tilespmem:$0x1F600] =	vst v63  }
0x2f: {  	_ =	swait.ge [sflag:s13], $0x6000  }
0x30: {  	[sflag:s13] =	ssyncset.done $0x0  }
0x31: {  	s7 =	rddreg [dreg:$0x7];
	[sflag:s13] =	ssyncadd.s32 $0xFFFFA000  }
0x32: {  	[spmem:s7] =	stream.linear.scatter [tilespmem:s12], [sflag:$0x3], $0x1000, $0x38;
	[tilespmem:$0x1F600] =	vst v63  }
0x33: {  	_ =	swait.ge [sflag:s13], $0x1000  }
0x34: {  	[sflag:s13] =	ssyncset.done $0x0  }
0x35: {  	[sflag:s13] =	ssyncadd.s32 $0xFFFFF000  }
0x36: {  	s8 =	sadd.s32 $0x0, s14;
	[bflag:$0x0] =	sbarrier.arrive $0xFFFF  }
0x37: {  	[tilespmem:s3], [sflag:$0x3] =	stream.linear.gather [hbm4b:s8+s3], $0x300, $0x38;
	[tilespmem:$0x1F600] =	vst v63  }
0x38: {  	_ =	swait.ge [sflag:s13], $0x300  }
0x39: {  	[sflag:s13] =	ssyncset.done $0x0  }
0x3a: {  	s9 =	sadd.s32 $0x0, s11;
	[sflag:s13] =	ssyncadd.s32 $0xFFFFFD00  }
0x3b: {  	[tilespmem:s15], [sflag:$0x3] =	stream.linear.gather [hbm4b:s9+s3], $0x300, $0x38;
	[tilespmem:$0x1F600] =	vst v63  }
0x3c: {  	_ =	swait.ge [sflag:s13], $0x300  }
0x3d: {  	[sflag:s13] =	ssyncset.done $0x0  }
0x3e: {  	[sflag:s13] =	ssyncadd.s32 $0xFFFFFD00  }
0x3f: {  	[tilespmem:s12], [sflag:$0x1] =	stream.indirect.gather [hbm4b:s4+s16], $0x20, s3, s16, $0xb8;
	[tilespmem:$0x1F600] =	vst v63  }
0x40: {  	_ = 	snop  }
0x41: {  	[tilespmem:s17], [sflag:$0x1] =	stream.indirect.gather [hbm4b:s4+s16], $0x20, s16, s16, $0xb8;
	[tilespmem:$0x1F600] =	vst v63  }
0x42: {  	_ = 	snop  }
0x43: {  	[tilespmem:s19], [sflag:$0x1] =	stream.indirect.gather [hbm4b:s4+s16], $0x20, s18, s16, $0xb8;
	[tilespmem:$0x1F600] =	vst v63  }
0x44: {  	_ = 	snop  }
0x45: {  	[tilespmem:s26], [sflag:$0x1] =	stream.indirect.gather [hbm4b:s4+s16], $0x20, s25, s16, $0xb8;
	[tilespmem:$0x1F600] =	vst v63  }
0x46: {  	_ = 	snop  }
0x47: {  	[tilespmem:s29], [sflag:$0x1] =	stream.indirect.gather [hbm4b:s4+s16], $0x20, s28, s16, $0xb8;
	[tilespmem:$0x1F600] =	vst v63  }
0x48: {  	_ = 	snop  }
0x49: {  	[tilespmem:s31], [sflag:$0x1] =	stream.indirect.gather [hbm4b:s4+s16], $0x20, s30, s16, $0xb8;
	[tilespmem:$0x1F600] =	vst v63  }
0x4a: {  	_ =	swait.ge [sflag:s0], $0x1000  }
0x4b: {  	[sflag:s0] =	ssyncset.done $0x0  }
0x4c: {  	[sflag:s0] =	ssyncadd.s32 $0xFFFFF000  }
0x4d: {  	[spmem:s2] =	stream.indirect.scatter.add.f32 [tilespmem:s12], [sflag:$0x2], $0x20, s15, s16, $0xb8;
	[tilespmem:$0x1F600] =	vst v63  }
0x4e: {  	_ =	swait.ge [sflag:s0], $0x1000  }
0x4f: {  	[sflag:s0] =	ssyncset.done $0x0  }
0x50: {  	[sflag:s0] =	ssyncadd.s32 $0xFFFFF000  }
0x51: {  	[spmem:s2] =	stream.indirect.scatter.add.f32 [tilespmem:s17], [sflag:$0x2], $0x20, s1, s16, $0xb8;
	[tilespmem:$0x1F600] =	vst v63  }
0x52: {  	_ =	swait.ge [sflag:s0], $0x1000  }
0x53: {  	[sflag:s0] =	ssyncset.done $0x0  }
0x54: {  	[sflag:s0] =	ssyncadd.s32 $0xFFFFF000  }
0x55: {  	[spmem:s2] =	stream.indirect.scatter.add.f32 [tilespmem:s19], [sflag:$0x2], $0x20, s10, s16, $0xb8;
	[tilespmem:$0x1F600] =	vst v63  }
0x56: {  	_ =	swait.ge [sflag:s0], $0x1000  }
0x57: {  	[sflag:s0] =	ssyncset.done $0x0  }
0x58: {  	[sflag:s0] =	ssyncadd.s32 $0xFFFFF000  }
0x59: {  	[spmem:s2] =	stream.indirect.scatter.add.f32 [tilespmem:s26], [sflag:$0x2], $0x20, s20, s16, $0xb8;
	[tilespmem:$0x1F600] =	vst v63  }
0x5a: {  	_ =	swait.ge [sflag:s0], $0x1000  }
0x5b: {  	[sflag:s0] =	ssyncset.done $0x0  }
0x5c: {  	[sflag:s0] =	ssyncadd.s32 $0xFFFFF000  }
0x5d: {  	[spmem:s2] =	stream.indirect.scatter.add.f32 [tilespmem:s29], [sflag:$0x2], $0x20, s21, s16, $0xb8;
	[tilespmem:$0x1F600] =	vst v63  }
0x5e: {  	_ =	swait.ge [sflag:s0], $0x1000  }
0x5f: {  	[sflag:s0] =	ssyncset.done $0x0  }
0x60: {  	[sflag:s0] =	ssyncadd.s32 $0xFFFFF000  }
0x61: {  	[spmem:s2] =	stream.indirect.scatter.add.f32 [tilespmem:s31], [sflag:$0x2], $0x20, s22, s16, $0xb8;
	[tilespmem:$0x1F600] =	vst v63  }
0x62: {  	_ =	swait.ge [sflag:s23], $0x1000  }
0x63: {  	[sflag:s23] =	ssyncset.done $0x0  }
0x64: {  	[sflag:s23] =	ssyncadd.s32 $0xFFFFF000  }
0x65: {  	_ =	swait.ge [sflag:s23], $0x1000  }
0x66: {  	[sflag:s23] =	ssyncset.done $0x0  }
0x67: {  	[sflag:s23] =	ssyncadd.s32 $0xFFFFF000  }
0x68: {  	_ =	swait.ge [sflag:s23], $0x1000  }
0x69: {  	[sflag:s23] =	ssyncset.done $0x0  }
0x6a: {  	[sflag:s23] =	ssyncadd.s32 $0xFFFFF000  }
0x6b: {  	_ =	swait.ge [sflag:s23], $0x1000  }
0x6c: {  	[sflag:s23] =	ssyncset.done $0x0  }
0x6d: {  	[sflag:s23] =	ssyncadd.s32 $0xFFFFF000  }
0x6e: {  	_ =	swait.ge [sflag:s23], $0x1000  }
0x6f: {  	[sflag:s23] =	ssyncset.done $0x0  }
0x70: {  	[sflag:s23] =	ssyncadd.s32 $0xFFFFF000  }
0x71: {  	_ =	swait.ge [sflag:s23], $0x1000  }
0x72: {  	s5 =	simm.s32 $0x60;
	s6 =	simm.s32 $0xC0;
	[sflag:s23] =	ssyncset.done $0x0  }
.LBB2_4:
0x73: {  	s8 =	sadd.s32 s5, s14  }
0x74: {  	[sflag:s23] =	ssyncadd.s32 $0xFFFFF000;
	s9 =	smov.u32 s6;
	s7 =	sadd.s32 $0x60, s6  }
0x75: {  	[tilespmem:s3], [sflag:$0x3] =	stream.linear.gather [hbm4b:s8+s3], $0x300, $0x38;
	[tilespmem:$0x1F600] =	vst v63  }
0x76: {  	p0 =	sne.s32 s6, $0x1860;
	_ =	swait.ge [sflag:s13], $0x300  }
0x77: {  	[sflag:s13] =	ssyncset.done $0x0  }
0x78: {  	s6 =	sadd.s32 s5, s11;
	s5 =	smov.u32 s9;
	[sflag:s13] =	ssyncadd.s32 $0xFFFFFD00  }
0x79: {  	[tilespmem:s15], [sflag:$0x3] =	stream.linear.gather [hbm4b:s6+s3], $0x300, $0x38;
	[tilespmem:$0x1F600] =	vst v63  }
0x7a: {  	_ =	swait.ge [sflag:s13], $0x300  }
0x7b: {  	[sflag:s13] =	ssyncset.done $0x0  }
0x7c: {  	[sflag:s13] =	ssyncadd.s32 $0xFFFFFD00  }
0x7d: {  	[tilespmem:s12], [sflag:$0x1] =	stream.indirect.gather [hbm4b:s4+s16], $0x20, s3, s16, $0xb8;
	[tilespmem:$0x1F600] =	vst v63  }
0x7e: {  	_ = 	snop  }
0x7f: {  	[tilespmem:s17], [sflag:$0x1] =	stream.indirect.gather [hbm4b:s4+s16], $0x20, s16, s16, $0xb8;
	[tilespmem:$0x1F600] =	vst v63  }
0x80: {  	_ = 	snop  }
0x81: {  	[tilespmem:s19], [sflag:$0x1] =	stream.indirect.gather [hbm4b:s4+s16], $0x20, s18, s16, $0xb8;
	[tilespmem:$0x1F600] =	vst v63  }
0x82: {  	_ = 	snop  }
0x83: {  	[tilespmem:s26], [sflag:$0x1] =	stream.indirect.gather [hbm4b:s4+s16], $0x20, s25, s16, $0xb8;
	[tilespmem:$0x1F600] =	vst v63  }
0x84: {  	_ = 	snop  }
0x85: {  	[tilespmem:s29], [sflag:$0x1] =	stream.indirect.gather [hbm4b:s4+s16], $0x20, s28, s16, $0xb8;
	[tilespmem:$0x1F600] =	vst v63  }
0x86: {  	_ = 	snop  }
0x87: {  	[tilespmem:s31], [sflag:$0x1] =	stream.indirect.gather [hbm4b:s4+s16], $0x20, s30, s16, $0xb8;
	[tilespmem:$0x1F600] =	vst v63  }
0x88: {  	_ =	swait.ge [sflag:s0], $0x1000  }
0x89: {  	[sflag:s0] =	ssyncset.done $0x0  }
0x8a: {  	[sflag:s0] =	ssyncadd.s32 $0xFFFFF000  }
0x8b: {  	[spmem:s2] =	stream.indirect.scatter.add.f32 [tilespmem:s12], [sflag:$0x2], $0x20, s15, s16, $0xb8;
	[tilespmem:$0x1F600] =	vst v63  }
0x8c: {  	_ =	swait.ge [sflag:s0], $0x1000  }
0x8d: {  	[sflag:s0] =	ssyncset.done $0x0  }
0x8e: {  	[sflag:s0] =	ssyncadd.s32 $0xFFFFF000  }
0x8f: {  	[spmem:s2] =	stream.indirect.scatter.add.f32 [tilespmem:s17], [sflag:$0x2], $0x20, s1, s16, $0xb8;
	[tilespmem:$0x1F600] =	vst v63  }
0x90: {  	_ =	swait.ge [sflag:s0], $0x1000  }
0x91: {  	[sflag:s0] =	ssyncset.done $0x0  }
0x92: {  	[sflag:s0] =	ssyncadd.s32 $0xFFFFF000  }
0x93: {  	[spmem:s2] =	stream.indirect.scatter.add.f32 [tilespmem:s19], [sflag:$0x2], $0x20, s10, s16, $0xb8;
	[tilespmem:$0x1F600] =	vst v63  }
0x94: {  	_ =	swait.ge [sflag:s0], $0x1000  }
0x95: {  	[sflag:s0] =	ssyncset.done $0x0  }
0x96: {  	[sflag:s0] =	ssyncadd.s32 $0xFFFFF000  }
0x97: {  	[spmem:s2] =	stream.indirect.scatter.add.f32 [tilespmem:s26], [sflag:$0x2], $0x20, s20, s16, $0xb8;
	[tilespmem:$0x1F600] =	vst v63  }
0x98: {  	_ =	swait.ge [sflag:s0], $0x1000  }
0x99: {  	[sflag:s0] =	ssyncset.done $0x0  }
0x9a: {  	[sflag:s0] =	ssyncadd.s32 $0xFFFFF000  }
0x9b: {  	[spmem:s2] =	stream.indirect.scatter.add.f32 [tilespmem:s29], [sflag:$0x2], $0x20, s21, s16, $0xb8;
	[tilespmem:$0x1F600] =	vst v63  }
0x9c: {  	_ =	swait.ge [sflag:s0], $0x1000  }
0x9d: {  	[sflag:s0] =	ssyncset.done $0x0  }
0x9e: {  	[sflag:s0] =	ssyncadd.s32 $0xFFFFF000  }
0x9f: {  	[spmem:s2] =	stream.indirect.scatter.add.f32 [tilespmem:s31], [sflag:$0x2], $0x20, s22, s16, $0xb8;
	[tilespmem:$0x1F600] =	vst v63  }
0xa0: {  	_ =	swait.ge [sflag:s23], $0x1000  }
0xa1: {  	[sflag:s23] =	ssyncset.done $0x0  }
0xa2: {  	[sflag:s23] =	ssyncadd.s32 $0xFFFFF000  }
0xa3: {  	_ =	swait.ge [sflag:s23], $0x1000  }
0xa4: {  	[sflag:s23] =	ssyncset.done $0x0  }
0xa5: {  	[sflag:s23] =	ssyncadd.s32 $0xFFFFF000  }
0xa6: {  	_ =	swait.ge [sflag:s23], $0x1000  }
0xa7: {  	[sflag:s23] =	ssyncset.done $0x0  }
0xa8: {  	[sflag:s23] =	ssyncadd.s32 $0xFFFFF000  }
0xa9: {  	_ =	swait.ge [sflag:s23], $0x1000  }
0xaa: {  	[sflag:s23] =	ssyncset.done $0x0  }
0xab: {  	[sflag:s23] =	ssyncadd.s32 $0xFFFFF000  }
.Ltmp1:
0xac: {  	_ =	swait.ge [sflag:s23], $0x1000;
	(pc) =	sbr.rel @p0 .LBB2_4-.Ltmp1, $4  }
0xad: {  	[sflag:s23] =	ssyncset.done $0x0  }
0xae: {  	[sflag:s23] =	ssyncadd.s32 $0xFFFFF000  }
0xaf: {  	_ =	swait.ge [sflag:s23], $0x1000  }
0xb0: {  	s6 =	smov.u32 s7;
	[sflag:s23] =	ssyncset.done $0x0  }
0xb1: {  	s6 =	sadd.s32 s5, s14;
	[sflag:s23] =	ssyncadd.s32 $0xFFFFF000  }
0xb2: {  	[tilespmem:s3], [sflag:$0x3] =	stream.linear.gather [hbm4b:s6+s3], $0x300, $0x38;
	[tilespmem:$0x1F600] =	vst v63  }
0xb3: {  	_ =	swait.ge [sflag:s13], $0x300  }
0xb4: {  	[sflag:s13] =	ssyncset.done $0x0  }
0xb5: {  	s8 =	sadd.s32 s5, s11;
	[sflag:s13] =	ssyncadd.s32 $0xFFFFFD00  }
0xb6: {  	[tilespmem:s15], [sflag:$0x3] =	stream.linear.gather [hbm4b:s8+s3], $0x300, $0x38;
	[tilespmem:$0x1F600] =	vst v63  }
0xb7: {  	_ =	swait.ge [sflag:s13], $0x300  }
0xb8: {  	[sflag:s13] =	ssyncset.done $0x0  }
0xb9: {  	[sflag:s13] =	ssyncadd.s32 $0xFFFFFD00  }
0xba: {  	[tilespmem:s12], [sflag:$0x1] =	stream.indirect.gather [hbm4b:s4+s16], $0x20, s3, s16, $0xb8;
	[tilespmem:$0x1F600] =	vst v63  }
0xbb: {  	_ = 	snop  }
0xbc: {  	[tilespmem:s17], [sflag:$0x1] =	stream.indirect.gather [hbm4b:s4+s16], $0x20, s16, s16, $0xb8;
	[tilespmem:$0x1F600] =	vst v63  }
0xbd: {  	_ = 	snop  }
0xbe: {  	[tilespmem:s19], [sflag:$0x1] =	stream.indirect.gather [hbm4b:s4+s16], $0x20, s18, s16, $0xb8;
	[tilespmem:$0x1F600] =	vst v63  }
0xbf: {  	_ = 	snop  }
0xc0: {  	[tilespmem:s26], [sflag:$0x1] =	stream.indirect.gather [hbm4b:s4+s16], $0x20, s25, s16, $0xb8;
	[tilespmem:$0x1F600] =	vst v63  }
0xc1: {  	_ = 	snop  }
0xc2: {  	[tilespmem:s29], [sflag:$0x1] =	stream.indirect.gather [hbm4b:s4+s16], $0x20, s28, s16, $0xb8;
	[tilespmem:$0x1F600] =	vst v63  }
0xc3: {  	_ = 	snop  }
0xc4: {  	[tilespmem:s31], [sflag:$0x1] =	stream.indirect.gather [hbm4b:s4+s16], $0x20, s30, s16, $0xb8;
	[tilespmem:$0x1F600] =	vst v63  }
0xc5: {  	_ =	swait.ge [sflag:s0], $0x1000  }
0xc6: {  	[sflag:s0] =	ssyncset.done $0x0  }
0xc7: {  	[sflag:s0] =	ssyncadd.s32 $0xFFFFF000  }
0xc8: {  	[spmem:s2] =	stream.indirect.scatter.add.f32 [tilespmem:s12], [sflag:$0x2], $0x20, s15, s16, $0xb8;
	[tilespmem:$0x1F600] =	vst v63  }
0xc9: {  	_ =	swait.ge [sflag:s0], $0x1000  }
0xca: {  	[sflag:s0] =	ssyncset.done $0x0  }
0xcb: {  	[sflag:s0] =	ssyncadd.s32 $0xFFFFF000  }
0xcc: {  	[spmem:s2] =	stream.indirect.scatter.add.f32 [tilespmem:s17], [sflag:$0x2], $0x20, s1, s16, $0xb8;
	[tilespmem:$0x1F600] =	vst v63  }
0xcd: {  	_ =	swait.ge [sflag:s0], $0x1000  }
0xce: {  	[sflag:s0] =	ssyncset.done $0x0  }
0xcf: {  	[sflag:s0] =	ssyncadd.s32 $0xFFFFF000  }
0xd0: {  	[spmem:s2] =	stream.indirect.scatter.add.f32 [tilespmem:s19], [sflag:$0x2], $0x20, s10, s16, $0xb8;
	[tilespmem:$0x1F600] =	vst v63  }
0xd1: {  	_ =	swait.ge [sflag:s0], $0x1000  }
0xd2: {  	[sflag:s0] =	ssyncset.done $0x0  }
0xd3: {  	[sflag:s0] =	ssyncadd.s32 $0xFFFFF000  }
0xd4: {  	[spmem:s2] =	stream.indirect.scatter.add.f32 [tilespmem:s26], [sflag:$0x2], $0x20, s20, s16, $0xb8;
	[tilespmem:$0x1F600] =	vst v63  }
0xd5: {  	_ =	swait.ge [sflag:s0], $0x1000  }
0xd6: {  	[sflag:s0] =	ssyncset.done $0x0  }
0xd7: {  	[sflag:s0] =	ssyncadd.s32 $0xFFFFF000  }
0xd8: {  	[spmem:s2] =	stream.indirect.scatter.add.f32 [tilespmem:s29], [sflag:$0x2], $0x20, s21, s16, $0xb8;
	[tilespmem:$0x1F600] =	vst v63  }
0xd9: {  	_ =	swait.ge [sflag:s0], $0x1000  }
0xda: {  	[sflag:s0] =	ssyncset.done $0x0  }
0xdb: {  	[sflag:s0] =	ssyncadd.s32 $0xFFFFF000  }
0xdc: {  	[spmem:s2] =	stream.indirect.scatter.add.f32 [tilespmem:s31], [sflag:$0x2], $0x20, s22, s16, $0xb8;
	[tilespmem:$0x1F600] =	vst v63  }
0xdd: {  	_ =	swait.ge [sflag:s23], $0x1000  }
0xde: {  	[sflag:s23] =	ssyncset.done $0x0  }
0xdf: {  	[sflag:s23] =	ssyncadd.s32 $0xFFFFF000  }
0xe0: {  	_ =	swait.ge [sflag:s23], $0x1000  }
0xe1: {  	[sflag:s23] =	ssyncset.done $0x0  }
0xe2: {  	[sflag:s23] =	ssyncadd.s32 $0xFFFFF000  }
0xe3: {  	_ =	swait.ge [sflag:s23], $0x1000  }
0xe4: {  	[sflag:s23] =	ssyncset.done $0x0  }
0xe5: {  	[sflag:s23] =	ssyncadd.s32 $0xFFFFF000  }
0xe6: {  	_ =	swait.ge [sflag:s23], $0x1000  }
0xe7: {  	[sflag:s23] =	ssyncset.done $0x0  }
0xe8: {  	[sflag:s23] =	ssyncadd.s32 $0xFFFFF000  }
0xe9: {  	_ =	swait.ge [sflag:s23], $0x1000  }
0xea: {  	[sflag:s23] =	ssyncset.done $0x0  }
0xeb: {  	[sflag:s23] =	ssyncadd.s32 $0xFFFFF000  }
0xec: {  	_ =	swait.ge [sflag:s23], $0x1000  }
0xed: {  	[sflag:s23] =	ssyncset.done $0x0  }
0xee: {  	[sflag:s23] =	ssyncadd.s32 $0xFFFFF000  }
0xef: {  	[bflag:$0x0] =	sbarrier.arrive $0xFFFF  }
0xf0: {  	s8 =	rddreg [dreg:$0x3]  }
0xf1: {  	[tilespmem:s12], [sflag:$0x3] =	stream.linear.gather [spmem:s8], $0x6000, $0x38;
	[tilespmem:$0x1F600] =	vst v63  }
0xf2: {  	_ =	swait.ge [sflag:s13], $0x6000  }
0xf3: {  	[sflag:s13] =	ssyncset.done $0x0  }
0xf4: {  	s9 =	rddreg [dreg:$0x9];
	[sflag:s13] =	ssyncadd.s32 $0xFFFFA000  }
0xf5: {  	[hbm4b:s9+s3] =	stream.linear.scatter [tilespmem:s12], [sflag:$0x3], $0x6000, $0x38;
	[tilespmem:$0x1F600] =	vst v63  }
0xf6: {  	_ =	swait.ge [sflag:s13], $0x6000  }
0xf7: {  	[sflag:s13] =	ssyncset.done $0x0  }
0xf8: {  	s9 =	rddreg [dreg:$0x4];
	[sflag:s13] =	ssyncadd.s32 $0xFFFFA000  }
0xf9: {  	[tilespmem:s12], [sflag:$0x3] =	stream.linear.gather [spmem:s9], $0x6000, $0x38;
	[tilespmem:$0x1F600] =	vst v63  }
0xfa: {  	_ =	swait.ge [sflag:s13], $0x6000  }
0xfb: {  	[sflag:s13] =	ssyncset.done $0x0  }
0xfc: {  	s6 =	rddreg [dreg:$0xa];
	[sflag:s13] =	ssyncadd.s32 $0xFFFFA000  }
0xfd: {  	[hbm4b:s6+s3] =	stream.linear.scatter [tilespmem:s12], [sflag:$0x3], $0x6000, $0x38;
	[tilespmem:$0x1F600] =	vst v63  }
0xfe: {  	_ =	swait.ge [sflag:s13], $0x6000  }
0xff: {  	[sflag:s13] =	ssyncset.done $0x0  }
0x100: {  	s7 =	rddreg [dreg:$0x5];
	[sflag:s13] =	ssyncadd.s32 $0xFFFFA000  }
0x101: {  	[tilespmem:s12], [sflag:$0x3] =	stream.linear.gather [spmem:s7], $0x6000, $0x38;
	[tilespmem:$0x1F600] =	vst v63  }
0x102: {  	_ =	swait.ge [sflag:s13], $0x6000  }
0x103: {  	[sflag:s13] =	ssyncset.done $0x0  }
0x104: {  	s6 =	rddreg [dreg:$0xb];
	[sflag:s13] =	ssyncadd.s32 $0xFFFFA000  }
0x105: {  	[hbm4b:s6+s3] =	stream.linear.scatter [tilespmem:s12], [sflag:$0x3], $0x6000, $0x38;
	[tilespmem:$0x1F600] =	vst v63  }
0x106: {  	_ =	swait.ge [sflag:s13], $0x6000  }
0x107: {  	[sflag:s13] =	ssyncset.done $0x0  }
0x108: {  	s7 =	rddreg [dreg:$0x6];
	[sflag:s13] =	ssyncadd.s32 $0xFFFFA000  }
0x109: {  	[tilespmem:s12], [sflag:$0x3] =	stream.linear.gather [spmem:s7], $0x6000, $0x38;
	[tilespmem:$0x1F600] =	vst v63  }
0x10a: {  	_ =	swait.ge [sflag:s13], $0x6000  }
0x10b: {  	[sflag:s13] =	ssyncset.done $0x0  }
0x10c: {  	s6 =	rddreg [dreg:$0xc];
	[sflag:s13] =	ssyncadd.s32 $0xFFFFA000  }
0x10d: {  	[hbm4b:s6+s3] =	stream.linear.scatter [tilespmem:s12], [sflag:$0x3], $0x6000, $0x38;
	[tilespmem:$0x1F600] =	vst v63  }
0x10e: {  	_ =	swait.ge [sflag:s13], $0x6000  }
0x10f: {  	[sflag:s13] =	ssyncset.done $0x0  }
0x110: {  	s7 =	rddreg [dreg:$0x7];
	[sflag:s13] =	ssyncadd.s32 $0xFFFFA000  }
0x111: {  	[tilespmem:s12], [sflag:$0x3] =	stream.linear.gather [spmem:s7], $0x1000, $0x38;
	[tilespmem:$0x1F600] =	vst v63  }
0x112: {  	_ =	swait.ge [sflag:s13], $0x1000  }
0x113: {  	[sflag:s13] =	ssyncset.done $0x0  }
0x114: {  	s6 =	rddreg [dreg:$0xd];
	[sflag:s13] =	ssyncadd.s32 $0xFFFFF000  }
0x115: {  	[hbm4b:s6+s3] =	stream.linear.scatter [tilespmem:s12], [sflag:$0x3], $0x1000, $0x38;
	[tilespmem:$0x1F600] =	vst v63  }
0x116: {  	_ =	swait.ge [sflag:s13], $0x1000  }
0x117: {  	s24 =	sadd.s32 $0x1, s24;
	s7 =	rddreg [dreg:$0x8]  }
0x118: {  	p0 =	sne.s32 s24, s7  }
.Ltmp2:
0x119: {  	_ = 	snop;
	(pc) =	sbr.rel @p0 .LBB2_1-.Ltmp2, $3  }
0x11a: {  	_ =	sdelay $0x1  }
0x11b: {  	[sflag:s13] =	ssyncset.done $0x0  }
0x11c: {  	[sflag:s13] =	ssyncadd.s32 $0xFFFFF000  }
0x11d: {  	_ =	sfence.sel $0x180000  }
0x11e: {  	[bflag:$0x0] =	sbarrier.arrive $0xFFFF  }
0x11f: {  	_ =	strace $0x9000004A  }
0x120: {  	s0 =	stileid.u32;
	[bflag:$0x2] =	sbarrier.arrive $0xFFFF  }
0x121: {  	p0 =	sne.s32 s0, $0x0;
	s0 =	rddreg [dreg:$0x2]  }
0x122: {  	s0 =	sadd.s32 @!p0 $0x100000, s0  }
0x123: {  	[sflag:s0] =	ssyncadd.tile.s32 @!p0 $0x1;
	_ =	shalt  }
.Lfunc_end2:
_tile_overlayer_lowered:
.L_overlay_start_2:
0x124: {  	(tag) =	ssettag $0x2  }
0x125: {  	s0 =	rddreg [dreg:$0x0];
	s2 =	stileid.u32  }
0x126: {  	s1 =	rddreg [dreg:$0x1];
	p0 =	sne.s32 s2, $0x0  }
0x127: {  	s3 =	rddreg [dreg:$0x2];
	[bflag:$0x3] =	sbarrier.arrive $0xFFFF;
	s2 =	simm.s32 @!p0 $0x1C03  }
0x128: {  	[timem:s3], [sflag:s2] =	dma.local @!p0 [hbm:s0], s1  }
0x129: {  	s0 =	simm.s32 @!p0 $0x3  }
0x12a: {  	_ =	swait.ge @!p0 [sflag:s0], s1  }
0x12b: {  	s1 =	ssub.s32 @!p0 $0x0, s1;
	[sflag:s0] =	ssyncset.done @!p0 $0x0  }
0x12c: {  	[sflag:s0] =	ssyncadd.s32 @!p0 s1  }
0x12d: {  	[bflag:$0x3] =	sbarrier.arrive $0xFFFF  }
0x12e: {  	_ =	shalt  }

// kernel: kernel.7.cloned.1.call-start
scs
__scs_entry_jumppad:
0x0: {  	(pc) =	sbr.rel $0x88, $3  }
0x1: {  	(tag) =	ssettag $0x0;
	lr =	simm.s32 $0x1  }
0x2: {  	[smem:$0x3F95] =	sst lr;
	_ =	strace $0xD0000000  }
0x3: {  	_ = 	snop  }
0x4: {  	_ = 	snop  }
0x5: {  	_ = 	snop  }
0x6: {  	_ = 	snop  }
0x7: {  	_ = 	snop  }
__scs_overlays_trampoline_lowered:
0x8: {  	[smem:$0x3FA4] =	sst s0  }
0x9: {  	[smem:$0x3FA5] =	sst s1  }
0xa: {  	[smem:$0x3FA6] =	sst s2  }
0xb: {  	[smem:$0x3FA7] =	sst s3  }
0xc: {  	[smem:$0x3FA8] =	sst s4  }
0xd: {  	[smem:$0x3FA9] =	sst s5  }
0xe: {  	[smem:$0x3FAA] =	sst s6  }
0xf: {  	[smem:$0x3FAB] =	sst s7  }
0x10: {  	[smem:$0x3FAC] =	sst s8  }
0x11: {  	[smem:$0x3FAD] =	sst s9;
	s0 =	simm.s32 @!p0 $0x0  }
0x12: {  	s1 =	sld [smem:$0x3F93];
	s0 =	simm.s32 @p0 $0x1  }
0x13: {  	[smem:$0x3FAE] =	sst s0;
	s0 =	simm.s32 @!p1 $0x0  }
0x14: {  	s2 =	sld [smem:$0x3F92];
	s0 =	simm.s32 @p1 $0x1  }
0x15: {  	[smem:$0x3FAF] =	sst s0;
	s0 =	simm.s32 @!p2 $0x0  }
0x16: {  	s3 =	sld [smem:$0x3FDB];
	s0 =	simm.s32 @p2 $0x1  }
0x17: {  	s4 =	simm.s32 $0x1BF5;
	[smem:$0x3FB1] =	sst s0  }
0x18: {  	s0 =	sld [smem:$0x3F94];
	_ =	swait.ge [sflag:s4], $0x0  }
0x19: {  	s7 =	sld [smem:$0x3F95]  }
0x1a: {  	s8 =	sadd.s32 $0xFFFFE003, lr  }
0x1b: {  	s9 =	sadd.s32 $0xFFFFFEF7, lr;
	s5 =	simm.s32 $0xFFFFFFFF;
	p2 =	slt.u32 s8, $0xFFFFF086  }
0x1c: {  	p1 =	slt.u32 s9, $0xF7A;
	s5 =	simm.s32 @!p2 $0x0  }
0x1d: {  	s5 =	simm.s32 @p1 $0x1;
	p0 =	seq.s32 s7, s2  }
0x1e: {  	s7 =	smul.u32 @!p0 $0xF7A, s2;
	p2 =	seq.s32 @!p0 s5, $0x0  }
0x1f: {  	s9 =	smul.u32 $0xF7A, s1;
	s8 =	simm.s32 @!p0 $0x1BF5;
	p2 =	por !p2, p0  }
0x20: {  	[sflag:s8] =	ssyncset.s32 @!p0 $0xFFFFF086;
	s6 =	sadd.s32 @!p0 s3, s7;
	s7 =	simm.s32 @!p0 $0x108  }
0x21: {  	s3 =	sadd.s32 s3, s9;
	s6 =	sadd.s32 @!p0 $0x88, s6;
	s7 =	simm.s32 @p2 $0x1082  }
0x22: {  	[simem:s7], [sflag:s8] =	dma.local @!p0 [hbm:s6], $0xF7A  }
0x23: {  	s9 =	sor.u32 $0xD0000000, s2;
	s6 =	simm.s32 $0x108;
	_ =	swait.ge @!p0 [sflag:s8], $0x0  }
0x24: {  	s3 =	sadd.s32 $0x88, s3;
	s6 =	simm.s32 @!p1 $0x1082;
	[sflag:s4] =	ssyncset.s32 $0xFFFFF086  }
0x25: {  	[simem:s6], [sflag:s4] =	dma.local [hbm:s3], $0xF7A  }
0x26: {  	[smem:$0x3F95] =	sst s1;
	(tag) =	ssettag s2;
	_ =	strace s9  }
0x27: {  	s1 =	sld [smem:$0x3FA5]  }
0x28: {  	s2 =	sld [smem:$0x3FA6]  }
0x29: {  	s4 =	sld [smem:$0x3FA8]  }
0x2a: {  	p0 =	seq.s32 s5, $0x0;
	s5 =	sld [smem:$0x3FA9]  }
0x2b: {  	s6 =	sld [smem:$0x3FAA]  }
0x2c: {  	s7 =	sld [smem:$0x3FAB]  }
0x2d: {  	s3 =	simm.s32 $0x108;
	s8 =	sld [smem:$0x3FAC]  }
0x2e: {  	s3 =	simm.s32 @!p0 $0x1082;
	s9 =	sld [smem:$0x3FAD]  }
0x2f: {  	lr =	sadd.s32 s0, s3;
	s0 =	sld [smem:$0x3FA4]  }
0x30: {  	s3 =	sld [smem:$0x3FA7]  }
0x31: {  	[smem:$0x3FB0] =	sst s10  }
0x32: {  	s10 =	sld [smem:$0x3FAE];
	_ =	sdelay $0x3  }
0x33: {  	p0 =	seq.s32 s10, $0x1;
	s10 =	sld [smem:$0x3FB0];
	_ =	sdelay $0x3  }
0x34: {  	[smem:$0x3FB0] =	sst s10  }
0x35: {  	s10 =	sld [smem:$0x3FAF];
	_ =	sdelay $0x3  }
0x36: {  	p1 =	seq.s32 s10, $0x1;
	s10 =	sld [smem:$0x3FB0];
	_ =	sdelay $0x3  }
0x37: {  	[smem:$0x3FB0] =	sst s10  }
0x38: {  	s10 =	sld [smem:$0x3FB1]  }
0x39: {  	_ = 	snop;
	(pc) =	sbr.ind lr, $3  }
0x3a: {  	_ = 	snop  }
0x3b: {  	_ = 	snop  }
0x3c: {  	p2 =	seq.s32 s10, $0x1;
	s10 =	sld [smem:$0x3FB0]  }
0x3d: {  	_ =	shalt  }
0x3e: {  	_ =	shalt  }
0x3f: {  	_ =	shalt  }
0x40: {  	_ =	shalt  }
0x41: {  	_ =	shalt  }
0x42: {  	_ =	shalt  }
0x43: {  	_ =	shalt  }
0x44: {  	_ =	shalt  }
0x45: {  	_ =	shalt  }
0x46: {  	_ =	shalt  }
0x47: {  	_ =	shalt  }
0x48: {  	_ =	shalt  }
0x49: {  	_ =	shalt  }
0x4a: {  	_ =	shalt  }
0x4b: {  	_ =	shalt  }
0x4c: {  	_ =	shalt  }
0x4d: {  	_ =	shalt  }
0x4e: {  	_ =	shalt  }
0x4f: {  	_ =	shalt  }
0x50: {  	_ =	shalt  }
0x51: {  	_ =	shalt  }
0x52: {  	_ =	shalt  }
0x53: {  	_ =	shalt  }
0x54: {  	_ =	shalt  }
0x55: {  	_ =	shalt  }
0x56: {  	_ =	shalt  }
0x57: {  	_ =	shalt  }
0x58: {  	_ =	shalt  }
0x59: {  	_ =	shalt  }
0x5a: {  	_ =	shalt  }
0x5b: {  	_ =	shalt  }
0x5c: {  	_ =	shalt  }
0x5d: {  	_ =	shalt  }
0x5e: {  	_ =	shalt  }
0x5f: {  	_ =	shalt  }
0x60: {  	_ =	shalt  }
0x61: {  	_ =	shalt  }
0x62: {  	_ =	shalt  }
0x63: {  	_ =	shalt  }
0x64: {  	_ =	shalt  }
0x65: {  	_ =	shalt  }
0x66: {  	_ =	shalt  }
0x67: {  	_ =	shalt  }
0x68: {  	_ =	shalt  }
0x69: {  	_ =	shalt  }
0x6a: {  	_ =	shalt  }
0x6b: {  	_ =	shalt  }
0x6c: {  	_ =	shalt  }
0x6d: {  	_ =	shalt  }
0x6e: {  	_ =	shalt  }
0x6f: {  	_ =	shalt  }
0x70: {  	_ =	shalt  }
0x71: {  	_ =	shalt  }
0x72: {  	_ =	shalt  }
0x73: {  	_ =	shalt  }
0x74: {  	_ =	shalt  }
0x75: {  	_ =	shalt  }
0x76: {  	_ =	shalt  }
0x77: {  	_ =	shalt  }
0x78: {  	_ =	shalt  }
0x79: {  	_ =	shalt  }
0x7a: {  	_ =	shalt  }
0x7b: {  	_ =	shalt  }
0x7c: {  	_ =	shalt  }
0x7d: {  	_ =	shalt  }
0x7e: {  	_ =	shalt  }
0x7f: {  	_ =	shalt  }
0x80: {  	_ =	shalt  }
0x81: {  	_ =	shalt  }
0x82: {  	_ =	shalt  }
0x83: {  	_ =	shalt  }
0x84: {  	_ =	shalt  }
0x85: {  	_ =	shalt  }
0x86: {  	_ =	shalt  }
0x87: {  	_ =	shalt  }
.Lfunc_end0:
.L_simem_size_0:
called_computation_lowered:
.L_overlay_start_0:
0x88: {  	s2 =	sld [smem:$0x3FD9]  }
0x89: {  	s3 =	sld [smem:$0x3FFE];
	_ =	sdelay $0x1  }
0x8a: {  	s1 =	srdreg.scid  }
0x8b: {  	s0 =	sand.u32 $0x1, s1  }
0x8c: {  	s17 =	sshll.u32 s0, $0xA;
	s2 =	sadd.s32 s3, s2  }
0x8d: {  	s2 =	sadd.s32 s2, s17  }
0x8e: {  	[smem:$0x3FBC] =	sst s2  }
0x8f: {  	_ = 	snop  }
0x90: {  	s2 =	sld [smem:$0x3FD0];
	(tm) =	ssettm $0x1  }
0x91: {  	s18 =	sld [smem:$0x3FFB];
	_ =	sdelay $0x3  }
0x92: {  	_ =	strace s18  }
0x93: {  	s3 =	sld [smem:$0x3FFC];
	_ =	sdelay $0x3  }
0x94: {  	_ =	strace s3  }
0x95: {  	s3 =	sld [smem:$0x3FFD];
	_ =	sdelay $0x3  }
0x96: {  	_ =	strace s3  }
0x97: {  	_ =	strace $0x8FFFFFFF  }
0x98: {  	s19 =	sld [smem:$0x3FDB];
	_ =	sdelay $0x1  }
0x99: {  	s4 =	simm.s32 $_scs_section_size  }
0x9a: {  	s5 =	simm.s32 $_size__tile_overlayer_lowered;
	s6 =	simm.s32 $_tile_overlayer_lowered  }
0x9b: {  	s22 =	simm.s32 $0x1BFF;
	s21 =	sshll.u32 s6, $0x1;
	s3 =	sadd.s32 s4, s19  }
0x9c: {  	s7 =	simm.s32 $0x0;
	s20 =	sshll.u32 s5, $0x1;
	s5 =	sadd.s32 s21, s3  }
0x9d: {  	[timem:s7], [sflag:s22] =	dma.local [hbm:s5], s20  }
0x9e: {  	_ =	swait.ge [sflag:s22], s20  }
0x9f: {  	s4 =	ssub.s32 $0x0, s20;
	[sflag:s22] =	ssyncset.done $0x0  }
0xa0: {  	[sflag:s22] =	ssyncadd.s32 s4;
	_ =	sdelay $0x1  }
0xa1: {  	s23 =	simm.s32 $0x1B8B  }
0xa2: {  	_ =	swait.ge [sflag:s23], $0x1  }
0xa3: {  	[sflag:s23] =	ssyncset.done $0x0  }
0xa4: {  	s25 =	simm.s32 $0x1B8E;
	s24 =	sld [smem:$0x3FFE];
	[sflag:s23] =	ssyncadd.s32 $0xFFFFFFFF  }
0xa5: {  	s26 =	simm.s32 $execute0_lowered;
	[smem:$0x3FD2] =	sst s25  }
0xa6: {  	s5 =	sshll.u32 s26, $0x1;
	_ =	strace $0x80000046;
	[dreg:$0x1] =	wrdreg $0xFFFFFFFF  }
0xa7: {  	s28 =	simm.s32 $_size_execute0_lowered;
	s3 =	sadd.s32 s3, s5;
	[dreg:$0x0] =	wrdreg $0x0  }
0xa8: {  	s5 =	sshll.u32 s28, $0x1;
	[dreg:$0x2] =	wrdreg s3  }
0xa9: {  	[dreg:$0x3] =	wrdreg s5  }
0xaa: {  	[dreg:$0x4] =	wrdreg $0xC0  }
0xab: {  	_ =	task [dreg:s7], $0x5FFFF  }
0xac: {  	[dreg:$0x1] =	wrdreg $0xFFFFFFFF  }
0xad: {  	[dreg:$0x0] =	wrdreg $0x60  }
0xae: {  	[dreg:$0x2] =	wrdreg s2  }
0xaf: {  	[dreg:$0x3] =	wrdreg s24  }
0xb0: {  	[dreg:$0x4] =	wrdreg $0xA800  }
0xb1: {  	[dreg:$0x5] =	wrdreg $0x9  }
0xb2: {  	_ =	task.clear_ibuf [dreg:s7], $0x6FFFF;
	_ =	strace $0x90000046  }
0xb3: {  	s29 =	simm.s32 $0x9;
	_ =	strace $0x80000048  }
0xb4: {  	_ =	swait.ge [sflag:s29], $0x1  }
0xb5: {  	[sflag:s29] =	ssyncadd.s32 $0xFFFFFFFF  }
0xb6: {  	_ =	strace $0x90000048  }
0xb7: {  	_ =	sfence  }
0xb8: {  	s30 =	sld [smem:$0x0];
	_ =	sdelay $0x2  }
0xb9: {  	s31 =	sshll.u32 s1, $0xD;
	s1 =	sshrl.u32 s1, $0x2  }
0xba: {  	s3 =	sand.u32 $0x4000, s31;
	s1 =	sadd.s32 s1, s30  }
0xbb: {  	s0 =	sor.u32 s3, s0;
	s1 =	sshll.u32 s1, $0x11  }
0xbc: {  	s0 =	sor.u32 s1, s0  }
0xbd: {  	s0 =	sadd.s32 $0x8F2B, s0  }
0xbe: {  	[sflag:s0] =	ssyncadd.remote.s32 $0x1  }
0xbf: {  	_ =	sfence.sel $0xFFFF  }
0xc0: {  	[dreg:$0x0] =	wrdreg $0xFFFFFFFF;
	(pc) =	sbr.abs _section_cstart, $3  }
0xc1: {  	[dreg:$0x1] =	wrdreg $0xFFFFFFFF  }
0xc2: {  	_ =	task.clear_ibuf [dreg:s7], $0x2FFFF;
	_ =	strace $0x9FFFFFFF  }
0xc3: {  	(tm) =	ssettm $0x7FFFFFFF  }
tec
execute0_lowered:
.L_overlay_start_1:
0x0: {  	(tag) =	ssettag $0x1  }
0x1: {  	s0 =	rddreg [dreg:$0x0]  }
0x2: {  	s2 =	rddreg [dreg:$0x1]  }
0x3: {  	s1 =	rddreg [dreg:$0x2]  }
0x4: {  	s3 =	srdreg.scid;
	s14 =	stileid.u32  }
0x5: {  	s15 =	simm.s32 $0x180;
	s16 =	simm.s32 $0x200;
	s17 =	simm.s32 $0x280  }
0x6: {  	s18 =	simm.s32 $0x300;
	s19 =	simm.s32 $0x380;
	s20 =	simm.s32 $0x400  }
0x7: {  	s25 =	simm.s32 $0x480;
	s28 =	simm.s32 $0x580;
	s29 =	simm.s32 $0x1  }
0x8: {  	s30 =	simm.s32 $0x0;
	s5 =	sand.u32 $0x1, s3;
	s8 =	smul.u32 $0xC80, s14  }
0x9: {  	s3 =	simm.s32 $0x0;
	s26 =	smul.u32 $0x18C0, s14;
	s14 =	simm.s32 $0x100  }
0xa: {  	s4 =	smul.u32 $0x1900, s5;
	[smem:$0x7FF] =	sst s3;
	s6 =	ssub.s32 $0x2, s5  }
0xb: {  	s12 =	smul.u32 $0x18C00, s5;
	_ =	strace $0x80000047;
	s7 =	sshrl.u32 s6, $0x1  }
0xc: {  	s10 =	sadd.s32 $0x400, s8;
	s11 =	sadd.s32 $0x800, s8;
	s13 =	sadd.s32 $0xC00, s8  }
0xd: {  	s21 =	sshrl.u32 s8, $0x3;
	s2 =	sadd.s32 s4, s2;
	s9 =	ssub.s32 s6, s7  }
0xe: {  	s4 =	sadd.s32 s8, s1;
	s5 =	sadd.s32 s10, s1;
	s6 =	sadd.s32 s11, s1  }
0xf: {  	s7 =	sadd.s32 s13, s1;
	s0 =	sadd.s32 s0, s12;
	s22 =	sshrl.u32 s10, $0x3  }
0x10: {  	s23 =	sshrl.u32 s11, $0x3;
	s24 =	sshrl.u32 s13, $0x3;
	s10 =	simm.s32 $0x2  }
0x11: {  	s12 =	simm.s32 $0x80;
	s13 =	simm.s32 $0x600;
	s2 =	sadd.s32 $0x33200, s2  }
0x12: {  	s31 =	smax.u32 s9, $0x1;
	s9 =	simm.s32 $0x680;
	s11 =	sadd.s32 s0, s26  }
0x13: {  	s26 =	simm.s32 $0x500;
	[dreg:$0x4] =	wrdreg s31;
	s21 =	sadd.s32 s21, s2  }
0x14: {  	v0 =	vimm.f32 $1.000000000e+00;
	v1 =	vimm.f32 $0.0e+00;
	s22 =	sadd.s32 s22, s2;
	s23 =	sadd.s32 s23, s2;
	s24 =	sadd.s32 s24, s2  }
.LBB2_1:
0x15: {  	[tilespmem:$0x600] =	vst v0  }
0x16: {  	[tilespmem:$0x610] =	vst v0  }
0x17: {  	[tilespmem:$0x620] =	vst v0  }
0x18: {  	[tilespmem:$0x630] =	vst v0  }
0x19: {  	[tilespmem:$0x640] =	vst v0  }
0x1a: {  	[tilespmem:$0x650] =	vst v0  }
0x1b: {  	[tilespmem:$0x660] =	vst v0  }
0x1c: {  	[tilespmem:$0x670] =	vst v0;
	s0 =	simm.s32 $0x40;
	s2 =	simm.s32 $0x0  }
.LBB2_2:
0x1d: {  	p0 =	sne.s32 s0, $0xFC0;
	[tilespmem:s2+$0x680] =	vst v1;
	s2 =	smov.u32 s0;
	s0 =	sadd.s32 $0x40, s0  }
.Ltmp0:
0x1e: {  	(pc) =	sbr.rel @p0 .LBB2_2-.Ltmp0, $2  }
0x1f: {  	_ =	sdelay $0x2  }
0x20: {  	s2 =	sshra.s32 s2, $0x2  }
0x21: {  	[tilespmem:s2+$0x680] =	vst v1  }
0x22: {  	[spmem:s4] =	stream.linear.scatter [tilespmem:s9], [sflag:$0x2], $0x400, $0x38;
	[tilespmem:$0x1700] =	vst v63  }
0x23: {  	_ =	swait.ge [sflag:s10], $0x400  }
0x24: {  	[sflag:s10] =	ssyncset.done $0x0  }
0x25: {  	[sflag:s10] =	ssyncadd.s32 $0xFFFFFC00  }
0x26: {  	[spmem:s5] =	stream.linear.scatter [tilespmem:s9], [sflag:$0x2], $0x400, $0x38;
	[tilespmem:$0x1700] =	vst v63  }
0x27: {  	_ =	swait.ge [sflag:s10], $0x400  }
0x28: {  	[sflag:s10] =	ssyncset.done $0x0  }
0x29: {  	[sflag:s10] =	ssyncadd.s32 $0xFFFFFC00  }
0x2a: {  	[spmem:s6] =	stream.linear.scatter [tilespmem:s9], [sflag:$0x2], $0x400, $0x38;
	[tilespmem:$0x1700] =	vst v63  }
0x2b: {  	_ =	swait.ge [sflag:s10], $0x400  }
0x2c: {  	[sflag:s10] =	ssyncset.done $0x0  }
0x2d: {  	[sflag:s10] =	ssyncadd.s32 $0xFFFFFC00  }
0x2e: {  	[spmem:s7] =	stream.linear.scatter [tilespmem:s9], [sflag:$0x2], $0x80, $0x38;
	[tilespmem:$0x1700] =	vst v63  }
0x2f: {  	_ =	swait.ge [sflag:s10], $0x80  }
0x30: {  	[sflag:s10] =	ssyncset.done $0x0  }
0x31: {  	[sflag:s10] =	ssyncadd.s32 $0xFFFFFF80  }
0x32: {  	s0 =	sadd.s32 $0x0, s11;
	[bflag:$0x0] =	sbarrier.arrive $0xFFFF  }
0x33: {  	[tilespmem:s3], [sflag:$0x2] =	stream.linear.gather [hbm4b:s0+s3], $0x600, $0x38;
	[tilespmem:$0x1700] =	vst v63  }
0x34: {  	_ =	swait.ge [sflag:s10], $0x600  }
0x35: {  	[sflag:s10] =	ssyncset.done $0x0  }
0x36: {  	[sflag:s10] =	ssyncadd.s32 $0xFFFFFA00  }
0x37: {  	[spmem:s1] =	stream.indirect.scatter.add.f32 [tilespmem:s13], [sflag:$0x1], $0x1, s3, s12, $0xb8;
	[tilespmem:$0x1700] =	vst v63  }
0x38: {  	_ = 	snop  }
0x39: {  	[spmem:s1] =	stream.indirect.scatter.add.f32 [tilespmem:s13], [sflag:$0x1], $0x1, s12, s12, $0xb8;
	[tilespmem:$0x1700] =	vst v63  }
0x3a: {  	_ = 	snop  }
0x3b: {  	[spmem:s1] =	stream.indirect.scatter.add.f32 [tilespmem:s13], [sflag:$0x1], $0x1, s14, s12, $0xb8;
	[tilespmem:$0x1700] =	vst v63  }
0x3c: {  	_ = 	snop  }
0x3d: {  	[spmem:s1] =	stream.indirect.scatter.add.f32 [tilespmem:s13], [sflag:$0x1], $0x1, s15, s12, $0xb8;
	[tilespmem:$0x1700] =	vst v63  }
0x3e: {  	_ = 	snop  }
0x3f: {  	[spmem:s1] =	stream.indirect.scatter.add.f32 [tilespmem:s13], [sflag:$0x1], $0x1, s16, s12, $0xb8;
	[tilespmem:$0x1700] =	vst v63  }
0x40: {  	_ = 	snop  }
0x41: {  	[spmem:s1] =	stream.indirect.scatter.add.f32 [tilespmem:s13], [sflag:$0x1], $0x1, s17, s12, $0xb8;
	[tilespmem:$0x1700] =	vst v63  }
0x42: {  	_ = 	snop  }
0x43: {  	[spmem:s1] =	stream.indirect.scatter.add.f32 [tilespmem:s13], [sflag:$0x1], $0x1, s18, s12, $0xb8;
	[tilespmem:$0x1700] =	vst v63  }
0x44: {  	_ = 	snop  }
0x45: {  	[spmem:s1] =	stream.indirect.scatter.add.f32 [tilespmem:s13], [sflag:$0x1], $0x1, s19, s12, $0xb8;
	[tilespmem:$0x1700] =	vst v63  }
0x46: {  	_ = 	snop  }
0x47: {  	[spmem:s1] =	stream.indirect.scatter.add.f32 [tilespmem:s13], [sflag:$0x1], $0x1, s20, s12, $0xb8;
	[tilespmem:$0x1700] =	vst v63  }
0x48: {  	_ = 	snop  }
0x49: {  	[spmem:s1] =	stream.indirect.scatter.add.f32 [tilespmem:s13], [sflag:$0x1], $0x1, s25, s12, $0xb8;
	[tilespmem:$0x1700] =	vst v63  }
0x4a: {  	_ = 	snop  }
0x4b: {  	[spmem:s1] =	stream.indirect.scatter.add.f32 [tilespmem:s13], [sflag:$0x1], $0x1, s26, s12, $0xb8;
	[tilespmem:$0x1700] =	vst v63  }
0x4c: {  	_ = 	snop  }
0x4d: {  	[spmem:s1] =	stream.indirect.scatter.add.f32 [tilespmem:s13], [sflag:$0x1], $0x1, s28, s12, $0xb8;
	[tilespmem:$0x1700] =	vst v63  }
0x4e: {  	_ =	swait.ge [sflag:s29], $0x80  }
0x4f: {  	[sflag:s29] =	ssyncset.done $0x0  }
0x50: {  	[sflag:s29] =	ssyncadd.s32 $0xFFFFFF80  }
0x51: {  	_ =	swait.ge [sflag:s29], $0x80  }
0x52: {  	[sflag:s29] =	ssyncset.done $0x0  }
0x53: {  	[sflag:s29] =	ssyncadd.s32 $0xFFFFFF80  }
0x54: {  	_ =	swait.ge [sflag:s29], $0x80  }
0x55: {  	[sflag:s29] =	ssyncset.done $0x0  }
0x56: {  	[sflag:s29] =	ssyncadd.s32 $0xFFFFFF80  }
0x57: {  	_ =	swait.ge [sflag:s29], $0x80  }
0x58: {  	[sflag:s29] =	ssyncset.done $0x0  }
0x59: {  	[sflag:s29] =	ssyncadd.s32 $0xFFFFFF80  }
0x5a: {  	_ =	swait.ge [sflag:s29], $0x80  }
0x5b: {  	[sflag:s29] =	ssyncset.done $0x0  }
0x5c: {  	[sflag:s29] =	ssyncadd.s32 $0xFFFFFF80  }
0x5d: {  	_ =	swait.ge [sflag:s29], $0x80  }
0x5e: {  	[sflag:s29] =	ssyncset.done $0x0  }
0x5f: {  	[sflag:s29] =	ssyncadd.s32 $0xFFFFFF80  }
0x60: {  	_ =	swait.ge [sflag:s29], $0x80  }
0x61: {  	[sflag:s29] =	ssyncset.done $0x0  }
0x62: {  	[sflag:s29] =	ssyncadd.s32 $0xFFFFFF80  }
0x63: {  	_ =	swait.ge [sflag:s29], $0x80  }
0x64: {  	[sflag:s29] =	ssyncset.done $0x0  }
0x65: {  	[sflag:s29] =	ssyncadd.s32 $0xFFFFFF80  }
0x66: {  	_ =	swait.ge [sflag:s29], $0x80  }
0x67: {  	[sflag:s29] =	ssyncset.done $0x0  }
0x68: {  	[sflag:s29] =	ssyncadd.s32 $0xFFFFFF80  }
0x69: {  	_ =	swait.ge [sflag:s29], $0x80  }
0x6a: {  	[sflag:s29] =	ssyncset.done $0x0  }
0x6b: {  	[sflag:s29] =	ssyncadd.s32 $0xFFFFFF80  }
0x6c: {  	_ =	swait.ge [sflag:s29], $0x80  }
0x6d: {  	[sflag:s29] =	ssyncset.done $0x0  }
0x6e: {  	[sflag:s29] =	ssyncadd.s32 $0xFFFFFF80  }
0x6f: {  	_ =	swait.ge [sflag:s29], $0x80  }
0x70: {  	s31 =	simm.s32 $0xC0;
	s0 =	simm.s32 $0x180;
	[sflag:s29] =	ssyncset.done $0x0  }
.LBB2_4:
0x71: {  	s8 =	sadd.s32 s31, s11  }
0x72: {  	[sflag:s29] =	ssyncadd.s32 $0xFFFFFF80;
	s31 =	smov.u32 s0;
	s2 =	sadd.s32 $0xC0, s0  }
0x73: {  	[tilespmem:s3], [sflag:$0x2] =	stream.linear.gather [hbm4b:s8+s3], $0x600, $0x38;
	[tilespmem:$0x1700] =	vst v63  }
0x74: {  	p0 =	sne.s32 s0, $0x1800;
	_ =	swait.ge [sflag:s10], $0x600  }
0x75: {  	[sflag:s10] =	ssyncset.done $0x0  }
0x76: {  	[sflag:s10] =	ssyncadd.s32 $0xFFFFFA00  }
0x77: {  	[spmem:s1] =	stream.indirect.scatter.add.f32 [tilespmem:s13], [sflag:$0x1], $0x1, s3, s12, $0xb8;
	[tilespmem:$0x1700] =	vst v63  }
0x78: {  	_ = 	snop  }
0x79: {  	[spmem:s1] =	stream.indirect.scatter.add.f32 [tilespmem:s13], [sflag:$0x1], $0x1, s12, s12, $0xb8;
	[tilespmem:$0x1700] =	vst v63  }
0x7a: {  	_ = 	snop  }
0x7b: {  	[spmem:s1] =	stream.indirect.scatter.add.f32 [tilespmem:s13], [sflag:$0x1], $0x1, s14, s12, $0xb8;
	[tilespmem:$0x1700] =	vst v63  }
0x7c: {  	_ = 	snop  }
0x7d: {  	[spmem:s1] =	stream.indirect.scatter.add.f32 [tilespmem:s13], [sflag:$0x1], $0x1, s15, s12, $0xb8;
	[tilespmem:$0x1700] =	vst v63  }
0x7e: {  	_ = 	snop  }
0x7f: {  	[spmem:s1] =	stream.indirect.scatter.add.f32 [tilespmem:s13], [sflag:$0x1], $0x1, s16, s12, $0xb8;
	[tilespmem:$0x1700] =	vst v63  }
0x80: {  	_ = 	snop  }
0x81: {  	[spmem:s1] =	stream.indirect.scatter.add.f32 [tilespmem:s13], [sflag:$0x1], $0x1, s17, s12, $0xb8;
	[tilespmem:$0x1700] =	vst v63  }
0x82: {  	_ = 	snop  }
0x83: {  	[spmem:s1] =	stream.indirect.scatter.add.f32 [tilespmem:s13], [sflag:$0x1], $0x1, s18, s12, $0xb8;
	[tilespmem:$0x1700] =	vst v63  }
0x84: {  	_ = 	snop  }
0x85: {  	[spmem:s1] =	stream.indirect.scatter.add.f32 [tilespmem:s13], [sflag:$0x1], $0x1, s19, s12, $0xb8;
	[tilespmem:$0x1700] =	vst v63  }
0x86: {  	_ = 	snop  }
0x87: {  	[spmem:s1] =	stream.indirect.scatter.add.f32 [tilespmem:s13], [sflag:$0x1], $0x1, s20, s12, $0xb8;
	[tilespmem:$0x1700] =	vst v63  }
0x88: {  	_ = 	snop  }
0x89: {  	[spmem:s1] =	stream.indirect.scatter.add.f32 [tilespmem:s13], [sflag:$0x1], $0x1, s25, s12, $0xb8;
	[tilespmem:$0x1700] =	vst v63  }
0x8a: {  	_ = 	snop  }
0x8b: {  	[spmem:s1] =	stream.indirect.scatter.add.f32 [tilespmem:s13], [sflag:$0x1], $0x1, s26, s12, $0xb8;
	[tilespmem:$0x1700] =	vst v63  }
0x8c: {  	_ = 	snop  }
0x8d: {  	[spmem:s1] =	stream.indirect.scatter.add.f32 [tilespmem:s13], [sflag:$0x1], $0x1, s28, s12, $0xb8;
	[tilespmem:$0x1700] =	vst v63  }
0x8e: {  	_ =	swait.ge [sflag:s29], $0x80  }
0x8f: {  	[sflag:s29] =	ssyncset.done $0x0  }
0x90: {  	[sflag:s29] =	ssyncadd.s32 $0xFFFFFF80  }
0x91: {  	_ =	swait.ge [sflag:s29], $0x80  }
0x92: {  	[sflag:s29] =	ssyncset.done $0x0  }
0x93: {  	[sflag:s29] =	ssyncadd.s32 $0xFFFFFF80  }
0x94: {  	_ =	swait.ge [sflag:s29], $0x80  }
0x95: {  	[sflag:s29] =	ssyncset.done $0x0  }
0x96: {  	[sflag:s29] =	ssyncadd.s32 $0xFFFFFF80  }
0x97: {  	_ =	swait.ge [sflag:s29], $0x80  }
0x98: {  	[sflag:s29] =	ssyncset.done $0x0  }
0x99: {  	[sflag:s29] =	ssyncadd.s32 $0xFFFFFF80  }
0x9a: {  	_ =	swait.ge [sflag:s29], $0x80  }
0x9b: {  	[sflag:s29] =	ssyncset.done $0x0  }
0x9c: {  	[sflag:s29] =	ssyncadd.s32 $0xFFFFFF80  }
0x9d: {  	_ =	swait.ge [sflag:s29], $0x80  }
0x9e: {  	[sflag:s29] =	ssyncset.done $0x0  }
0x9f: {  	[sflag:s29] =	ssyncadd.s32 $0xFFFFFF80  }
0xa0: {  	_ =	swait.ge [sflag:s29], $0x80  }
0xa1: {  	[sflag:s29] =	ssyncset.done $0x0  }
0xa2: {  	[sflag:s29] =	ssyncadd.s32 $0xFFFFFF80  }
0xa3: {  	_ =	swait.ge [sflag:s29], $0x80  }
0xa4: {  	[sflag:s29] =	ssyncset.done $0x0  }
0xa5: {  	[sflag:s29] =	ssyncadd.s32 $0xFFFFFF80  }
0xa6: {  	_ =	swait.ge [sflag:s29], $0x80  }
0xa7: {  	[sflag:s29] =	ssyncset.done $0x0  }
0xa8: {  	[sflag:s29] =	ssyncadd.s32 $0xFFFFFF80  }
0xa9: {  	_ =	swait.ge [sflag:s29], $0x80  }
0xaa: {  	[sflag:s29] =	ssyncset.done $0x0  }
0xab: {  	[sflag:s29] =	ssyncadd.s32 $0xFFFFFF80  }
.Ltmp1:
0xac: {  	_ =	swait.ge [sflag:s29], $0x80;
	(pc) =	sbr.rel @p0 .LBB2_4-.Ltmp1, $4  }
0xad: {  	[sflag:s29] =	ssyncset.done $0x0  }
0xae: {  	[sflag:s29] =	ssyncadd.s32 $0xFFFFFF80  }
0xaf: {  	_ =	swait.ge [sflag:s29], $0x80  }
0xb0: {  	s0 =	smov.u32 s2;
	[sflag:s29] =	ssyncset.done $0x0  }
0xb1: {  	s0 =	sadd.s32 s31, s11;
	[sflag:s29] =	ssyncadd.s32 $0xFFFFFF80  }
0xb2: {  	[tilespmem:s3], [sflag:$0x2] =	stream.linear.gather [hbm4b:s0+s3], $0x600, $0x38;
	[tilespmem:$0x1700] =	vst v63  }
0xb3: {  	_ =	swait.ge [sflag:s10], $0x600  }
0xb4: {  	[sflag:s10] =	ssyncset.done $0x0  }
0xb5: {  	[sflag:s10] =	ssyncadd.s32 $0xFFFFFA00  }
0xb6: {  	[spmem:s1] =	stream.indirect.scatter.add.f32 [tilespmem:s13], [sflag:$0x1], $0x1, s3, s12, $0xb8;
	[tilespmem:$0x1700] =	vst v63  }
0xb7: {  	_ = 	snop  }
0xb8: {  	[spmem:s1] =	stream.indirect.scatter.add.f32 [tilespmem:s13], [sflag:$0x1], $0x1, s12, s12, $0xb8;
	[tilespmem:$0x1700] =	vst v63  }
0xb9: {  	_ = 	snop  }
0xba: {  	[spmem:s1] =	stream.indirect.scatter.add.f32 [tilespmem:s13], [sflag:$0x1], $0x1, s14, s12, $0xb8;
	[tilespmem:$0x1700] =	vst v63  }
0xbb: {  	_ = 	snop  }
0xbc: {  	[spmem:s1] =	stream.indirect.scatter.add.f32 [tilespmem:s13], [sflag:$0x1], $0x1, s15, s12, $0xb8;
	[tilespmem:$0x1700] =	vst v63  }
0xbd: {  	_ = 	snop  }
0xbe: {  	[spmem:s1] =	stream.indirect.scatter.add.f32 [tilespmem:s13], [sflag:$0x1], $0x1, s16, s12, $0xb8;
	[tilespmem:$0x1700] =	vst v63  }
0xbf: {  	_ = 	snop  }
0xc0: {  	[spmem:s1] =	stream.indirect.scatter.add.f32 [tilespmem:s13], [sflag:$0x1], $0x1, s17, s12, $0xb8;
	[tilespmem:$0x1700] =	vst v63  }
0xc1: {  	_ = 	snop  }
0xc2: {  	[spmem:s1] =	stream.indirect.scatter.add.f32 [tilespmem:s13], [sflag:$0x1], $0x1, s18, s12, $0xb8;
	[tilespmem:$0x1700] =	vst v63  }
0xc3: {  	_ = 	snop  }
0xc4: {  	[spmem:s1] =	stream.indirect.scatter.add.f32 [tilespmem:s13], [sflag:$0x1], $0x1, s19, s12, $0xb8;
	[tilespmem:$0x1700] =	vst v63  }
0xc5: {  	_ = 	snop  }
0xc6: {  	[spmem:s1] =	stream.indirect.scatter.add.f32 [tilespmem:s13], [sflag:$0x1], $0x1, s20, s12, $0xb8;
	[tilespmem:$0x1700] =	vst v63  }
0xc7: {  	_ = 	snop  }
0xc8: {  	[spmem:s1] =	stream.indirect.scatter.add.f32 [tilespmem:s13], [sflag:$0x1], $0x1, s25, s12, $0xb8;
	[tilespmem:$0x1700] =	vst v63  }
0xc9: {  	_ = 	snop  }
0xca: {  	[spmem:s1] =	stream.indirect.scatter.add.f32 [tilespmem:s13], [sflag:$0x1], $0x1, s26, s12, $0xb8;
	[tilespmem:$0x1700] =	vst v63  }
0xcb: {  	_ = 	snop  }
0xcc: {  	[spmem:s1] =	stream.indirect.scatter.add.f32 [tilespmem:s13], [sflag:$0x1], $0x1, s28, s12, $0xb8;
	[tilespmem:$0x1700] =	vst v63  }
0xcd: {  	_ =	swait.ge [sflag:s29], $0x80  }
0xce: {  	[sflag:s29] =	ssyncset.done $0x0  }
0xcf: {  	[sflag:s29] =	ssyncadd.s32 $0xFFFFFF80  }
0xd0: {  	_ =	swait.ge [sflag:s29], $0x80  }
0xd1: {  	[sflag:s29] =	ssyncset.done $0x0  }
0xd2: {  	[sflag:s29] =	ssyncadd.s32 $0xFFFFFF80  }
0xd3: {  	_ =	swait.ge [sflag:s29], $0x80  }
0xd4: {  	[sflag:s29] =	ssyncset.done $0x0  }
0xd5: {  	[sflag:s29] =	ssyncadd.s32 $0xFFFFFF80  }
0xd6: {  	_ =	swait.ge [sflag:s29], $0x80  }
0xd7: {  	[sflag:s29] =	ssyncset.done $0x0  }
0xd8: {  	[sflag:s29] =	ssyncadd.s32 $0xFFFFFF80  }
0xd9: {  	_ =	swait.ge [sflag:s29], $0x80  }
0xda: {  	[sflag:s29] =	ssyncset.done $0x0  }
0xdb: {  	[sflag:s29] =	ssyncadd.s32 $0xFFFFFF80  }
0xdc: {  	_ =	swait.ge [sflag:s29], $0x80  }
0xdd: {  	[sflag:s29] =	ssyncset.done $0x0  }
0xde: {  	[sflag:s29] =	ssyncadd.s32 $0xFFFFFF80  }
0xdf: {  	_ =	swait.ge [sflag:s29], $0x80  }
0xe0: {  	[sflag:s29] =	ssyncset.done $0x0  }
0xe1: {  	[sflag:s29] =	ssyncadd.s32 $0xFFFFFF80  }
0xe2: {  	_ =	swait.ge [sflag:s29], $0x80  }
0xe3: {  	[sflag:s29] =	ssyncset.done $0x0  }
0xe4: {  	[sflag:s29] =	ssyncadd.s32 $0xFFFFFF80  }
0xe5: {  	_ =	swait.ge [sflag:s29], $0x80  }
0xe6: {  	[sflag:s29] =	ssyncset.done $0x0  }
0xe7: {  	[sflag:s29] =	ssyncadd.s32 $0xFFFFFF80  }
0xe8: {  	_ =	swait.ge [sflag:s29], $0x80  }
0xe9: {  	[sflag:s29] =	ssyncset.done $0x0  }
0xea: {  	[sflag:s29] =	ssyncadd.s32 $0xFFFFFF80  }
0xeb: {  	_ =	swait.ge [sflag:s29], $0x80  }
0xec: {  	[sflag:s29] =	ssyncset.done $0x0  }
0xed: {  	[sflag:s29] =	ssyncadd.s32 $0xFFFFFF80  }
0xee: {  	_ =	swait.ge [sflag:s29], $0x80  }
0xef: {  	[sflag:s29] =	ssyncset.done $0x0  }
0xf0: {  	[sflag:s29] =	ssyncadd.s32 $0xFFFFFF80  }
0xf1: {  	[bflag:$0x0] =	sbarrier.arrive $0xFFFF  }
0xf2: {  	[tilespmem:s9], [sflag:$0x2] =	stream.linear.gather [spmem:s4], $0x400, $0x38;
	[tilespmem:$0x1700] =	vst v63  }
0xf3: {  	_ =	swait.ge [sflag:s10], $0x400  }
0xf4: {  	[sflag:s10] =	ssyncset.done $0x0  }
0xf5: {  	[sflag:s10] =	ssyncadd.s32 $0xFFFFFC00  }
0xf6: {  	[hbm4b:s21+s3] =	stream.linear.scatter [tilespmem:s9], [sflag:$0x2], $0x400, $0x38;
	[tilespmem:$0x1700] =	vst v63  }
0xf7: {  	_ =	swait.ge [sflag:s10], $0x400  }
0xf8: {  	[sflag:s10] =	ssyncset.done $0x0  }
0xf9: {  	[sflag:s10] =	ssyncadd.s32 $0xFFFFFC00  }
0xfa: {  	[tilespmem:s9], [sflag:$0x2] =	stream.linear.gather [spmem:s5], $0x400, $0x38;
	[tilespmem:$0x1700] =	vst v63  }
0xfb: {  	_ =	swait.ge [sflag:s10], $0x400  }
0xfc: {  	[sflag:s10] =	ssyncset.done $0x0  }
0xfd: {  	[sflag:s10] =	ssyncadd.s32 $0xFFFFFC00  }
0xfe: {  	[hbm4b:s22+s3] =	stream.linear.scatter [tilespmem:s9], [sflag:$0x2], $0x400, $0x38;
	[tilespmem:$0x1700] =	vst v63  }
0xff: {  	_ =	swait.ge [sflag:s10], $0x400  }
0x100: {  	[sflag:s10] =	ssyncset.done $0x0  }
0x101: {  	[sflag:s10] =	ssyncadd.s32 $0xFFFFFC00  }
0x102: {  	[tilespmem:s9], [sflag:$0x2] =	stream.linear.gather [spmem:s6], $0x400, $0x38;
	[tilespmem:$0x1700] =	vst v63  }
0x103: {  	_ =	swait.ge [sflag:s10], $0x400  }
0x104: {  	[sflag:s10] =	ssyncset.done $0x0  }
0x105: {  	[sflag:s10] =	ssyncadd.s32 $0xFFFFFC00  }
0x106: {  	[hbm4b:s23+s3] =	stream.linear.scatter [tilespmem:s9], [sflag:$0x2], $0x400, $0x38;
	[tilespmem:$0x1700] =	vst v63  }
0x107: {  	_ =	swait.ge [sflag:s10], $0x400  }
0x108: {  	[sflag:s10] =	ssyncset.done $0x0  }
0x109: {  	[sflag:s10] =	ssyncadd.s32 $0xFFFFFC00  }
0x10a: {  	[tilespmem:s9], [sflag:$0x2] =	stream.linear.gather [spmem:s7], $0x80, $0x38;
	[tilespmem:$0x1700] =	vst v63  }
0x10b: {  	_ =	swait.ge [sflag:s10], $0x80  }
0x10c: {  	[sflag:s10] =	ssyncset.done $0x0  }
0x10d: {  	[sflag:s10] =	ssyncadd.s32 $0xFFFFFF80  }
0x10e: {  	[hbm4b:s24+s3] =	stream.linear.scatter [tilespmem:s9], [sflag:$0x2], $0x80, $0x38;
	[tilespmem:$0x1700] =	vst v63  }
0x10f: {  	_ =	swait.ge [sflag:s10], $0x80  }
0x110: {  	s30 =	sadd.s32 $0x1, s30;
	s31 =	rddreg [dreg:$0x4]  }
0x111: {  	p0 =	sne.s32 s30, s31  }
.Ltmp2:
0x112: {  	_ = 	snop;
	(pc) =	sbr.rel @p0 .LBB2_1-.Ltmp2, $3  }
0x113: {  	_ =	sdelay $0x1  }
0x114: {  	[sflag:s10] =	ssyncset.done $0x0  }
0x115: {  	[sflag:s10] =	ssyncadd.s32 $0xFFFFFF80  }
0x116: {  	_ =	sfence.sel $0x180000  }
0x117: {  	[bflag:$0x0] =	sbarrier.arrive $0xFFFF  }
0x118: {  	_ =	strace $0x90000047  }
0x119: {  	s0 =	stileid.u32;
	[bflag:$0x2] =	sbarrier.arrive $0xFFFF  }
0x11a: {  	p0 =	sne.s32 s0, $0x0;
	s0 =	rddreg [dreg:$0x3]  }
0x11b: {  	s0 =	sadd.s32 @!p0 $0x100000, s0  }
0x11c: {  	[sflag:s0] =	ssyncadd.tile.s32 @!p0 $0x1;
	_ =	shalt  }
.Lfunc_end2:
_tile_overlayer_lowered:
.L_overlay_start_2:
0x11d: {  	(tag) =	ssettag $0x2  }
0x11e: {  	s0 =	rddreg [dreg:$0x0];
	s2 =	stileid.u32  }
0x11f: {  	s1 =	rddreg [dreg:$0x1];
	p0 =	sne.s32 s2, $0x0  }
0x120: {  	s3 =	rddreg [dreg:$0x2];
	[bflag:$0x3] =	sbarrier.arrive $0xFFFF;
	s2 =	simm.s32 @!p0 $0x1C02  }
0x121: {  	[timem:s3], [sflag:s2] =	dma.local @!p0 [hbm:s0], s1  }
0x122: {  	s0 =	simm.s32 @!p0 $0x2  }
0x123: {  	_ =	swait.ge @!p0 [sflag:s0], s1  }
0x124: {  	s1 =	ssub.s32 @!p0 $0x0, s1;
	[sflag:s0] =	ssyncset.done @!p0 $0x0  }
0x125: {  	[sflag:s0] =	ssyncadd.s32 @!p0 s1  }
0x126: {  	[bflag:$0x3] =	sbarrier.arrive $0xFFFF  }
0x127: {  	_ =	shalt  }

</sc_bundles>
